<compile_context>
chip_gen: v7x
topology: tpu7x:2x2x1
jax: 0.10.2.dev20260603
libtpu: 0.0.44.dev20260713+nightly
codegen_flags: <defaults>
</compile_context>

<pallas_src>
import numpy as np
import jax
import jax.numpy as jnp
from jax import lax
from jax.experimental import pallas as pl
from jax.experimental.pallas import tpu as pltpu
from jax.experimental.pallas import tpu_sc as plsc

_N_LEVELS = 16
_LOG2_T = 19
_T = 1 << _LOG2_T
_BASE_RES = 16
_SCALE = 1.26
_N = 1048576
_PRIME1 = np.int32(np.uint32(2654435761).view(np.int32))
_PRIME2 = np.int32(805459861)
_RES = [int(np.ceil(_BASE_RES * (_SCALE ** l))) for l in range(_N_LEVELS)]
_DENSE = [(r + 1) ** 3 <= _T for r in _RES]
_N_DENSE = sum(_DENSE)

_NC, _NS, _L = 2, 16, 16
_NW = _NC * _NS
_PTS_PER_TILE = _N // _NW
_P = 1024
_CHUNKS = _PTS_PER_TILE // _P
_STRIPS = _P // _L
_NIDX = 8 * _P
_SL = _T // _NS


def _encode_body(xf, tab, lvlf, lvli, encT, spm, xb0, xb1, xb2,
                 idxb0, idxb1, wcb0, wcb1, rf0, rf1,
                 fa00, fa01, fa10, fa11, lvlf_s, lvli_s,
                 semg0, semg1, sems0, sems1):
    sid = lax.axis_index("s")
    wid = sid * _NC + lax.axis_index("c")
    tile_base = wid * _PTS_PER_TILE
    idxb = (idxb0, idxb1)
    wcb = (wcb0, wcb1)
    rf = (rf0, rf1)
    fa = ((fa00, fa01), (fa10, fa11))
    semg = (semg0, semg1)
    sems = (sems0, sems1)

    pltpu.sync_copy(lvlf, lvlf_s)
    pltpu.sync_copy(lvli, lvli_s)

    def _phase_a(dense, fres, s1, s2, ci, idxr, wcr):
        cb = wid * (_PTS_PER_TILE // 128) + ci * (_P // 128)
        pltpu.sync_copy(xf.at[0, pl.ds(cb, _P // 128), :], xb0)
        pltpu.sync_copy(xf.at[1, pl.ds(cb, _P // 128), :], xb1)
        pltpu.sync_copy(xf.at[2, pl.ds(cb, _P // 128), :], xb2)

        @pl.loop(0, _P // 128)
        def _pag(cg):
            @pl.loop(0, 128 // _L)
            def _pa(ss):
                o = cg * 128 + ss * _L
                xs = (xb0[cg, pl.ds(ss * _L, _L)],
                      xb1[cg, pl.ds(ss * _L, _L)],
                      xb2[cg, pl.ds(ss * _L, _L)])
                pis = []
                wlo = []
                whi = []
                for d in range(3):
                    pos = xs[d] * fres
                    pi = pos.astype(jnp.int32)
                    fr = pos - pi.astype(jnp.float32)
                    w = fr * fr * (3.0 - 2.0 * fr)
                    pis.append(pi)
                    whi.append(w)
                    wlo.append(1.0 - w)
                for corner in range(8):
                    bits = [(corner >> d) & 1 for d in range(3)]
                    c0 = pis[0] + bits[0] if bits[0] else pis[0]
                    c1 = pis[1] + bits[1] if bits[1] else pis[1]
                    c2 = pis[2] + bits[2] if bits[2] else pis[2]
                    if dense:
                        idx = c0 + c1 * s1 + c2 * s2
                    else:
                        idx = (c0 ^ (c1 * _PRIME1) ^ (c2 * _PRIME2)) & (_T - 1)
                    wc = ((whi[0] if bits[0] else wlo[0])
                          * (whi[1] if bits[1] else wlo[1])
                          * (whi[2] if bits[2] else wlo[2]))
                    idxr[pl.ds(corner * _P + o, _L)] = idx
                    wcr[pl.ds(corner * _P + o, _L)] = wc

    def _phase_c(wcr, rfr, f0a, f1a):
        @pl.loop(0, _P // 128)
        def _pcg(cg):
            @pl.loop(0, 128 // _L)
            def _pc(ss):
                o = cg * 128 + ss * _L
                acc0 = jnp.zeros((_L,), jnp.float32)
                acc1 = jnp.zeros((_L,), jnp.float32)
                for corner in range(8):
                    wc = wcr[pl.ds(corner * _P + o, _L)]
                    r = rfr[pl.ds(corner * _P + o, _L)]
                    ab = plsc.bitcast(r, jnp.bfloat16)
                    f0, f1 = plsc.unpack(ab, format=plsc.PackFormat.INTERLEAVED)
                    acc0 = acc0 + f0 * wc
                    acc1 = acc1 + f1 * wc
                f0a[cg, pl.ds(ss * _L, _L)] = acc0
                f1a[cg, pl.ds(ss * _L, _L)] = acc1

    def _scatter(l, ci, p):
        cbase = wid * (_PTS_PER_TILE // 128) + ci * (_P // 128)
        pltpu.async_copy(fa[p][0], encT.at[2 * l, pl.ds(cbase, _P // 128), :],
                         sems[p])
        pltpu.async_copy(fa[p][1],
                         encT.at[2 * l + 1, pl.ds(cbase, _P // 128), :],
                         sems[p])

    def _gather(p):
        pltpu.async_copy(spm.at[idxb[p]], rf[p], semg[p])

    def _gwait(p):
        pltpu.make_async_copy(spm.at[idxb[p]], rf[p], semg[p]).wait()

    def _swait(p):
        pltpu.make_async_copy(fa[p][0], encT.at[0, pl.ds(0, _P // 128), :],
                              sems[p]).wait()
        pltpu.make_async_copy(fa[p][1], encT.at[0, pl.ds(0, _P // 128), :],
                              sems[p]).wait()

    def _run_levels(lo, hi, dense):
        @pl.loop(lo, hi)
        def _lvl(l):
            lv = jnp.zeros((_L,), jnp.int32) + l
            fres = plsc.load_gather(lvlf_s, [lv])
            s1 = plsc.load_gather(lvli_s, [2 * lv])
            s2 = plsc.load_gather(lvli_s, [2 * lv + 1])

            pltpu.sync_copy(tab.at[pl.ds(l * _T + sid * _SL, _SL)],
                            spm.at[pl.ds(sid * _SL, _SL)])
            plsc.subcore_barrier()

            _phase_a(dense, fres, s1, s2, 0, idxb[0], wcb[0])
            _gather(0)

            @pl.loop(0, _CHUNKS // 2)
            def _ck(k):
                c0 = 2 * k
                _phase_a(dense, fres, s1, s2, c0 + 1, idxb[1], wcb[1])
                _gwait(0)
                _gather(1)

                @pl.when(k > 0)
                def _():
                    _swait(0)
                _phase_c(wcb[0], rf[0], fa[0][0], fa[0][1])
                _scatter(l, c0, 0)

                @pl.when(k < _CHUNKS // 2 - 1)
                def _():
                    _phase_a(dense, fres, s1, s2, c0 + 2, idxb[0], wcb[0])
                _gwait(1)

                @pl.when(k < _CHUNKS // 2 - 1)
                def _():
                    _gather(0)

                @pl.when(k > 0)
                def _():
                    _swait(1)
                _phase_c(wcb[1], rf[1], fa[1][0], fa[1][1])
                _scatter(l, c0 + 1, 1)

            for p in (0, 1):
                _swait(p)
            plsc.subcore_barrier()

    _run_levels(0, _N_DENSE, True)
    _run_levels(_N_DENSE, _N_LEVELS, False)


def _encode(xf, tab, lvlf, lvli):
    mesh = plsc.VectorSubcoreMesh(core_axis_name="c", subcore_axis_name="s")
    return pl.kernel(
        _encode_body,
        out_type=jax.ShapeDtypeStruct((2 * _N_LEVELS, _N // 128, 128),
                                      jnp.float32),
        mesh=mesh,
        compiler_params=pltpu.CompilerParams(
            use_tc_tiling_on_sc=False, needs_layout_passes=False),
        scratch_types=[
            pltpu.VMEM_SHARED((_T,), jnp.uint32),
            pltpu.VMEM((_P // 128, 128), jnp.float32),
            pltpu.VMEM((_P // 128, 128), jnp.float32),
            pltpu.VMEM((_P // 128, 128), jnp.float32),
            pltpu.VMEM((_NIDX,), jnp.int32),
            pltpu.VMEM((_NIDX,), jnp.int32),
            pltpu.VMEM((_NIDX,), jnp.float32),
            pltpu.VMEM((_NIDX,), jnp.float32),
            pltpu.VMEM((_NIDX,), jnp.uint32),
            pltpu.VMEM((_NIDX,), jnp.uint32),
            pltpu.VMEM((_P // 128, 128), jnp.float32),
            pltpu.VMEM((_P // 128, 128), jnp.float32),
            pltpu.VMEM((_P // 128, 128), jnp.float32),
            pltpu.VMEM((_P // 128, 128), jnp.float32),
            pltpu.VMEM((_N_LEVELS,), jnp.float32),
            pltpu.VMEM((2 * _N_LEVELS,), jnp.int32),
            pltpu.SemaphoreType.DMA,
            pltpu.SemaphoreType.DMA,
            pltpu.SemaphoreType.DMA,
            pltpu.SemaphoreType.DMA,
        ],
    )(xf, tab, lvlf, lvli)


def _pack_body(tv_ref, out_ref):
    f0 = tv_ref[0, :, 0, :]
    f1 = tv_ref[0, :, 1, :]
    u0 = lax.bitcast_convert_type(f0.astype(jnp.bfloat16), jnp.uint16)
    u1 = lax.bitcast_convert_type(f1.astype(jnp.bfloat16), jnp.uint16)
    out_ref[0] = u0.astype(jnp.uint32) | (u1.astype(jnp.uint32) << 16)


def _pack_table(tv):
    out = pl.pallas_call(
        _pack_body,
        grid=(_N_LEVELS, 8),
        in_specs=[pl.BlockSpec((1, 512, 2, 128), lambda i, j: (i, j, 0, 0))],
        out_specs=pl.BlockSpec((1, 512, 128), lambda i, j: (i, j, 0)),
        out_shape=jax.ShapeDtypeStruct((_N_LEVELS, 4096, 128), jnp.uint32),
    )(tv)
    return out.reshape(_N_LEVELS * _T)


_XB = 8192


def _xfmt_body(xv_ref, out_ref):
    out_ref[...] = xv_ref[...].reshape(3, _XB // 128, 128)


def _xfmt(xv):
    return pl.pallas_call(
        _xfmt_body,
        grid=(_N // _XB,),
        in_specs=[pl.BlockSpec((3, _XB), lambda i: (0, i))],
        out_specs=pl.BlockSpec((3, _XB // 128, 128), lambda i: (0, i, 0)),
        out_shape=jax.ShapeDtypeStruct((3, _N // 128, 128), jnp.float32),
    )(xv)


_MLP_B = 8192


def _mlp_body(enc_ref, w1_ref, w2_ref, out_ref):
    e = enc_ref[...]
    h = lax.dot_general(e, w1_ref[...], (((0,), (0,)), ((), ())),
                        preferred_element_type=jnp.float32)
    h = jnp.maximum(h, 0.0).reshape(_MLP_B, 64)
    o = jnp.dot(h, w2_ref[...], preferred_element_type=jnp.float32)
    out_ref[...] = jnp.clip(o[:, :3], 0.0, 1.0)


def _mlp(encT, W1, W2p):
    return pl.pallas_call(
        _mlp_body,
        grid=(_N // _MLP_B,),
        in_specs=[
            pl.BlockSpec((2 * _N_LEVELS, _MLP_B // 128, 128),
                         lambda i: (0, i, 0)),
            pl.BlockSpec((32, 64), lambda i: (0, 0)),
            pl.BlockSpec((64, 8), lambda i: (0, 0)),
        ],
        out_specs=pl.BlockSpec((_MLP_B, 3), lambda i: (i, 0)),
        out_shape=jax.ShapeDtypeStruct((_N, 3), jnp.float32),
    )(encT, W1, W2p)


def kernel(x, table, W1, W2):
    xf = _xfmt(x.T)
    tv = table.reshape(_N_LEVELS, _T // 128, 128, 2).transpose(0, 1, 3, 2)
    tab = _pack_table(tv)
    lvlf = jnp.asarray(np.array(_RES, dtype=np.float32))
    strides = []
    for r in _RES:
        strides += [r + 1, (r + 1) * (r + 1)]
    lvli = jnp.asarray(np.array(strides, dtype=np.int32))
    encT = _encode(xf, tab, lvlf, lvli)
    W2p = jnp.zeros((64, 8), jnp.float32).at[:, :3].set(W2)
    return _mlp(encT, W1, W2p)

# --- scband reference (transcript-rebuilt; emitter-appended) ---
"""Pipeline reference for scband-texture-fileds-26980984553575 (READ-ONLY COPY).

The authoritative reference and input builder live on the scoring server;
editing this copy changes nothing except your own understanding.
"""

import jax, jax.numpy as jnp
import numpy as np

N_LEVELS = 16
F_PER_LEVEL = 2
LOG2_T = 19
T = 1 << LOG2_T
BASE_RES = 16
PER_LEVEL_SCALE = 1.26
DIM = 3
N_POINTS = 1048576
PRIMES = np.array([1, 2654435761, 805459861], dtype=np.uint32)


def _level_res(l):
    return int(np.ceil(BASE_RES * (PER_LEVEL_SCALE ** l)))


def hash_grid_encode(x, table):
    # x: [N, DIM] in [0,1); table: [N_LEVELS, T, F_PER_LEVEL]
    N = x.shape[0]
    outs = []
    for l in range(N_LEVELS):
        res = _level_res(l)
        pos = x * res
        pf = jnp.floor(pos)
        frac = pos - pf
        # smoothstep interpolation weights (tcnn 'Smoothstep')
        w = frac * frac * (3.0 - 2.0 * frac)
        pi = pf.astype(jnp.uint32)
        dense = (res + 1) ** DIM <= T
        feat = jnp.zeros((N, F_PER_LEVEL), dtype=table.dtype)
        for corner in range(2 ** DIM):
            bits = [(corner >> d) & 1 for d in range(DIM)]
            offs = jnp.asarray(np.array(bits, dtype=np.uint32))
            c = pi + offs[None, :]
            if dense:
                stride = jnp.asarray(np.array([(res + 1) ** d for d in range(DIM)], dtype=np.uint32))
                idx = jnp.sum(c * stride[None, :], axis=1, dtype=jnp.uint32)
            else:
                h = c * jnp.asarray(PRIMES)[None, :]
                idx = (h[:, 0] ^ h[:, 1] ^ h[:, 2]) & jnp.uint32(T - 1)
            wc = jnp.ones((N,), dtype=x.dtype)
            for d in range(DIM):
                wc = wc * (w[:, d] if bits[d] == 1 else (1.0 - w[:, d]))
            feat = feat + jnp.take(table[l], idx, axis=0) * wc[:, None]
        outs.append(feat)
    return jnp.concatenate(outs, axis=1)  # [N, 32]


def setup_inputs(seed: int = 0) -> dict:
    key = jax.random.key(seed)
    k0, k1, k2, k3 = jax.random.split(key, 4)
    x = jax.random.uniform(k0, (N_POINTS, DIM), dtype=jnp.float32)
    # tcnn initializes hash grid params uniformly in [-1e-4, 1e-4]
    table = jax.random.uniform(k1, (N_LEVELS, T, F_PER_LEVEL), dtype=jnp.float32, minval=-1e-4, maxval=1e-4)
    W1 = jax.random.normal(k2, (32, 64), dtype=jnp.float32) * (1.0 / np.sqrt(32.0))
    W2 = jax.random.normal(k3, (64, 3), dtype=jnp.float32) * (1.0 / np.sqrt(64.0))
    return {"x": x, "table": table, "W1": W1, "W2": W2}


def reference(x, table, W1, W2):
    enc = hash_grid_encode(x, table).astype(jnp.float32)
    h = jnp.maximum(enc @ W1, 0.0)
    out = h @ W2
    color = jnp.clip(out, 0.0, 1.0)
    return color

if __name__ == "__main__":
    import jax
    _d = setup_inputs()
    print(jax.jit(kernel)(*tuple(_d.values())))

</pallas_src>

<mosaic_0001>
#map = affine_map<(d0, d1) -> (0, 0, 0)>
#map1 = affine_map<(d0, d1) -> (0)>
module attributes {stable_mosaic.version = 14 : i64} {
  func.func @_encode_body(%arg0: i32, %arg1: i32, %arg2: memref<3x8192x128xf32, #tpu.memory_space<hbm>>, %arg3: memref<8388608xi32, #tpu.memory_space<hbm>>, %arg4: memref<16xf32, #tpu.memory_space<hbm>>, %arg5: memref<32xi32, #tpu.memory_space<hbm>>, %arg6: memref<32x8192x128xf32, #tpu.memory_space<hbm>>, %arg7: memref<524288xi32, #tpu.memory_space<vmem_shared>>, %arg8: memref<8x128xf32, #tpu.memory_space<vmem>>, %arg9: memref<8x128xf32, #tpu.memory_space<vmem>>, %arg10: memref<8x128xf32, #tpu.memory_space<vmem>>, %arg11: memref<8192xi32, #tpu.memory_space<vmem>>, %arg12: memref<8192xi32, #tpu.memory_space<vmem>>, %arg13: memref<8192xf32, #tpu.memory_space<vmem>>, %arg14: memref<8192xf32, #tpu.memory_space<vmem>>, %arg15: memref<8192xi32, #tpu.memory_space<vmem>>, %arg16: memref<8192xi32, #tpu.memory_space<vmem>>, %arg17: memref<8x128xf32, #tpu.memory_space<vmem>>, %arg18: memref<8x128xf32, #tpu.memory_space<vmem>>, %arg19: memref<8x128xf32, #tpu.memory_space<vmem>>, %arg20: memref<8x128xf32, #tpu.memory_space<vmem>>, %arg21: memref<16xf32, #tpu.memory_space<vmem>>, %arg22: memref<32xi32, #tpu.memory_space<vmem>>, %arg23: memref<!tpu.dma_semaphore, #tpu.memory_space<semaphore_mem>>, %arg24: memref<!tpu.dma_semaphore, #tpu.memory_space<semaphore_mem>>, %arg25: memref<!tpu.dma_semaphore, #tpu.memory_space<semaphore_mem>>, %arg26: memref<!tpu.dma_semaphore, #tpu.memory_space<semaphore_mem>>) attributes {dimension_semantics = [#tpu.dimension_semantics<core_parallel>, #tpu.dimension_semantics<subcore_parallel>], iteration_bounds = array<i64: 2, 16>, scalar_prefetch = 0 : i64, scratch_operands = 20 : i64, tpu.core_type = #tpu.core_type<sc_vector_subcore>, window_params = [{transform_indices = #map}, {transform_indices = #map1}, {transform_indices = #map1}, {transform_indices = #map1}, {transform_indices = #map}]} {
    %mul3A = arith.constant 2 : i32
    %mul3A_0 = arith.muli %arg1, %mul3A : i32
    %add3A = arith.addi %mul3A_0, %arg0 : i32
    %mul3A_1 = arith.constant 32768 : i32
    %mul3A_2 = arith.muli %add3A, %mul3A_1 : i32
    "tpu.region"() ({
      %run_scoped3A = tpu.sem_alloc : memref<!tpu.dma_semaphore, #tpu.memory_space<semaphore_mem>>
      tpu.enqueue_dma source(%arg4 : memref<16xf32, #tpu.memory_space<hbm>>) target(%arg21 : memref<16xf32, #tpu.memory_space<vmem>>) target_semaphore(%run_scoped3A : memref<!tpu.dma_semaphore, #tpu.memory_space<semaphore_mem>>)
      tpu.wait_dma2 semaphore(%run_scoped3A : memref<!tpu.dma_semaphore, #tpu.memory_space<semaphore_mem>>) src(%arg4 : memref<16xf32, #tpu.memory_space<hbm>>) dst(%arg21 : memref<16xf32, #tpu.memory_space<vmem>>)
      tpu.yield
    }) : () -> ()
    "tpu.region"() ({
      %run_scoped3A = tpu.sem_alloc : memref<!tpu.dma_semaphore, #tpu.memory_space<semaphore_mem>>
      tpu.enqueue_dma source(%arg5 : memref<32xi32, #tpu.memory_space<hbm>>) target(%arg22 : memref<32xi32, #tpu.memory_space<vmem>>) target_semaphore(%run_scoped3A : memref<!tpu.dma_semaphore, #tpu.memory_space<semaphore_mem>>)
      tpu.wait_dma2 semaphore(%run_scoped3A : memref<!tpu.dma_semaphore, #tpu.memory_space<semaphore_mem>>) src(%arg5 : memref<32xi32, #tpu.memory_space<hbm>>) dst(%arg22 : memref<32xi32, #tpu.memory_space<vmem>>)
      tpu.yield
    }) : () -> ()
    %scan3A = arith.constant 0 : i32
    %scan3A_3 = arith.constant 7 : i32
    %scan3A_4 = arith.addi %scan3A, %scan3A_3 : i32
    %scan3A_5 = arith.constant 1 : i32
    scf.for %scan3A_12 = %scan3A to %scan3A_4 step %scan3A_5  : i32 {
      %mul3A_13 = arith.constant 1 : i32
      %mul3A_14 = arith.muli %scan3A_12, %mul3A_13 : i32
      %add3A_15 = arith.constant 0 : i32
      %add3A_16 = arith.addi %add3A_15, %mul3A_14 : i32
      %broadcast_in_dim3A = arith.constant 0 : i32
      %broadcast_in_dim3A_17 = vector.broadcast %broadcast_in_dim3A : i32 to vector<16xi32>
      %add3A_18 = vector.broadcast %add3A_16 : i32 to vector<16xi32>
      %add3A_19 = arith.addi %broadcast_in_dim3A_17, %add3A_18 : vector<16xi32>
      %gather3A = tpu.vector_load_idx %arg21[%add3A_19] : memref<16xf32, #tpu.memory_space<vmem>>[vector<16xi32>], vector<16xf32>,
      %mul3A_20 = arith.constant 2 : i32
      %mul3A_21 = vector.broadcast %mul3A_20 : i32 to vector<16xi32>
      %mul3A_22 = arith.muli %mul3A_21, %add3A_19 : vector<16xi32>
      %gather3A_23 = tpu.vector_load_idx %arg22[%mul3A_22] : memref<32xi32, #tpu.memory_space<vmem>>[vector<16xi32>], vector<16xi32>,
      %mul3A_24 = arith.constant 2 : i32
      %mul3A_25 = vector.broadcast %mul3A_24 : i32 to vector<16xi32>
      %mul3A_26 = arith.muli %mul3A_25, %add3A_19 : vector<16xi32>
      %add3A_27 = arith.constant 1 : i32
      %add3A_28 = vector.broadcast %add3A_27 : i32 to vector<16xi32>
      %add3A_29 = arith.addi %mul3A_26, %add3A_28 : vector<16xi32>
      %gather3A_30 = tpu.vector_load_idx %arg22[%add3A_29] : memref<32xi32, #tpu.memory_space<vmem>>[vector<16xi32>], vector<16xi32>,
      %mul3A_31 = arith.constant 524288 : i32
      %mul3A_32 = arith.muli %add3A_16, %mul3A_31 : i32
      %mul3A_33 = arith.constant 32768 : i32
      %mul3A_34 = arith.muli %arg1, %mul3A_33 : i32
      %add3A_35 = arith.addi %mul3A_32, %mul3A_34 : i32
      %mul3A_36 = arith.constant 32768 : i32
      %mul3A_37 = arith.muli %arg1, %mul3A_36 : i32
      "tpu.region"() ({
        %run_scoped3A_91 = tpu.sem_alloc : memref<!tpu.dma_semaphore, #tpu.memory_space<semaphore_mem>>
        %dma_start3A_92 = tpu.memref_slice %arg7[%mul3A_37] : memref<524288xi32, #tpu.memory_space<vmem_shared>> -> memref<32768xi32, #tpu.memory_space<vmem_shared>>
        %dma_start3A_93 = tpu.memref_slice %arg3[%add3A_35] : memref<8388608xi32, #tpu.memory_space<hbm>> -> memref<32768xi32, #tpu.memory_space<hbm>>
        tpu.enqueue_dma source(%dma_start3A_93 : memref<32768xi32, #tpu.memory_space<hbm>>) target(%dma_start3A_92 : memref<32768xi32, #tpu.memory_space<vmem_shared>>) target_semaphore(%run_scoped3A_91 : memref<!tpu.dma_semaphore, #tpu.memory_space<semaphore_mem>>)
        %dma_wait3A_94 = tpu.memref_slice %arg7[%mul3A_37] : memref<524288xi32, #tpu.memory_space<vmem_shared>> -> memref<32768xi32, #tpu.memory_space<vmem_shared>>
        %dma_wait3A_95 = tpu.memref_slice %arg3[%add3A_35] : memref<8388608xi32, #tpu.memory_space<hbm>> -> memref<32768xi32, #tpu.memory_space<hbm>>
        tpu.wait_dma2 semaphore(%run_scoped3A_91 : memref<!tpu.dma_semaphore, #tpu.memory_space<semaphore_mem>>) src(%dma_wait3A_95 : memref<32768xi32, #tpu.memory_space<hbm>>) dst(%dma_wait3A_94 : memref<32768xi32, #tpu.memory_space<vmem_shared>>)
        tpu.yield
      }) : () -> ()
      %barrier3A = arith.constant 0 : index
      tpu.barrier barrier_id(%barrier3A)
      %mul3A_38 = arith.constant 256 : i32
      %mul3A_39 = arith.muli %add3A, %mul3A_38 : i32
      %add3A_40 = arith.constant 0 : i32
      %add3A_41 = arith.addi %mul3A_39, %add3A_40 : i32
      %run_scoped3A = arith.constant 0 : i32
      "tpu.region"() ({
        %run_scoped3A_91 = tpu.sem_alloc : memref<!tpu.dma_semaphore, #tpu.memory_space<semaphore_mem>>
        %dma_start3A_92 = arith.constant 0 : i32
        %dma_start3A_93 = tpu.memref_slice %arg2[%run_scoped3A, %add3A_41, %dma_start3A_92] : memref<3x8192x128xf32, #tpu.memory_space<hbm>> -> memref<1x8x128xf32, #tpu.memory_space<hbm>>
        %dma_start3A_94 = tpu.memref_squeeze %dma_start3A_93 : memref<1x8x128xf32, #tpu.memory_space<hbm>> -> memref<8x128xf32, #tpu.memory_space<hbm>>
        %dma_start3A_95 = arith.constant 0 : i32
        %dma_start3A_96 = tpu.memref_slice %arg2[%run_scoped3A, %add3A_41, %dma_start3A_95] : memref<3x8192x128xf32, #tpu.memory_space<hbm>> -> memref<1x8x128xf32, #tpu.memory_space<hbm>>
        %dma_start3A_97 = tpu.memref_squeeze %dma_start3A_96 : memref<1x8x128xf32, #tpu.memory_space<hbm>> -> memref<8x128xf32, #tpu.memory_space<hbm>>
        tpu.enqueue_dma source(%dma_start3A_97 : memref<8x128xf32, #tpu.memory_space<hbm>>) target(%arg8 : memref<8x128xf32, #tpu.memory_space<vmem>>) target_semaphore(%run_scoped3A_91 : memref<!tpu.dma_semaphore, #tpu.memory_space<semaphore_mem>>)
        %dma_wait3A_98 = arith.constant 0 : i32
        %dma_wait3A_99 = tpu.memref_slice %arg2[%run_scoped3A, %add3A_41, %dma_wait3A_98] : memref<3x8192x128xf32, #tpu.memory_space<hbm>> -> memref<1x8x128xf32, #tpu.memory_space<hbm>>
        %dma_wait3A_100 = tpu.memref_squeeze %dma_wait3A_99 : memref<1x8x128xf32, #tpu.memory_space<hbm>> -> memref<8x128xf32, #tpu.memory_space<hbm>>
        %dma_wait3A_101 = arith.constant 0 : i32
        %dma_wait3A_102 = tpu.memref_slice %arg2[%run_scoped3A, %add3A_41, %dma_wait3A_101] : memref<3x8192x128xf32, #tpu.memory_space<hbm>> -> memref<1x8x128xf32, #tpu.memory_space<hbm>>
        %dma_wait3A_103 = tpu.memref_squeeze %dma_wait3A_102 : memref<1x8x128xf32, #tpu.memory_space<hbm>> -> memref<8x128xf32, #tpu.memory_space<hbm>>
        tpu.wait_dma2 semaphore(%run_scoped3A_91 : memref<!tpu.dma_semaphore, #tpu.memory_space<semaphore_mem>>) src(%dma_wait3A_103 : memref<8x128xf32, #tpu.memory_space<hbm>>) dst(%arg8 : memref<8x128xf32, #tpu.memory_space<vmem>>)
        tpu.yield
      }) : () -> ()
      %run_scoped3A_42 = arith.constant 1 : i32
      "tpu.region"() ({
        %run_scoped3A_91 = tpu.sem_alloc : memref<!tpu.dma_semaphore, #tpu.memory_space<semaphore_mem>>
        %dma_start3A_92 = arith.constant 0 : i32
        %dma_start3A_93 = tpu.memref_slice %arg2[%run_scoped3A_42, %add3A_41, %dma_start3A_92] : memref<3x8192x128xf32, #tpu.memory_space<hbm>> -> memref<1x8x128xf32, #tpu.memory_space<hbm>>
        %dma_start3A_94 = tpu.memref_squeeze %dma_start3A_93 : memref<1x8x128xf32, #tpu.memory_space<hbm>> -> memref<8x128xf32, #tpu.memory_space<hbm>>
        %dma_start3A_95 = arith.constant 0 : i32
        %dma_start3A_96 = tpu.memref_slice %arg2[%run_scoped3A_42, %add3A_41, %dma_start3A_95] : memref<3x8192x128xf32, #tpu.memory_space<hbm>> -> memref<1x8x128xf32, #tpu.memory_space<hbm>>
        %dma_start3A_97 = tpu.memref_squeeze %dma_start3A_96 : memref<1x8x128xf32, #tpu.memory_space<hbm>> -> memref<8x128xf32, #tpu.memory_space<hbm>>
        tpu.enqueue_dma source(%dma_start3A_97 : memref<8x128xf32, #tpu.memory_space<hbm>>) target(%arg9 : memref<8x128xf32, #tpu.memory_space<vmem>>) target_semaphore(%run_scoped3A_91 : memref<!tpu.dma_semaphore, #tpu.memory_space<semaphore_mem>>)
        %dma_wait3A_98 = arith.constant 0 : i32
        %dma_wait3A_99 = tpu.memref_slice %arg2[%run_scoped3A_42, %add3A_41, %dma_wait3A_98] : memref<3x8192x128xf32, #tpu.memory_space<hbm>> -> memref<1x8x128xf32, #tpu.memory_space<hbm>>
        %dma_wait3A_100 = tpu.memref_squeeze %dma_wait3A_99 : memref<1x8x128xf32, #tpu.memory_space<hbm>> -> memref<8x128xf32, #tpu.memory_space<hbm>>
        %dma_wait3A_101 = arith.constant 0 : i32
        %dma_wait3A_102 = tpu.memref_slice %arg2[%run_scoped3A_42, %add3A_41, %dma_wait3A_101] : memref<3x8192x128xf32, #tpu.memory_space<hbm>> -> memref<1x8x128xf32, #tpu.memory_space<hbm>>
        %dma_wait3A_103 = tpu.memref_squeeze %dma_wait3A_102 : memref<1x8x128xf32, #tpu.memory_space<hbm>> -> memref<8x128xf32, #tpu.memory_space<hbm>>
        tpu.wait_dma2 semaphore(%run_scoped3A_91 : memref<!tpu.dma_semaphore, #tpu.memory_space<semaphore_mem>>) src(%dma_wait3A_103 : memref<8x128xf32, #tpu.memory_space<hbm>>) dst(%arg9 : memref<8x128xf32, #tpu.memory_space<vmem>>)
        tpu.yield
      }) : () -> ()
      %run_scoped3A_43 = arith.constant 2 : i32
      "tpu.region"() ({
        %run_scoped3A_91 = tpu.sem_alloc : memref<!tpu.dma_semaphore, #tpu.memory_space<semaphore_mem>>
        %dma_start3A_92 = arith.constant 0 : i32
        %dma_start3A_93 = tpu.memref_slice %arg2[%run_scoped3A_43, %add3A_41, %dma_start3A_92] : memref<3x8192x128xf32, #tpu.memory_space<hbm>> -> memref<1x8x128xf32, #tpu.memory_space<hbm>>
        %dma_start3A_94 = tpu.memref_squeeze %dma_start3A_93 : memref<1x8x128xf32, #tpu.memory_space<hbm>> -> memref<8x128xf32, #tpu.memory_space<hbm>>
        %dma_start3A_95 = arith.constant 0 : i32
        %dma_start3A_96 = tpu.memref_slice %arg2[%run_scoped3A_43, %add3A_41, %dma_start3A_95] : memref<3x8192x128xf32, #tpu.memory_space<hbm>> -> memref<1x8x128xf32, #tpu.memory_space<hbm>>
        %dma_start3A_97 = tpu.memref_squeeze %dma_start3A_96 : memref<1x8x128xf32, #tpu.memory_space<hbm>> -> memref<8x128xf32, #tpu.memory_space<hbm>>
        tpu.enqueue_dma source(%dma_start3A_97 : memref<8x128xf32, #tpu.memory_space<hbm>>) target(%arg10 : memref<8x128xf32, #tpu.memory_space<vmem>>) target_semaphore(%run_scoped3A_91 : memref<!tpu.dma_semaphore, #tpu.memory_space<semaphore_mem>>)
        %dma_wait3A_98 = arith.constant 0 : i32
        %dma_wait3A_99 = tpu.memref_slice %arg2[%run_scoped3A_43, %add3A_41, %dma_wait3A_98] : memref<3x8192x128xf32, #tpu.memory_space<hbm>> -> memref<1x8x128xf32, #tpu.memory_space<hbm>>
        %dma_wait3A_100 = tpu.memref_squeeze %dma_wait3A_99 : memref<1x8x128xf32, #tpu.memory_space<hbm>> -> memref<8x128xf32, #tpu.memory_space<hbm>>
        %dma_wait3A_101 = arith.constant 0 : i32
        %dma_wait3A_102 = tpu.memref_slice %arg2[%run_scoped3A_43, %add3A_41, %dma_wait3A_101] : memref<3x8192x128xf32, #tpu.memory_space<hbm>> -> memref<1x8x128xf32, #tpu.memory_space<hbm>>
        %dma_wait3A_103 = tpu.memref_squeeze %dma_wait3A_102 : memref<1x8x128xf32, #tpu.memory_space<hbm>> -> memref<8x128xf32, #tpu.memory_space<hbm>>
        tpu.wait_dma2 semaphore(%run_scoped3A_91 : memref<!tpu.dma_semaphore, #tpu.memory_space<semaphore_mem>>) src(%dma_wait3A_103 : memref<8x128xf32, #tpu.memory_space<hbm>>) dst(%arg10 : memref<8x128xf32, #tpu.memory_space<vmem>>)
        tpu.yield
      }) : () -> ()
      %scan3A_44 = arith.constant 0 : i32
      %scan3A_45 = arith.constant 8 : i32
      %scan3A_46 = arith.addi %scan3A_44, %scan3A_45 : i32
      %scan3A_47 = arith.constant 1 : i32
      scf.for %scan3A_91 = %scan3A_44 to %scan3A_46 step %scan3A_47  : i32 {
        %mul3A_92 = arith.constant 1 : i32
        %mul3A_93 = arith.muli %scan3A_91, %mul3A_92 : i32
        %add3A_94 = arith.constant 0 : i32
        %add3A_95 = arith.addi %add3A_94, %mul3A_93 : i32
        %scan3A_96 = arith.constant 0 : i32
        %scan3A_97 = arith.constant 8 : i32
        %scan3A_98 = arith.addi %scan3A_96, %scan3A_97 : i32
        %scan3A_99 = arith.constant 1 : i32
        scf.for %scan3A_101 = %scan3A_96 to %scan3A_98 step %scan3A_99  : i32 {
          %mul3A_102 = arith.constant 1 : i32
          %mul3A_103 = arith.muli %scan3A_101, %mul3A_102 : i32
          %add3A_104 = arith.constant 0 : i32
          %add3A_105 = arith.addi %add3A_104, %mul3A_103 : i32
          %mul3A_106 = arith.constant 128 : i32
          %mul3A_107 = arith.muli %add3A_95, %mul3A_106 : i32
          %mul3A_108 = arith.constant 16 : i32
          %mul3A_109 = arith.muli %add3A_105, %mul3A_108 : i32
          %add3A_110 = arith.addi %mul3A_107, %mul3A_109 : i32
          %mul3A_111 = arith.constant 16 : i32
          %mul3A_112 = arith.muli %add3A_105, %mul3A_111 : i32
          %get3A = arith.index_cast %add3A_95 : i32 to index
          %get3A_113 = arith.index_cast %mul3A_112 : i32 to index
          %get3A_114 = tpu.vector_load %arg8[%get3A, %get3A_113] {strides = array<i32>} : memref<8x128xf32, #tpu.memory_space<vmem>>, vector<16xf32>,
          %mul3A_115 = arith.constant 16 : i32
          %mul3A_116 = arith.muli %add3A_105, %mul3A_115 : i32
          %get3A_117 = arith.index_cast %add3A_95 : i32 to index
          %get3A_118 = arith.index_cast %mul3A_116 : i32 to index
          %get3A_119 = tpu.vector_load %arg9[%get3A_117, %get3A_118] {strides = array<i32>} : memref<8x128xf32, #tpu.memory_space<vmem>>, vector<16xf32>,
          %mul3A_120 = arith.constant 16 : i32
          %mul3A_121 = arith.muli %add3A_105, %mul3A_120 : i32
          %get3A_122 = arith.index_cast %add3A_95 : i32 to index
          %get3A_123 = arith.index_cast %mul3A_121 : i32 to index
          %get3A_124 = tpu.vector_load %arg10[%get3A_122, %get3A_123] {strides = array<i32>} : memref<8x128xf32, #tpu.memory_space<vmem>>, vector<16xf32>,
          %mul3A_125 = arith.mulf %get3A_114, %gather3A : vector<16xf32>
          %convert_element_type3A = arith.fptosi %mul3A_125 : vector<16xf32> to vector<16xi32>
          %convert_element_type3A_126 = arith.sitofp %convert_element_type3A : vector<16xi32> to vector<16xf32>
          %sub3A = arith.subf %mul3A_125, %convert_element_type3A_126 : vector<16xf32>
          %mul3A_127 = arith.mulf %sub3A, %sub3A : vector<16xf32>
          %mul3A_128 = arith.constant 2.000000e+00 : f32
          %mul3A_129 = vector.broadcast %mul3A_128 : f32 to vector<16xf32>
          %mul3A_130 = arith.mulf %mul3A_129, %sub3A : vector<16xf32>
          %sub3A_131 = arith.constant 3.000000e+00 : f32
          %sub3A_132 = vector.broadcast %sub3A_131 : f32 to vector<16xf32>
          %sub3A_133 = arith.subf %sub3A_132, %mul3A_130 : vector<16xf32>
          %mul3A_134 = arith.mulf %mul3A_127, %sub3A_133 : vector<16xf32>
          %sub3A_135 = arith.constant 1.000000e+00 : f32
          %sub3A_136 = vector.broadcast %sub3A_135 : f32 to vector<16xf32>
          %sub3A_137 = arith.subf %sub3A_136, %mul3A_134 : vector<16xf32>
          %mul3A_138 = arith.mulf %get3A_119, %gather3A : vector<16xf32>
          %convert_element_type3A_139 = arith.fptosi %mul3A_138 : vector<16xf32> to vector<16xi32>
          %convert_element_type3A_140 = arith.sitofp %convert_element_type3A_139 : vector<16xi32> to vector<16xf32>
          %sub3A_141 = arith.subf %mul3A_138, %convert_element_type3A_140 : vector<16xf32>
          %mul3A_142 = arith.mulf %sub3A_141, %sub3A_141 : vector<16xf32>
          %mul3A_143 = arith.constant 2.000000e+00 : f32
          %mul3A_144 = vector.broadcast %mul3A_143 : f32 to vector<16xf32>
          %mul3A_145 = arith.mulf %mul3A_144, %sub3A_141 : vector<16xf32>
          %sub3A_146 = arith.constant 3.000000e+00 : f32
          %sub3A_147 = vector.broadcast %sub3A_146 : f32 to vector<16xf32>
          %sub3A_148 = arith.subf %sub3A_147, %mul3A_145 : vector<16xf32>
          %mul3A_149 = arith.mulf %mul3A_142, %sub3A_148 : vector<16xf32>
          %sub3A_150 = arith.constant 1.000000e+00 : f32
          %sub3A_151 = vector.broadcast %sub3A_150 : f32 to vector<16xf32>
          %sub3A_152 = arith.subf %sub3A_151, %mul3A_149 : vector<16xf32>
          %mul3A_153 = arith.mulf %get3A_124, %gather3A : vector<16xf32>
          %convert_element_type3A_154 = arith.fptosi %mul3A_153 : vector<16xf32> to vector<16xi32>
          %convert_element_type3A_155 = arith.sitofp %convert_element_type3A_154 : vector<16xi32> to vector<16xf32>
          %sub3A_156 = arith.subf %mul3A_153, %convert_element_type3A_155 : vector<16xf32>
          %mul3A_157 = arith.mulf %sub3A_156, %sub3A_156 : vector<16xf32>
          %mul3A_158 = arith.constant 2.000000e+00 : f32
          %mul3A_159 = vector.broadcast %mul3A_158 : f32 to vector<16xf32>
          %mul3A_160 = arith.mulf %mul3A_159, %sub3A_156 : vector<16xf32>
          %sub3A_161 = arith.constant 3.000000e+00 : f32
          %sub3A_162 = vector.broadcast %sub3A_161 : f32 to vector<16xf32>
          %sub3A_163 = arith.subf %sub3A_162, %mul3A_160 : vector<16xf32>
          %mul3A_164 = arith.mulf %mul3A_157, %sub3A_163 : vector<16xf32>
          %sub3A_165 = arith.constant 1.000000e+00 : f32
          %sub3A_166 = vector.broadcast %sub3A_165 : f32 to vector<16xf32>
          %sub3A_167 = arith.subf %sub3A_166, %mul3A_164 : vector<16xf32>
          %mul3A_168 = arith.muli %convert_element_type3A_139, %gather3A_23 : vector<16xi32>
          %add3A_169 = arith.addi %convert_element_type3A, %mul3A_168 : vector<16xi32>
          %mul3A_170 = arith.muli %convert_element_type3A_154, %gather3A_30 : vector<16xi32>
          %add3A_171 = arith.addi %add3A_169, %mul3A_170 : vector<16xi32>
          %mul3A_172 = arith.mulf %sub3A_137, %sub3A_152 : vector<16xf32>
          %mul3A_173 = arith.mulf %mul3A_172, %sub3A_167 : vector<16xf32>
          %add3A_174 = arith.constant 0 : i32
          %add3A_175 = arith.addi %add3A_174, %add3A_110 : i32
          %swap3A = arith.index_cast %add3A_175 : i32 to index
          %swap3A_176 = tpu.vector_load %arg11[%swap3A] {strides = array<i32>} : memref<8192xi32, #tpu.memory_space<vmem>>, vector<16xi32>,
          tpu.vector_store %arg11[%swap3A], %add3A_171 {strides = array<i32>} : memref<8192xi32, #tpu.memory_space<vmem>>, vector<16xi32>,
          %add3A_177 = arith.constant 0 : i32
          %add3A_178 = arith.addi %add3A_177, %add3A_110 : i32
          %swap3A_179 = arith.index_cast %add3A_178 : i32 to index
          %swap3A_180 = tpu.vector_load %arg13[%swap3A_179] {strides = array<i32>} : memref<8192xf32, #tpu.memory_space<vmem>>, vector<16xf32>,
          tpu.vector_store %arg13[%swap3A_179], %mul3A_173 {strides = array<i32>} : memref<8192xf32, #tpu.memory_space<vmem>>, vector<16xf32>,
          %add3A_181 = arith.constant 1 : i32
          %add3A_182 = vector.broadcast %add3A_181 : i32 to vector<16xi32>
          %add3A_183 = arith.addi %convert_element_type3A, %add3A_182 : vector<16xi32>
          %mul3A_184 = arith.muli %convert_element_type3A_139, %gather3A_23 : vector<16xi32>
          %add3A_185 = arith.addi %add3A_183, %mul3A_184 : vector<16xi32>
          %mul3A_186 = arith.muli %convert_element_type3A_154, %gather3A_30 : vector<16xi32>
          %add3A_187 = arith.addi %add3A_185, %mul3A_186 : vector<16xi32>
          %mul3A_188 = arith.mulf %mul3A_134, %sub3A_152 : vector<16xf32>
          %mul3A_189 = arith.mulf %mul3A_188, %sub3A_167 : vector<16xf32>
          %add3A_190 = arith.constant 1024 : i32
          %add3A_191 = arith.addi %add3A_190, %add3A_110 : i32
          %swap3A_192 = arith.index_cast %add3A_191 : i32 to index
          %swap3A_193 = tpu.vector_load %arg11[%swap3A_192] {strides = array<i32>} : memref<8192xi32, #tpu.memory_space<vmem>>, vector<16xi32>,
          tpu.vector_store %arg11[%swap3A_192], %add3A_187 {strides = array<i32>} : memref<8192xi32, #tpu.memory_space<vmem>>, vector<16xi32>,
          %add3A_194 = arith.constant 1024 : i32
          %add3A_195 = arith.addi %add3A_194, %add3A_110 : i32
          %swap3A_196 = arith.index_cast %add3A_195 : i32 to index
          %swap3A_197 = tpu.vector_load %arg13[%swap3A_196] {strides = array<i32>} : memref<8192xf32, #tpu.memory_space<vmem>>, vector<16xf32>,
          tpu.vector_store %arg13[%swap3A_196], %mul3A_189 {strides = array<i32>} : memref<8192xf32, #tpu.memory_space<vmem>>, vector<16xf32>,
          %add3A_198 = arith.constant 1 : i32
          %add3A_199 = vector.broadcast %add3A_198 : i32 to vector<16xi32>
          %add3A_200 = arith.addi %convert_element_type3A_139, %add3A_199 : vector<16xi32>
          %mul3A_201 = arith.muli %add3A_200, %gather3A_23 : vector<16xi32>
          %add3A_202 = arith.addi %convert_element_type3A, %mul3A_201 : vector<16xi32>
          %mul3A_203 = arith.muli %convert_element_type3A_154, %gather3A_30 : vector<16xi32>
          %add3A_204 = arith.addi %add3A_202, %mul3A_203 : vector<16xi32>
          %mul3A_205 = arith.mulf %sub3A_137, %mul3A_149 : vector<16xf32>
          %mul3A_206 = arith.mulf %mul3A_205, %sub3A_167 : vector<16xf32>
          %add3A_207 = arith.constant 2048 : i32
          %add3A_208 = arith.addi %add3A_207, %add3A_110 : i32
          %swap3A_209 = arith.index_cast %add3A_208 : i32 to index
          %swap3A_210 = tpu.vector_load %arg11[%swap3A_209] {strides = array<i32>} : memref<8192xi32, #tpu.memory_space<vmem>>, vector<16xi32>,
          tpu.vector_store %arg11[%swap3A_209], %add3A_204 {strides = array<i32>} : memref<8192xi32, #tpu.memory_space<vmem>>, vector<16xi32>,
          %add3A_211 = arith.constant 2048 : i32
          %add3A_212 = arith.addi %add3A_211, %add3A_110 : i32
          %swap3A_213 = arith.index_cast %add3A_212 : i32 to index
          %swap3A_214 = tpu.vector_load %arg13[%swap3A_213] {strides = array<i32>} : memref<8192xf32, #tpu.memory_space<vmem>>, vector<16xf32>,
          tpu.vector_store %arg13[%swap3A_213], %mul3A_206 {strides = array<i32>} : memref<8192xf32, #tpu.memory_space<vmem>>, vector<16xf32>,
          %add3A_215 = arith.constant 1 : i32
          %add3A_216 = vector.broadcast %add3A_215 : i32 to vector<16xi32>
          %add3A_217 = arith.addi %convert_element_type3A, %add3A_216 : vector<16xi32>
          %add3A_218 = arith.constant 1 : i32
          %add3A_219 = vector.broadcast %add3A_218 : i32 to vector<16xi32>
          %add3A_220 = arith.addi %convert_element_type3A_139, %add3A_219 : vector<16xi32>
          %mul3A_221 = arith.muli %add3A_220, %gather3A_23 : vector<16xi32>
          %add3A_222 = arith.addi %add3A_217, %mul3A_221 : vector<16xi32>
          %mul3A_223 = arith.muli %convert_element_type3A_154, %gather3A_30 : vector<16xi32>
          %add3A_224 = arith.addi %add3A_222, %mul3A_223 : vector<16xi32>
          %mul3A_225 = arith.mulf %mul3A_134, %mul3A_149 : vector<16xf32>
          %mul3A_226 = arith.mulf %mul3A_225, %sub3A_167 : vector<16xf32>
          %add3A_227 = arith.constant 3072 : i32
          %add3A_228 = arith.addi %add3A_227, %add3A_110 : i32
          %swap3A_229 = arith.index_cast %add3A_228 : i32 to index
          %swap3A_230 = tpu.vector_load %arg11[%swap3A_229] {strides = array<i32>} : memref<8192xi32, #tpu.memory_space<vmem>>, vector<16xi32>,
          tpu.vector_store %arg11[%swap3A_229], %add3A_224 {strides = array<i32>} : memref<8192xi32, #tpu.memory_space<vmem>>, vector<16xi32>,
          %add3A_231 = arith.constant 3072 : i32
          %add3A_232 = arith.addi %add3A_231, %add3A_110 : i32
          %swap3A_233 = arith.index_cast %add3A_232 : i32 to index
          %swap3A_234 = tpu.vector_load %arg13[%swap3A_233] {strides = array<i32>} : memref<8192xf32, #tpu.memory_space<vmem>>, vector<16xf32>,
          tpu.vector_store %arg13[%swap3A_233], %mul3A_226 {strides = array<i32>} : memref<8192xf32, #tpu.memory_space<vmem>>, vector<16xf32>,
          %add3A_235 = arith.constant 1 : i32
          %add3A_236 = vector.broadcast %add3A_235 : i32 to vector<16xi32>
          %add3A_237 = arith.addi %convert_element_type3A_154, %add3A_236 : vector<16xi32>
          %mul3A_238 = arith.muli %convert_element_type3A_139, %gather3A_23 : vector<16xi32>
          %add3A_239 = arith.addi %convert_element_type3A, %mul3A_238 : vector<16xi32>
          %mul3A_240 = arith.muli %add3A_237, %gather3A_30 : vector<16xi32>
          %add3A_241 = arith.addi %add3A_239, %mul3A_240 : vector<16xi32>
          %mul3A_242 = arith.mulf %sub3A_137, %sub3A_152 : vector<16xf32>
          %mul3A_243 = arith.mulf %mul3A_242, %mul3A_164 : vector<16xf32>
          %add3A_244 = arith.constant 4096 : i32
          %add3A_245 = arith.addi %add3A_244, %add3A_110 : i32
          %swap3A_246 = arith.index_cast %add3A_245 : i32 to index
          %swap3A_247 = tpu.vector_load %arg11[%swap3A_246] {strides = array<i32>} : memref<8192xi32, #tpu.memory_space<vmem>>, vector<16xi32>,
          tpu.vector_store %arg11[%swap3A_246], %add3A_241 {strides = array<i32>} : memref<8192xi32, #tpu.memory_space<vmem>>, vector<16xi32>,
          %add3A_248 = arith.constant 4096 : i32
          %add3A_249 = arith.addi %add3A_248, %add3A_110 : i32
          %swap3A_250 = arith.index_cast %add3A_249 : i32 to index
          %swap3A_251 = tpu.vector_load %arg13[%swap3A_250] {strides = array<i32>} : memref<8192xf32, #tpu.memory_space<vmem>>, vector<16xf32>,
          tpu.vector_store %arg13[%swap3A_250], %mul3A_243 {strides = array<i32>} : memref<8192xf32, #tpu.memory_space<vmem>>, vector<16xf32>,
          %add3A_252 = arith.constant 1 : i32
          %add3A_253 = vector.broadcast %add3A_252 : i32 to vector<16xi32>
          %add3A_254 = arith.addi %convert_element_type3A, %add3A_253 : vector<16xi32>
          %add3A_255 = arith.constant 1 : i32
          %add3A_256 = vector.broadcast %add3A_255 : i32 to vector<16xi32>
          %add3A_257 = arith.addi %convert_element_type3A_154, %add3A_256 : vector<16xi32>
          %mul3A_258 = arith.muli %convert_element_type3A_139, %gather3A_23 : vector<16xi32>
          %add3A_259 = arith.addi %add3A_254, %mul3A_258 : vector<16xi32>
          %mul3A_260 = arith.muli %add3A_257, %gather3A_30 : vector<16xi32>
          %add3A_261 = arith.addi %add3A_259, %mul3A_260 : vector<16xi32>
          %mul3A_262 = arith.mulf %mul3A_134, %sub3A_152 : vector<16xf32>
          %mul3A_263 = arith.mulf %mul3A_262, %mul3A_164 : vector<16xf32>
          %add3A_264 = arith.constant 5120 : i32
          %add3A_265 = arith.addi %add3A_264, %add3A_110 : i32
          %swap3A_266 = arith.index_cast %add3A_265 : i32 to index
          %swap3A_267 = tpu.vector_load %arg11[%swap3A_266] {strides = array<i32>} : memref<8192xi32, #tpu.memory_space<vmem>>, vector<16xi32>,
          tpu.vector_store %arg11[%swap3A_266], %add3A_261 {strides = array<i32>} : memref<8192xi32, #tpu.memory_space<vmem>>, vector<16xi32>,
          %add3A_268 = arith.constant 5120 : i32
          %add3A_269 = arith.addi %add3A_268, %add3A_110 : i32
          %swap3A_270 = arith.index_cast %add3A_269 : i32 to index
          %swap3A_271 = tpu.vector_load %arg13[%swap3A_270] {strides = array<i32>} : memref<8192xf32, #tpu.memory_space<vmem>>, vector<16xf32>,
          tpu.vector_store %arg13[%swap3A_270], %mul3A_263 {strides = array<i32>} : memref<8192xf32, #tpu.memory_space<vmem>>, vector<16xf32>,
          %add3A_272 = arith.constant 1 : i32
          %add3A_273 = vector.broadcast %add3A_272 : i32 to vector<16xi32>
          %add3A_274 = arith.addi %convert_element_type3A_139, %add3A_273 : vector<16xi32>
          %add3A_275 = arith.constant 1 : i32
          %add3A_276 = vector.broadcast %add3A_275 : i32 to vector<16xi32>
          %add3A_277 = arith.addi %convert_element_type3A_154, %add3A_276 : vector<16xi32>
          %mul3A_278 = arith.muli %add3A_274, %gather3A_23 : vector<16xi32>
          %add3A_279 = arith.addi %convert_element_type3A, %mul3A_278 : vector<16xi32>
          %mul3A_280 = arith.muli %add3A_277, %gather3A_30 : vector<16xi32>
          %add3A_281 = arith.addi %add3A_279, %mul3A_280 : vector<16xi32>
          %mul3A_282 = arith.mulf %sub3A_137, %mul3A_149 : vector<16xf32>
          %mul3A_283 = arith.mulf %mul3A_282, %mul3A_164 : vector<16xf32>
          %add3A_284 = arith.constant 6144 : i32
          %add3A_285 = arith.addi %add3A_284, %add3A_110 : i32
          %swap3A_286 = arith.index_cast %add3A_285 : i32 to index
          %swap3A_287 = tpu.vector_load %arg11[%swap3A_286] {strides = array<i32>} : memref<8192xi32, #tpu.memory_space<vmem>>, vector<16xi32>,
          tpu.vector_store %arg11[%swap3A_286], %add3A_281 {strides = array<i32>} : memref<8192xi32, #tpu.memory_space<vmem>>, vector<16xi32>,
          %add3A_288 = arith.constant 6144 : i32
          %add3A_289 = arith.addi %add3A_288, %add3A_110 : i32
          %swap3A_290 = arith.index_cast %add3A_289 : i32 to index
          %swap3A_291 = tpu.vector_load %arg13[%swap3A_290] {strides = array<i32>} : memref<8192xf32, #tpu.memory_space<vmem>>, vector<16xf32>,
          tpu.vector_store %arg13[%swap3A_290], %mul3A_283 {strides = array<i32>} : memref<8192xf32, #tpu.memory_space<vmem>>, vector<16xf32>,
          %add3A_292 = arith.constant 1 : i32
          %add3A_293 = vector.broadcast %add3A_292 : i32 to vector<16xi32>
          %add3A_294 = arith.addi %convert_element_type3A, %add3A_293 : vector<16xi32>
          %add3A_295 = arith.constant 1 : i32
          %add3A_296 = vector.broadcast %add3A_295 : i32 to vector<16xi32>
          %add3A_297 = arith.addi %convert_element_type3A_139, %add3A_296 : vector<16xi32>
          %add3A_298 = arith.constant 1 : i32
          %add3A_299 = vector.broadcast %add3A_298 : i32 to vector<16xi32>
          %add3A_300 = arith.addi %convert_element_type3A_154, %add3A_299 : vector<16xi32>
          %mul3A_301 = arith.muli %add3A_297, %gather3A_23 : vector<16xi32>
          %add3A_302 = arith.addi %add3A_294, %mul3A_301 : vector<16xi32>
          %mul3A_303 = arith.muli %add3A_300, %gather3A_30 : vector<16xi32>
          %add3A_304 = arith.addi %add3A_302, %mul3A_303 : vector<16xi32>
          %mul3A_305 = arith.mulf %mul3A_134, %mul3A_149 : vector<16xf32>
          %mul3A_306 = arith.mulf %mul3A_305, %mul3A_164 : vector<16xf32>
          %add3A_307 = arith.constant 7168 : i32
          %add3A_308 = arith.addi %add3A_307, %add3A_110 : i32
          %swap3A_309 = arith.index_cast %add3A_308 : i32 to index
          %swap3A_310 = tpu.vector_load %arg11[%swap3A_309] {strides = array<i32>} : memref<8192xi32, #tpu.memory_space<vmem>>, vector<16xi32>,
          tpu.vector_store %arg11[%swap3A_309], %add3A_304 {strides = array<i32>} : memref<8192xi32, #tpu.memory_space<vmem>>, vector<16xi32>,
          %add3A_311 = arith.constant 7168 : i32
          %add3A_312 = arith.addi %add3A_311, %add3A_110 : i32
          %swap3A_313 = arith.index_cast %add3A_312 : i32 to index
          %swap3A_314 = tpu.vector_load %arg13[%swap3A_313] {strides = array<i32>} : memref<8192xf32, #tpu.memory_space<vmem>>, vector<16xf32>,
          tpu.vector_store %arg13[%swap3A_313], %mul3A_306 {strides = array<i32>} : memref<8192xf32, #tpu.memory_space<vmem>>, vector<16xf32>,
        }
        %scan3A_100 = arith.constant 8 : i32
      }
      %scan3A_48 = arith.constant 8 : i32
      %dma_start3A = arith.constant 0 : i32
      %dma_start3A_49 = tpu.memref_slice %arg7[%dma_start3A] : memref<524288xi32, #tpu.memory_space<vmem_shared>> -> memref<524288xi32, #tpu.memory_space<vmem_shared>>
      tpu.enqueue_indirect_dma source(%dma_start3A_49 : memref<524288xi32, #tpu.memory_space<vmem_shared>>) target(%arg15 : memref<8192xi32, #tpu.memory_space<vmem>>) offsets(%arg11 : memref<8192xi32, #tpu.memory_space<vmem>>) semaphore(%arg23 : memref<!tpu.dma_semaphore, #tpu.memory_space<semaphore_mem>>)
      %scan3A_50 = arith.constant 0 : i32
      %scan3A_51 = arith.constant 16 : i32
      %scan3A_52 = arith.addi %scan3A_50, %scan3A_51 : i32
      %scan3A_53 = arith.constant 1 : i32
      scf.for %scan3A_91 = %scan3A_50 to %scan3A_52 step %scan3A_53  : i32 {
        %mul3A_92 = arith.constant 1 : i32
        %mul3A_93 = arith.muli %scan3A_91, %mul3A_92 : i32
        %add3A_94 = arith.constant 0 : i32
        %add3A_95 = arith.addi %add3A_94, %mul3A_93 : i32
        %mul3A_96 = arith.constant 2 : i32
        %mul3A_97 = arith.muli %mul3A_96, %add3A_95 : i32
        %add3A_98 = arith.constant 1 : i32
        %add3A_99 = arith.addi %mul3A_97, %add3A_98 : i32
        %mul3A_100 = arith.constant 256 : i32
        %mul3A_101 = arith.muli %add3A, %mul3A_100 : i32
        %mul3A_102 = arith.constant 8 : i32
        %mul3A_103 = arith.muli %add3A_99, %mul3A_102 : i32
        %add3A_104 = arith.addi %mul3A_101, %mul3A_103 : i32
        %run_scoped3A_105 = arith.constant 0 : i32
        "tpu.region"() ({
          %run_scoped3A_193 = tpu.sem_alloc : memref<!tpu.dma_semaphore, #tpu.memory_space<semaphore_mem>>
          %dma_start3A_194 = arith.constant 0 : i32
          %dma_start3A_195 = tpu.memref_slice %arg2[%run_scoped3A_105, %add3A_104, %dma_start3A_194] : memref<3x8192x128xf32, #tpu.memory_space<hbm>> -> memref<1x8x128xf32, #tpu.memory_space<hbm>>
          %dma_start3A_196 = tpu.memref_squeeze %dma_start3A_195 : memref<1x8x128xf32, #tpu.memory_space<hbm>> -> memref<8x128xf32, #tpu.memory_space<hbm>>
          %dma_start3A_197 = arith.constant 0 : i32
          %dma_start3A_198 = tpu.memref_slice %arg2[%run_scoped3A_105, %add3A_104, %dma_start3A_197] : memref<3x8192x128xf32, #tpu.memory_space<hbm>> -> memref<1x8x128xf32, #tpu.memory_space<hbm>>
          %dma_start3A_199 = tpu.memref_squeeze %dma_start3A_198 : memref<1x8x128xf32, #tpu.memory_space<hbm>> -> memref<8x128xf32, #tpu.memory_space<hbm>>
          tpu.enqueue_dma source(%dma_start3A_199 : memref<8x128xf32, #tpu.memory_space<hbm>>) target(%arg8 : memref<8x128xf32, #tpu.memory_space<vmem>>) target_semaphore(%run_scoped3A_193 : memref<!tpu.dma_semaphore, #tpu.memory_space<semaphore_mem>>)
          %dma_wait3A_200 = arith.constant 0 : i32
          %dma_wait3A_201 = tpu.memref_slice %arg2[%run_scoped3A_105, %add3A_104, %dma_wait3A_200] : memref<3x8192x128xf32, #tpu.memory_space<hbm>> -> memref<1x8x128xf32, #tpu.memory_space<hbm>>
          %dma_wait3A_202 = tpu.memref_squeeze %dma_wait3A_201 : memref<1x8x128xf32, #tpu.memory_space<hbm>> -> memref<8x128xf32, #tpu.memory_space<hbm>>
          %dma_wait3A_203 = arith.constant 0 : i32
          %dma_wait3A_204 = tpu.memref_slice %arg2[%run_scoped3A_105, %add3A_104, %dma_wait3A_203] : memref<3x8192x128xf32, #tpu.memory_space<hbm>> -> memref<1x8x128xf32, #tpu.memory_space<hbm>>
          %dma_wait3A_205 = tpu.memref_squeeze %dma_wait3A_204 : memref<1x8x128xf32, #tpu.memory_space<hbm>> -> memref<8x128xf32, #tpu.memory_space<hbm>>
          tpu.wait_dma2 semaphore(%run_scoped3A_193 : memref<!tpu.dma_semaphore, #tpu.memory_space<semaphore_mem>>) src(%dma_wait3A_205 : memref<8x128xf32, #tpu.memory_space<hbm>>) dst(%arg8 : memref<8x128xf32, #tpu.memory_space<vmem>>)
          tpu.yield
        }) : () -> ()
        %run_scoped3A_106 = arith.constant 1 : i32
        "tpu.region"() ({
          %run_scoped3A_193 = tpu.sem_alloc : memref<!tpu.dma_semaphore, #tpu.memory_space<semaphore_mem>>
          %dma_start3A_194 = arith.constant 0 : i32
          %dma_start3A_195 = tpu.memref_slice %arg2[%run_scoped3A_106, %add3A_104, %dma_start3A_194] : memref<3x8192x128xf32, #tpu.memory_space<hbm>> -> memref<1x8x128xf32, #tpu.memory_space<hbm>>
          %dma_start3A_196 = tpu.memref_squeeze %dma_start3A_195 : memref<1x8x128xf32, #tpu.memory_space<hbm>> -> memref<8x128xf32, #tpu.memory_space<hbm>>
          %dma_start3A_197 = arith.constant 0 : i32
          %dma_start3A_198 = tpu.memref_slice %arg2[%run_scoped3A_106, %add3A_104, %dma_start3A_197] : memref<3x8192x128xf32, #tpu.memory_space<hbm>> -> memref<1x8x128xf32, #tpu.memory_space<hbm>>
          %dma_start3A_199 = tpu.memref_squeeze %dma_start3A_198 : memref<1x8x128xf32, #tpu.memory_space<hbm>> -> memref<8x128xf32, #tpu.memory_space<hbm>>
          tpu.enqueue_dma source(%dma_start3A_199 : memref<8x128xf32, #tpu.memory_space<hbm>>) target(%arg9 : memref<8x128xf32, #tpu.memory_space<vmem>>) target_semaphore(%run_scoped3A_193 : memref<!tpu.dma_semaphore, #tpu.memory_space<semaphore_mem>>)
          %dma_wait3A_200 = arith.constant 0 : i32
          %dma_wait3A_201 = tpu.memref_slice %arg2[%run_scoped3A_106, %add3A_104, %dma_wait3A_200] : memref<3x8192x128xf32, #tpu.memory_space<hbm>> -> memref<1x8x128xf32, #tpu.memory_space<hbm>>
          %dma_wait3A_202 = tpu.memref_squeeze %dma_wait3A_201 : memref<1x8x128xf32, #tpu.memory_space<hbm>> -> memref<8x128xf32, #tpu.memory_space<hbm>>
          %dma_wait3A_203 = arith.constant 0 : i32
          %dma_wait3A_204 = tpu.memref_slice %arg2[%run_scoped3A_106, %add3A_104, %dma_wait3A_203] : memref<3x8192x128xf32, #tpu.memory_space<hbm>> -> memref<1x8x128xf32, #tpu.memory_space<hbm>>
          %dma_wait3A_205 = tpu.memref_squeeze %dma_wait3A_204 : memref<1x8x128xf32, #tpu.memory_space<hbm>> -> memref<8x128xf32, #tpu.memory_space<hbm>>
          tpu.wait_dma2 semaphore(%run_scoped3A_193 : memref<!tpu.dma_semaphore, #tpu.memory_space<semaphore_mem>>) src(%dma_wait3A_205 : memref<8x128xf32, #tpu.memory_space<hbm>>) dst(%arg9 : memref<8x128xf32, #tpu.memory_space<vmem>>)
          tpu.yield
        }) : () -> ()
        %run_scoped3A_107 = arith.constant 2 : i32
        "tpu.region"() ({
          %run_scoped3A_193 = tpu.sem_alloc : memref<!tpu.dma_semaphore, #tpu.memory_space<semaphore_mem>>
          %dma_start3A_194 = arith.constant 0 : i32
          %dma_start3A_195 = tpu.memref_slice %arg2[%run_scoped3A_107, %add3A_104, %dma_start3A_194] : memref<3x8192x128xf32, #tpu.memory_space<hbm>> -> memref<1x8x128xf32, #tpu.memory_space<hbm>>
          %dma_start3A_196 = tpu.memref_squeeze %dma_start3A_195 : memref<1x8x128xf32, #tpu.memory_space<hbm>> -> memref<8x128xf32, #tpu.memory_space<hbm>>
          %dma_start3A_197 = arith.constant 0 : i32
          %dma_start3A_198 = tpu.memref_slice %arg2[%run_scoped3A_107, %add3A_104, %dma_start3A_197] : memref<3x8192x128xf32, #tpu.memory_space<hbm>> -> memref<1x8x128xf32, #tpu.memory_space<hbm>>
          %dma_start3A_199 = tpu.memref_squeeze %dma_start3A_198 : memref<1x8x128xf32, #tpu.memory_space<hbm>> -> memref<8x128xf32, #tpu.memory_space<hbm>>
          tpu.enqueue_dma source(%dma_start3A_199 : memref<8x128xf32, #tpu.memory_space<hbm>>) target(%arg10 : memref<8x128xf32, #tpu.memory_space<vmem>>) target_semaphore(%run_scoped3A_193 : memref<!tpu.dma_semaphore, #tpu.memory_space<semaphore_mem>>)
          %dma_wait3A_200 = arith.constant 0 : i32
          %dma_wait3A_201 = tpu.memref_slice %arg2[%run_scoped3A_107, %add3A_104, %dma_wait3A_200] : memref<3x8192x128xf32, #tpu.memory_space<hbm>> -> memref<1x8x128xf32, #tpu.memory_space<hbm>>
          %dma_wait3A_202 = tpu.memref_squeeze %dma_wait3A_201 : memref<1x8x128xf32, #tpu.memory_space<hbm>> -> memref<8x128xf32, #tpu.memory_space<hbm>>
          %dma_wait3A_203 = arith.constant 0 : i32
          %dma_wait3A_204 = tpu.memref_slice %arg2[%run_scoped3A_107, %add3A_104, %dma_wait3A_203] : memref<3x8192x128xf32, #tpu.memory_space<hbm>> -> memref<1x8x128xf32, #tpu.memory_space<hbm>>
          %dma_wait3A_205 = tpu.memref_squeeze %dma_wait3A_204 : memref<1x8x128xf32, #tpu.memory_space<hbm>> -> memref<8x128xf32, #tpu.memory_space<hbm>>
          tpu.wait_dma2 semaphore(%run_scoped3A_193 : memref<!tpu.dma_semaphore, #tpu.memory_space<semaphore_mem>>) src(%dma_wait3A_205 : memref<8x128xf32, #tpu.memory_space<hbm>>) dst(%arg10 : memref<8x128xf32, #tpu.memory_space<vmem>>)
          tpu.yield
        }) : () -> ()
        %scan3A_108 = arith.constant 0 : i32
        %scan3A_109 = arith.constant 8 : i32
        %scan3A_110 = arith.addi %scan3A_108, %scan3A_109 : i32
        %scan3A_111 = arith.constant 1 : i32
        scf.for %scan3A_193 = %scan3A_108 to %scan3A_110 step %scan3A_111  : i32 {
          %mul3A_194 = arith.constant 1 : i32
          %mul3A_195 = arith.muli %scan3A_193, %mul3A_194 : i32
          %add3A_196 = arith.constant 0 : i32
          %add3A_197 = arith.addi %add3A_196, %mul3A_195 : i32
          %scan3A_198 = arith.constant 0 : i32
          %scan3A_199 = arith.constant 8 : i32
          %scan3A_200 = arith.addi %scan3A_198, %scan3A_199 : i32
          %scan3A_201 = arith.constant 1 : i32
          scf.for %scan3A_203 = %scan3A_198 to %scan3A_200 step %scan3A_201  : i32 {
            %mul3A_204 = arith.constant 1 : i32
            %mul3A_205 = arith.muli %scan3A_203, %mul3A_204 : i32
            %add3A_206 = arith.constant 0 : i32
            %add3A_207 = arith.addi %add3A_206, %mul3A_205 : i32
            %mul3A_208 = arith.constant 128 : i32
            %mul3A_209 = arith.muli %add3A_197, %mul3A_208 : i32
            %mul3A_210 = arith.constant 16 : i32
            %mul3A_211 = arith.muli %add3A_207, %mul3A_210 : i32
            %add3A_212 = arith.addi %mul3A_209, %mul3A_211 : i32
            %mul3A_213 = arith.constant 16 : i32
            %mul3A_214 = arith.muli %add3A_207, %mul3A_213 : i32
            %get3A = arith.index_cast %add3A_197 : i32 to index
            %get3A_215 = arith.index_cast %mul3A_214 : i32 to index
            %get3A_216 = tpu.vector_load %arg8[%get3A, %get3A_215] {strides = array<i32>} : memref<8x128xf32, #tpu.memory_space<vmem>>, vector<16xf32>,
            %mul3A_217 = arith.constant 16 : i32
            %mul3A_218 = arith.muli %add3A_207, %mul3A_217 : i32
            %get3A_219 = arith.index_cast %add3A_197 : i32 to index
            %get3A_220 = arith.index_cast %mul3A_218 : i32 to index
            %get3A_221 = tpu.vector_load %arg9[%get3A_219, %get3A_220] {strides = array<i32>} : memref<8x128xf32, #tpu.memory_space<vmem>>, vector<16xf32>,
            %mul3A_222 = arith.constant 16 : i32
            %mul3A_223 = arith.muli %add3A_207, %mul3A_222 : i32
            %get3A_224 = arith.index_cast %add3A_197 : i32 to index
            %get3A_225 = arith.index_cast %mul3A_223 : i32 to index
            %get3A_226 = tpu.vector_load %arg10[%get3A_224, %get3A_225] {strides = array<i32>} : memref<8x128xf32, #tpu.memory_space<vmem>>, vector<16xf32>,
            %mul3A_227 = arith.mulf %get3A_216, %gather3A : vector<16xf32>
            %convert_element_type3A_228 = arith.fptosi %mul3A_227 : vector<16xf32> to vector<16xi32>
            %convert_element_type3A_229 = arith.sitofp %convert_element_type3A_228 : vector<16xi32> to vector<16xf32>
            %sub3A = arith.subf %mul3A_227, %convert_element_type3A_229 : vector<16xf32>
            %mul3A_230 = arith.mulf %sub3A, %sub3A : vector<16xf32>
            %mul3A_231 = arith.constant 2.000000e+00 : f32
            %mul3A_232 = vector.broadcast %mul3A_231 : f32 to vector<16xf32>
            %mul3A_233 = arith.mulf %mul3A_232, %sub3A : vector<16xf32>
            %sub3A_234 = arith.constant 3.000000e+00 : f32
            %sub3A_235 = vector.broadcast %sub3A_234 : f32 to vector<16xf32>
            %sub3A_236 = arith.subf %sub3A_235, %mul3A_233 : vector<16xf32>
            %mul3A_237 = arith.mulf %mul3A_230, %sub3A_236 : vector<16xf32>
            %sub3A_238 = arith.constant 1.000000e+00 : f32
            %sub3A_239 = vector.broadcast %sub3A_238 : f32 to vector<16xf32>
            %sub3A_240 = arith.subf %sub3A_239, %mul3A_237 : vector<16xf32>
            %mul3A_241 = arith.mulf %get3A_221, %gather3A : vector<16xf32>
            %convert_element_type3A_242 = arith.fptosi %mul3A_241 : vector<16xf32> to vector<16xi32>
            %convert_element_type3A_243 = arith.sitofp %convert_element_type3A_242 : vector<16xi32> to vector<16xf32>
            %sub3A_244 = arith.subf %mul3A_241, %convert_element_type3A_243 : vector<16xf32>
            %mul3A_245 = arith.mulf %sub3A_244, %sub3A_244 : vector<16xf32>
            %mul3A_246 = arith.constant 2.000000e+00 : f32
            %mul3A_247 = vector.broadcast %mul3A_246 : f32 to vector<16xf32>
            %mul3A_248 = arith.mulf %mul3A_247, %sub3A_244 : vector<16xf32>
            %sub3A_249 = arith.constant 3.000000e+00 : f32
            %sub3A_250 = vector.broadcast %sub3A_249 : f32 to vector<16xf32>
            %sub3A_251 = arith.subf %sub3A_250, %mul3A_248 : vector<16xf32>
            %mul3A_252 = arith.mulf %mul3A_245, %sub3A_251 : vector<16xf32>
            %sub3A_253 = arith.constant 1.000000e+00 : f32
            %sub3A_254 = vector.broadcast %sub3A_253 : f32 to vector<16xf32>
            %sub3A_255 = arith.subf %sub3A_254, %mul3A_252 : vector<16xf32>
            %mul3A_256 = arith.mulf %get3A_226, %gather3A : vector<16xf32>
            %convert_element_type3A_257 = arith.fptosi %mul3A_256 : vector<16xf32> to vector<16xi32>
            %convert_element_type3A_258 = arith.sitofp %convert_element_type3A_257 : vector<16xi32> to vector<16xf32>
            %sub3A_259 = arith.subf %mul3A_256, %convert_element_type3A_258 : vector<16xf32>
            %mul3A_260 = arith.mulf %sub3A_259, %sub3A_259 : vector<16xf32>
            %mul3A_261 = arith.constant 2.000000e+00 : f32
            %mul3A_262 = vector.broadcast %mul3A_261 : f32 to vector<16xf32>
            %mul3A_263 = arith.mulf %mul3A_262, %sub3A_259 : vector<16xf32>
            %sub3A_264 = arith.constant 3.000000e+00 : f32
            %sub3A_265 = vector.broadcast %sub3A_264 : f32 to vector<16xf32>
            %sub3A_266 = arith.subf %sub3A_265, %mul3A_263 : vector<16xf32>
            %mul3A_267 = arith.mulf %mul3A_260, %sub3A_266 : vector<16xf32>
            %sub3A_268 = arith.constant 1.000000e+00 : f32
            %sub3A_269 = vector.broadcast %sub3A_268 : f32 to vector<16xf32>
            %sub3A_270 = arith.subf %sub3A_269, %mul3A_267 : vector<16xf32>
            %mul3A_271 = arith.muli %convert_element_type3A_242, %gather3A_23 : vector<16xi32>
            %add3A_272 = arith.addi %convert_element_type3A_228, %mul3A_271 : vector<16xi32>
            %mul3A_273 = arith.muli %convert_element_type3A_257, %gather3A_30 : vector<16xi32>
            %add3A_274 = arith.addi %add3A_272, %mul3A_273 : vector<16xi32>
            %mul3A_275 = arith.mulf %sub3A_240, %sub3A_255 : vector<16xf32>
            %mul3A_276 = arith.mulf %mul3A_275, %sub3A_270 : vector<16xf32>
            %add3A_277 = arith.constant 0 : i32
            %add3A_278 = arith.addi %add3A_277, %add3A_212 : i32
            %swap3A = arith.index_cast %add3A_278 : i32 to index
            %swap3A_279 = tpu.vector_load %arg12[%swap3A] {strides = array<i32>} : memref<8192xi32, #tpu.memory_space<vmem>>, vector<16xi32>,
            tpu.vector_store %arg12[%swap3A], %add3A_274 {strides = array<i32>} : memref<8192xi32, #tpu.memory_space<vmem>>, vector<16xi32>,
            %add3A_280 = arith.constant 0 : i32
            %add3A_281 = arith.addi %add3A_280, %add3A_212 : i32
            %swap3A_282 = arith.index_cast %add3A_281 : i32 to index
            %swap3A_283 = tpu.vector_load %arg14[%swap3A_282] {strides = array<i32>} : memref<8192xf32, #tpu.memory_space<vmem>>, vector<16xf32>,
            tpu.vector_store %arg14[%swap3A_282], %mul3A_276 {strides = array<i32>} : memref<8192xf32, #tpu.memory_space<vmem>>, vector<16xf32>,
            %add3A_284 = arith.constant 1 : i32
            %add3A_285 = vector.broadcast %add3A_284 : i32 to vector<16xi32>
            %add3A_286 = arith.addi %convert_element_type3A_228, %add3A_285 : vector<16xi32>
            %mul3A_287 = arith.muli %convert_element_type3A_242, %gather3A_23 : vector<16xi32>
            %add3A_288 = arith.addi %add3A_286, %mul3A_287 : vector<16xi32>
            %mul3A_289 = arith.muli %convert_element_type3A_257, %gather3A_30 : vector<16xi32>
            %add3A_290 = arith.addi %add3A_288, %mul3A_289 : vector<16xi32>
            %mul3A_291 = arith.mulf %mul3A_237, %sub3A_255 : vector<16xf32>
            %mul3A_292 = arith.mulf %mul3A_291, %sub3A_270 : vector<16xf32>
            %add3A_293 = arith.constant 1024 : i32
            %add3A_294 = arith.addi %add3A_293, %add3A_212 : i32
            %swap3A_295 = arith.index_cast %add3A_294 : i32 to index
            %swap3A_296 = tpu.vector_load %arg12[%swap3A_295] {strides = array<i32>} : memref<8192xi32, #tpu.memory_space<vmem>>, vector<16xi32>,
            tpu.vector_store %arg12[%swap3A_295], %add3A_290 {strides = array<i32>} : memref<8192xi32, #tpu.memory_space<vmem>>, vector<16xi32>,
            %add3A_297 = arith.constant 1024 : i32
            %add3A_298 = arith.addi %add3A_297, %add3A_212 : i32
            %swap3A_299 = arith.index_cast %add3A_298 : i32 to index
            %swap3A_300 = tpu.vector_load %arg14[%swap3A_299] {strides = array<i32>} : memref<8192xf32, #tpu.memory_space<vmem>>, vector<16xf32>,
            tpu.vector_store %arg14[%swap3A_299], %mul3A_292 {strides = array<i32>} : memref<8192xf32, #tpu.memory_space<vmem>>, vector<16xf32>,
            %add3A_301 = arith.constant 1 : i32
            %add3A_302 = vector.broadcast %add3A_301 : i32 to vector<16xi32>
            %add3A_303 = arith.addi %convert_element_type3A_242, %add3A_302 : vector<16xi32>
            %mul3A_304 = arith.muli %add3A_303, %gather3A_23 : vector<16xi32>
            %add3A_305 = arith.addi %convert_element_type3A_228, %mul3A_304 : vector<16xi32>
            %mul3A_306 = arith.muli %convert_element_type3A_257, %gather3A_30 : vector<16xi32>
            %add3A_307 = arith.addi %add3A_305, %mul3A_306 : vector<16xi32>
            %mul3A_308 = arith.mulf %sub3A_240, %mul3A_252 : vector<16xf32>
            %mul3A_309 = arith.mulf %mul3A_308, %sub3A_270 : vector<16xf32>
            %add3A_310 = arith.constant 2048 : i32
            %add3A_311 = arith.addi %add3A_310, %add3A_212 : i32
            %swap3A_312 = arith.index_cast %add3A_311 : i32 to index
            %swap3A_313 = tpu.vector_load %arg12[%swap3A_312] {strides = array<i32>} : memref<8192xi32, #tpu.memory_space<vmem>>, vector<16xi32>,
            tpu.vector_store %arg12[%swap3A_312], %add3A_307 {strides = array<i32>} : memref<8192xi32, #tpu.memory_space<vmem>>, vector<16xi32>,
            %add3A_314 = arith.constant 2048 : i32
            %add3A_315 = arith.addi %add3A_314, %add3A_212 : i32
            %swap3A_316 = arith.index_cast %add3A_315 : i32 to index
            %swap3A_317 = tpu.vector_load %arg14[%swap3A_316] {strides = array<i32>} : memref<8192xf32, #tpu.memory_space<vmem>>, vector<16xf32>,
            tpu.vector_store %arg14[%swap3A_316], %mul3A_309 {strides = array<i32>} : memref<8192xf32, #tpu.memory_space<vmem>>, vector<16xf32>,
            %add3A_318 = arith.constant 1 : i32
            %add3A_319 = vector.broadcast %add3A_318 : i32 to vector<16xi32>
            %add3A_320 = arith.addi %convert_element_type3A_228, %add3A_319 : vector<16xi32>
            %add3A_321 = arith.constant 1 : i32
            %add3A_322 = vector.broadcast %add3A_321 : i32 to vector<16xi32>
            %add3A_323 = arith.addi %convert_element_type3A_242, %add3A_322 : vector<16xi32>
            %mul3A_324 = arith.muli %add3A_323, %gather3A_23 : vector<16xi32>
            %add3A_325 = arith.addi %add3A_320, %mul3A_324 : vector<16xi32>
            %mul3A_326 = arith.muli %convert_element_type3A_257, %gather3A_30 : vector<16xi32>
            %add3A_327 = arith.addi %add3A_325, %mul3A_326 : vector<16xi32>
            %mul3A_328 = arith.mulf %mul3A_237, %mul3A_252 : vector<16xf32>
            %mul3A_329 = arith.mulf %mul3A_328, %sub3A_270 : vector<16xf32>
            %add3A_330 = arith.constant 3072 : i32
            %add3A_331 = arith.addi %add3A_330, %add3A_212 : i32
            %swap3A_332 = arith.index_cast %add3A_331 : i32 to index
            %swap3A_333 = tpu.vector_load %arg12[%swap3A_332] {strides = array<i32>} : memref<8192xi32, #tpu.memory_space<vmem>>, vector<16xi32>,
            tpu.vector_store %arg12[%swap3A_332], %add3A_327 {strides = array<i32>} : memref<8192xi32, #tpu.memory_space<vmem>>, vector<16xi32>,
            %add3A_334 = arith.constant 3072 : i32
            %add3A_335 = arith.addi %add3A_334, %add3A_212 : i32
            %swap3A_336 = arith.index_cast %add3A_335 : i32 to index
            %swap3A_337 = tpu.vector_load %arg14[%swap3A_336] {strides = array<i32>} : memref<8192xf32, #tpu.memory_space<vmem>>, vector<16xf32>,
            tpu.vector_store %arg14[%swap3A_336], %mul3A_329 {strides = array<i32>} : memref<8192xf32, #tpu.memory_space<vmem>>, vector<16xf32>,
            %add3A_338 = arith.constant 1 : i32
            %add3A_339 = vector.broadcast %add3A_338 : i32 to vector<16xi32>
            %add3A_340 = arith.addi %convert_element_type3A_257, %add3A_339 : vector<16xi32>
            %mul3A_341 = arith.muli %convert_element_type3A_242, %gather3A_23 : vector<16xi32>
            %add3A_342 = arith.addi %convert_element_type3A_228, %mul3A_341 : vector<16xi32>
            %mul3A_343 = arith.muli %add3A_340, %gather3A_30 : vector<16xi32>
            %add3A_344 = arith.addi %add3A_342, %mul3A_343 : vector<16xi32>
            %mul3A_345 = arith.mulf %sub3A_240, %sub3A_255 : vector<16xf32>
            %mul3A_346 = arith.mulf %mul3A_345, %mul3A_267 : vector<16xf32>
            %add3A_347 = arith.constant 4096 : i32
            %add3A_348 = arith.addi %add3A_347, %add3A_212 : i32
            %swap3A_349 = arith.index_cast %add3A_348 : i32 to index
            %swap3A_350 = tpu.vector_load %arg12[%swap3A_349] {strides = array<i32>} : memref<8192xi32, #tpu.memory_space<vmem>>, vector<16xi32>,
            tpu.vector_store %arg12[%swap3A_349], %add3A_344 {strides = array<i32>} : memref<8192xi32, #tpu.memory_space<vmem>>, vector<16xi32>,
            %add3A_351 = arith.constant 4096 : i32
            %add3A_352 = arith.addi %add3A_351, %add3A_212 : i32
            %swap3A_353 = arith.index_cast %add3A_352 : i32 to index
            %swap3A_354 = tpu.vector_load %arg14[%swap3A_353] {strides = array<i32>} : memref<8192xf32, #tpu.memory_space<vmem>>, vector<16xf32>,
            tpu.vector_store %arg14[%swap3A_353], %mul3A_346 {strides = array<i32>} : memref<8192xf32, #tpu.memory_space<vmem>>, vector<16xf32>,
            %add3A_355 = arith.constant 1 : i32
            %add3A_356 = vector.broadcast %add3A_355 : i32 to vector<16xi32>
            %add3A_357 = arith.addi %convert_element_type3A_228, %add3A_356 : vector<16xi32>
            %add3A_358 = arith.constant 1 : i32
            %add3A_359 = vector.broadcast %add3A_358 : i32 to vector<16xi32>
            %add3A_360 = arith.addi %convert_element_type3A_257, %add3A_359 : vector<16xi32>
            %mul3A_361 = arith.muli %convert_element_type3A_242, %gather3A_23 : vector<16xi32>
            %add3A_362 = arith.addi %add3A_357, %mul3A_361 : vector<16xi32>
            %mul3A_363 = arith.muli %add3A_360, %gather3A_30 : vector<16xi32>
            %add3A_364 = arith.addi %add3A_362, %mul3A_363 : vector<16xi32>
            %mul3A_365 = arith.mulf %mul3A_237, %sub3A_255 : vector<16xf32>
            %mul3A_366 = arith.mulf %mul3A_365, %mul3A_267 : vector<16xf32>
            %add3A_367 = arith.constant 5120 : i32
            %add3A_368 = arith.addi %add3A_367, %add3A_212 : i32
            %swap3A_369 = arith.index_cast %add3A_368 : i32 to index
            %swap3A_370 = tpu.vector_load %arg12[%swap3A_369] {strides = array<i32>} : memref<8192xi32, #tpu.memory_space<vmem>>, vector<16xi32>,
            tpu.vector_store %arg12[%swap3A_369], %add3A_364 {strides = array<i32>} : memref<8192xi32, #tpu.memory_space<vmem>>, vector<16xi32>,
            %add3A_371 = arith.constant 5120 : i32
            %add3A_372 = arith.addi %add3A_371, %add3A_212 : i32
            %swap3A_373 = arith.index_cast %add3A_372 : i32 to index
            %swap3A_374 = tpu.vector_load %arg14[%swap3A_373] {strides = array<i32>} : memref<8192xf32, #tpu.memory_space<vmem>>, vector<16xf32>,
            tpu.vector_store %arg14[%swap3A_373], %mul3A_366 {strides = array<i32>} : memref<8192xf32, #tpu.memory_space<vmem>>, vector<16xf32>,
            %add3A_375 = arith.constant 1 : i32
            %add3A_376 = vector.broadcast %add3A_375 : i32 to vector<16xi32>
            %add3A_377 = arith.addi %convert_element_type3A_242, %add3A_376 : vector<16xi32>
            %add3A_378 = arith.constant 1 : i32
            %add3A_379 = vector.broadcast %add3A_378 : i32 to vector<16xi32>
            %add3A_380 = arith.addi %convert_element_type3A_257, %add3A_379 : vector<16xi32>
            %mul3A_381 = arith.muli %add3A_377, %gather3A_23 : vector<16xi32>
            %add3A_382 = arith.addi %convert_element_type3A_228, %mul3A_381 : vector<16xi32>
            %mul3A_383 = arith.muli %add3A_380, %gather3A_30 : vector<16xi32>
            %add3A_384 = arith.addi %add3A_382, %mul3A_383 : vector<16xi32>
            %mul3A_385 = arith.mulf %sub3A_240, %mul3A_252 : vector<16xf32>
            %mul3A_386 = arith.mulf %mul3A_385, %mul3A_267 : vector<16xf32>
            %add3A_387 = arith.constant 6144 : i32
            %add3A_388 = arith.addi %add3A_387, %add3A_212 : i32
            %swap3A_389 = arith.index_cast %add3A_388 : i32 to index
            %swap3A_390 = tpu.vector_load %arg12[%swap3A_389] {strides = array<i32>} : memref<8192xi32, #tpu.memory_space<vmem>>, vector<16xi32>,
            tpu.vector_store %arg12[%swap3A_389], %add3A_384 {strides = array<i32>} : memref<8192xi32, #tpu.memory_space<vmem>>, vector<16xi32>,
            %add3A_391 = arith.constant 6144 : i32
            %add3A_392 = arith.addi %add3A_391, %add3A_212 : i32
            %swap3A_393 = arith.index_cast %add3A_392 : i32 to index
            %swap3A_394 = tpu.vector_load %arg14[%swap3A_393] {strides = array<i32>} : memref<8192xf32, #tpu.memory_space<vmem>>, vector<16xf32>,
            tpu.vector_store %arg14[%swap3A_393], %mul3A_386 {strides = array<i32>} : memref<8192xf32, #tpu.memory_space<vmem>>, vector<16xf32>,
            %add3A_395 = arith.constant 1 : i32
            %add3A_396 = vector.broadcast %add3A_395 : i32 to vector<16xi32>
            %add3A_397 = arith.addi %convert_element_type3A_228, %add3A_396 : vector<16xi32>
            %add3A_398 = arith.constant 1 : i32
            %add3A_399 = vector.broadcast %add3A_398 : i32 to vector<16xi32>
            %add3A_400 = arith.addi %convert_element_type3A_242, %add3A_399 : vector<16xi32>
            %add3A_401 = arith.constant 1 : i32
            %add3A_402 = vector.broadcast %add3A_401 : i32 to vector<16xi32>
            %add3A_403 = arith.addi %convert_element_type3A_257, %add3A_402 : vector<16xi32>
            %mul3A_404 = arith.muli %add3A_400, %gather3A_23 : vector<16xi32>
            %add3A_405 = arith.addi %add3A_397, %mul3A_404 : vector<16xi32>
            %mul3A_406 = arith.muli %add3A_403, %gather3A_30 : vector<16xi32>
            %add3A_407 = arith.addi %add3A_405, %mul3A_406 : vector<16xi32>
            %mul3A_408 = arith.mulf %mul3A_237, %mul3A_252 : vector<16xf32>
            %mul3A_409 = arith.mulf %mul3A_408, %mul3A_267 : vector<16xf32>
            %add3A_410 = arith.constant 7168 : i32
            %add3A_411 = arith.addi %add3A_410, %add3A_212 : i32
            %swap3A_412 = arith.index_cast %add3A_411 : i32 to index
            %swap3A_413 = tpu.vector_load %arg12[%swap3A_412] {strides = array<i32>} : memref<8192xi32, #tpu.memory_space<vmem>>, vector<16xi32>,
            tpu.vector_store %arg12[%swap3A_412], %add3A_407 {strides = array<i32>} : memref<8192xi32, #tpu.memory_space<vmem>>, vector<16xi32>,
            %add3A_414 = arith.constant 7168 : i32
            %add3A_415 = arith.addi %add3A_414, %add3A_212 : i32
            %swap3A_416 = arith.index_cast %add3A_415 : i32 to index
            %swap3A_417 = tpu.vector_load %arg14[%swap3A_416] {strides = array<i32>} : memref<8192xf32, #tpu.memory_space<vmem>>, vector<16xf32>,
            tpu.vector_store %arg14[%swap3A_416], %mul3A_409 {strides = array<i32>} : memref<8192xf32, #tpu.memory_space<vmem>>, vector<16xf32>,
          }
          %scan3A_202 = arith.constant 8 : i32
        }
        %scan3A_112 = arith.constant 8 : i32
        %dma_wait3A_113 = arith.constant 0 : i32
        %dma_wait3A_114 = tpu.memref_slice %arg7[%dma_wait3A_113] : memref<524288xi32, #tpu.memory_space<vmem_shared>> -> memref<524288xi32, #tpu.memory_space<vmem_shared>>
        tpu.wait_indirect_dma semaphore(%arg23 : memref<!tpu.dma_semaphore, #tpu.memory_space<semaphore_mem>>) src(%dma_wait3A_114 : memref<524288xi32, #tpu.memory_space<vmem_shared>>) dst(%arg15 : memref<8192xi32, #tpu.memory_space<vmem>>)
        %dma_start3A_115 = arith.constant 0 : i32
        %dma_start3A_116 = tpu.memref_slice %arg7[%dma_start3A_115] : memref<524288xi32, #tpu.memory_space<vmem_shared>> -> memref<524288xi32, #tpu.memory_space<vmem_shared>>
        tpu.enqueue_indirect_dma source(%dma_start3A_116 : memref<524288xi32, #tpu.memory_space<vmem_shared>>) target(%arg16 : memref<8192xi32, #tpu.memory_space<vmem>>) offsets(%arg12 : memref<8192xi32, #tpu.memory_space<vmem>>) semaphore(%arg24 : memref<!tpu.dma_semaphore, #tpu.memory_space<semaphore_mem>>)
        %gt3A = arith.constant 0 : i32
        %gt3A_117 = arith.cmpi sgt, %add3A_95, %gt3A : i32
        %convert_element_type3A = arith.extui %gt3A_117 : i1 to i32
        %cond3A = arith.constant 0 : i32
        %cond3A_118 = arith.cmpi ne, %convert_element_type3A, %cond3A : i32
        scf.if %cond3A_118 {
          %dma_wait3A_193 = arith.constant 0 : i32
          %dma_wait3A_194 = arith.constant 0 : i32
          %dma_wait3A_195 = arith.constant 0 : i32
          %dma_wait3A_196 = tpu.memref_slice %arg6[%dma_wait3A_193, %dma_wait3A_194, %dma_wait3A_195] : memref<32x8192x128xf32, #tpu.memory_space<hbm>> -> memref<1x8x128xf32, #tpu.memory_space<hbm>>
          %dma_wait3A_197 = tpu.memref_squeeze %dma_wait3A_196 : memref<1x8x128xf32, #tpu.memory_space<hbm>> -> memref<8x128xf32, #tpu.memory_space<hbm>>
          %dma_wait3A_198 = arith.constant 0 : i32
          %dma_wait3A_199 = arith.constant 0 : i32
          %dma_wait3A_200 = tpu.memref_slice %arg6[%dma_wait3A_193, %dma_wait3A_198, %dma_wait3A_199] : memref<32x8192x128xf32, #tpu.memory_space<hbm>> -> memref<1x8x128xf32, #tpu.memory_space<hbm>>
          %dma_wait3A_201 = tpu.memref_squeeze %dma_wait3A_200 : memref<1x8x128xf32, #tpu.memory_space<hbm>> -> memref<8x128xf32, #tpu.memory_space<hbm>>
          tpu.wait_dma2 semaphore(%arg25 : memref<!tpu.dma_semaphore, #tpu.memory_space<semaphore_mem>>) src(%arg17 : memref<8x128xf32, #tpu.memory_space<vmem>>) dst(%dma_wait3A_201 : memref<8x128xf32, #tpu.memory_space<hbm>>)
          %dma_wait3A_202 = arith.constant 0 : i32
          %dma_wait3A_203 = arith.constant 0 : i32
          %dma_wait3A_204 = arith.constant 0 : i32
          %dma_wait3A_205 = tpu.memref_slice %arg6[%dma_wait3A_202, %dma_wait3A_203, %dma_wait3A_204] : memref<32x8192x128xf32, #tpu.memory_space<hbm>> -> memref<1x8x128xf32, #tpu.memory_space<hbm>>
          %dma_wait3A_206 = tpu.memref_squeeze %dma_wait3A_205 : memref<1x8x128xf32, #tpu.memory_space<hbm>> -> memref<8x128xf32, #tpu.memory_space<hbm>>
          %dma_wait3A_207 = arith.constant 0 : i32
          %dma_wait3A_208 = arith.constant 0 : i32
          %dma_wait3A_209 = tpu.memref_slice %arg6[%dma_wait3A_202, %dma_wait3A_207, %dma_wait3A_208] : memref<32x8192x128xf32, #tpu.memory_space<hbm>> -> memref<1x8x128xf32, #tpu.memory_space<hbm>>
          %dma_wait3A_210 = tpu.memref_squeeze %dma_wait3A_209 : memref<1x8x128xf32, #tpu.memory_space<hbm>> -> memref<8x128xf32, #tpu.memory_space<hbm>>
          tpu.wait_dma2 semaphore(%arg25 : memref<!tpu.dma_semaphore, #tpu.memory_space<semaphore_mem>>) src(%arg18 : memref<8x128xf32, #tpu.memory_space<vmem>>) dst(%dma_wait3A_210 : memref<8x128xf32, #tpu.memory_space<hbm>>)
        } else {
        }
        %scan3A_119 = arith.constant 0 : i32
        %scan3A_120 = arith.constant 8 : i32
        %scan3A_121 = arith.addi %scan3A_119, %scan3A_120 : i32
        %scan3A_122 = arith.constant 1 : i32
        scf.for %scan3A_193 = %scan3A_119 to %scan3A_121 step %scan3A_122  : i32 {
          %mul3A_194 = arith.constant 1 : i32
          %mul3A_195 = arith.muli %scan3A_193, %mul3A_194 : i32
          %add3A_196 = arith.constant 0 : i32
          %add3A_197 = arith.addi %add3A_196, %mul3A_195 : i32
          %scan3A_198 = arith.constant 0 : i32
          %scan3A_199 = arith.constant 8 : i32
          %scan3A_200 = arith.addi %scan3A_198, %scan3A_199 : i32
          %scan3A_201 = arith.constant 1 : i32
          scf.for %scan3A_203 = %scan3A_198 to %scan3A_200 step %scan3A_201  : i32 {
            %mul3A_204 = arith.constant 1 : i32
            %mul3A_205 = arith.muli %scan3A_203, %mul3A_204 : i32
            %add3A_206 = arith.constant 0 : i32
            %add3A_207 = arith.addi %add3A_206, %mul3A_205 : i32
            %mul3A_208 = arith.constant 128 : i32
            %mul3A_209 = arith.muli %add3A_197, %mul3A_208 : i32
            %mul3A_210 = arith.constant 16 : i32
            %mul3A_211 = arith.muli %add3A_207, %mul3A_210 : i32
            %add3A_212 = arith.addi %mul3A_209, %mul3A_211 : i32
            %broadcast_in_dim3A_213 = arith.constant 0.000000e+00 : f32
            %broadcast_in_dim3A_214 = vector.broadcast %broadcast_in_dim3A_213 : f32 to vector<16xf32>
            %broadcast_in_dim3A_215 = arith.constant 0.000000e+00 : f32
            %broadcast_in_dim3A_216 = vector.broadcast %broadcast_in_dim3A_215 : f32 to vector<16xf32>
            %add3A_217 = arith.constant 0 : i32
            %add3A_218 = arith.addi %add3A_217, %add3A_212 : i32
            %get3A = arith.index_cast %add3A_218 : i32 to index
            %get3A_219 = tpu.vector_load %arg13[%get3A] {strides = array<i32>} : memref<8192xf32, #tpu.memory_space<vmem>>, vector<16xf32>,
            %add3A_220 = arith.constant 0 : i32
            %add3A_221 = arith.addi %add3A_220, %add3A_212 : i32
            %get3A_222 = arith.index_cast %add3A_221 : i32 to index
            %get3A_223 = tpu.vector_load %arg15[%get3A_222] {strides = array<i32>} : memref<8192xi32, #tpu.memory_space<vmem>>, vector<16xi32>,
            %bitcast3A = vector.bitcast %get3A_223 : vector<16xi32> to vector<32xbf16>
            %unpack3A = tpu.unpack_subelements %bitcast3A, 0 {pack_format = #tpu.pack_format<interleaved>} : vector<32xbf16> -> vector<16xf32>
            %unpack3A_224 = tpu.unpack_subelements %bitcast3A, 1 {pack_format = #tpu.pack_format<interleaved>} : vector<32xbf16> -> vector<16xf32>
            %mul3A_225 = arith.mulf %unpack3A, %get3A_219 : vector<16xf32>
            %add3A_226 = arith.addf %broadcast_in_dim3A_214, %mul3A_225 : vector<16xf32>
            %mul3A_227 = arith.mulf %unpack3A_224, %get3A_219 : vector<16xf32>
            %add3A_228 = arith.addf %broadcast_in_dim3A_216, %mul3A_227 : vector<16xf32>
            %add3A_229 = arith.constant 1024 : i32
            %add3A_230 = arith.addi %add3A_229, %add3A_212 : i32
            %get3A_231 = arith.index_cast %add3A_230 : i32 to index
            %get3A_232 = tpu.vector_load %arg13[%get3A_231] {strides = array<i32>} : memref<8192xf32, #tpu.memory_space<vmem>>, vector<16xf32>,
            %add3A_233 = arith.constant 1024 : i32
            %add3A_234 = arith.addi %add3A_233, %add3A_212 : i32
            %get3A_235 = arith.index_cast %add3A_234 : i32 to index
            %get3A_236 = tpu.vector_load %arg15[%get3A_235] {strides = array<i32>} : memref<8192xi32, #tpu.memory_space<vmem>>, vector<16xi32>,
            %bitcast3A_237 = vector.bitcast %get3A_236 : vector<16xi32> to vector<32xbf16>
            %unpack3A_238 = tpu.unpack_subelements %bitcast3A_237, 0 {pack_format = #tpu.pack_format<interleaved>} : vector<32xbf16> -> vector<16xf32>
            %unpack3A_239 = tpu.unpack_subelements %bitcast3A_237, 1 {pack_format = #tpu.pack_format<interleaved>} : vector<32xbf16> -> vector<16xf32>
            %mul3A_240 = arith.mulf %unpack3A_238, %get3A_232 : vector<16xf32>
            %add3A_241 = arith.addf %add3A_226, %mul3A_240 : vector<16xf32>
            %mul3A_242 = arith.mulf %unpack3A_239, %get3A_232 : vector<16xf32>
            %add3A_243 = arith.addf %add3A_228, %mul3A_242 : vector<16xf32>
            %add3A_244 = arith.constant 2048 : i32
            %add3A_245 = arith.addi %add3A_244, %add3A_212 : i32
            %get3A_246 = arith.index_cast %add3A_245 : i32 to index
            %get3A_247 = tpu.vector_load %arg13[%get3A_246] {strides = array<i32>} : memref<8192xf32, #tpu.memory_space<vmem>>, vector<16xf32>,
            %add3A_248 = arith.constant 2048 : i32
            %add3A_249 = arith.addi %add3A_248, %add3A_212 : i32
            %get3A_250 = arith.index_cast %add3A_249 : i32 to index
            %get3A_251 = tpu.vector_load %arg15[%get3A_250] {strides = array<i32>} : memref<8192xi32, #tpu.memory_space<vmem>>, vector<16xi32>,
            %bitcast3A_252 = vector.bitcast %get3A_251 : vector<16xi32> to vector<32xbf16>
            %unpack3A_253 = tpu.unpack_subelements %bitcast3A_252, 0 {pack_format = #tpu.pack_format<interleaved>} : vector<32xbf16> -> vector<16xf32>
            %unpack3A_254 = tpu.unpack_subelements %bitcast3A_252, 1 {pack_format = #tpu.pack_format<interleaved>} : vector<32xbf16> -> vector<16xf32>
            %mul3A_255 = arith.mulf %unpack3A_253, %get3A_247 : vector<16xf32>
            %add3A_256 = arith.addf %add3A_241, %mul3A_255 : vector<16xf32>
            %mul3A_257 = arith.mulf %unpack3A_254, %get3A_247 : vector<16xf32>
            %add3A_258 = arith.addf %add3A_243, %mul3A_257 : vector<16xf32>
            %add3A_259 = arith.constant 3072 : i32
            %add3A_260 = arith.addi %add3A_259, %add3A_212 : i32
            %get3A_261 = arith.index_cast %add3A_260 : i32 to index
            %get3A_262 = tpu.vector_load %arg13[%get3A_261] {strides = array<i32>} : memref<8192xf32, #tpu.memory_space<vmem>>, vector<16xf32>,
            %add3A_263 = arith.constant 3072 : i32
            %add3A_264 = arith.addi %add3A_263, %add3A_212 : i32
            %get3A_265 = arith.index_cast %add3A_264 : i32 to index
            %get3A_266 = tpu.vector_load %arg15[%get3A_265] {strides = array<i32>} : memref<8192xi32, #tpu.memory_space<vmem>>, vector<16xi32>,
            %bitcast3A_267 = vector.bitcast %get3A_266 : vector<16xi32> to vector<32xbf16>
            %unpack3A_268 = tpu.unpack_subelements %bitcast3A_267, 0 {pack_format = #tpu.pack_format<interleaved>} : vector<32xbf16> -> vector<16xf32>
            %unpack3A_269 = tpu.unpack_subelements %bitcast3A_267, 1 {pack_format = #tpu.pack_format<interleaved>} : vector<32xbf16> -> vector<16xf32>
            %mul3A_270 = arith.mulf %unpack3A_268, %get3A_262 : vector<16xf32>
            %add3A_271 = arith.addf %add3A_256, %mul3A_270 : vector<16xf32>
            %mul3A_272 = arith.mulf %unpack3A_269, %get3A_262 : vector<16xf32>
            %add3A_273 = arith.addf %add3A_258, %mul3A_272 : vector<16xf32>
            %add3A_274 = arith.constant 4096 : i32
            %add3A_275 = arith.addi %add3A_274, %add3A_212 : i32
            %get3A_276 = arith.index_cast %add3A_275 : i32 to index
            %get3A_277 = tpu.vector_load %arg13[%get3A_276] {strides = array<i32>} : memref<8192xf32, #tpu.memory_space<vmem>>, vector<16xf32>,
            %add3A_278 = arith.constant 4096 : i32
            %add3A_279 = arith.addi %add3A_278, %add3A_212 : i32
            %get3A_280 = arith.index_cast %add3A_279 : i32 to index
            %get3A_281 = tpu.vector_load %arg15[%get3A_280] {strides = array<i32>} : memref<8192xi32, #tpu.memory_space<vmem>>, vector<16xi32>,
            %bitcast3A_282 = vector.bitcast %get3A_281 : vector<16xi32> to vector<32xbf16>
            %unpack3A_283 = tpu.unpack_subelements %bitcast3A_282, 0 {pack_format = #tpu.pack_format<interleaved>} : vector<32xbf16> -> vector<16xf32>
            %unpack3A_284 = tpu.unpack_subelements %bitcast3A_282, 1 {pack_format = #tpu.pack_format<interleaved>} : vector<32xbf16> -> vector<16xf32>
            %mul3A_285 = arith.mulf %unpack3A_283, %get3A_277 : vector<16xf32>
            %add3A_286 = arith.addf %add3A_271, %mul3A_285 : vector<16xf32>
            %mul3A_287 = arith.mulf %unpack3A_284, %get3A_277 : vector<16xf32>
            %add3A_288 = arith.addf %add3A_273, %mul3A_287 : vector<16xf32>
            %add3A_289 = arith.constant 5120 : i32
            %add3A_290 = arith.addi %add3A_289, %add3A_212 : i32
            %get3A_291 = arith.index_cast %add3A_290 : i32 to index
            %get3A_292 = tpu.vector_load %arg13[%get3A_291] {strides = array<i32>} : memref<8192xf32, #tpu.memory_space<vmem>>, vector<16xf32>,
            %add3A_293 = arith.constant 5120 : i32
            %add3A_294 = arith.addi %add3A_293, %add3A_212 : i32
            %get3A_295 = arith.index_cast %add3A_294 : i32 to index
            %get3A_296 = tpu.vector_load %arg15[%get3A_295] {strides = array<i32>} : memref<8192xi32, #tpu.memory_space<vmem>>, vector<16xi32>,
            %bitcast3A_297 = vector.bitcast %get3A_296 : vector<16xi32> to vector<32xbf16>
            %unpack3A_298 = tpu.unpack_subelements %bitcast3A_297, 0 {pack_format = #tpu.pack_format<interleaved>} : vector<32xbf16> -> vector<16xf32>
            %unpack3A_299 = tpu.unpack_subelements %bitcast3A_297, 1 {pack_format = #tpu.pack_format<interleaved>} : vector<32xbf16> -> vector<16xf32>
            %mul3A_300 = arith.mulf %unpack3A_298, %get3A_292 : vector<16xf32>
            %add3A_301 = arith.addf %add3A_286, %mul3A_300 : vector<16xf32>
            %mul3A_302 = arith.mulf %unpack3A_299, %get3A_292 : vector<16xf32>
            %add3A_303 = arith.addf %add3A_288, %mul3A_302 : vector<16xf32>
            %add3A_304 = arith.constant 6144 : i32
            %add3A_305 = arith.addi %add3A_304, %add3A_212 : i32
            %get3A_306 = arith.index_cast %add3A_305 : i32 to index
            %get3A_307 = tpu.vector_load %arg13[%get3A_306] {strides = array<i32>} : memref<8192xf32, #tpu.memory_space<vmem>>, vector<16xf32>,
            %add3A_308 = arith.constant 6144 : i32
            %add3A_309 = arith.addi %add3A_308, %add3A_212 : i32
            %get3A_310 = arith.index_cast %add3A_309 : i32 to index
            %get3A_311 = tpu.vector_load %arg15[%get3A_310] {strides = array<i32>} : memref<8192xi32, #tpu.memory_space<vmem>>, vector<16xi32>,
            %bitcast3A_312 = vector.bitcast %get3A_311 : vector<16xi32> to vector<32xbf16>
            %unpack3A_313 = tpu.unpack_subelements %bitcast3A_312, 0 {pack_format = #tpu.pack_format<interleaved>} : vector<32xbf16> -> vector<16xf32>
            %unpack3A_314 = tpu.unpack_subelements %bitcast3A_312, 1 {pack_format = #tpu.pack_format<interleaved>} : vector<32xbf16> -> vector<16xf32>
            %mul3A_315 = arith.mulf %unpack3A_313, %get3A_307 : vector<16xf32>
            %add3A_316 = arith.addf %add3A_301, %mul3A_315 : vector<16xf32>
            %mul3A_317 = arith.mulf %unpack3A_314, %get3A_307 : vector<16xf32>
            %add3A_318 = arith.addf %add3A_303, %mul3A_317 : vector<16xf32>
            %add3A_319 = arith.constant 7168 : i32
            %add3A_320 = arith.addi %add3A_319, %add3A_212 : i32
            %get3A_321 = arith.index_cast %add3A_320 : i32 to index
            %get3A_322 = tpu.vector_load %arg13[%get3A_321] {strides = array<i32>} : memref<8192xf32, #tpu.memory_space<vmem>>, vector<16xf32>,
            %add3A_323 = arith.constant 7168 : i32
            %add3A_324 = arith.addi %add3A_323, %add3A_212 : i32
            %get3A_325 = arith.index_cast %add3A_324 : i32 to index
            %get3A_326 = tpu.vector_load %arg15[%get3A_325] {strides = array<i32>} : memref<8192xi32, #tpu.memory_space<vmem>>, vector<16xi32>,
            %bitcast3A_327 = vector.bitcast %get3A_326 : vector<16xi32> to vector<32xbf16>
            %unpack3A_328 = tpu.unpack_subelements %bitcast3A_327, 0 {pack_format = #tpu.pack_format<interleaved>} : vector<32xbf16> -> vector<16xf32>
            %unpack3A_329 = tpu.unpack_subelements %bitcast3A_327, 1 {pack_format = #tpu.pack_format<interleaved>} : vector<32xbf16> -> vector<16xf32>
            %mul3A_330 = arith.mulf %unpack3A_328, %get3A_322 : vector<16xf32>
            %add3A_331 = arith.addf %add3A_316, %mul3A_330 : vector<16xf32>
            %mul3A_332 = arith.mulf %unpack3A_329, %get3A_322 : vector<16xf32>
            %add3A_333 = arith.addf %add3A_318, %mul3A_332 : vector<16xf32>
            %mul3A_334 = arith.constant 16 : i32
            %mul3A_335 = arith.muli %add3A_207, %mul3A_334 : i32
            %swap3A = arith.index_cast %add3A_197 : i32 to index
            %swap3A_336 = arith.index_cast %mul3A_335 : i32 to index
            %swap3A_337 = tpu.vector_load %arg17[%swap3A, %swap3A_336] {strides = array<i32>} : memref<8x128xf32, #tpu.memory_space<vmem>>, vector<16xf32>,
            tpu.vector_store %arg17[%swap3A, %swap3A_336], %add3A_331 {strides = array<i32>} : memref<8x128xf32, #tpu.memory_space<vmem>>, vector<16xf32>,
            %mul3A_338 = arith.constant 16 : i32
            %mul3A_339 = arith.muli %add3A_207, %mul3A_338 : i32
            %swap3A_340 = arith.index_cast %add3A_197 : i32 to index
            %swap3A_341 = arith.index_cast %mul3A_339 : i32 to index
            %swap3A_342 = tpu.vector_load %arg18[%swap3A_340, %swap3A_341] {strides = array<i32>} : memref<8x128xf32, #tpu.memory_space<vmem>>, vector<16xf32>,
            tpu.vector_store %arg18[%swap3A_340, %swap3A_341], %add3A_333 {strides = array<i32>} : memref<8x128xf32, #tpu.memory_space<vmem>>, vector<16xf32>,
          }
          %scan3A_202 = arith.constant 8 : i32
        }
        %scan3A_123 = arith.constant 8 : i32
        %mul3A_124 = arith.constant 256 : i32
        %mul3A_125 = arith.muli %add3A, %mul3A_124 : i32
        %mul3A_126 = arith.constant 8 : i32
        %mul3A_127 = arith.muli %mul3A_97, %mul3A_126 : i32
        %add3A_128 = arith.addi %mul3A_125, %mul3A_127 : i32
        %mul3A_129 = arith.constant 2 : i32
        %mul3A_130 = arith.muli %mul3A_129, %add3A_16 : i32
        %dma_start3A_131 = arith.constant 0 : i32
        %dma_start3A_132 = tpu.memref_slice %arg6[%mul3A_130, %add3A_128, %dma_start3A_131] : memref<32x8192x128xf32, #tpu.memory_space<hbm>> -> memref<1x8x128xf32, #tpu.memory_space<hbm>>
        %dma_start3A_133 = tpu.memref_squeeze %dma_start3A_132 : memref<1x8x128xf32, #tpu.memory_space<hbm>> -> memref<8x128xf32, #tpu.memory_space<hbm>>
        %dma_start3A_134 = arith.constant 0 : i32
        %dma_start3A_135 = tpu.memref_slice %arg6[%mul3A_130, %add3A_128, %dma_start3A_134] : memref<32x8192x128xf32, #tpu.memory_space<hbm>> -> memref<1x8x128xf32, #tpu.memory_space<hbm>>
        %dma_start3A_136 = tpu.memref_squeeze %dma_start3A_135 : memref<1x8x128xf32, #tpu.memory_space<hbm>> -> memref<8x128xf32, #tpu.memory_space<hbm>>
        tpu.enqueue_dma source(%arg17 : memref<8x128xf32, #tpu.memory_space<vmem>>) target(%dma_start3A_136 : memref<8x128xf32, #tpu.memory_space<hbm>>) target_semaphore(%arg25 : memref<!tpu.dma_semaphore, #tpu.memory_space<semaphore_mem>>)
        %mul3A_137 = arith.constant 2 : i32
        %mul3A_138 = arith.muli %mul3A_137, %add3A_16 : i32
        %add3A_139 = arith.constant 1 : i32
        %add3A_140 = arith.addi %mul3A_138, %add3A_139 : i32
        %dma_start3A_141 = arith.constant 0 : i32
        %dma_start3A_142 = tpu.memref_slice %arg6[%add3A_140, %add3A_128, %dma_start3A_141] : memref<32x8192x128xf32, #tpu.memory_space<hbm>> -> memref<1x8x128xf32, #tpu.memory_space<hbm>>
        %dma_start3A_143 = tpu.memref_squeeze %dma_start3A_142 : memref<1x8x128xf32, #tpu.memory_space<hbm>> -> memref<8x128xf32, #tpu.memory_space<hbm>>
        %dma_start3A_144 = arith.constant 0 : i32
        %dma_start3A_145 = tpu.memref_slice %arg6[%add3A_140, %add3A_128, %dma_start3A_144] : memref<32x8192x128xf32, #tpu.memory_space<hbm>> -> memref<1x8x128xf32, #tpu.memory_space<hbm>>
        %dma_start3A_146 = tpu.memref_squeeze %dma_start3A_145 : memref<1x8x128xf32, #tpu.memory_space<hbm>> -> memref<8x128xf32, #tpu.memory_space<hbm>>
        tpu.enqueue_dma source(%arg18 : memref<8x128xf32, #tpu.memory_space<vmem>>) target(%dma_start3A_146 : memref<8x128xf32, #tpu.memory_space<hbm>>) target_semaphore(%arg25 : memref<!tpu.dma_semaphore, #tpu.memory_space<semaphore_mem>>)
        %lt3A = arith.constant 15 : i32
        %lt3A_147 = arith.cmpi slt, %add3A_95, %lt3A : i32
        %convert_element_type3A_148 = arith.extui %lt3A_147 : i1 to i32
        %cond3A_149 = arith.constant 0 : i32
        %cond3A_150 = arith.cmpi ne, %convert_element_type3A_148, %cond3A_149 : i32
        scf.if %cond3A_150 {
          %add3A_193 = arith.constant 2 : i32
          %add3A_194 = arith.addi %mul3A_97, %add3A_193 : i32
          %mul3A_195 = arith.constant 256 : i32
          %mul3A_196 = arith.muli %add3A, %mul3A_195 : i32
          %mul3A_197 = arith.constant 8 : i32
          %mul3A_198 = arith.muli %add3A_194, %mul3A_197 : i32
          %add3A_199 = arith.addi %mul3A_196, %mul3A_198 : i32
          %run_scoped3A_200 = arith.constant 0 : i32
          "tpu.region"() ({
            %run_scoped3A_208 = tpu.sem_alloc : memref<!tpu.dma_semaphore, #tpu.memory_space<semaphore_mem>>
            %dma_start3A_209 = arith.constant 0 : i32
            %dma_start3A_210 = tpu.memref_slice %arg2[%run_scoped3A_200, %add3A_199, %dma_start3A_209] : memref<3x8192x128xf32, #tpu.memory_space<hbm>> -> memref<1x8x128xf32, #tpu.memory_space<hbm>>
            %dma_start3A_211 = tpu.memref_squeeze %dma_start3A_210 : memref<1x8x128xf32, #tpu.memory_space<hbm>> -> memref<8x128xf32, #tpu.memory_space<hbm>>
            %dma_start3A_212 = arith.constant 0 : i32
            %dma_start3A_213 = tpu.memref_slice %arg2[%run_scoped3A_200, %add3A_199, %dma_start3A_212] : memref<3x8192x128xf32, #tpu.memory_space<hbm>> -> memref<1x8x128xf32, #tpu.memory_space<hbm>>
            %dma_start3A_214 = tpu.memref_squeeze %dma_start3A_213 : memref<1x8x128xf32, #tpu.memory_space<hbm>> -> memref<8x128xf32, #tpu.memory_space<hbm>>
            tpu.enqueue_dma source(%dma_start3A_214 : memref<8x128xf32, #tpu.memory_space<hbm>>) target(%arg8 : memref<8x128xf32, #tpu.memory_space<vmem>>) target_semaphore(%run_scoped3A_208 : memref<!tpu.dma_semaphore, #tpu.memory_space<semaphore_mem>>)
            %dma_wait3A_215 = arith.constant 0 : i32
            %dma_wait3A_216 = tpu.memref_slice %arg2[%run_scoped3A_200, %add3A_199, %dma_wait3A_215] : memref<3x8192x128xf32, #tpu.memory_space<hbm>> -> memref<1x8x128xf32, #tpu.memory_space<hbm>>
            %dma_wait3A_217 = tpu.memref_squeeze %dma_wait3A_216 : memref<1x8x128xf32, #tpu.memory_space<hbm>> -> memref<8x128xf32, #tpu.memory_space<hbm>>
            %dma_wait3A_218 = arith.constant 0 : i32
            %dma_wait3A_219 = tpu.memref_slice %arg2[%run_scoped3A_200, %add3A_199, %dma_wait3A_218] : memref<3x8192x128xf32, #tpu.memory_space<hbm>> -> memref<1x8x128xf32, #tpu.memory_space<hbm>>
            %dma_wait3A_220 = tpu.memref_squeeze %dma_wait3A_219 : memref<1x8x128xf32, #tpu.memory_space<hbm>> -> memref<8x128xf32, #tpu.memory_space<hbm>>
            tpu.wait_dma2 semaphore(%run_scoped3A_208 : memref<!tpu.dma_semaphore, #tpu.memory_space<semaphore_mem>>) src(%dma_wait3A_220 : memref<8x128xf32, #tpu.memory_space<hbm>>) dst(%arg8 : memref<8x128xf32, #tpu.memory_space<vmem>>)
            tpu.yield
          }) : () -> ()
          %run_scoped3A_201 = arith.constant 1 : i32
          "tpu.region"() ({
            %run_scoped3A_208 = tpu.sem_alloc : memref<!tpu.dma_semaphore, #tpu.memory_space<semaphore_mem>>
            %dma_start3A_209 = arith.constant 0 : i32
            %dma_start3A_210 = tpu.memref_slice %arg2[%run_scoped3A_201, %add3A_199, %dma_start3A_209] : memref<3x8192x128xf32, #tpu.memory_space<hbm>> -> memref<1x8x128xf32, #tpu.memory_space<hbm>>
            %dma_start3A_211 = tpu.memref_squeeze %dma_start3A_210 : memref<1x8x128xf32, #tpu.memory_space<hbm>> -> memref<8x128xf32, #tpu.memory_space<hbm>>
            %dma_start3A_212 = arith.constant 0 : i32
            %dma_start3A_213 = tpu.memref_slice %arg2[%run_scoped3A_201, %add3A_199, %dma_start3A_212] : memref<3x8192x128xf32, #tpu.memory_space<hbm>> -> memref<1x8x128xf32, #tpu.memory_space<hbm>>
            %dma_start3A_214 = tpu.memref_squeeze %dma_start3A_213 : memref<1x8x128xf32, #tpu.memory_space<hbm>> -> memref<8x128xf32, #tpu.memory_space<hbm>>
            tpu.enqueue_dma source(%dma_start3A_214 : memref<8x128xf32, #tpu.memory_space<hbm>>) target(%arg9 : memref<8x128xf32, #tpu.memory_space<vmem>>) target_semaphore(%run_scoped3A_208 : memref<!tpu.dma_semaphore, #tpu.memory_space<semaphore_mem>>)
            %dma_wait3A_215 = arith.constant 0 : i32
            %dma_wait3A_216 = tpu.memref_slice %arg2[%run_scoped3A_201, %add3A_199, %dma_wait3A_215] : memref<3x8192x128xf32, #tpu.memory_space<hbm>> -> memref<1x8x128xf32, #tpu.memory_space<hbm>>
            %dma_wait3A_217 = tpu.memref_squeeze %dma_wait3A_216 : memref<1x8x128xf32, #tpu.memory_space<hbm>> -> memref<8x128xf32, #tpu.memory_space<hbm>>
            %dma_wait3A_218 = arith.constant 0 : i32
            %dma_wait3A_219 = tpu.memref_slice %arg2[%run_scoped3A_201, %add3A_199, %dma_wait3A_218] : memref<3x8192x128xf32, #tpu.memory_space<hbm>> -> memref<1x8x128xf32, #tpu.memory_space<hbm>>
            %dma_wait3A_220 = tpu.memref_squeeze %dma_wait3A_219 : memref<1x8x128xf32, #tpu.memory_space<hbm>> -> memref<8x128xf32, #tpu.memory_space<hbm>>
            tpu.wait_dma2 semaphore(%run_scoped3A_208 : memref<!tpu.dma_semaphore, #tpu.memory_space<semaphore_mem>>) src(%dma_wait3A_220 : memref<8x128xf32, #tpu.memory_space<hbm>>) dst(%arg9 : memref<8x128xf32, #tpu.memory_space<vmem>>)
            tpu.yield
          }) : () -> ()
          %run_scoped3A_202 = arith.constant 2 : i32
          "tpu.region"() ({
            %run_scoped3A_208 = tpu.sem_alloc : memref<!tpu.dma_semaphore, #tpu.memory_space<semaphore_mem>>
            %dma_start3A_209 = arith.constant 0 : i32
            %dma_start3A_210 = tpu.memref_slice %arg2[%run_scoped3A_202, %add3A_199, %dma_start3A_209] : memref<3x8192x128xf32, #tpu.memory_space<hbm>> -> memref<1x8x128xf32, #tpu.memory_space<hbm>>
            %dma_start3A_211 = tpu.memref_squeeze %dma_start3A_210 : memref<1x8x128xf32, #tpu.memory_space<hbm>> -> memref<8x128xf32, #tpu.memory_space<hbm>>
            %dma_start3A_212 = arith.constant 0 : i32
            %dma_start3A_213 = tpu.memref_slice %arg2[%run_scoped3A_202, %add3A_199, %dma_start3A_212] : memref<3x8192x128xf32, #tpu.memory_space<hbm>> -> memref<1x8x128xf32, #tpu.memory_space<hbm>>
            %dma_start3A_214 = tpu.memref_squeeze %dma_start3A_213 : memref<1x8x128xf32, #tpu.memory_space<hbm>> -> memref<8x128xf32, #tpu.memory_space<hbm>>
            tpu.enqueue_dma source(%dma_start3A_214 : memref<8x128xf32, #tpu.memory_space<hbm>>) target(%arg10 : memref<8x128xf32, #tpu.memory_space<vmem>>) target_semaphore(%run_scoped3A_208 : memref<!tpu.dma_semaphore, #tpu.memory_space<semaphore_mem>>)
            %dma_wait3A_215 = arith.constant 0 : i32
            %dma_wait3A_216 = tpu.memref_slice %arg2[%run_scoped3A_202, %add3A_199, %dma_wait3A_215] : memref<3x8192x128xf32, #tpu.memory_space<hbm>> -> memref<1x8x128xf32, #tpu.memory_space<hbm>>
            %dma_wait3A_217 = tpu.memref_squeeze %dma_wait3A_216 : memref<1x8x128xf32, #tpu.memory_space<hbm>> -> memref<8x128xf32, #tpu.memory_space<hbm>>
            %dma_wait3A_218 = arith.constant 0 : i32
            %dma_wait3A_219 = tpu.memref_slice %arg2[%run_scoped3A_202, %add3A_199, %dma_wait3A_218] : memref<3x8192x128xf32, #tpu.memory_space<hbm>> -> memref<1x8x128xf32, #tpu.memory_space<hbm>>
            %dma_wait3A_220 = tpu.memref_squeeze %dma_wait3A_219 : memref<1x8x128xf32, #tpu.memory_space<hbm>> -> memref<8x128xf32, #tpu.memory_space<hbm>>
            tpu.wait_dma2 semaphore(%run_scoped3A_208 : memref<!tpu.dma_semaphore, #tpu.memory_space<semaphore_mem>>) src(%dma_wait3A_220 : memref<8x128xf32, #tpu.memory_space<hbm>>) dst(%arg10 : memref<8x128xf32, #tpu.memory_space<vmem>>)
            tpu.yield
          }) : () -> ()
          %scan3A_203 = arith.constant 0 : i32
          %scan3A_204 = arith.constant 8 : i32
          %scan3A_205 = arith.addi %scan3A_203, %scan3A_204 : i32
          %scan3A_206 = arith.constant 1 : i32
          scf.for %scan3A_208 = %scan3A_203 to %scan3A_205 step %scan3A_206  : i32 {
            %mul3A_209 = arith.constant 1 : i32
            %mul3A_210 = arith.muli %scan3A_208, %mul3A_209 : i32
            %add3A_211 = arith.constant 0 : i32
            %add3A_212 = arith.addi %add3A_211, %mul3A_210 : i32
            %scan3A_213 = arith.constant 0 : i32
            %scan3A_214 = arith.constant 8 : i32
            %scan3A_215 = arith.addi %scan3A_213, %scan3A_214 : i32
            %scan3A_216 = arith.constant 1 : i32
            scf.for %scan3A_218 = %scan3A_213 to %scan3A_215 step %scan3A_216  : i32 {
              %mul3A_219 = arith.constant 1 : i32
              %mul3A_220 = arith.muli %scan3A_218, %mul3A_219 : i32
              %add3A_221 = arith.constant 0 : i32
              %add3A_222 = arith.addi %add3A_221, %mul3A_220 : i32
              %mul3A_223 = arith.constant 128 : i32
              %mul3A_224 = arith.muli %add3A_212, %mul3A_223 : i32
              %mul3A_225 = arith.constant 16 : i32
              %mul3A_226 = arith.muli %add3A_222, %mul3A_225 : i32
              %add3A_227 = arith.addi %mul3A_224, %mul3A_226 : i32
              %mul3A_228 = arith.constant 16 : i32
              %mul3A_229 = arith.muli %add3A_222, %mul3A_228 : i32
              %get3A = arith.index_cast %add3A_212 : i32 to index
              %get3A_230 = arith.index_cast %mul3A_229 : i32 to index
              %get3A_231 = tpu.vector_load %arg8[%get3A, %get3A_230] {strides = array<i32>} : memref<8x128xf32, #tpu.memory_space<vmem>>, vector<16xf32>,
              %mul3A_232 = arith.constant 16 : i32
              %mul3A_233 = arith.muli %add3A_222, %mul3A_232 : i32
              %get3A_234 = arith.index_cast %add3A_212 : i32 to index
              %get3A_235 = arith.index_cast %mul3A_233 : i32 to index
              %get3A_236 = tpu.vector_load %arg9[%get3A_234, %get3A_235] {strides = array<i32>} : memref<8x128xf32, #tpu.memory_space<vmem>>, vector<16xf32>,
              %mul3A_237 = arith.constant 16 : i32
              %mul3A_238 = arith.muli %add3A_222, %mul3A_237 : i32
              %get3A_239 = arith.index_cast %add3A_212 : i32 to index
              %get3A_240 = arith.index_cast %mul3A_238 : i32 to index
              %get3A_241 = tpu.vector_load %arg10[%get3A_239, %get3A_240] {strides = array<i32>} : memref<8x128xf32, #tpu.memory_space<vmem>>, vector<16xf32>,
              %mul3A_242 = arith.mulf %get3A_231, %gather3A : vector<16xf32>
              %convert_element_type3A_243 = arith.fptosi %mul3A_242 : vector<16xf32> to vector<16xi32>
              %convert_element_type3A_244 = arith.sitofp %convert_element_type3A_243 : vector<16xi32> to vector<16xf32>
              %sub3A = arith.subf %mul3A_242, %convert_element_type3A_244 : vector<16xf32>
              %mul3A_245 = arith.mulf %sub3A, %sub3A : vector<16xf32>
              %mul3A_246 = arith.constant 2.000000e+00 : f32
              %mul3A_247 = vector.broadcast %mul3A_246 : f32 to vector<16xf32>
              %mul3A_248 = arith.mulf %mul3A_247, %sub3A : vector<16xf32>
              %sub3A_249 = arith.constant 3.000000e+00 : f32
              %sub3A_250 = vector.broadcast %sub3A_249 : f32 to vector<16xf32>
              %sub3A_251 = arith.subf %sub3A_250, %mul3A_248 : vector<16xf32>
              %mul3A_252 = arith.mulf %mul3A_245, %sub3A_251 : vector<16xf32>
              %sub3A_253 = arith.constant 1.000000e+00 : f32
              %sub3A_254 = vector.broadcast %sub3A_253 : f32 to vector<16xf32>
              %sub3A_255 = arith.subf %sub3A_254, %mul3A_252 : vector<16xf32>
              %mul3A_256 = arith.mulf %get3A_236, %gather3A : vector<16xf32>
              %convert_element_type3A_257 = arith.fptosi %mul3A_256 : vector<16xf32> to vector<16xi32>
              %convert_element_type3A_258 = arith.sitofp %convert_element_type3A_257 : vector<16xi32> to vector<16xf32>
              %sub3A_259 = arith.subf %mul3A_256, %convert_element_type3A_258 : vector<16xf32>
              %mul3A_260 = arith.mulf %sub3A_259, %sub3A_259 : vector<16xf32>
              %mul3A_261 = arith.constant 2.000000e+00 : f32
              %mul3A_262 = vector.broadcast %mul3A_261 : f32 to vector<16xf32>
              %mul3A_263 = arith.mulf %mul3A_262, %sub3A_259 : vector<16xf32>
              %sub3A_264 = arith.constant 3.000000e+00 : f32
              %sub3A_265 = vector.broadcast %sub3A_264 : f32 to vector<16xf32>
              %sub3A_266 = arith.subf %sub3A_265, %mul3A_263 : vector<16xf32>
              %mul3A_267 = arith.mulf %mul3A_260, %sub3A_266 : vector<16xf32>
              %sub3A_268 = arith.constant 1.000000e+00 : f32
              %sub3A_269 = vector.broadcast %sub3A_268 : f32 to vector<16xf32>
              %sub3A_270 = arith.subf %sub3A_269, %mul3A_267 : vector<16xf32>
              %mul3A_271 = arith.mulf %get3A_241, %gather3A : vector<16xf32>
              %convert_element_type3A_272 = arith.fptosi %mul3A_271 : vector<16xf32> to vector<16xi32>
              %convert_element_type3A_273 = arith.sitofp %convert_element_type3A_272 : vector<16xi32> to vector<16xf32>
              %sub3A_274 = arith.subf %mul3A_271, %convert_element_type3A_273 : vector<16xf32>
              %mul3A_275 = arith.mulf %sub3A_274, %sub3A_274 : vector<16xf32>
              %mul3A_276 = arith.constant 2.000000e+00 : f32
              %mul3A_277 = vector.broadcast %mul3A_276 : f32 to vector<16xf32>
              %mul3A_278 = arith.mulf %mul3A_277, %sub3A_274 : vector<16xf32>
              %sub3A_279 = arith.constant 3.000000e+00 : f32
              %sub3A_280 = vector.broadcast %sub3A_279 : f32 to vector<16xf32>
              %sub3A_281 = arith.subf %sub3A_280, %mul3A_278 : vector<16xf32>
              %mul3A_282 = arith.mulf %mul3A_275, %sub3A_281 : vector<16xf32>
              %sub3A_283 = arith.constant 1.000000e+00 : f32
              %sub3A_284 = vector.broadcast %sub3A_283 : f32 to vector<16xf32>
              %sub3A_285 = arith.subf %sub3A_284, %mul3A_282 : vector<16xf32>
              %mul3A_286 = arith.muli %convert_element_type3A_257, %gather3A_23 : vector<16xi32>
              %add3A_287 = arith.addi %convert_element_type3A_243, %mul3A_286 : vector<16xi32>
              %mul3A_288 = arith.muli %convert_element_type3A_272, %gather3A_30 : vector<16xi32>
              %add3A_289 = arith.addi %add3A_287, %mul3A_288 : vector<16xi32>
              %mul3A_290 = arith.mulf %sub3A_255, %sub3A_270 : vector<16xf32>
              %mul3A_291 = arith.mulf %mul3A_290, %sub3A_285 : vector<16xf32>
              %add3A_292 = arith.constant 0 : i32
              %add3A_293 = arith.addi %add3A_292, %add3A_227 : i32
              %swap3A = arith.index_cast %add3A_293 : i32 to index
              %swap3A_294 = tpu.vector_load %arg11[%swap3A] {strides = array<i32>} : memref<8192xi32, #tpu.memory_space<vmem>>, vector<16xi32>,
              tpu.vector_store %arg11[%swap3A], %add3A_289 {strides = array<i32>} : memref<8192xi32, #tpu.memory_space<vmem>>, vector<16xi32>,
              %add3A_295 = arith.constant 0 : i32
              %add3A_296 = arith.addi %add3A_295, %add3A_227 : i32
              %swap3A_297 = arith.index_cast %add3A_296 : i32 to index
              %swap3A_298 = tpu.vector_load %arg13[%swap3A_297] {strides = array<i32>} : memref<8192xf32, #tpu.memory_space<vmem>>, vector<16xf32>,
              tpu.vector_store %arg13[%swap3A_297], %mul3A_291 {strides = array<i32>} : memref<8192xf32, #tpu.memory_space<vmem>>, vector<16xf32>,
              %add3A_299 = arith.constant 1 : i32
              %add3A_300 = vector.broadcast %add3A_299 : i32 to vector<16xi32>
              %add3A_301 = arith.addi %convert_element_type3A_243, %add3A_300 : vector<16xi32>
              %mul3A_302 = arith.muli %convert_element_type3A_257, %gather3A_23 : vector<16xi32>
              %add3A_303 = arith.addi %add3A_301, %mul3A_302 : vector<16xi32>
              %mul3A_304 = arith.muli %convert_element_type3A_272, %gather3A_30 : vector<16xi32>
              %add3A_305 = arith.addi %add3A_303, %mul3A_304 : vector<16xi32>
              %mul3A_306 = arith.mulf %mul3A_252, %sub3A_270 : vector<16xf32>
              %mul3A_307 = arith.mulf %mul3A_306, %sub3A_285 : vector<16xf32>
              %add3A_308 = arith.constant 1024 : i32
              %add3A_309 = arith.addi %add3A_308, %add3A_227 : i32
              %swap3A_310 = arith.index_cast %add3A_309 : i32 to index
              %swap3A_311 = tpu.vector_load %arg11[%swap3A_310] {strides = array<i32>} : memref<8192xi32, #tpu.memory_space<vmem>>, vector<16xi32>,
              tpu.vector_store %arg11[%swap3A_310], %add3A_305 {strides = array<i32>} : memref<8192xi32, #tpu.memory_space<vmem>>, vector<16xi32>,
              %add3A_312 = arith.constant 1024 : i32
              %add3A_313 = arith.addi %add3A_312, %add3A_227 : i32
              %swap3A_314 = arith.index_cast %add3A_313 : i32 to index
              %swap3A_315 = tpu.vector_load %arg13[%swap3A_314] {strides = array<i32>} : memref<8192xf32, #tpu.memory_space<vmem>>, vector<16xf32>,
              tpu.vector_store %arg13[%swap3A_314], %mul3A_307 {strides = array<i32>} : memref<8192xf32, #tpu.memory_space<vmem>>, vector<16xf32>,
              %add3A_316 = arith.constant 1 : i32
              %add3A_317 = vector.broadcast %add3A_316 : i32 to vector<16xi32>
              %add3A_318 = arith.addi %convert_element_type3A_257, %add3A_317 : vector<16xi32>
              %mul3A_319 = arith.muli %add3A_318, %gather3A_23 : vector<16xi32>
              %add3A_320 = arith.addi %convert_element_type3A_243, %mul3A_319 : vector<16xi32>
              %mul3A_321 = arith.muli %convert_element_type3A_272, %gather3A_30 : vector<16xi32>
              %add3A_322 = arith.addi %add3A_320, %mul3A_321 : vector<16xi32>
              %mul3A_323 = arith.mulf %sub3A_255, %mul3A_267 : vector<16xf32>
              %mul3A_324 = arith.mulf %mul3A_323, %sub3A_285 : vector<16xf32>
              %add3A_325 = arith.constant 2048 : i32
              %add3A_326 = arith.addi %add3A_325, %add3A_227 : i32
              %swap3A_327 = arith.index_cast %add3A_326 : i32 to index
              %swap3A_328 = tpu.vector_load %arg11[%swap3A_327] {strides = array<i32>} : memref<8192xi32, #tpu.memory_space<vmem>>, vector<16xi32>,
              tpu.vector_store %arg11[%swap3A_327], %add3A_322 {strides = array<i32>} : memref<8192xi32, #tpu.memory_space<vmem>>, vector<16xi32>,
              %add3A_329 = arith.constant 2048 : i32
              %add3A_330 = arith.addi %add3A_329, %add3A_227 : i32
              %swap3A_331 = arith.index_cast %add3A_330 : i32 to index
              %swap3A_332 = tpu.vector_load %arg13[%swap3A_331] {strides = array<i32>} : memref<8192xf32, #tpu.memory_space<vmem>>, vector<16xf32>,
              tpu.vector_store %arg13[%swap3A_331], %mul3A_324 {strides = array<i32>} : memref<8192xf32, #tpu.memory_space<vmem>>, vector<16xf32>,
              %add3A_333 = arith.constant 1 : i32
              %add3A_334 = vector.broadcast %add3A_333 : i32 to vector<16xi32>
              %add3A_335 = arith.addi %convert_element_type3A_243, %add3A_334 : vector<16xi32>
              %add3A_336 = arith.constant 1 : i32
              %add3A_337 = vector.broadcast %add3A_336 : i32 to vector<16xi32>
              %add3A_338 = arith.addi %convert_element_type3A_257, %add3A_337 : vector<16xi32>
              %mul3A_339 = arith.muli %add3A_338, %gather3A_23 : vector<16xi32>
              %add3A_340 = arith.addi %add3A_335, %mul3A_339 : vector<16xi32>
              %mul3A_341 = arith.muli %convert_element_type3A_272, %gather3A_30 : vector<16xi32>
              %add3A_342 = arith.addi %add3A_340, %mul3A_341 : vector<16xi32>
              %mul3A_343 = arith.mulf %mul3A_252, %mul3A_267 : vector<16xf32>
              %mul3A_344 = arith.mulf %mul3A_343, %sub3A_285 : vector<16xf32>
              %add3A_345 = arith.constant 3072 : i32
              %add3A_346 = arith.addi %add3A_345, %add3A_227 : i32
              %swap3A_347 = arith.index_cast %add3A_346 : i32 to index
              %swap3A_348 = tpu.vector_load %arg11[%swap3A_347] {strides = array<i32>} : memref<8192xi32, #tpu.memory_space<vmem>>, vector<16xi32>,
              tpu.vector_store %arg11[%swap3A_347], %add3A_342 {strides = array<i32>} : memref<8192xi32, #tpu.memory_space<vmem>>, vector<16xi32>,
              %add3A_349 = arith.constant 3072 : i32
              %add3A_350 = arith.addi %add3A_349, %add3A_227 : i32
              %swap3A_351 = arith.index_cast %add3A_350 : i32 to index
              %swap3A_352 = tpu.vector_load %arg13[%swap3A_351] {strides = array<i32>} : memref<8192xf32, #tpu.memory_space<vmem>>, vector<16xf32>,
              tpu.vector_store %arg13[%swap3A_351], %mul3A_344 {strides = array<i32>} : memref<8192xf32, #tpu.memory_space<vmem>>, vector<16xf32>,
              %add3A_353 = arith.constant 1 : i32
              %add3A_354 = vector.broadcast %add3A_353 : i32 to vector<16xi32>
              %add3A_355 = arith.addi %convert_element_type3A_272, %add3A_354 : vector<16xi32>
              %mul3A_356 = arith.muli %convert_element_type3A_257, %gather3A_23 : vector<16xi32>
              %add3A_357 = arith.addi %convert_element_type3A_243, %mul3A_356 : vector<16xi32>
              %mul3A_358 = arith.muli %add3A_355, %gather3A_30 : vector<16xi32>
              %add3A_359 = arith.addi %add3A_357, %mul3A_358 : vector<16xi32>
              %mul3A_360 = arith.mulf %sub3A_255, %sub3A_270 : vector<16xf32>
              %mul3A_361 = arith.mulf %mul3A_360, %mul3A_282 : vector<16xf32>
              %add3A_362 = arith.constant 4096 : i32
              %add3A_363 = arith.addi %add3A_362, %add3A_227 : i32
              %swap3A_364 = arith.index_cast %add3A_363 : i32 to index
              %swap3A_365 = tpu.vector_load %arg11[%swap3A_364] {strides = array<i32>} : memref<8192xi32, #tpu.memory_space<vmem>>, vector<16xi32>,
              tpu.vector_store %arg11[%swap3A_364], %add3A_359 {strides = array<i32>} : memref<8192xi32, #tpu.memory_space<vmem>>, vector<16xi32>,
              %add3A_366 = arith.constant 4096 : i32
              %add3A_367 = arith.addi %add3A_366, %add3A_227 : i32
              %swap3A_368 = arith.index_cast %add3A_367 : i32 to index
              %swap3A_369 = tpu.vector_load %arg13[%swap3A_368] {strides = array<i32>} : memref<8192xf32, #tpu.memory_space<vmem>>, vector<16xf32>,
              tpu.vector_store %arg13[%swap3A_368], %mul3A_361 {strides = array<i32>} : memref<8192xf32, #tpu.memory_space<vmem>>, vector<16xf32>,
              %add3A_370 = arith.constant 1 : i32
              %add3A_371 = vector.broadcast %add3A_370 : i32 to vector<16xi32>
              %add3A_372 = arith.addi %convert_element_type3A_243, %add3A_371 : vector<16xi32>
              %add3A_373 = arith.constant 1 : i32
              %add3A_374 = vector.broadcast %add3A_373 : i32 to vector<16xi32>
              %add3A_375 = arith.addi %convert_element_type3A_272, %add3A_374 : vector<16xi32>
              %mul3A_376 = arith.muli %convert_element_type3A_257, %gather3A_23 : vector<16xi32>
              %add3A_377 = arith.addi %add3A_372, %mul3A_376 : vector<16xi32>
              %mul3A_378 = arith.muli %add3A_375, %gather3A_30 : vector<16xi32>
              %add3A_379 = arith.addi %add3A_377, %mul3A_378 : vector<16xi32>
              %mul3A_380 = arith.mulf %mul3A_252, %sub3A_270 : vector<16xf32>
              %mul3A_381 = arith.mulf %mul3A_380, %mul3A_282 : vector<16xf32>
              %add3A_382 = arith.constant 5120 : i32
              %add3A_383 = arith.addi %add3A_382, %add3A_227 : i32
              %swap3A_384 = arith.index_cast %add3A_383 : i32 to index
              %swap3A_385 = tpu.vector_load %arg11[%swap3A_384] {strides = array<i32>} : memref<8192xi32, #tpu.memory_space<vmem>>, vector<16xi32>,
              tpu.vector_store %arg11[%swap3A_384], %add3A_379 {strides = array<i32>} : memref<8192xi32, #tpu.memory_space<vmem>>, vector<16xi32>,
              %add3A_386 = arith.constant 5120 : i32
              %add3A_387 = arith.addi %add3A_386, %add3A_227 : i32
              %swap3A_388 = arith.index_cast %add3A_387 : i32 to index
              %swap3A_389 = tpu.vector_load %arg13[%swap3A_388] {strides = array<i32>} : memref<8192xf32, #tpu.memory_space<vmem>>, vector<16xf32>,
              tpu.vector_store %arg13[%swap3A_388], %mul3A_381 {strides = array<i32>} : memref<8192xf32, #tpu.memory_space<vmem>>, vector<16xf32>,
              %add3A_390 = arith.constant 1 : i32
              %add3A_391 = vector.broadcast %add3A_390 : i32 to vector<16xi32>
              %add3A_392 = arith.addi %convert_element_type3A_257, %add3A_391 : vector<16xi32>
              %add3A_393 = arith.constant 1 : i32
              %add3A_394 = vector.broadcast %add3A_393 : i32 to vector<16xi32>
              %add3A_395 = arith.addi %convert_element_type3A_272, %add3A_394 : vector<16xi32>
              %mul3A_396 = arith.muli %add3A_392, %gather3A_23 : vector<16xi32>
              %add3A_397 = arith.addi %convert_element_type3A_243, %mul3A_396 : vector<16xi32>
              %mul3A_398 = arith.muli %add3A_395, %gather3A_30 : vector<16xi32>
              %add3A_399 = arith.addi %add3A_397, %mul3A_398 : vector<16xi32>
              %mul3A_400 = arith.mulf %sub3A_255, %mul3A_267 : vector<16xf32>
              %mul3A_401 = arith.mulf %mul3A_400, %mul3A_282 : vector<16xf32>
              %add3A_402 = arith.constant 6144 : i32
              %add3A_403 = arith.addi %add3A_402, %add3A_227 : i32
              %swap3A_404 = arith.index_cast %add3A_403 : i32 to index
              %swap3A_405 = tpu.vector_load %arg11[%swap3A_404] {strides = array<i32>} : memref<8192xi32, #tpu.memory_space<vmem>>, vector<16xi32>,
              tpu.vector_store %arg11[%swap3A_404], %add3A_399 {strides = array<i32>} : memref<8192xi32, #tpu.memory_space<vmem>>, vector<16xi32>,
              %add3A_406 = arith.constant 6144 : i32
              %add3A_407 = arith.addi %add3A_406, %add3A_227 : i32
              %swap3A_408 = arith.index_cast %add3A_407 : i32 to index
              %swap3A_409 = tpu.vector_load %arg13[%swap3A_408] {strides = array<i32>} : memref<8192xf32, #tpu.memory_space<vmem>>, vector<16xf32>,
              tpu.vector_store %arg13[%swap3A_408], %mul3A_401 {strides = array<i32>} : memref<8192xf32, #tpu.memory_space<vmem>>, vector<16xf32>,
              %add3A_410 = arith.constant 1 : i32
              %add3A_411 = vector.broadcast %add3A_410 : i32 to vector<16xi32>
              %add3A_412 = arith.addi %convert_element_type3A_243, %add3A_411 : vector<16xi32>
              %add3A_413 = arith.constant 1 : i32
              %add3A_414 = vector.broadcast %add3A_413 : i32 to vector<16xi32>
              %add3A_415 = arith.addi %convert_element_type3A_257, %add3A_414 : vector<16xi32>
              %add3A_416 = arith.constant 1 : i32
              %add3A_417 = vector.broadcast %add3A_416 : i32 to vector<16xi32>
              %add3A_418 = arith.addi %convert_element_type3A_272, %add3A_417 : vector<16xi32>
              %mul3A_419 = arith.muli %add3A_415, %gather3A_23 : vector<16xi32>
              %add3A_420 = arith.addi %add3A_412, %mul3A_419 : vector<16xi32>
              %mul3A_421 = arith.muli %add3A_418, %gather3A_30 : vector<16xi32>
              %add3A_422 = arith.addi %add3A_420, %mul3A_421 : vector<16xi32>
              %mul3A_423 = arith.mulf %mul3A_252, %mul3A_267 : vector<16xf32>
              %mul3A_424 = arith.mulf %mul3A_423, %mul3A_282 : vector<16xf32>
              %add3A_425 = arith.constant 7168 : i32
              %add3A_426 = arith.addi %add3A_425, %add3A_227 : i32
              %swap3A_427 = arith.index_cast %add3A_426 : i32 to index
              %swap3A_428 = tpu.vector_load %arg11[%swap3A_427] {strides = array<i32>} : memref<8192xi32, #tpu.memory_space<vmem>>, vector<16xi32>,
              tpu.vector_store %arg11[%swap3A_427], %add3A_422 {strides = array<i32>} : memref<8192xi32, #tpu.memory_space<vmem>>, vector<16xi32>,
              %add3A_429 = arith.constant 7168 : i32
              %add3A_430 = arith.addi %add3A_429, %add3A_227 : i32
              %swap3A_431 = arith.index_cast %add3A_430 : i32 to index
              %swap3A_432 = tpu.vector_load %arg13[%swap3A_431] {strides = array<i32>} : memref<8192xf32, #tpu.memory_space<vmem>>, vector<16xf32>,
              tpu.vector_store %arg13[%swap3A_431], %mul3A_424 {strides = array<i32>} : memref<8192xf32, #tpu.memory_space<vmem>>, vector<16xf32>,
            }
            %scan3A_217 = arith.constant 8 : i32
          }
          %scan3A_207 = arith.constant 8 : i32
        } else {
        }
        %dma_wait3A_151 = arith.constant 0 : i32
        %dma_wait3A_152 = tpu.memref_slice %arg7[%dma_wait3A_151] : memref<524288xi32, #tpu.memory_space<vmem_shared>> -> memref<524288xi32, #tpu.memory_space<vmem_shared>>
        tpu.wait_indirect_dma semaphore(%arg24 : memref<!tpu.dma_semaphore, #tpu.memory_space<semaphore_mem>>) src(%dma_wait3A_152 : memref<524288xi32, #tpu.memory_space<vmem_shared>>) dst(%arg16 : memref<8192xi32, #tpu.memory_space<vmem>>)
        %lt3A_153 = arith.constant 15 : i32
        %lt3A_154 = arith.cmpi slt, %add3A_95, %lt3A_153 : i32
        %convert_element_type3A_155 = arith.extui %lt3A_154 : i1 to i32
        %cond3A_156 = arith.constant 0 : i32
        %cond3A_157 = arith.cmpi ne, %convert_element_type3A_155, %cond3A_156 : i32
        scf.if %cond3A_157 {
          %dma_start3A_193 = arith.constant 0 : i32
          %dma_start3A_194 = tpu.memref_slice %arg7[%dma_start3A_193] : memref<524288xi32, #tpu.memory_space<vmem_shared>> -> memref<524288xi32, #tpu.memory_space<vmem_shared>>
          tpu.enqueue_indirect_dma source(%dma_start3A_194 : memref<524288xi32, #tpu.memory_space<vmem_shared>>) target(%arg15 : memref<8192xi32, #tpu.memory_space<vmem>>) offsets(%arg11 : memref<8192xi32, #tpu.memory_space<vmem>>) semaphore(%arg23 : memref<!tpu.dma_semaphore, #tpu.memory_space<semaphore_mem>>)
        } else {
        }
        %gt3A_158 = arith.constant 0 : i32
        %gt3A_159 = arith.cmpi sgt, %add3A_95, %gt3A_158 : i32
        %convert_element_type3A_160 = arith.extui %gt3A_159 : i1 to i32
        %cond3A_161 = arith.constant 0 : i32
        %cond3A_162 = arith.cmpi ne, %convert_element_type3A_160, %cond3A_161 : i32
        scf.if %cond3A_162 {
          %dma_wait3A_193 = arith.constant 0 : i32
          %dma_wait3A_194 = arith.constant 0 : i32
          %dma_wait3A_195 = arith.constant 0 : i32
          %dma_wait3A_196 = tpu.memref_slice %arg6[%dma_wait3A_193, %dma_wait3A_194, %dma_wait3A_195] : memref<32x8192x128xf32, #tpu.memory_space<hbm>> -> memref<1x8x128xf32, #tpu.memory_space<hbm>>
          %dma_wait3A_197 = tpu.memref_squeeze %dma_wait3A_196 : memref<1x8x128xf32, #tpu.memory_space<hbm>> -> memref<8x128xf32, #tpu.memory_space<hbm>>
          %dma_wait3A_198 = arith.constant 0 : i32
          %dma_wait3A_199 = arith.constant 0 : i32
          %dma_wait3A_200 = tpu.memref_slice %arg6[%dma_wait3A_193, %dma_wait3A_198, %dma_wait3A_199] : memref<32x8192x128xf32, #tpu.memory_space<hbm>> -> memref<1x8x128xf32, #tpu.memory_space<hbm>>
          %dma_wait3A_201 = tpu.memref_squeeze %dma_wait3A_200 : memref<1x8x128xf32, #tpu.memory_space<hbm>> -> memref<8x128xf32, #tpu.memory_space<hbm>>
          tpu.wait_dma2 semaphore(%arg26 : memref<!tpu.dma_semaphore, #tpu.memory_space<semaphore_mem>>) src(%arg19 : memref<8x128xf32, #tpu.memory_space<vmem>>) dst(%dma_wait3A_201 : memref<8x128xf32, #tpu.memory_space<hbm>>)
          %dma_wait3A_202 = arith.constant 0 : i32
          %dma_wait3A_203 = arith.constant 0 : i32
          %dma_wait3A_204 = arith.constant 0 : i32
          %dma_wait3A_205 = tpu.memref_slice %arg6[%dma_wait3A_202, %dma_wait3A_203, %dma_wait3A_204] : memref<32x8192x128xf32, #tpu.memory_space<hbm>> -> memref<1x8x128xf32, #tpu.memory_space<hbm>>
          %dma_wait3A_206 = tpu.memref_squeeze %dma_wait3A_205 : memref<1x8x128xf32, #tpu.memory_space<hbm>> -> memref<8x128xf32, #tpu.memory_space<hbm>>
          %dma_wait3A_207 = arith.constant 0 : i32
          %dma_wait3A_208 = arith.constant 0 : i32
          %dma_wait3A_209 = tpu.memref_slice %arg6[%dma_wait3A_202, %dma_wait3A_207, %dma_wait3A_208] : memref<32x8192x128xf32, #tpu.memory_space<hbm>> -> memref<1x8x128xf32, #tpu.memory_space<hbm>>
          %dma_wait3A_210 = tpu.memref_squeeze %dma_wait3A_209 : memref<1x8x128xf32, #tpu.memory_space<hbm>> -> memref<8x128xf32, #tpu.memory_space<hbm>>
          tpu.wait_dma2 semaphore(%arg26 : memref<!tpu.dma_semaphore, #tpu.memory_space<semaphore_mem>>) src(%arg20 : memref<8x128xf32, #tpu.memory_space<vmem>>) dst(%dma_wait3A_210 : memref<8x128xf32, #tpu.memory_space<hbm>>)
        } else {
        }
        %scan3A_163 = arith.constant 0 : i32
        %scan3A_164 = arith.constant 8 : i32
        %scan3A_165 = arith.addi %scan3A_163, %scan3A_164 : i32
        %scan3A_166 = arith.constant 1 : i32
        scf.for %scan3A_193 = %scan3A_163 to %scan3A_165 step %scan3A_166  : i32 {
          %mul3A_194 = arith.constant 1 : i32
          %mul3A_195 = arith.muli %scan3A_193, %mul3A_194 : i32
          %add3A_196 = arith.constant 0 : i32
          %add3A_197 = arith.addi %add3A_196, %mul3A_195 : i32
          %scan3A_198 = arith.constant 0 : i32
          %scan3A_199 = arith.constant 8 : i32
          %scan3A_200 = arith.addi %scan3A_198, %scan3A_199 : i32
          %scan3A_201 = arith.constant 1 : i32
          scf.for %scan3A_203 = %scan3A_198 to %scan3A_200 step %scan3A_201  : i32 {
            %mul3A_204 = arith.constant 1 : i32
            %mul3A_205 = arith.muli %scan3A_203, %mul3A_204 : i32
            %add3A_206 = arith.constant 0 : i32
            %add3A_207 = arith.addi %add3A_206, %mul3A_205 : i32
            %mul3A_208 = arith.constant 128 : i32
            %mul3A_209 = arith.muli %add3A_197, %mul3A_208 : i32
            %mul3A_210 = arith.constant 16 : i32
            %mul3A_211 = arith.muli %add3A_207, %mul3A_210 : i32
            %add3A_212 = arith.addi %mul3A_209, %mul3A_211 : i32
            %broadcast_in_dim3A_213 = arith.constant 0.000000e+00 : f32
            %broadcast_in_dim3A_214 = vector.broadcast %broadcast_in_dim3A_213 : f32 to vector<16xf32>
            %broadcast_in_dim3A_215 = arith.constant 0.000000e+00 : f32
            %broadcast_in_dim3A_216 = vector.broadcast %broadcast_in_dim3A_215 : f32 to vector<16xf32>
            %add3A_217 = arith.constant 0 : i32
            %add3A_218 = arith.addi %add3A_217, %add3A_212 : i32
            %get3A = arith.index_cast %add3A_218 : i32 to index
            %get3A_219 = tpu.vector_load %arg14[%get3A] {strides = array<i32>} : memref<8192xf32, #tpu.memory_space<vmem>>, vector<16xf32>,
            %add3A_220 = arith.constant 0 : i32
            %add3A_221 = arith.addi %add3A_220, %add3A_212 : i32
            %get3A_222 = arith.index_cast %add3A_221 : i32 to index
            %get3A_223 = tpu.vector_load %arg16[%get3A_222] {strides = array<i32>} : memref<8192xi32, #tpu.memory_space<vmem>>, vector<16xi32>,
            %bitcast3A = vector.bitcast %get3A_223 : vector<16xi32> to vector<32xbf16>
            %unpack3A = tpu.unpack_subelements %bitcast3A, 0 {pack_format = #tpu.pack_format<interleaved>} : vector<32xbf16> -> vector<16xf32>
            %unpack3A_224 = tpu.unpack_subelements %bitcast3A, 1 {pack_format = #tpu.pack_format<interleaved>} : vector<32xbf16> -> vector<16xf32>
            %mul3A_225 = arith.mulf %unpack3A, %get3A_219 : vector<16xf32>
            %add3A_226 = arith.addf %broadcast_in_dim3A_214, %mul3A_225 : vector<16xf32>
            %mul3A_227 = arith.mulf %unpack3A_224, %get3A_219 : vector<16xf32>
            %add3A_228 = arith.addf %broadcast_in_dim3A_216, %mul3A_227 : vector<16xf32>
            %add3A_229 = arith.constant 1024 : i32
            %add3A_230 = arith.addi %add3A_229, %add3A_212 : i32
            %get3A_231 = arith.index_cast %add3A_230 : i32 to index
            %get3A_232 = tpu.vector_load %arg14[%get3A_231] {strides = array<i32>} : memref<8192xf32, #tpu.memory_space<vmem>>, vector<16xf32>,
            %add3A_233 = arith.constant 1024 : i32
            %add3A_234 = arith.addi %add3A_233, %add3A_212 : i32
            %get3A_235 = arith.index_cast %add3A_234 : i32 to index
            %get3A_236 = tpu.vector_load %arg16[%get3A_235] {strides = array<i32>} : memref<8192xi32, #tpu.memory_space<vmem>>, vector<16xi32>,
            %bitcast3A_237 = vector.bitcast %get3A_236 : vector<16xi32> to vector<32xbf16>
            %unpack3A_238 = tpu.unpack_subelements %bitcast3A_237, 0 {pack_format = #tpu.pack_format<interleaved>} : vector<32xbf16> -> vector<16xf32>
            %unpack3A_239 = tpu.unpack_subelements %bitcast3A_237, 1 {pack_format = #tpu.pack_format<interleaved>} : vector<32xbf16> -> vector<16xf32>
            %mul3A_240 = arith.mulf %unpack3A_238, %get3A_232 : vector<16xf32>
            %add3A_241 = arith.addf %add3A_226, %mul3A_240 : vector<16xf32>
            %mul3A_242 = arith.mulf %unpack3A_239, %get3A_232 : vector<16xf32>
            %add3A_243 = arith.addf %add3A_228, %mul3A_242 : vector<16xf32>
            %add3A_244 = arith.constant 2048 : i32
            %add3A_245 = arith.addi %add3A_244, %add3A_212 : i32
            %get3A_246 = arith.index_cast %add3A_245 : i32 to index
            %get3A_247 = tpu.vector_load %arg14[%get3A_246] {strides = array<i32>} : memref<8192xf32, #tpu.memory_space<vmem>>, vector<16xf32>,
            %add3A_248 = arith.constant 2048 : i32
            %add3A_249 = arith.addi %add3A_248, %add3A_212 : i32
            %get3A_250 = arith.index_cast %add3A_249 : i32 to index
            %get3A_251 = tpu.vector_load %arg16[%get3A_250] {strides = array<i32>} : memref<8192xi32, #tpu.memory_space<vmem>>, vector<16xi32>,
            %bitcast3A_252 = vector.bitcast %get3A_251 : vector<16xi32> to vector<32xbf16>
            %unpack3A_253 = tpu.unpack_subelements %bitcast3A_252, 0 {pack_format = #tpu.pack_format<interleaved>} : vector<32xbf16> -> vector<16xf32>
            %unpack3A_254 = tpu.unpack_subelements %bitcast3A_252, 1 {pack_format = #tpu.pack_format<interleaved>} : vector<32xbf16> -> vector<16xf32>
            %mul3A_255 = arith.mulf %unpack3A_253, %get3A_247 : vector<16xf32>
            %add3A_256 = arith.addf %add3A_241, %mul3A_255 : vector<16xf32>
            %mul3A_257 = arith.mulf %unpack3A_254, %get3A_247 : vector<16xf32>
            %add3A_258 = arith.addf %add3A_243, %mul3A_257 : vector<16xf32>
            %add3A_259 = arith.constant 3072 : i32
            %add3A_260 = arith.addi %add3A_259, %add3A_212 : i32
            %get3A_261 = arith.index_cast %add3A_260 : i32 to index
            %get3A_262 = tpu.vector_load %arg14[%get3A_261] {strides = array<i32>} : memref<8192xf32, #tpu.memory_space<vmem>>, vector<16xf32>,
            %add3A_263 = arith.constant 3072 : i32
            %add3A_264 = arith.addi %add3A_263, %add3A_212 : i32
            %get3A_265 = arith.index_cast %add3A_264 : i32 to index
            %get3A_266 = tpu.vector_load %arg16[%get3A_265] {strides = array<i32>} : memref<8192xi32, #tpu.memory_space<vmem>>, vector<16xi32>,
            %bitcast3A_267 = vector.bitcast %get3A_266 : vector<16xi32> to vector<32xbf16>
            %unpack3A_268 = tpu.unpack_subelements %bitcast3A_267, 0 {pack_format = #tpu.pack_format<interleaved>} : vector<32xbf16> -> vector<16xf32>
            %unpack3A_269 = tpu.unpack_subelements %bitcast3A_267, 1 {pack_format = #tpu.pack_format<interleaved>} : vector<32xbf16> -> vector<16xf32>
            %mul3A_270 = arith.mulf %unpack3A_268, %get3A_262 : vector<16xf32>
            %add3A_271 = arith.addf %add3A_256, %mul3A_270 : vector<16xf32>
            %mul3A_272 = arith.mulf %unpack3A_269, %get3A_262 : vector<16xf32>
            %add3A_273 = arith.addf %add3A_258, %mul3A_272 : vector<16xf32>
            %add3A_274 = arith.constant 4096 : i32
            %add3A_275 = arith.addi %add3A_274, %add3A_212 : i32
            %get3A_276 = arith.index_cast %add3A_275 : i32 to index
            %get3A_277 = tpu.vector_load %arg14[%get3A_276] {strides = array<i32>} : memref<8192xf32, #tpu.memory_space<vmem>>, vector<16xf32>,
            %add3A_278 = arith.constant 4096 : i32
            %add3A_279 = arith.addi %add3A_278, %add3A_212 : i32
            %get3A_280 = arith.index_cast %add3A_279 : i32 to index
            %get3A_281 = tpu.vector_load %arg16[%get3A_280] {strides = array<i32>} : memref<8192xi32, #tpu.memory_space<vmem>>, vector<16xi32>,
            %bitcast3A_282 = vector.bitcast %get3A_281 : vector<16xi32> to vector<32xbf16>
            %unpack3A_283 = tpu.unpack_subelements %bitcast3A_282, 0 {pack_format = #tpu.pack_format<interleaved>} : vector<32xbf16> -> vector<16xf32>
            %unpack3A_284 = tpu.unpack_subelements %bitcast3A_282, 1 {pack_format = #tpu.pack_format<interleaved>} : vector<32xbf16> -> vector<16xf32>
            %mul3A_285 = arith.mulf %unpack3A_283, %get3A_277 : vector<16xf32>
            %add3A_286 = arith.addf %add3A_271, %mul3A_285 : vector<16xf32>
            %mul3A_287 = arith.mulf %unpack3A_284, %get3A_277 : vector<16xf32>
            %add3A_288 = arith.addf %add3A_273, %mul3A_287 : vector<16xf32>
            %add3A_289 = arith.constant 5120 : i32
            %add3A_290 = arith.addi %add3A_289, %add3A_212 : i32
            %get3A_291 = arith.index_cast %add3A_290 : i32 to index
            %get3A_292 = tpu.vector_load %arg14[%get3A_291] {strides = array<i32>} : memref<8192xf32, #tpu.memory_space<vmem>>, vector<16xf32>,
            %add3A_293 = arith.constant 5120 : i32
            %add3A_294 = arith.addi %add3A_293, %add3A_212 : i32
            %get3A_295 = arith.index_cast %add3A_294 : i32 to index
            %get3A_296 = tpu.vector_load %arg16[%get3A_295] {strides = array<i32>} : memref<8192xi32, #tpu.memory_space<vmem>>, vector<16xi32>,
            %bitcast3A_297 = vector.bitcast %get3A_296 : vector<16xi32> to vector<32xbf16>
            %unpack3A_298 = tpu.unpack_subelements %bitcast3A_297, 0 {pack_format = #tpu.pack_format<interleaved>} : vector<32xbf16> -> vector<16xf32>
            %unpack3A_299 = tpu.unpack_subelements %bitcast3A_297, 1 {pack_format = #tpu.pack_format<interleaved>} : vector<32xbf16> -> vector<16xf32>
            %mul3A_300 = arith.mulf %unpack3A_298, %get3A_292 : vector<16xf32>
            %add3A_301 = arith.addf %add3A_286, %mul3A_300 : vector<16xf32>
            %mul3A_302 = arith.mulf %unpack3A_299, %get3A_292 : vector<16xf32>
            %add3A_303 = arith.addf %add3A_288, %mul3A_302 : vector<16xf32>
            %add3A_304 = arith.constant 6144 : i32
            %add3A_305 = arith.addi %add3A_304, %add3A_212 : i32
            %get3A_306 = arith.index_cast %add3A_305 : i32 to index
            %get3A_307 = tpu.vector_load %arg14[%get3A_306] {strides = array<i32>} : memref<8192xf32, #tpu.memory_space<vmem>>, vector<16xf32>,
            %add3A_308 = arith.constant 6144 : i32
            %add3A_309 = arith.addi %add3A_308, %add3A_212 : i32
            %get3A_310 = arith.index_cast %add3A_309 : i32 to index
            %get3A_311 = tpu.vector_load %arg16[%get3A_310] {strides = array<i32>} : memref<8192xi32, #tpu.memory_space<vmem>>, vector<16xi32>,
            %bitcast3A_312 = vector.bitcast %get3A_311 : vector<16xi32> to vector<32xbf16>
            %unpack3A_313 = tpu.unpack_subelements %bitcast3A_312, 0 {pack_format = #tpu.pack_format<interleaved>} : vector<32xbf16> -> vector<16xf32>
            %unpack3A_314 = tpu.unpack_subelements %bitcast3A_312, 1 {pack_format = #tpu.pack_format<interleaved>} : vector<32xbf16> -> vector<16xf32>
            %mul3A_315 = arith.mulf %unpack3A_313, %get3A_307 : vector<16xf32>
            %add3A_316 = arith.addf %add3A_301, %mul3A_315 : vector<16xf32>
            %mul3A_317 = arith.mulf %unpack3A_314, %get3A_307 : vector<16xf32>
            %add3A_318 = arith.addf %add3A_303, %mul3A_317 : vector<16xf32>
            %add3A_319 = arith.constant 7168 : i32
            %add3A_320 = arith.addi %add3A_319, %add3A_212 : i32
            %get3A_321 = arith.index_cast %add3A_320 : i32 to index
            %get3A_322 = tpu.vector_load %arg14[%get3A_321] {strides = array<i32>} : memref<8192xf32, #tpu.memory_space<vmem>>, vector<16xf32>,
            %add3A_323 = arith.constant 7168 : i32
            %add3A_324 = arith.addi %add3A_323, %add3A_212 : i32
            %get3A_325 = arith.index_cast %add3A_324 : i32 to index
            %get3A_326 = tpu.vector_load %arg16[%get3A_325] {strides = array<i32>} : memref<8192xi32, #tpu.memory_space<vmem>>, vector<16xi32>,
            %bitcast3A_327 = vector.bitcast %get3A_326 : vector<16xi32> to vector<32xbf16>
            %unpack3A_328 = tpu.unpack_subelements %bitcast3A_327, 0 {pack_format = #tpu.pack_format<interleaved>} : vector<32xbf16> -> vector<16xf32>
            %unpack3A_329 = tpu.unpack_subelements %bitcast3A_327, 1 {pack_format = #tpu.pack_format<interleaved>} : vector<32xbf16> -> vector<16xf32>
            %mul3A_330 = arith.mulf %unpack3A_328, %get3A_322 : vector<16xf32>
            %add3A_331 = arith.addf %add3A_316, %mul3A_330 : vector<16xf32>
            %mul3A_332 = arith.mulf %unpack3A_329, %get3A_322 : vector<16xf32>
            %add3A_333 = arith.addf %add3A_318, %mul3A_332 : vector<16xf32>
            %mul3A_334 = arith.constant 16 : i32
            %mul3A_335 = arith.muli %add3A_207, %mul3A_334 : i32
            %swap3A = arith.index_cast %add3A_197 : i32 to index
            %swap3A_336 = arith.index_cast %mul3A_335 : i32 to index
            %swap3A_337 = tpu.vector_load %arg19[%swap3A, %swap3A_336] {strides = array<i32>} : memref<8x128xf32, #tpu.memory_space<vmem>>, vector<16xf32>,
            tpu.vector_store %arg19[%swap3A, %swap3A_336], %add3A_331 {strides = array<i32>} : memref<8x128xf32, #tpu.memory_space<vmem>>, vector<16xf32>,
            %mul3A_338 = arith.constant 16 : i32
            %mul3A_339 = arith.muli %add3A_207, %mul3A_338 : i32
            %swap3A_340 = arith.index_cast %add3A_197 : i32 to index
            %swap3A_341 = arith.index_cast %mul3A_339 : i32 to index
            %swap3A_342 = tpu.vector_load %arg20[%swap3A_340, %swap3A_341] {strides = array<i32>} : memref<8x128xf32, #tpu.memory_space<vmem>>, vector<16xf32>,
            tpu.vector_store %arg20[%swap3A_340, %swap3A_341], %add3A_333 {strides = array<i32>} : memref<8x128xf32, #tpu.memory_space<vmem>>, vector<16xf32>,
          }
          %scan3A_202 = arith.constant 8 : i32
        }
        %scan3A_167 = arith.constant 8 : i32
        %add3A_168 = arith.constant 1 : i32
        %add3A_169 = arith.addi %mul3A_97, %add3A_168 : i32
        %mul3A_170 = arith.constant 256 : i32
        %mul3A_171 = arith.muli %add3A, %mul3A_170 : i32
        %mul3A_172 = arith.constant 8 : i32
        %mul3A_173 = arith.muli %add3A_169, %mul3A_172 : i32
        %add3A_174 = arith.addi %mul3A_171, %mul3A_173 : i32
        %mul3A_175 = arith.constant 2 : i32
        %mul3A_176 = arith.muli %mul3A_175, %add3A_16 : i32
        %dma_start3A_177 = arith.constant 0 : i32
        %dma_start3A_178 = tpu.memref_slice %arg6[%mul3A_176, %add3A_174, %dma_start3A_177] : memref<32x8192x128xf32, #tpu.memory_space<hbm>> -> memref<1x8x128xf32, #tpu.memory_space<hbm>>
        %dma_start3A_179 = tpu.memref_squeeze %dma_start3A_178 : memref<1x8x128xf32, #tpu.memory_space<hbm>> -> memref<8x128xf32, #tpu.memory_space<hbm>>
        %dma_start3A_180 = arith.constant 0 : i32
        %dma_start3A_181 = tpu.memref_slice %arg6[%mul3A_176, %add3A_174, %dma_start3A_180] : memref<32x8192x128xf32, #tpu.memory_space<hbm>> -> memref<1x8x128xf32, #tpu.memory_space<hbm>>
        %dma_start3A_182 = tpu.memref_squeeze %dma_start3A_181 : memref<1x8x128xf32, #tpu.memory_space<hbm>> -> memref<8x128xf32, #tpu.memory_space<hbm>>
        tpu.enqueue_dma source(%arg19 : memref<8x128xf32, #tpu.memory_space<vmem>>) target(%dma_start3A_182 : memref<8x128xf32, #tpu.memory_space<hbm>>) target_semaphore(%arg26 : memref<!tpu.dma_semaphore, #tpu.memory_space<semaphore_mem>>)
        %mul3A_183 = arith.constant 2 : i32
        %mul3A_184 = arith.muli %mul3A_183, %add3A_16 : i32
        %add3A_185 = arith.constant 1 : i32
        %add3A_186 = arith.addi %mul3A_184, %add3A_185 : i32
        %dma_start3A_187 = arith.constant 0 : i32
        %dma_start3A_188 = tpu.memref_slice %arg6[%add3A_186, %add3A_174, %dma_start3A_187] : memref<32x8192x128xf32, #tpu.memory_space<hbm>> -> memref<1x8x128xf32, #tpu.memory_space<hbm>>
        %dma_start3A_189 = tpu.memref_squeeze %dma_start3A_188 : memref<1x8x128xf32, #tpu.memory_space<hbm>> -> memref<8x128xf32, #tpu.memory_space<hbm>>
        %dma_start3A_190 = arith.constant 0 : i32
        %dma_start3A_191 = tpu.memref_slice %arg6[%add3A_186, %add3A_174, %dma_start3A_190] : memref<32x8192x128xf32, #tpu.memory_space<hbm>> -> memref<1x8x128xf32, #tpu.memory_space<hbm>>
        %dma_start3A_192 = tpu.memref_squeeze %dma_start3A_191 : memref<1x8x128xf32, #tpu.memory_space<hbm>> -> memref<8x128xf32, #tpu.memory_space<hbm>>
        tpu.enqueue_dma source(%arg20 : memref<8x128xf32, #tpu.memory_space<vmem>>) target(%dma_start3A_192 : memref<8x128xf32, #tpu.memory_space<hbm>>) target_semaphore(%arg26 : memref<!tpu.dma_semaphore, #tpu.memory_space<semaphore_mem>>)
      }
      %scan3A_54 = arith.constant 16 : i32
      %dma_wait3A = arith.constant 0 : i32
      %dma_wait3A_55 = arith.constant 0 : i32
      %dma_wait3A_56 = arith.constant 0 : i32
      %dma_wait3A_57 = tpu.memref_slice %arg6[%dma_wait3A, %dma_wait3A_55, %dma_wait3A_56] : memref<32x8192x128xf32, #tpu.memory_space<hbm>> -> memref<1x8x128xf32, #tpu.memory_space<hbm>>
      %dma_wait3A_58 = tpu.memref_squeeze %dma_wait3A_57 : memref<1x8x128xf32, #tpu.memory_space<hbm>> -> memref<8x128xf32, #tpu.memory_space<hbm>>
      %dma_wait3A_59 = arith.constant 0 : i32
      %dma_wait3A_60 = arith.constant 0 : i32
      %dma_wait3A_61 = tpu.memref_slice %arg6[%dma_wait3A, %dma_wait3A_59, %dma_wait3A_60] : memref<32x8192x128xf32, #tpu.memory_space<hbm>> -> memref<1x8x128xf32, #tpu.memory_space<hbm>>
      %dma_wait3A_62 = tpu.memref_squeeze %dma_wait3A_61 : memref<1x8x128xf32, #tpu.memory_space<hbm>> -> memref<8x128xf32, #tpu.memory_space<hbm>>
      tpu.wait_dma2 semaphore(%arg25 : memref<!tpu.dma_semaphore, #tpu.memory_space<semaphore_mem>>) src(%arg17 : memref<8x128xf32, #tpu.memory_space<vmem>>) dst(%dma_wait3A_62 : memref<8x128xf32, #tpu.memory_space<hbm>>)
      %dma_wait3A_63 = arith.constant 0 : i32
      %dma_wait3A_64 = arith.constant 0 : i32
      %dma_wait3A_65 = arith.constant 0 : i32
      %dma_wait3A_66 = tpu.memref_slice %arg6[%dma_wait3A_63, %dma_wait3A_64, %dma_wait3A_65] : memref<32x8192x128xf32, #tpu.memory_space<hbm>> -> memref<1x8x128xf32, #tpu.memory_space<hbm>>
      %dma_wait3A_67 = tpu.memref_squeeze %dma_wait3A_66 : memref<1x8x128xf32, #tpu.memory_space<hbm>> -> memref<8x128xf32, #tpu.memory_space<hbm>>
      %dma_wait3A_68 = arith.constant 0 : i32
      %dma_wait3A_69 = arith.constant 0 : i32
      %dma_wait3A_70 = tpu.memref_slice %arg6[%dma_wait3A_63, %dma_wait3A_68, %dma_wait3A_69] : memref<32x8192x128xf32, #tpu.memory_space<hbm>> -> memref<1x8x128xf32, #tpu.memory_space<hbm>>
      %dma_wait3A_71 = tpu.memref_squeeze %dma_wait3A_70 : memref<1x8x128xf32, #tpu.memory_space<hbm>> -> memref<8x128xf32, #tpu.memory_space<hbm>>
      tpu.wait_dma2 semaphore(%arg25 : memref<!tpu.dma_semaphore, #tpu.memory_space<semaphore_mem>>) src(%arg18 : memref<8x128xf32, #tpu.memory_space<vmem>>) dst(%dma_wait3A_71 : memref<8x128xf32, #tpu.memory_space<hbm>>)
      %dma_wait3A_72 = arith.constant 0 : i32
      %dma_wait3A_73 = arith.constant 0 : i32
      %dma_wait3A_74 = arith.constant 0 : i32
      %dma_wait3A_75 = tpu.memref_slice %arg6[%dma_wait3A_72, %dma_wait3A_73, %dma_wait3A_74] : memref<32x8192x128xf32, #tpu.memory_space<hbm>> -> memref<1x8x128xf32, #tpu.memory_space<hbm>>
      %dma_wait3A_76 = tpu.memref_squeeze %dma_wait3A_75 : memref<1x8x128xf32, #tpu.memory_space<hbm>> -> memref<8x128xf32, #tpu.memory_space<hbm>>
      %dma_wait3A_77 = arith.constant 0 : i32
      %dma_wait3A_78 = arith.constant 0 : i32
      %dma_wait3A_79 = tpu.memref_slice %arg6[%dma_wait3A_72, %dma_wait3A_77, %dma_wait3A_78] : memref<32x8192x128xf32, #tpu.memory_space<hbm>> -> memref<1x8x128xf32, #tpu.memory_space<hbm>>
      %dma_wait3A_80 = tpu.memref_squeeze %dma_wait3A_79 : memref<1x8x128xf32, #tpu.memory_space<hbm>> -> memref<8x128xf32, #tpu.memory_space<hbm>>
      tpu.wait_dma2 semaphore(%arg26 : memref<!tpu.dma_semaphore, #tpu.memory_space<semaphore_mem>>) src(%arg19 : memref<8x128xf32, #tpu.memory_space<vmem>>) dst(%dma_wait3A_80 : memref<8x128xf32, #tpu.memory_space<hbm>>)
      %dma_wait3A_81 = arith.constant 0 : i32
      %dma_wait3A_82 = arith.constant 0 : i32
      %dma_wait3A_83 = arith.constant 0 : i32
      %dma_wait3A_84 = tpu.memref_slice %arg6[%dma_wait3A_81, %dma_wait3A_82, %dma_wait3A_83] : memref<32x8192x128xf32, #tpu.memory_space<hbm>> -> memref<1x8x128xf32, #tpu.memory_space<hbm>>
      %dma_wait3A_85 = tpu.memref_squeeze %dma_wait3A_84 : memref<1x8x128xf32, #tpu.memory_space<hbm>> -> memref<8x128xf32, #tpu.memory_space<hbm>>
      %dma_wait3A_86 = arith.constant 0 : i32
      %dma_wait3A_87 = arith.constant 0 : i32
      %dma_wait3A_88 = tpu.memref_slice %arg6[%dma_wait3A_81, %dma_wait3A_86, %dma_wait3A_87] : memref<32x8192x128xf32, #tpu.memory_space<hbm>> -> memref<1x8x128xf32, #tpu.memory_space<hbm>>
      %dma_wait3A_89 = tpu.memref_squeeze %dma_wait3A_88 : memref<1x8x128xf32, #tpu.memory_space<hbm>> -> memref<8x128xf32, #tpu.memory_space<hbm>>
      tpu.wait_dma2 semaphore(%arg26 : memref<!tpu.dma_semaphore, #tpu.memory_space<semaphore_mem>>) src(%arg20 : memref<8x128xf32, #tpu.memory_space<vmem>>) dst(%dma_wait3A_89 : memref<8x128xf32, #tpu.memory_space<hbm>>)
      %barrier3A_90 = arith.constant 0 : index
      tpu.barrier barrier_id(%barrier3A_90)
    }
    %scan3A_6 = arith.constant 7 : i32
    %scan3A_7 = arith.constant 0 : i32
    %scan3A_8 = arith.constant 9 : i32
    %scan3A_9 = arith.addi %scan3A_7, %scan3A_8 : i32
    %scan3A_10 = arith.constant 1 : i32
    scf.for %scan3A_12 = %scan3A_7 to %scan3A_9 step %scan3A_10  : i32 {
      %mul3A_13 = arith.constant 1 : i32
      %mul3A_14 = arith.muli %scan3A_12, %mul3A_13 : i32
      %add3A_15 = arith.constant 7 : i32
      %add3A_16 = arith.addi %add3A_15, %mul3A_14 : i32
      %broadcast_in_dim3A = arith.constant 0 : i32
      %broadcast_in_dim3A_17 = vector.broadcast %broadcast_in_dim3A : i32 to vector<16xi32>
      %add3A_18 = vector.broadcast %add3A_16 : i32 to vector<16xi32>
      %add3A_19 = arith.addi %broadcast_in_dim3A_17, %add3A_18 : vector<16xi32>
      %gather3A = tpu.vector_load_idx %arg21[%add3A_19] : memref<16xf32, #tpu.memory_space<vmem>>[vector<16xi32>], vector<16xf32>,
      %mul3A_20 = arith.constant 2 : i32
      %mul3A_21 = vector.broadcast %mul3A_20 : i32 to vector<16xi32>
      %mul3A_22 = arith.muli %mul3A_21, %add3A_19 : vector<16xi32>
      %gather3A_23 = tpu.vector_load_idx %arg22[%mul3A_22] : memref<32xi32, #tpu.memory_space<vmem>>[vector<16xi32>], vector<16xi32>,
      %mul3A_24 = arith.constant 2 : i32
      %mul3A_25 = vector.broadcast %mul3A_24 : i32 to vector<16xi32>
      %mul3A_26 = arith.muli %mul3A_25, %add3A_19 : vector<16xi32>
      %add3A_27 = arith.constant 1 : i32
      %add3A_28 = vector.broadcast %add3A_27 : i32 to vector<16xi32>
      %add3A_29 = arith.addi %mul3A_26, %add3A_28 : vector<16xi32>
      %gather3A_30 = tpu.vector_load_idx %arg22[%add3A_29] : memref<32xi32, #tpu.memory_space<vmem>>[vector<16xi32>], vector<16xi32>,
      %mul3A_31 = arith.constant 524288 : i32
      %mul3A_32 = arith.muli %add3A_16, %mul3A_31 : i32
      %mul3A_33 = arith.constant 32768 : i32
      %mul3A_34 = arith.muli %arg1, %mul3A_33 : i32
      %add3A_35 = arith.addi %mul3A_32, %mul3A_34 : i32
      %mul3A_36 = arith.constant 32768 : i32
      %mul3A_37 = arith.muli %arg1, %mul3A_36 : i32
      "tpu.region"() ({
        %run_scoped3A_91 = tpu.sem_alloc : memref<!tpu.dma_semaphore, #tpu.memory_space<semaphore_mem>>
        %dma_start3A_92 = tpu.memref_slice %arg7[%mul3A_37] : memref<524288xi32, #tpu.memory_space<vmem_shared>> -> memref<32768xi32, #tpu.memory_space<vmem_shared>>
        %dma_start3A_93 = tpu.memref_slice %arg3[%add3A_35] : memref<8388608xi32, #tpu.memory_space<hbm>> -> memref<32768xi32, #tpu.memory_space<hbm>>
        tpu.enqueue_dma source(%dma_start3A_93 : memref<32768xi32, #tpu.memory_space<hbm>>) target(%dma_start3A_92 : memref<32768xi32, #tpu.memory_space<vmem_shared>>) target_semaphore(%run_scoped3A_91 : memref<!tpu.dma_semaphore, #tpu.memory_space<semaphore_mem>>)
        %dma_wait3A_94 = tpu.memref_slice %arg7[%mul3A_37] : memref<524288xi32, #tpu.memory_space<vmem_shared>> -> memref<32768xi32, #tpu.memory_space<vmem_shared>>
        %dma_wait3A_95 = tpu.memref_slice %arg3[%add3A_35] : memref<8388608xi32, #tpu.memory_space<hbm>> -> memref<32768xi32, #tpu.memory_space<hbm>>
        tpu.wait_dma2 semaphore(%run_scoped3A_91 : memref<!tpu.dma_semaphore, #tpu.memory_space<semaphore_mem>>) src(%dma_wait3A_95 : memref<32768xi32, #tpu.memory_space<hbm>>) dst(%dma_wait3A_94 : memref<32768xi32, #tpu.memory_space<vmem_shared>>)
        tpu.yield
      }) : () -> ()
      %barrier3A = arith.constant 0 : index
      tpu.barrier barrier_id(%barrier3A)
      %mul3A_38 = arith.constant 256 : i32
      %mul3A_39 = arith.muli %add3A, %mul3A_38 : i32
      %add3A_40 = arith.constant 0 : i32
      %add3A_41 = arith.addi %mul3A_39, %add3A_40 : i32
      %run_scoped3A = arith.constant 0 : i32
      "tpu.region"() ({
        %run_scoped3A_91 = tpu.sem_alloc : memref<!tpu.dma_semaphore, #tpu.memory_space<semaphore_mem>>
        %dma_start3A_92 = arith.constant 0 : i32
        %dma_start3A_93 = tpu.memref_slice %arg2[%run_scoped3A, %add3A_41, %dma_start3A_92] : memref<3x8192x128xf32, #tpu.memory_space<hbm>> -> memref<1x8x128xf32, #tpu.memory_space<hbm>>
        %dma_start3A_94 = tpu.memref_squeeze %dma_start3A_93 : memref<1x8x128xf32, #tpu.memory_space<hbm>> -> memref<8x128xf32, #tpu.memory_space<hbm>>
        %dma_start3A_95 = arith.constant 0 : i32
        %dma_start3A_96 = tpu.memref_slice %arg2[%run_scoped3A, %add3A_41, %dma_start3A_95] : memref<3x8192x128xf32, #tpu.memory_space<hbm>> -> memref<1x8x128xf32, #tpu.memory_space<hbm>>
        %dma_start3A_97 = tpu.memref_squeeze %dma_start3A_96 : memref<1x8x128xf32, #tpu.memory_space<hbm>> -> memref<8x128xf32, #tpu.memory_space<hbm>>
        tpu.enqueue_dma source(%dma_start3A_97 : memref<8x128xf32, #tpu.memory_space<hbm>>) target(%arg8 : memref<8x128xf32, #tpu.memory_space<vmem>>) target_semaphore(%run_scoped3A_91 : memref<!tpu.dma_semaphore, #tpu.memory_space<semaphore_mem>>)
        %dma_wait3A_98 = arith.constant 0 : i32
        %dma_wait3A_99 = tpu.memref_slice %arg2[%run_scoped3A, %add3A_41, %dma_wait3A_98] : memref<3x8192x128xf32, #tpu.memory_space<hbm>> -> memref<1x8x128xf32, #tpu.memory_space<hbm>>
        %dma_wait3A_100 = tpu.memref_squeeze %dma_wait3A_99 : memref<1x8x128xf32, #tpu.memory_space<hbm>> -> memref<8x128xf32, #tpu.memory_space<hbm>>
        %dma_wait3A_101 = arith.constant 0 : i32
        %dma_wait3A_102 = tpu.memref_slice %arg2[%run_scoped3A, %add3A_41, %dma_wait3A_101] : memref<3x8192x128xf32, #tpu.memory_space<hbm>> -> memref<1x8x128xf32, #tpu.memory_space<hbm>>
        %dma_wait3A_103 = tpu.memref_squeeze %dma_wait3A_102 : memref<1x8x128xf32, #tpu.memory_space<hbm>> -> memref<8x128xf32, #tpu.memory_space<hbm>>
        tpu.wait_dma2 semaphore(%run_scoped3A_91 : memref<!tpu.dma_semaphore, #tpu.memory_space<semaphore_mem>>) src(%dma_wait3A_103 : memref<8x128xf32, #tpu.memory_space<hbm>>) dst(%arg8 : memref<8x128xf32, #tpu.memory_space<vmem>>)
        tpu.yield
      }) : () -> ()
      %run_scoped3A_42 = arith.constant 1 : i32
      "tpu.region"() ({
        %run_scoped3A_91 = tpu.sem_alloc : memref<!tpu.dma_semaphore, #tpu.memory_space<semaphore_mem>>
        %dma_start3A_92 = arith.constant 0 : i32
        %dma_start3A_93 = tpu.memref_slice %arg2[%run_scoped3A_42, %add3A_41, %dma_start3A_92] : memref<3x8192x128xf32, #tpu.memory_space<hbm>> -> memref<1x8x128xf32, #tpu.memory_space<hbm>>
        %dma_start3A_94 = tpu.memref_squeeze %dma_start3A_93 : memref<1x8x128xf32, #tpu.memory_space<hbm>> -> memref<8x128xf32, #tpu.memory_space<hbm>>
        %dma_start3A_95 = arith.constant 0 : i32
        %dma_start3A_96 = tpu.memref_slice %arg2[%run_scoped3A_42, %add3A_41, %dma_start3A_95] : memref<3x8192x128xf32, #tpu.memory_space<hbm>> -> memref<1x8x128xf32, #tpu.memory_space<hbm>>
        %dma_start3A_97 = tpu.memref_squeeze %dma_start3A_96 : memref<1x8x128xf32, #tpu.memory_space<hbm>> -> memref<8x128xf32, #tpu.memory_space<hbm>>
        tpu.enqueue_dma source(%dma_start3A_97 : memref<8x128xf32, #tpu.memory_space<hbm>>) target(%arg9 : memref<8x128xf32, #tpu.memory_space<vmem>>) target_semaphore(%run_scoped3A_91 : memref<!tpu.dma_semaphore, #tpu.memory_space<semaphore_mem>>)
        %dma_wait3A_98 = arith.constant 0 : i32
        %dma_wait3A_99 = tpu.memref_slice %arg2[%run_scoped3A_42, %add3A_41, %dma_wait3A_98] : memref<3x8192x128xf32, #tpu.memory_space<hbm>> -> memref<1x8x128xf32, #tpu.memory_space<hbm>>
        %dma_wait3A_100 = tpu.memref_squeeze %dma_wait3A_99 : memref<1x8x128xf32, #tpu.memory_space<hbm>> -> memref<8x128xf32, #tpu.memory_space<hbm>>
        %dma_wait3A_101 = arith.constant 0 : i32
        %dma_wait3A_102 = tpu.memref_slice %arg2[%run_scoped3A_42, %add3A_41, %dma_wait3A_101] : memref<3x8192x128xf32, #tpu.memory_space<hbm>> -> memref<1x8x128xf32, #tpu.memory_space<hbm>>
        %dma_wait3A_103 = tpu.memref_squeeze %dma_wait3A_102 : memref<1x8x128xf32, #tpu.memory_space<hbm>> -> memref<8x128xf32, #tpu.memory_space<hbm>>
        tpu.wait_dma2 semaphore(%run_scoped3A_91 : memref<!tpu.dma_semaphore, #tpu.memory_space<semaphore_mem>>) src(%dma_wait3A_103 : memref<8x128xf32, #tpu.memory_space<hbm>>) dst(%arg9 : memref<8x128xf32, #tpu.memory_space<vmem>>)
        tpu.yield
      }) : () -> ()
      %run_scoped3A_43 = arith.constant 2 : i32
      "tpu.region"() ({
        %run_scoped3A_91 = tpu.sem_alloc : memref<!tpu.dma_semaphore, #tpu.memory_space<semaphore_mem>>
        %dma_start3A_92 = arith.constant 0 : i32
        %dma_start3A_93 = tpu.memref_slice %arg2[%run_scoped3A_43, %add3A_41, %dma_start3A_92] : memref<3x8192x128xf32, #tpu.memory_space<hbm>> -> memref<1x8x128xf32, #tpu.memory_space<hbm>>
        %dma_start3A_94 = tpu.memref_squeeze %dma_start3A_93 : memref<1x8x128xf32, #tpu.memory_space<hbm>> -> memref<8x128xf32, #tpu.memory_space<hbm>>
        %dma_start3A_95 = arith.constant 0 : i32
        %dma_start3A_96 = tpu.memref_slice %arg2[%run_scoped3A_43, %add3A_41, %dma_start3A_95] : memref<3x8192x128xf32, #tpu.memory_space<hbm>> -> memref<1x8x128xf32, #tpu.memory_space<hbm>>
        %dma_start3A_97 = tpu.memref_squeeze %dma_start3A_96 : memref<1x8x128xf32, #tpu.memory_space<hbm>> -> memref<8x128xf32, #tpu.memory_space<hbm>>
        tpu.enqueue_dma source(%dma_start3A_97 : memref<8x128xf32, #tpu.memory_space<hbm>>) target(%arg10 : memref<8x128xf32, #tpu.memory_space<vmem>>) target_semaphore(%run_scoped3A_91 : memref<!tpu.dma_semaphore, #tpu.memory_space<semaphore_mem>>)
        %dma_wait3A_98 = arith.constant 0 : i32
        %dma_wait3A_99 = tpu.memref_slice %arg2[%run_scoped3A_43, %add3A_41, %dma_wait3A_98] : memref<3x8192x128xf32, #tpu.memory_space<hbm>> -> memref<1x8x128xf32, #tpu.memory_space<hbm>>
        %dma_wait3A_100 = tpu.memref_squeeze %dma_wait3A_99 : memref<1x8x128xf32, #tpu.memory_space<hbm>> -> memref<8x128xf32, #tpu.memory_space<hbm>>
        %dma_wait3A_101 = arith.constant 0 : i32
        %dma_wait3A_102 = tpu.memref_slice %arg2[%run_scoped3A_43, %add3A_41, %dma_wait3A_101] : memref<3x8192x128xf32, #tpu.memory_space<hbm>> -> memref<1x8x128xf32, #tpu.memory_space<hbm>>
        %dma_wait3A_103 = tpu.memref_squeeze %dma_wait3A_102 : memref<1x8x128xf32, #tpu.memory_space<hbm>> -> memref<8x128xf32, #tpu.memory_space<hbm>>
        tpu.wait_dma2 semaphore(%run_scoped3A_91 : memref<!tpu.dma_semaphore, #tpu.memory_space<semaphore_mem>>) src(%dma_wait3A_103 : memref<8x128xf32, #tpu.memory_space<hbm>>) dst(%arg10 : memref<8x128xf32, #tpu.memory_space<vmem>>)
        tpu.yield
      }) : () -> ()
      %scan3A_44 = arith.constant 0 : i32
      %scan3A_45 = arith.constant 8 : i32
      %scan3A_46 = arith.addi %scan3A_44, %scan3A_45 : i32
      %scan3A_47 = arith.constant 1 : i32
      scf.for %scan3A_91 = %scan3A_44 to %scan3A_46 step %scan3A_47  : i32 {
        %mul3A_92 = arith.constant 1 : i32
        %mul3A_93 = arith.muli %scan3A_91, %mul3A_92 : i32
        %add3A_94 = arith.constant 0 : i32
        %add3A_95 = arith.addi %add3A_94, %mul3A_93 : i32
        %scan3A_96 = arith.constant 0 : i32
        %scan3A_97 = arith.constant 8 : i32
        %scan3A_98 = arith.addi %scan3A_96, %scan3A_97 : i32
        %scan3A_99 = arith.constant 1 : i32
        scf.for %scan3A_101 = %scan3A_96 to %scan3A_98 step %scan3A_99  : i32 {
          %mul3A_102 = arith.constant 1 : i32
          %mul3A_103 = arith.muli %scan3A_101, %mul3A_102 : i32
          %add3A_104 = arith.constant 0 : i32
          %add3A_105 = arith.addi %add3A_104, %mul3A_103 : i32
          %mul3A_106 = arith.constant 128 : i32
          %mul3A_107 = arith.muli %add3A_95, %mul3A_106 : i32
          %mul3A_108 = arith.constant 16 : i32
          %mul3A_109 = arith.muli %add3A_105, %mul3A_108 : i32
          %add3A_110 = arith.addi %mul3A_107, %mul3A_109 : i32
          %mul3A_111 = arith.constant 16 : i32
          %mul3A_112 = arith.muli %add3A_105, %mul3A_111 : i32
          %get3A = arith.index_cast %add3A_95 : i32 to index
          %get3A_113 = arith.index_cast %mul3A_112 : i32 to index
          %get3A_114 = tpu.vector_load %arg8[%get3A, %get3A_113] {strides = array<i32>} : memref<8x128xf32, #tpu.memory_space<vmem>>, vector<16xf32>,
          %mul3A_115 = arith.constant 16 : i32
          %mul3A_116 = arith.muli %add3A_105, %mul3A_115 : i32
          %get3A_117 = arith.index_cast %add3A_95 : i32 to index
          %get3A_118 = arith.index_cast %mul3A_116 : i32 to index
          %get3A_119 = tpu.vector_load %arg9[%get3A_117, %get3A_118] {strides = array<i32>} : memref<8x128xf32, #tpu.memory_space<vmem>>, vector<16xf32>,
          %mul3A_120 = arith.constant 16 : i32
          %mul3A_121 = arith.muli %add3A_105, %mul3A_120 : i32
          %get3A_122 = arith.index_cast %add3A_95 : i32 to index
          %get3A_123 = arith.index_cast %mul3A_121 : i32 to index
          %get3A_124 = tpu.vector_load %arg10[%get3A_122, %get3A_123] {strides = array<i32>} : memref<8x128xf32, #tpu.memory_space<vmem>>, vector<16xf32>,
          %mul3A_125 = arith.mulf %get3A_114, %gather3A : vector<16xf32>
          %convert_element_type3A = arith.fptosi %mul3A_125 : vector<16xf32> to vector<16xi32>
          %convert_element_type3A_126 = arith.sitofp %convert_element_type3A : vector<16xi32> to vector<16xf32>
          %sub3A = arith.subf %mul3A_125, %convert_element_type3A_126 : vector<16xf32>
          %mul3A_127 = arith.mulf %sub3A, %sub3A : vector<16xf32>
          %mul3A_128 = arith.constant 2.000000e+00 : f32
          %mul3A_129 = vector.broadcast %mul3A_128 : f32 to vector<16xf32>
          %mul3A_130 = arith.mulf %mul3A_129, %sub3A : vector<16xf32>
          %sub3A_131 = arith.constant 3.000000e+00 : f32
          %sub3A_132 = vector.broadcast %sub3A_131 : f32 to vector<16xf32>
          %sub3A_133 = arith.subf %sub3A_132, %mul3A_130 : vector<16xf32>
          %mul3A_134 = arith.mulf %mul3A_127, %sub3A_133 : vector<16xf32>
          %sub3A_135 = arith.constant 1.000000e+00 : f32
          %sub3A_136 = vector.broadcast %sub3A_135 : f32 to vector<16xf32>
          %sub3A_137 = arith.subf %sub3A_136, %mul3A_134 : vector<16xf32>
          %mul3A_138 = arith.mulf %get3A_119, %gather3A : vector<16xf32>
          %convert_element_type3A_139 = arith.fptosi %mul3A_138 : vector<16xf32> to vector<16xi32>
          %convert_element_type3A_140 = arith.sitofp %convert_element_type3A_139 : vector<16xi32> to vector<16xf32>
          %sub3A_141 = arith.subf %mul3A_138, %convert_element_type3A_140 : vector<16xf32>
          %mul3A_142 = arith.mulf %sub3A_141, %sub3A_141 : vector<16xf32>
          %mul3A_143 = arith.constant 2.000000e+00 : f32
          %mul3A_144 = vector.broadcast %mul3A_143 : f32 to vector<16xf32>
          %mul3A_145 = arith.mulf %mul3A_144, %sub3A_141 : vector<16xf32>
          %sub3A_146 = arith.constant 3.000000e+00 : f32
          %sub3A_147 = vector.broadcast %sub3A_146 : f32 to vector<16xf32>
          %sub3A_148 = arith.subf %sub3A_147, %mul3A_145 : vector<16xf32>
          %mul3A_149 = arith.mulf %mul3A_142, %sub3A_148 : vector<16xf32>
          %sub3A_150 = arith.constant 1.000000e+00 : f32
          %sub3A_151 = vector.broadcast %sub3A_150 : f32 to vector<16xf32>
          %sub3A_152 = arith.subf %sub3A_151, %mul3A_149 : vector<16xf32>
          %mul3A_153 = arith.mulf %get3A_124, %gather3A : vector<16xf32>
          %convert_element_type3A_154 = arith.fptosi %mul3A_153 : vector<16xf32> to vector<16xi32>
          %convert_element_type3A_155 = arith.sitofp %convert_element_type3A_154 : vector<16xi32> to vector<16xf32>
          %sub3A_156 = arith.subf %mul3A_153, %convert_element_type3A_155 : vector<16xf32>
          %mul3A_157 = arith.mulf %sub3A_156, %sub3A_156 : vector<16xf32>
          %mul3A_158 = arith.constant 2.000000e+00 : f32
          %mul3A_159 = vector.broadcast %mul3A_158 : f32 to vector<16xf32>
          %mul3A_160 = arith.mulf %mul3A_159, %sub3A_156 : vector<16xf32>
          %sub3A_161 = arith.constant 3.000000e+00 : f32
          %sub3A_162 = vector.broadcast %sub3A_161 : f32 to vector<16xf32>
          %sub3A_163 = arith.subf %sub3A_162, %mul3A_160 : vector<16xf32>
          %mul3A_164 = arith.mulf %mul3A_157, %sub3A_163 : vector<16xf32>
          %sub3A_165 = arith.constant 1.000000e+00 : f32
          %sub3A_166 = vector.broadcast %sub3A_165 : f32 to vector<16xf32>
          %sub3A_167 = arith.subf %sub3A_166, %mul3A_164 : vector<16xf32>
          %mul3A_168 = arith.constant -1640531535 : i32
          %mul3A_169 = vector.broadcast %mul3A_168 : i32 to vector<16xi32>
          %mul3A_170 = arith.muli %convert_element_type3A_139, %mul3A_169 : vector<16xi32>
          %xor3A = arith.xori %convert_element_type3A, %mul3A_170 : vector<16xi32>
          %mul3A_171 = arith.constant 805459861 : i32
          %mul3A_172 = vector.broadcast %mul3A_171 : i32 to vector<16xi32>
          %mul3A_173 = arith.muli %convert_element_type3A_154, %mul3A_172 : vector<16xi32>
          %xor3A_174 = arith.xori %xor3A, %mul3A_173 : vector<16xi32>
          %and3A = arith.constant 524287 : i32
          %and3A_175 = vector.broadcast %and3A : i32 to vector<16xi32>
          %and3A_176 = arith.andi %xor3A_174, %and3A_175 : vector<16xi32>
          %mul3A_177 = arith.mulf %sub3A_137, %sub3A_152 : vector<16xf32>
          %mul3A_178 = arith.mulf %mul3A_177, %sub3A_167 : vector<16xf32>
          %add3A_179 = arith.constant 0 : i32
          %add3A_180 = arith.addi %add3A_179, %add3A_110 : i32
          %swap3A = arith.index_cast %add3A_180 : i32 to index
          %swap3A_181 = tpu.vector_load %arg11[%swap3A] {strides = array<i32>} : memref<8192xi32, #tpu.memory_space<vmem>>, vector<16xi32>,
          tpu.vector_store %arg11[%swap3A], %and3A_176 {strides = array<i32>} : memref<8192xi32, #tpu.memory_space<vmem>>, vector<16xi32>,
          %add3A_182 = arith.constant 0 : i32
          %add3A_183 = arith.addi %add3A_182, %add3A_110 : i32
          %swap3A_184 = arith.index_cast %add3A_183 : i32 to index
          %swap3A_185 = tpu.vector_load %arg13[%swap3A_184] {strides = array<i32>} : memref<8192xf32, #tpu.memory_space<vmem>>, vector<16xf32>,
          tpu.vector_store %arg13[%swap3A_184], %mul3A_178 {strides = array<i32>} : memref<8192xf32, #tpu.memory_space<vmem>>, vector<16xf32>,
          %add3A_186 = arith.constant 1 : i32
          %add3A_187 = vector.broadcast %add3A_186 : i32 to vector<16xi32>
          %add3A_188 = arith.addi %convert_element_type3A, %add3A_187 : vector<16xi32>
          %mul3A_189 = arith.constant -1640531535 : i32
          %mul3A_190 = vector.broadcast %mul3A_189 : i32 to vector<16xi32>
          %mul3A_191 = arith.muli %convert_element_type3A_139, %mul3A_190 : vector<16xi32>
          %xor3A_192 = arith.xori %add3A_188, %mul3A_191 : vector<16xi32>
          %mul3A_193 = arith.constant 805459861 : i32
          %mul3A_194 = vector.broadcast %mul3A_193 : i32 to vector<16xi32>
          %mul3A_195 = arith.muli %convert_element_type3A_154, %mul3A_194 : vector<16xi32>
          %xor3A_196 = arith.xori %xor3A_192, %mul3A_195 : vector<16xi32>
          %and3A_197 = arith.constant 524287 : i32
          %and3A_198 = vector.broadcast %and3A_197 : i32 to vector<16xi32>
          %and3A_199 = arith.andi %xor3A_196, %and3A_198 : vector<16xi32>
          %mul3A_200 = arith.mulf %mul3A_134, %sub3A_152 : vector<16xf32>
          %mul3A_201 = arith.mulf %mul3A_200, %sub3A_167 : vector<16xf32>
          %add3A_202 = arith.constant 1024 : i32
          %add3A_203 = arith.addi %add3A_202, %add3A_110 : i32
          %swap3A_204 = arith.index_cast %add3A_203 : i32 to index
          %swap3A_205 = tpu.vector_load %arg11[%swap3A_204] {strides = array<i32>} : memref<8192xi32, #tpu.memory_space<vmem>>, vector<16xi32>,
          tpu.vector_store %arg11[%swap3A_204], %and3A_199 {strides = array<i32>} : memref<8192xi32, #tpu.memory_space<vmem>>, vector<16xi32>,
          %add3A_206 = arith.constant 1024 : i32
          %add3A_207 = arith.addi %add3A_206, %add3A_110 : i32
          %swap3A_208 = arith.index_cast %add3A_207 : i32 to index
          %swap3A_209 = tpu.vector_load %arg13[%swap3A_208] {strides = array<i32>} : memref<8192xf32, #tpu.memory_space<vmem>>, vector<16xf32>,
          tpu.vector_store %arg13[%swap3A_208], %mul3A_201 {strides = array<i32>} : memref<8192xf32, #tpu.memory_space<vmem>>, vector<16xf32>,
          %add3A_210 = arith.constant 1 : i32
          %add3A_211 = vector.broadcast %add3A_210 : i32 to vector<16xi32>
          %add3A_212 = arith.addi %convert_element_type3A_139, %add3A_211 : vector<16xi32>
          %mul3A_213 = arith.constant -1640531535 : i32
          %mul3A_214 = vector.broadcast %mul3A_213 : i32 to vector<16xi32>
          %mul3A_215 = arith.muli %add3A_212, %mul3A_214 : vector<16xi32>
          %xor3A_216 = arith.xori %convert_element_type3A, %mul3A_215 : vector<16xi32>
          %mul3A_217 = arith.constant 805459861 : i32
          %mul3A_218 = vector.broadcast %mul3A_217 : i32 to vector<16xi32>
          %mul3A_219 = arith.muli %convert_element_type3A_154, %mul3A_218 : vector<16xi32>
          %xor3A_220 = arith.xori %xor3A_216, %mul3A_219 : vector<16xi32>
          %and3A_221 = arith.constant 524287 : i32
          %and3A_222 = vector.broadcast %and3A_221 : i32 to vector<16xi32>
          %and3A_223 = arith.andi %xor3A_220, %and3A_222 : vector<16xi32>
          %mul3A_224 = arith.mulf %sub3A_137, %mul3A_149 : vector<16xf32>
          %mul3A_225 = arith.mulf %mul3A_224, %sub3A_167 : vector<16xf32>
          %add3A_226 = arith.constant 2048 : i32
          %add3A_227 = arith.addi %add3A_226, %add3A_110 : i32
          %swap3A_228 = arith.index_cast %add3A_227 : i32 to index
          %swap3A_229 = tpu.vector_load %arg11[%swap3A_228] {strides = array<i32>} : memref<8192xi32, #tpu.memory_space<vmem>>, vector<16xi32>,
          tpu.vector_store %arg11[%swap3A_228], %and3A_223 {strides = array<i32>} : memref<8192xi32, #tpu.memory_space<vmem>>, vector<16xi32>,
          %add3A_230 = arith.constant 2048 : i32
          %add3A_231 = arith.addi %add3A_230, %add3A_110 : i32
          %swap3A_232 = arith.index_cast %add3A_231 : i32 to index
          %swap3A_233 = tpu.vector_load %arg13[%swap3A_232] {strides = array<i32>} : memref<8192xf32, #tpu.memory_space<vmem>>, vector<16xf32>,
          tpu.vector_store %arg13[%swap3A_232], %mul3A_225 {strides = array<i32>} : memref<8192xf32, #tpu.memory_space<vmem>>, vector<16xf32>,
          %add3A_234 = arith.constant 1 : i32
          %add3A_235 = vector.broadcast %add3A_234 : i32 to vector<16xi32>
          %add3A_236 = arith.addi %convert_element_type3A, %add3A_235 : vector<16xi32>
          %add3A_237 = arith.constant 1 : i32
          %add3A_238 = vector.broadcast %add3A_237 : i32 to vector<16xi32>
          %add3A_239 = arith.addi %convert_element_type3A_139, %add3A_238 : vector<16xi32>
          %mul3A_240 = arith.constant -1640531535 : i32
          %mul3A_241 = vector.broadcast %mul3A_240 : i32 to vector<16xi32>
          %mul3A_242 = arith.muli %add3A_239, %mul3A_241 : vector<16xi32>
          %xor3A_243 = arith.xori %add3A_236, %mul3A_242 : vector<16xi32>
          %mul3A_244 = arith.constant 805459861 : i32
          %mul3A_245 = vector.broadcast %mul3A_244 : i32 to vector<16xi32>
          %mul3A_246 = arith.muli %convert_element_type3A_154, %mul3A_245 : vector<16xi32>
          %xor3A_247 = arith.xori %xor3A_243, %mul3A_246 : vector<16xi32>
          %and3A_248 = arith.constant 524287 : i32
          %and3A_249 = vector.broadcast %and3A_248 : i32 to vector<16xi32>
          %and3A_250 = arith.andi %xor3A_247, %and3A_249 : vector<16xi32>
          %mul3A_251 = arith.mulf %mul3A_134, %mul3A_149 : vector<16xf32>
          %mul3A_252 = arith.mulf %mul3A_251, %sub3A_167 : vector<16xf32>
          %add3A_253 = arith.constant 3072 : i32
          %add3A_254 = arith.addi %add3A_253, %add3A_110 : i32
          %swap3A_255 = arith.index_cast %add3A_254 : i32 to index
          %swap3A_256 = tpu.vector_load %arg11[%swap3A_255] {strides = array<i32>} : memref<8192xi32, #tpu.memory_space<vmem>>, vector<16xi32>,
          tpu.vector_store %arg11[%swap3A_255], %and3A_250 {strides = array<i32>} : memref<8192xi32, #tpu.memory_space<vmem>>, vector<16xi32>,
          %add3A_257 = arith.constant 3072 : i32
          %add3A_258 = arith.addi %add3A_257, %add3A_110 : i32
          %swap3A_259 = arith.index_cast %add3A_258 : i32 to index
          %swap3A_260 = tpu.vector_load %arg13[%swap3A_259] {strides = array<i32>} : memref<8192xf32, #tpu.memory_space<vmem>>, vector<16xf32>,
          tpu.vector_store %arg13[%swap3A_259], %mul3A_252 {strides = array<i32>} : memref<8192xf32, #tpu.memory_space<vmem>>, vector<16xf32>,
          %add3A_261 = arith.constant 1 : i32
          %add3A_262 = vector.broadcast %add3A_261 : i32 to vector<16xi32>
          %add3A_263 = arith.addi %convert_element_type3A_154, %add3A_262 : vector<16xi32>
          %mul3A_264 = arith.constant -1640531535 : i32
          %mul3A_265 = vector.broadcast %mul3A_264 : i32 to vector<16xi32>
          %mul3A_266 = arith.muli %convert_element_type3A_139, %mul3A_265 : vector<16xi32>
          %xor3A_267 = arith.xori %convert_element_type3A, %mul3A_266 : vector<16xi32>
          %mul3A_268 = arith.constant 805459861 : i32
          %mul3A_269 = vector.broadcast %mul3A_268 : i32 to vector<16xi32>
          %mul3A_270 = arith.muli %add3A_263, %mul3A_269 : vector<16xi32>
          %xor3A_271 = arith.xori %xor3A_267, %mul3A_270 : vector<16xi32>
          %and3A_272 = arith.constant 524287 : i32
          %and3A_273 = vector.broadcast %and3A_272 : i32 to vector<16xi32>
          %and3A_274 = arith.andi %xor3A_271, %and3A_273 : vector<16xi32>
          %mul3A_275 = arith.mulf %sub3A_137, %sub3A_152 : vector<16xf32>
          %mul3A_276 = arith.mulf %mul3A_275, %mul3A_164 : vector<16xf32>
          %add3A_277 = arith.constant 4096 : i32
          %add3A_278 = arith.addi %add3A_277, %add3A_110 : i32
          %swap3A_279 = arith.index_cast %add3A_278 : i32 to index
          %swap3A_280 = tpu.vector_load %arg11[%swap3A_279] {strides = array<i32>} : memref<8192xi32, #tpu.memory_space<vmem>>, vector<16xi32>,
          tpu.vector_store %arg11[%swap3A_279], %and3A_274 {strides = array<i32>} : memref<8192xi32, #tpu.memory_space<vmem>>, vector<16xi32>,
          %add3A_281 = arith.constant 4096 : i32
          %add3A_282 = arith.addi %add3A_281, %add3A_110 : i32
          %swap3A_283 = arith.index_cast %add3A_282 : i32 to index
          %swap3A_284 = tpu.vector_load %arg13[%swap3A_283] {strides = array<i32>} : memref<8192xf32, #tpu.memory_space<vmem>>, vector<16xf32>,
          tpu.vector_store %arg13[%swap3A_283], %mul3A_276 {strides = array<i32>} : memref<8192xf32, #tpu.memory_space<vmem>>, vector<16xf32>,
          %add3A_285 = arith.constant 1 : i32
          %add3A_286 = vector.broadcast %add3A_285 : i32 to vector<16xi32>
          %add3A_287 = arith.addi %convert_element_type3A, %add3A_286 : vector<16xi32>
          %add3A_288 = arith.constant 1 : i32
          %add3A_289 = vector.broadcast %add3A_288 : i32 to vector<16xi32>
          %add3A_290 = arith.addi %convert_element_type3A_154, %add3A_289 : vector<16xi32>
          %mul3A_291 = arith.constant -1640531535 : i32
          %mul3A_292 = vector.broadcast %mul3A_291 : i32 to vector<16xi32>
          %mul3A_293 = arith.muli %convert_element_type3A_139, %mul3A_292 : vector<16xi32>
          %xor3A_294 = arith.xori %add3A_287, %mul3A_293 : vector<16xi32>
          %mul3A_295 = arith.constant 805459861 : i32
          %mul3A_296 = vector.broadcast %mul3A_295 : i32 to vector<16xi32>
          %mul3A_297 = arith.muli %add3A_290, %mul3A_296 : vector<16xi32>
          %xor3A_298 = arith.xori %xor3A_294, %mul3A_297 : vector<16xi32>
          %and3A_299 = arith.constant 524287 : i32
          %and3A_300 = vector.broadcast %and3A_299 : i32 to vector<16xi32>
          %and3A_301 = arith.andi %xor3A_298, %and3A_300 : vector<16xi32>
          %mul3A_302 = arith.mulf %mul3A_134, %sub3A_152 : vector<16xf32>
          %mul3A_303 = arith.mulf %mul3A_302, %mul3A_164 : vector<16xf32>
          %add3A_304 = arith.constant 5120 : i32
          %add3A_305 = arith.addi %add3A_304, %add3A_110 : i32
          %swap3A_306 = arith.index_cast %add3A_305 : i32 to index
          %swap3A_307 = tpu.vector_load %arg11[%swap3A_306] {strides = array<i32>} : memref<8192xi32, #tpu.memory_space<vmem>>, vector<16xi32>,
          tpu.vector_store %arg11[%swap3A_306], %and3A_301 {strides = array<i32>} : memref<8192xi32, #tpu.memory_space<vmem>>, vector<16xi32>,
          %add3A_308 = arith.constant 5120 : i32
          %add3A_309 = arith.addi %add3A_308, %add3A_110 : i32
          %swap3A_310 = arith.index_cast %add3A_309 : i32 to index
          %swap3A_311 = tpu.vector_load %arg13[%swap3A_310] {strides = array<i32>} : memref<8192xf32, #tpu.memory_space<vmem>>, vector<16xf32>,
          tpu.vector_store %arg13[%swap3A_310], %mul3A_303 {strides = array<i32>} : memref<8192xf32, #tpu.memory_space<vmem>>, vector<16xf32>,
          %add3A_312 = arith.constant 1 : i32
          %add3A_313 = vector.broadcast %add3A_312 : i32 to vector<16xi32>
          %add3A_314 = arith.addi %convert_element_type3A_139, %add3A_313 : vector<16xi32>
          %add3A_315 = arith.constant 1 : i32
          %add3A_316 = vector.broadcast %add3A_315 : i32 to vector<16xi32>
          %add3A_317 = arith.addi %convert_element_type3A_154, %add3A_316 : vector<16xi32>
          %mul3A_318 = arith.constant -1640531535 : i32
          %mul3A_319 = vector.broadcast %mul3A_318 : i32 to vector<16xi32>
          %mul3A_320 = arith.muli %add3A_314, %mul3A_319 : vector<16xi32>
          %xor3A_321 = arith.xori %convert_element_type3A, %mul3A_320 : vector<16xi32>
          %mul3A_322 = arith.constant 805459861 : i32
          %mul3A_323 = vector.broadcast %mul3A_322 : i32 to vector<16xi32>
          %mul3A_324 = arith.muli %add3A_317, %mul3A_323 : vector<16xi32>
          %xor3A_325 = arith.xori %xor3A_321, %mul3A_324 : vector<16xi32>
          %and3A_326 = arith.constant 524287 : i32
          %and3A_327 = vector.broadcast %and3A_326 : i32 to vector<16xi32>
          %and3A_328 = arith.andi %xor3A_325, %and3A_327 : vector<16xi32>
          %mul3A_329 = arith.mulf %sub3A_137, %mul3A_149 : vector<16xf32>
          %mul3A_330 = arith.mulf %mul3A_329, %mul3A_164 : vector<16xf32>
          %add3A_331 = arith.constant 6144 : i32
          %add3A_332 = arith.addi %add3A_331, %add3A_110 : i32
          %swap3A_333 = arith.index_cast %add3A_332 : i32 to index
          %swap3A_334 = tpu.vector_load %arg11[%swap3A_333] {strides = array<i32>} : memref<8192xi32, #tpu.memory_space<vmem>>, vector<16xi32>,
          tpu.vector_store %arg11[%swap3A_333], %and3A_328 {strides = array<i32>} : memref<8192xi32, #tpu.memory_space<vmem>>, vector<16xi32>,
          %add3A_335 = arith.constant 6144 : i32
          %add3A_336 = arith.addi %add3A_335, %add3A_110 : i32
          %swap3A_337 = arith.index_cast %add3A_336 : i32 to index
          %swap3A_338 = tpu.vector_load %arg13[%swap3A_337] {strides = array<i32>} : memref<8192xf32, #tpu.memory_space<vmem>>, vector<16xf32>,
          tpu.vector_store %arg13[%swap3A_337], %mul3A_330 {strides = array<i32>} : memref<8192xf32, #tpu.memory_space<vmem>>, vector<16xf32>,
          %add3A_339 = arith.constant 1 : i32
          %add3A_340 = vector.broadcast %add3A_339 : i32 to vector<16xi32>
          %add3A_341 = arith.addi %convert_element_type3A, %add3A_340 : vector<16xi32>
          %add3A_342 = arith.constant 1 : i32
          %add3A_343 = vector.broadcast %add3A_342 : i32 to vector<16xi32>
          %add3A_344 = arith.addi %convert_element_type3A_139, %add3A_343 : vector<16xi32>
          %add3A_345 = arith.constant 1 : i32
          %add3A_346 = vector.broadcast %add3A_345 : i32 to vector<16xi32>
          %add3A_347 = arith.addi %convert_element_type3A_154, %add3A_346 : vector<16xi32>
          %mul3A_348 = arith.constant -1640531535 : i32
          %mul3A_349 = vector.broadcast %mul3A_348 : i32 to vector<16xi32>
          %mul3A_350 = arith.muli %add3A_344, %mul3A_349 : vector<16xi32>
          %xor3A_351 = arith.xori %add3A_341, %mul3A_350 : vector<16xi32>
          %mul3A_352 = arith.constant 805459861 : i32
          %mul3A_353 = vector.broadcast %mul3A_352 : i32 to vector<16xi32>
          %mul3A_354 = arith.muli %add3A_347, %mul3A_353 : vector<16xi32>
          %xor3A_355 = arith.xori %xor3A_351, %mul3A_354 : vector<16xi32>
          %and3A_356 = arith.constant 524287 : i32
          %and3A_357 = vector.broadcast %and3A_356 : i32 to vector<16xi32>
          %and3A_358 = arith.andi %xor3A_355, %and3A_357 : vector<16xi32>
          %mul3A_359 = arith.mulf %mul3A_134, %mul3A_149 : vector<16xf32>
          %mul3A_360 = arith.mulf %mul3A_359, %mul3A_164 : vector<16xf32>
          %add3A_361 = arith.constant 7168 : i32
          %add3A_362 = arith.addi %add3A_361, %add3A_110 : i32
          %swap3A_363 = arith.index_cast %add3A_362 : i32 to index
          %swap3A_364 = tpu.vector_load %arg11[%swap3A_363] {strides = array<i32>} : memref<8192xi32, #tpu.memory_space<vmem>>, vector<16xi32>,
          tpu.vector_store %arg11[%swap3A_363], %and3A_358 {strides = array<i32>} : memref<8192xi32, #tpu.memory_space<vmem>>, vector<16xi32>,
          %add3A_365 = arith.constant 7168 : i32
          %add3A_366 = arith.addi %add3A_365, %add3A_110 : i32
          %swap3A_367 = arith.index_cast %add3A_366 : i32 to index
          %swap3A_368 = tpu.vector_load %arg13[%swap3A_367] {strides = array<i32>} : memref<8192xf32, #tpu.memory_space<vmem>>, vector<16xf32>,
          tpu.vector_store %arg13[%swap3A_367], %mul3A_360 {strides = array<i32>} : memref<8192xf32, #tpu.memory_space<vmem>>, vector<16xf32>,
        }
        %scan3A_100 = arith.constant 8 : i32
      }
      %scan3A_48 = arith.constant 8 : i32
      %dma_start3A = arith.constant 0 : i32
      %dma_start3A_49 = tpu.memref_slice %arg7[%dma_start3A] : memref<524288xi32, #tpu.memory_space<vmem_shared>> -> memref<524288xi32, #tpu.memory_space<vmem_shared>>
      tpu.enqueue_indirect_dma source(%dma_start3A_49 : memref<524288xi32, #tpu.memory_space<vmem_shared>>) target(%arg15 : memref<8192xi32, #tpu.memory_space<vmem>>) offsets(%arg11 : memref<8192xi32, #tpu.memory_space<vmem>>) semaphore(%arg23 : memref<!tpu.dma_semaphore, #tpu.memory_space<semaphore_mem>>)
      %scan3A_50 = arith.constant 0 : i32
      %scan3A_51 = arith.constant 16 : i32
      %scan3A_52 = arith.addi %scan3A_50, %scan3A_51 : i32
      %scan3A_53 = arith.constant 1 : i32
      scf.for %scan3A_91 = %scan3A_50 to %scan3A_52 step %scan3A_53  : i32 {
        %mul3A_92 = arith.constant 1 : i32
        %mul3A_93 = arith.muli %scan3A_91, %mul3A_92 : i32
        %add3A_94 = arith.constant 0 : i32
        %add3A_95 = arith.addi %add3A_94, %mul3A_93 : i32
        %mul3A_96 = arith.constant 2 : i32
        %mul3A_97 = arith.muli %mul3A_96, %add3A_95 : i32
        %add3A_98 = arith.constant 1 : i32
        %add3A_99 = arith.addi %mul3A_97, %add3A_98 : i32
        %mul3A_100 = arith.constant 256 : i32
        %mul3A_101 = arith.muli %add3A, %mul3A_100 : i32
        %mul3A_102 = arith.constant 8 : i32
        %mul3A_103 = arith.muli %add3A_99, %mul3A_102 : i32
        %add3A_104 = arith.addi %mul3A_101, %mul3A_103 : i32
        %run_scoped3A_105 = arith.constant 0 : i32
        "tpu.region"() ({
          %run_scoped3A_193 = tpu.sem_alloc : memref<!tpu.dma_semaphore, #tpu.memory_space<semaphore_mem>>
          %dma_start3A_194 = arith.constant 0 : i32
          %dma_start3A_195 = tpu.memref_slice %arg2[%run_scoped3A_105, %add3A_104, %dma_start3A_194] : memref<3x8192x128xf32, #tpu.memory_space<hbm>> -> memref<1x8x128xf32, #tpu.memory_space<hbm>>
          %dma_start3A_196 = tpu.memref_squeeze %dma_start3A_195 : memref<1x8x128xf32, #tpu.memory_space<hbm>> -> memref<8x128xf32, #tpu.memory_space<hbm>>
          %dma_start3A_197 = arith.constant 0 : i32
          %dma_start3A_198 = tpu.memref_slice %arg2[%run_scoped3A_105, %add3A_104, %dma_start3A_197] : memref<3x8192x128xf32, #tpu.memory_space<hbm>> -> memref<1x8x128xf32, #tpu.memory_space<hbm>>
          %dma_start3A_199 = tpu.memref_squeeze %dma_start3A_198 : memref<1x8x128xf32, #tpu.memory_space<hbm>> -> memref<8x128xf32, #tpu.memory_space<hbm>>
          tpu.enqueue_dma source(%dma_start3A_199 : memref<8x128xf32, #tpu.memory_space<hbm>>) target(%arg8 : memref<8x128xf32, #tpu.memory_space<vmem>>) target_semaphore(%run_scoped3A_193 : memref<!tpu.dma_semaphore, #tpu.memory_space<semaphore_mem>>)
          %dma_wait3A_200 = arith.constant 0 : i32
          %dma_wait3A_201 = tpu.memref_slice %arg2[%run_scoped3A_105, %add3A_104, %dma_wait3A_200] : memref<3x8192x128xf32, #tpu.memory_space<hbm>> -> memref<1x8x128xf32, #tpu.memory_space<hbm>>
          %dma_wait3A_202 = tpu.memref_squeeze %dma_wait3A_201 : memref<1x8x128xf32, #tpu.memory_space<hbm>> -> memref<8x128xf32, #tpu.memory_space<hbm>>
          %dma_wait3A_203 = arith.constant 0 : i32
          %dma_wait3A_204 = tpu.memref_slice %arg2[%run_scoped3A_105, %add3A_104, %dma_wait3A_203] : memref<3x8192x128xf32, #tpu.memory_space<hbm>> -> memref<1x8x128xf32, #tpu.memory_space<hbm>>
          %dma_wait3A_205 = tpu.memref_squeeze %dma_wait3A_204 : memref<1x8x128xf32, #tpu.memory_space<hbm>> -> memref<8x128xf32, #tpu.memory_space<hbm>>
          tpu.wait_dma2 semaphore(%run_scoped3A_193 : memref<!tpu.dma_semaphore, #tpu.memory_space<semaphore_mem>>) src(%dma_wait3A_205 : memref<8x128xf32, #tpu.memory_space<hbm>>) dst(%arg8 : memref<8x128xf32, #tpu.memory_space<vmem>>)
          tpu.yield
        }) : () -> ()
        %run_scoped3A_106 = arith.constant 1 : i32
        "tpu.region"() ({
          %run_scoped3A_193 = tpu.sem_alloc : memref<!tpu.dma_semaphore, #tpu.memory_space<semaphore_mem>>
          %dma_start3A_194 = arith.constant 0 : i32
          %dma_start3A_195 = tpu.memref_slice %arg2[%run_scoped3A_106, %add3A_104, %dma_start3A_194] : memref<3x8192x128xf32, #tpu.memory_space<hbm>> -> memref<1x8x128xf32, #tpu.memory_space<hbm>>
          %dma_start3A_196 = tpu.memref_squeeze %dma_start3A_195 : memref<1x8x128xf32, #tpu.memory_space<hbm>> -> memref<8x128xf32, #tpu.memory_space<hbm>>
          %dma_start3A_197 = arith.constant 0 : i32
          %dma_start3A_198 = tpu.memref_slice %arg2[%run_scoped3A_106, %add3A_104, %dma_start3A_197] : memref<3x8192x128xf32, #tpu.memory_space<hbm>> -> memref<1x8x128xf32, #tpu.memory_space<hbm>>
          %dma_start3A_199 = tpu.memref_squeeze %dma_start3A_198 : memref<1x8x128xf32, #tpu.memory_space<hbm>> -> memref<8x128xf32, #tpu.memory_space<hbm>>
          tpu.enqueue_dma source(%dma_start3A_199 : memref<8x128xf32, #tpu.memory_space<hbm>>) target(%arg9 : memref<8x128xf32, #tpu.memory_space<vmem>>) target_semaphore(%run_scoped3A_193 : memref<!tpu.dma_semaphore, #tpu.memory_space<semaphore_mem>>)
          %dma_wait3A_200 = arith.constant 0 : i32
          %dma_wait3A_201 = tpu.memref_slice %arg2[%run_scoped3A_106, %add3A_104, %dma_wait3A_200] : memref<3x8192x128xf32, #tpu.memory_space<hbm>> -> memref<1x8x128xf32, #tpu.memory_space<hbm>>
          %dma_wait3A_202 = tpu.memref_squeeze %dma_wait3A_201 : memref<1x8x128xf32, #tpu.memory_space<hbm>> -> memref<8x128xf32, #tpu.memory_space<hbm>>
          %dma_wait3A_203 = arith.constant 0 : i32
          %dma_wait3A_204 = tpu.memref_slice %arg2[%run_scoped3A_106, %add3A_104, %dma_wait3A_203] : memref<3x8192x128xf32, #tpu.memory_space<hbm>> -> memref<1x8x128xf32, #tpu.memory_space<hbm>>
          %dma_wait3A_205 = tpu.memref_squeeze %dma_wait3A_204 : memref<1x8x128xf32, #tpu.memory_space<hbm>> -> memref<8x128xf32, #tpu.memory_space<hbm>>
          tpu.wait_dma2 semaphore(%run_scoped3A_193 : memref<!tpu.dma_semaphore, #tpu.memory_space<semaphore_mem>>) src(%dma_wait3A_205 : memref<8x128xf32, #tpu.memory_space<hbm>>) dst(%arg9 : memref<8x128xf32, #tpu.memory_space<vmem>>)
          tpu.yield
        }) : () -> ()
        %run_scoped3A_107 = arith.constant 2 : i32
        "tpu.region"() ({
          %run_scoped3A_193 = tpu.sem_alloc : memref<!tpu.dma_semaphore, #tpu.memory_space<semaphore_mem>>
          %dma_start3A_194 = arith.constant 0 : i32
          %dma_start3A_195 = tpu.memref_slice %arg2[%run_scoped3A_107, %add3A_104, %dma_start3A_194] : memref<3x8192x128xf32, #tpu.memory_space<hbm>> -> memref<1x8x128xf32, #tpu.memory_space<hbm>>
          %dma_start3A_196 = tpu.memref_squeeze %dma_start3A_195 : memref<1x8x128xf32, #tpu.memory_space<hbm>> -> memref<8x128xf32, #tpu.memory_space<hbm>>
          %dma_start3A_197 = arith.constant 0 : i32
          %dma_start3A_198 = tpu.memref_slice %arg2[%run_scoped3A_107, %add3A_104, %dma_start3A_197] : memref<3x8192x128xf32, #tpu.memory_space<hbm>> -> memref<1x8x128xf32, #tpu.memory_space<hbm>>
          %dma_start3A_199 = tpu.memref_squeeze %dma_start3A_198 : memref<1x8x128xf32, #tpu.memory_space<hbm>> -> memref<8x128xf32, #tpu.memory_space<hbm>>
          tpu.enqueue_dma source(%dma_start3A_199 : memref<8x128xf32, #tpu.memory_space<hbm>>) target(%arg10 : memref<8x128xf32, #tpu.memory_space<vmem>>) target_semaphore(%run_scoped3A_193 : memref<!tpu.dma_semaphore, #tpu.memory_space<semaphore_mem>>)
          %dma_wait3A_200 = arith.constant 0 : i32
          %dma_wait3A_201 = tpu.memref_slice %arg2[%run_scoped3A_107, %add3A_104, %dma_wait3A_200] : memref<3x8192x128xf32, #tpu.memory_space<hbm>> -> memref<1x8x128xf32, #tpu.memory_space<hbm>>
          %dma_wait3A_202 = tpu.memref_squeeze %dma_wait3A_201 : memref<1x8x128xf32, #tpu.memory_space<hbm>> -> memref<8x128xf32, #tpu.memory_space<hbm>>
          %dma_wait3A_203 = arith.constant 0 : i32
          %dma_wait3A_204 = tpu.memref_slice %arg2[%run_scoped3A_107, %add3A_104, %dma_wait3A_203] : memref<3x8192x128xf32, #tpu.memory_space<hbm>> -> memref<1x8x128xf32, #tpu.memory_space<hbm>>
          %dma_wait3A_205 = tpu.memref_squeeze %dma_wait3A_204 : memref<1x8x128xf32, #tpu.memory_space<hbm>> -> memref<8x128xf32, #tpu.memory_space<hbm>>
          tpu.wait_dma2 semaphore(%run_scoped3A_193 : memref<!tpu.dma_semaphore, #tpu.memory_space<semaphore_mem>>) src(%dma_wait3A_205 : memref<8x128xf32, #tpu.memory_space<hbm>>) dst(%arg10 : memref<8x128xf32, #tpu.memory_space<vmem>>)
          tpu.yield
        }) : () -> ()
        %scan3A_108 = arith.constant 0 : i32
        %scan3A_109 = arith.constant 8 : i32
        %scan3A_110 = arith.addi %scan3A_108, %scan3A_109 : i32
        %scan3A_111 = arith.constant 1 : i32
        scf.for %scan3A_193 = %scan3A_108 to %scan3A_110 step %scan3A_111  : i32 {
          %mul3A_194 = arith.constant 1 : i32
          %mul3A_195 = arith.muli %scan3A_193, %mul3A_194 : i32
          %add3A_196 = arith.constant 0 : i32
          %add3A_197 = arith.addi %add3A_196, %mul3A_195 : i32
          %scan3A_198 = arith.constant 0 : i32
          %scan3A_199 = arith.constant 8 : i32
          %scan3A_200 = arith.addi %scan3A_198, %scan3A_199 : i32
          %scan3A_201 = arith.constant 1 : i32
          scf.for %scan3A_203 = %scan3A_198 to %scan3A_200 step %scan3A_201  : i32 {
            %mul3A_204 = arith.constant 1 : i32
            %mul3A_205 = arith.muli %scan3A_203, %mul3A_204 : i32
            %add3A_206 = arith.constant 0 : i32
            %add3A_207 = arith.addi %add3A_206, %mul3A_205 : i32
            %mul3A_208 = arith.constant 128 : i32
            %mul3A_209 = arith.muli %add3A_197, %mul3A_208 : i32
            %mul3A_210 = arith.constant 16 : i32
            %mul3A_211 = arith.muli %add3A_207, %mul3A_210 : i32
            %add3A_212 = arith.addi %mul3A_209, %mul3A_211 : i32
            %mul3A_213 = arith.constant 16 : i32
            %mul3A_214 = arith.muli %add3A_207, %mul3A_213 : i32
            %get3A = arith.index_cast %add3A_197 : i32 to index
            %get3A_215 = arith.index_cast %mul3A_214 : i32 to index
            %get3A_216 = tpu.vector_load %arg8[%get3A, %get3A_215] {strides = array<i32>} : memref<8x128xf32, #tpu.memory_space<vmem>>, vector<16xf32>,
            %mul3A_217 = arith.constant 16 : i32
            %mul3A_218 = arith.muli %add3A_207, %mul3A_217 : i32
            %get3A_219 = arith.index_cast %add3A_197 : i32 to index
            %get3A_220 = arith.index_cast %mul3A_218 : i32 to index
            %get3A_221 = tpu.vector_load %arg9[%get3A_219, %get3A_220] {strides = array<i32>} : memref<8x128xf32, #tpu.memory_space<vmem>>, vector<16xf32>,
            %mul3A_222 = arith.constant 16 : i32
            %mul3A_223 = arith.muli %add3A_207, %mul3A_222 : i32
            %get3A_224 = arith.index_cast %add3A_197 : i32 to index
            %get3A_225 = arith.index_cast %mul3A_223 : i32 to index
            %get3A_226 = tpu.vector_load %arg10[%get3A_224, %get3A_225] {strides = array<i32>} : memref<8x128xf32, #tpu.memory_space<vmem>>, vector<16xf32>,
            %mul3A_227 = arith.mulf %get3A_216, %gather3A : vector<16xf32>
            %convert_element_type3A_228 = arith.fptosi %mul3A_227 : vector<16xf32> to vector<16xi32>
            %convert_element_type3A_229 = arith.sitofp %convert_element_type3A_228 : vector<16xi32> to vector<16xf32>
            %sub3A = arith.subf %mul3A_227, %convert_element_type3A_229 : vector<16xf32>
            %mul3A_230 = arith.mulf %sub3A, %sub3A : vector<16xf32>
            %mul3A_231 = arith.constant 2.000000e+00 : f32
            %mul3A_232 = vector.broadcast %mul3A_231 : f32 to vector<16xf32>
            %mul3A_233 = arith.mulf %mul3A_232, %sub3A : vector<16xf32>
            %sub3A_234 = arith.constant 3.000000e+00 : f32
            %sub3A_235 = vector.broadcast %sub3A_234 : f32 to vector<16xf32>
            %sub3A_236 = arith.subf %sub3A_235, %mul3A_233 : vector<16xf32>
            %mul3A_237 = arith.mulf %mul3A_230, %sub3A_236 : vector<16xf32>
            %sub3A_238 = arith.constant 1.000000e+00 : f32
            %sub3A_239 = vector.broadcast %sub3A_238 : f32 to vector<16xf32>
            %sub3A_240 = arith.subf %sub3A_239, %mul3A_237 : vector<16xf32>
            %mul3A_241 = arith.mulf %get3A_221, %gather3A : vector<16xf32>
            %convert_element_type3A_242 = arith.fptosi %mul3A_241 : vector<16xf32> to vector<16xi32>
            %convert_element_type3A_243 = arith.sitofp %convert_element_type3A_242 : vector<16xi32> to vector<16xf32>
            %sub3A_244 = arith.subf %mul3A_241, %convert_element_type3A_243 : vector<16xf32>
            %mul3A_245 = arith.mulf %sub3A_244, %sub3A_244 : vector<16xf32>
            %mul3A_246 = arith.constant 2.000000e+00 : f32
            %mul3A_247 = vector.broadcast %mul3A_246 : f32 to vector<16xf32>
            %mul3A_248 = arith.mulf %mul3A_247, %sub3A_244 : vector<16xf32>
            %sub3A_249 = arith.constant 3.000000e+00 : f32
            %sub3A_250 = vector.broadcast %sub3A_249 : f32 to vector<16xf32>
            %sub3A_251 = arith.subf %sub3A_250, %mul3A_248 : vector<16xf32>
            %mul3A_252 = arith.mulf %mul3A_245, %sub3A_251 : vector<16xf32>
            %sub3A_253 = arith.constant 1.000000e+00 : f32
            %sub3A_254 = vector.broadcast %sub3A_253 : f32 to vector<16xf32>
            %sub3A_255 = arith.subf %sub3A_254, %mul3A_252 : vector<16xf32>
            %mul3A_256 = arith.mulf %get3A_226, %gather3A : vector<16xf32>
            %convert_element_type3A_257 = arith.fptosi %mul3A_256 : vector<16xf32> to vector<16xi32>
            %convert_element_type3A_258 = arith.sitofp %convert_element_type3A_257 : vector<16xi32> to vector<16xf32>
            %sub3A_259 = arith.subf %mul3A_256, %convert_element_type3A_258 : vector<16xf32>
            %mul3A_260 = arith.mulf %sub3A_259, %sub3A_259 : vector<16xf32>
            %mul3A_261 = arith.constant 2.000000e+00 : f32
            %mul3A_262 = vector.broadcast %mul3A_261 : f32 to vector<16xf32>
            %mul3A_263 = arith.mulf %mul3A_262, %sub3A_259 : vector<16xf32>
            %sub3A_264 = arith.constant 3.000000e+00 : f32
            %sub3A_265 = vector.broadcast %sub3A_264 : f32 to vector<16xf32>
            %sub3A_266 = arith.subf %sub3A_265, %mul3A_263 : vector<16xf32>
            %mul3A_267 = arith.mulf %mul3A_260, %sub3A_266 : vector<16xf32>
            %sub3A_268 = arith.constant 1.000000e+00 : f32
            %sub3A_269 = vector.broadcast %sub3A_268 : f32 to vector<16xf32>
            %sub3A_270 = arith.subf %sub3A_269, %mul3A_267 : vector<16xf32>
            %mul3A_271 = arith.constant -1640531535 : i32
            %mul3A_272 = vector.broadcast %mul3A_271 : i32 to vector<16xi32>
            %mul3A_273 = arith.muli %convert_element_type3A_242, %mul3A_272 : vector<16xi32>
            %xor3A = arith.xori %convert_element_type3A_228, %mul3A_273 : vector<16xi32>
            %mul3A_274 = arith.constant 805459861 : i32
            %mul3A_275 = vector.broadcast %mul3A_274 : i32 to vector<16xi32>
            %mul3A_276 = arith.muli %convert_element_type3A_257, %mul3A_275 : vector<16xi32>
            %xor3A_277 = arith.xori %xor3A, %mul3A_276 : vector<16xi32>
            %and3A = arith.constant 524287 : i32
            %and3A_278 = vector.broadcast %and3A : i32 to vector<16xi32>
            %and3A_279 = arith.andi %xor3A_277, %and3A_278 : vector<16xi32>
            %mul3A_280 = arith.mulf %sub3A_240, %sub3A_255 : vector<16xf32>
            %mul3A_281 = arith.mulf %mul3A_280, %sub3A_270 : vector<16xf32>
            %add3A_282 = arith.constant 0 : i32
            %add3A_283 = arith.addi %add3A_282, %add3A_212 : i32
            %swap3A = arith.index_cast %add3A_283 : i32 to index
            %swap3A_284 = tpu.vector_load %arg12[%swap3A] {strides = array<i32>} : memref<8192xi32, #tpu.memory_space<vmem>>, vector<16xi32>,
            tpu.vector_store %arg12[%swap3A], %and3A_279 {strides = array<i32>} : memref<8192xi32, #tpu.memory_space<vmem>>, vector<16xi32>,
            %add3A_285 = arith.constant 0 : i32
            %add3A_286 = arith.addi %add3A_285, %add3A_212 : i32
            %swap3A_287 = arith.index_cast %add3A_286 : i32 to index
            %swap3A_288 = tpu.vector_load %arg14[%swap3A_287] {strides = array<i32>} : memref<8192xf32, #tpu.memory_space<vmem>>, vector<16xf32>,
            tpu.vector_store %arg14[%swap3A_287], %mul3A_281 {strides = array<i32>} : memref<8192xf32, #tpu.memory_space<vmem>>, vector<16xf32>,
            %add3A_289 = arith.constant 1 : i32
            %add3A_290 = vector.broadcast %add3A_289 : i32 to vector<16xi32>
            %add3A_291 = arith.addi %convert_element_type3A_228, %add3A_290 : vector<16xi32>
            %mul3A_292 = arith.constant -1640531535 : i32
            %mul3A_293 = vector.broadcast %mul3A_292 : i32 to vector<16xi32>
            %mul3A_294 = arith.muli %convert_element_type3A_242, %mul3A_293 : vector<16xi32>
            %xor3A_295 = arith.xori %add3A_291, %mul3A_294 : vector<16xi32>
            %mul3A_296 = arith.constant 805459861 : i32
            %mul3A_297 = vector.broadcast %mul3A_296 : i32 to vector<16xi32>
            %mul3A_298 = arith.muli %convert_element_type3A_257, %mul3A_297 : vector<16xi32>
            %xor3A_299 = arith.xori %xor3A_295, %mul3A_298 : vector<16xi32>
            %and3A_300 = arith.constant 524287 : i32
            %and3A_301 = vector.broadcast %and3A_300 : i32 to vector<16xi32>
            %and3A_302 = arith.andi %xor3A_299, %and3A_301 : vector<16xi32>
            %mul3A_303 = arith.mulf %mul3A_237, %sub3A_255 : vector<16xf32>
            %mul3A_304 = arith.mulf %mul3A_303, %sub3A_270 : vector<16xf32>
            %add3A_305 = arith.constant 1024 : i32
            %add3A_306 = arith.addi %add3A_305, %add3A_212 : i32
            %swap3A_307 = arith.index_cast %add3A_306 : i32 to index
            %swap3A_308 = tpu.vector_load %arg12[%swap3A_307] {strides = array<i32>} : memref<8192xi32, #tpu.memory_space<vmem>>, vector<16xi32>,
            tpu.vector_store %arg12[%swap3A_307], %and3A_302 {strides = array<i32>} : memref<8192xi32, #tpu.memory_space<vmem>>, vector<16xi32>,
            %add3A_309 = arith.constant 1024 : i32
            %add3A_310 = arith.addi %add3A_309, %add3A_212 : i32
            %swap3A_311 = arith.index_cast %add3A_310 : i32 to index
            %swap3A_312 = tpu.vector_load %arg14[%swap3A_311] {strides = array<i32>} : memref<8192xf32, #tpu.memory_space<vmem>>, vector<16xf32>,
            tpu.vector_store %arg14[%swap3A_311], %mul3A_304 {strides = array<i32>} : memref<8192xf32, #tpu.memory_space<vmem>>, vector<16xf32>,
            %add3A_313 = arith.constant 1 : i32
            %add3A_314 = vector.broadcast %add3A_313 : i32 to vector<16xi32>
            %add3A_315 = arith.addi %convert_element_type3A_242, %add3A_314 : vector<16xi32>
            %mul3A_316 = arith.constant -1640531535 : i32
            %mul3A_317 = vector.broadcast %mul3A_316 : i32 to vector<16xi32>
            %mul3A_318 = arith.muli %add3A_315, %mul3A_317 : vector<16xi32>
            %xor3A_319 = arith.xori %convert_element_type3A_228, %mul3A_318 : vector<16xi32>
            %mul3A_320 = arith.constant 805459861 : i32
            %mul3A_321 = vector.broadcast %mul3A_320 : i32 to vector<16xi32>
            %mul3A_322 = arith.muli %convert_element_type3A_257, %mul3A_321 : vector<16xi32>
            %xor3A_323 = arith.xori %xor3A_319, %mul3A_322 : vector<16xi32>
            %and3A_324 = arith.constant 524287 : i32
            %and3A_325 = vector.broadcast %and3A_324 : i32 to vector<16xi32>
            %and3A_326 = arith.andi %xor3A_323, %and3A_325 : vector<16xi32>
            %mul3A_327 = arith.mulf %sub3A_240, %mul3A_252 : vector<16xf32>
            %mul3A_328 = arith.mulf %mul3A_327, %sub3A_270 : vector<16xf32>
            %add3A_329 = arith.constant 2048 : i32
            %add3A_330 = arith.addi %add3A_329, %add3A_212 : i32
            %swap3A_331 = arith.index_cast %add3A_330 : i32 to index
            %swap3A_332 = tpu.vector_load %arg12[%swap3A_331] {strides = array<i32>} : memref<8192xi32, #tpu.memory_space<vmem>>, vector<16xi32>,
            tpu.vector_store %arg12[%swap3A_331], %and3A_326 {strides = array<i32>} : memref<8192xi32, #tpu.memory_space<vmem>>, vector<16xi32>,
            %add3A_333 = arith.constant 2048 : i32
            %add3A_334 = arith.addi %add3A_333, %add3A_212 : i32
            %swap3A_335 = arith.index_cast %add3A_334 : i32 to index
            %swap3A_336 = tpu.vector_load %arg14[%swap3A_335] {strides = array<i32>} : memref<8192xf32, #tpu.memory_space<vmem>>, vector<16xf32>,
            tpu.vector_store %arg14[%swap3A_335], %mul3A_328 {strides = array<i32>} : memref<8192xf32, #tpu.memory_space<vmem>>, vector<16xf32>,
            %add3A_337 = arith.constant 1 : i32
            %add3A_338 = vector.broadcast %add3A_337 : i32 to vector<16xi32>
            %add3A_339 = arith.addi %convert_element_type3A_228, %add3A_338 : vector<16xi32>
            %add3A_340 = arith.constant 1 : i32
            %add3A_341 = vector.broadcast %add3A_340 : i32 to vector<16xi32>
            %add3A_342 = arith.addi %convert_element_type3A_242, %add3A_341 : vector<16xi32>
            %mul3A_343 = arith.constant -1640531535 : i32
            %mul3A_344 = vector.broadcast %mul3A_343 : i32 to vector<16xi32>
            %mul3A_345 = arith.muli %add3A_342, %mul3A_344 : vector<16xi32>
            %xor3A_346 = arith.xori %add3A_339, %mul3A_345 : vector<16xi32>
            %mul3A_347 = arith.constant 805459861 : i32
            %mul3A_348 = vector.broadcast %mul3A_347 : i32 to vector<16xi32>
            %mul3A_349 = arith.muli %convert_element_type3A_257, %mul3A_348 : vector<16xi32>
            %xor3A_350 = arith.xori %xor3A_346, %mul3A_349 : vector<16xi32>
            %and3A_351 = arith.constant 524287 : i32
            %and3A_352 = vector.broadcast %and3A_351 : i32 to vector<16xi32>
            %and3A_353 = arith.andi %xor3A_350, %and3A_352 : vector<16xi32>
            %mul3A_354 = arith.mulf %mul3A_237, %mul3A_252 : vector<16xf32>
            %mul3A_355 = arith.mulf %mul3A_354, %sub3A_270 : vector<16xf32>
            %add3A_356 = arith.constant 3072 : i32
            %add3A_357 = arith.addi %add3A_356, %add3A_212 : i32
            %swap3A_358 = arith.index_cast %add3A_357 : i32 to index
            %swap3A_359 = tpu.vector_load %arg12[%swap3A_358] {strides = array<i32>} : memref<8192xi32, #tpu.memory_space<vmem>>, vector<16xi32>,
            tpu.vector_store %arg12[%swap3A_358], %and3A_353 {strides = array<i32>} : memref<8192xi32, #tpu.memory_space<vmem>>, vector<16xi32>,
            %add3A_360 = arith.constant 3072 : i32
            %add3A_361 = arith.addi %add3A_360, %add3A_212 : i32
            %swap3A_362 = arith.index_cast %add3A_361 : i32 to index
            %swap3A_363 = tpu.vector_load %arg14[%swap3A_362] {strides = array<i32>} : memref<8192xf32, #tpu.memory_space<vmem>>, vector<16xf32>,
            tpu.vector_store %arg14[%swap3A_362], %mul3A_355 {strides = array<i32>} : memref<8192xf32, #tpu.memory_space<vmem>>, vector<16xf32>,
            %add3A_364 = arith.constant 1 : i32
            %add3A_365 = vector.broadcast %add3A_364 : i32 to vector<16xi32>
            %add3A_366 = arith.addi %convert_element_type3A_257, %add3A_365 : vector<16xi32>
            %mul3A_367 = arith.constant -1640531535 : i32
            %mul3A_368 = vector.broadcast %mul3A_367 : i32 to vector<16xi32>
            %mul3A_369 = arith.muli %convert_element_type3A_242, %mul3A_368 : vector<16xi32>
            %xor3A_370 = arith.xori %convert_element_type3A_228, %mul3A_369 : vector<16xi32>
            %mul3A_371 = arith.constant 805459861 : i32
            %mul3A_372 = vector.broadcast %mul3A_371 : i32 to vector<16xi32>
            %mul3A_373 = arith.muli %add3A_366, %mul3A_372 : vector<16xi32>
            %xor3A_374 = arith.xori %xor3A_370, %mul3A_373 : vector<16xi32>
            %and3A_375 = arith.constant 524287 : i32
            %and3A_376 = vector.broadcast %and3A_375 : i32 to vector<16xi32>
            %and3A_377 = arith.andi %xor3A_374, %and3A_376 : vector<16xi32>
            %mul3A_378 = arith.mulf %sub3A_240, %sub3A_255 : vector<16xf32>
            %mul3A_379 = arith.mulf %mul3A_378, %mul3A_267 : vector<16xf32>
            %add3A_380 = arith.constant 4096 : i32
            %add3A_381 = arith.addi %add3A_380, %add3A_212 : i32
            %swap3A_382 = arith.index_cast %add3A_381 : i32 to index
            %swap3A_383 = tpu.vector_load %arg12[%swap3A_382] {strides = array<i32>} : memref<8192xi32, #tpu.memory_space<vmem>>, vector<16xi32>,
            tpu.vector_store %arg12[%swap3A_382], %and3A_377 {strides = array<i32>} : memref<8192xi32, #tpu.memory_space<vmem>>, vector<16xi32>,
            %add3A_384 = arith.constant 4096 : i32
            %add3A_385 = arith.addi %add3A_384, %add3A_212 : i32
            %swap3A_386 = arith.index_cast %add3A_385 : i32 to index
            %swap3A_387 = tpu.vector_load %arg14[%swap3A_386] {strides = array<i32>} : memref<8192xf32, #tpu.memory_space<vmem>>, vector<16xf32>,
            tpu.vector_store %arg14[%swap3A_386], %mul3A_379 {strides = array<i32>} : memref<8192xf32, #tpu.memory_space<vmem>>, vector<16xf32>,
            %add3A_388 = arith.constant 1 : i32
            %add3A_389 = vector.broadcast %add3A_388 : i32 to vector<16xi32>
            %add3A_390 = arith.addi %convert_element_type3A_228, %add3A_389 : vector<16xi32>
            %add3A_391 = arith.constant 1 : i32
            %add3A_392 = vector.broadcast %add3A_391 : i32 to vector<16xi32>
            %add3A_393 = arith.addi %convert_element_type3A_257, %add3A_392 : vector<16xi32>
            %mul3A_394 = arith.constant -1640531535 : i32
            %mul3A_395 = vector.broadcast %mul3A_394 : i32 to vector<16xi32>
            %mul3A_396 = arith.muli %convert_element_type3A_242, %mul3A_395 : vector<16xi32>
            %xor3A_397 = arith.xori %add3A_390, %mul3A_396 : vector<16xi32>
            %mul3A_398 = arith.constant 805459861 : i32
            %mul3A_399 = vector.broadcast %mul3A_398 : i32 to vector<16xi32>
            %mul3A_400 = arith.muli %add3A_393, %mul3A_399 : vector<16xi32>
            %xor3A_401 = arith.xori %xor3A_397, %mul3A_400 : vector<16xi32>
            %and3A_402 = arith.constant 524287 : i32
            %and3A_403 = vector.broadcast %and3A_402 : i32 to vector<16xi32>
            %and3A_404 = arith.andi %xor3A_401, %and3A_403 : vector<16xi32>
            %mul3A_405 = arith.mulf %mul3A_237, %sub3A_255 : vector<16xf32>
            %mul3A_406 = arith.mulf %mul3A_405, %mul3A_267 : vector<16xf32>
            %add3A_407 = arith.constant 5120 : i32
            %add3A_408 = arith.addi %add3A_407, %add3A_212 : i32
            %swap3A_409 = arith.index_cast %add3A_408 : i32 to index
            %swap3A_410 = tpu.vector_load %arg12[%swap3A_409] {strides = array<i32>} : memref<8192xi32, #tpu.memory_space<vmem>>, vector<16xi32>,
            tpu.vector_store %arg12[%swap3A_409], %and3A_404 {strides = array<i32>} : memref<8192xi32, #tpu.memory_space<vmem>>, vector<16xi32>,
            %add3A_411 = arith.constant 5120 : i32
            %add3A_412 = arith.addi %add3A_411, %add3A_212 : i32
            %swap3A_413 = arith.index_cast %add3A_412 : i32 to index
            %swap3A_414 = tpu.vector_load %arg14[%swap3A_413] {strides = array<i32>} : memref<8192xf32, #tpu.memory_space<vmem>>, vector<16xf32>,
            tpu.vector_store %arg14[%swap3A_413], %mul3A_406 {strides = array<i32>} : memref<8192xf32, #tpu.memory_space<vmem>>, vector<16xf32>,
            %add3A_415 = arith.constant 1 : i32
            %add3A_416 = vector.broadcast %add3A_415 : i32 to vector<16xi32>
            %add3A_417 = arith.addi %convert_element_type3A_242, %add3A_416 : vector<16xi32>
            %add3A_418 = arith.constant 1 : i32
            %add3A_419 = vector.broadcast %add3A_418 : i32 to vector<16xi32>
            %add3A_420 = arith.addi %convert_element_type3A_257, %add3A_419 : vector<16xi32>
            %mul3A_421 = arith.constant -1640531535 : i32
            %mul3A_422 = vector.broadcast %mul3A_421 : i32 to vector<16xi32>
            %mul3A_423 = arith.muli %add3A_417, %mul3A_422 : vector<16xi32>
            %xor3A_424 = arith.xori %convert_element_type3A_228, %mul3A_423 : vector<16xi32>
            %mul3A_425 = arith.constant 805459861 : i32
            %mul3A_426 = vector.broadcast %mul3A_425 : i32 to vector<16xi32>
            %mul3A_427 = arith.muli %add3A_420, %mul3A_426 : vector<16xi32>
            %xor3A_428 = arith.xori %xor3A_424, %mul3A_427 : vector<16xi32>
            %and3A_429 = arith.constant 524287 : i32
            %and3A_430 = vector.broadcast %and3A_429 : i32 to vector<16xi32>
            %and3A_431 = arith.andi %xor3A_428, %and3A_430 : vector<16xi32>
            %mul3A_432 = arith.mulf %sub3A_240, %mul3A_252 : vector<16xf32>
            %mul3A_433 = arith.mulf %mul3A_432, %mul3A_267 : vector<16xf32>
            %add3A_434 = arith.constant 6144 : i32
            %add3A_435 = arith.addi %add3A_434, %add3A_212 : i32
            %swap3A_436 = arith.index_cast %add3A_435 : i32 to index
            %swap3A_437 = tpu.vector_load %arg12[%swap3A_436] {strides = array<i32>} : memref<8192xi32, #tpu.memory_space<vmem>>, vector<16xi32>,
            tpu.vector_store %arg12[%swap3A_436], %and3A_431 {strides = array<i32>} : memref<8192xi32, #tpu.memory_space<vmem>>, vector<16xi32>,
            %add3A_438 = arith.constant 6144 : i32
            %add3A_439 = arith.addi %add3A_438, %add3A_212 : i32
            %swap3A_440 = arith.index_cast %add3A_439 : i32 to index
            %swap3A_441 = tpu.vector_load %arg14[%swap3A_440] {strides = array<i32>} : memref<8192xf32, #tpu.memory_space<vmem>>, vector<16xf32>,
            tpu.vector_store %arg14[%swap3A_440], %mul3A_433 {strides = array<i32>} : memref<8192xf32, #tpu.memory_space<vmem>>, vector<16xf32>,
            %add3A_442 = arith.constant 1 : i32
            %add3A_443 = vector.broadcast %add3A_442 : i32 to vector<16xi32>
            %add3A_444 = arith.addi %convert_element_type3A_228, %add3A_443 : vector<16xi32>
            %add3A_445 = arith.constant 1 : i32
            %add3A_446 = vector.broadcast %add3A_445 : i32 to vector<16xi32>
            %add3A_447 = arith.addi %convert_element_type3A_242, %add3A_446 : vector<16xi32>
            %add3A_448 = arith.constant 1 : i32
            %add3A_449 = vector.broadcast %add3A_448 : i32 to vector<16xi32>
            %add3A_450 = arith.addi %convert_element_type3A_257, %add3A_449 : vector<16xi32>
            %mul3A_451 = arith.constant -1640531535 : i32
            %mul3A_452 = vector.broadcast %mul3A_451 : i32 to vector<16xi32>
            %mul3A_453 = arith.muli %add3A_447, %mul3A_452 : vector<16xi32>
            %xor3A_454 = arith.xori %add3A_444, %mul3A_453 : vector<16xi32>
            %mul3A_455 = arith.constant 805459861 : i32
            %mul3A_456 = vector.broadcast %mul3A_455 : i32 to vector<16xi32>
            %mul3A_457 = arith.muli %add3A_450, %mul3A_456 : vector<16xi32>
            %xor3A_458 = arith.xori %xor3A_454, %mul3A_457 : vector<16xi32>
            %and3A_459 = arith.constant 524287 : i32
            %and3A_460 = vector.broadcast %and3A_459 : i32 to vector<16xi32>
            %and3A_461 = arith.andi %xor3A_458, %and3A_460 : vector<16xi32>
            %mul3A_462 = arith.mulf %mul3A_237, %mul3A_252 : vector<16xf32>
            %mul3A_463 = arith.mulf %mul3A_462, %mul3A_267 : vector<16xf32>
            %add3A_464 = arith.constant 7168 : i32
            %add3A_465 = arith.addi %add3A_464, %add3A_212 : i32
            %swap3A_466 = arith.index_cast %add3A_465 : i32 to index
            %swap3A_467 = tpu.vector_load %arg12[%swap3A_466] {strides = array<i32>} : memref<8192xi32, #tpu.memory_space<vmem>>, vector<16xi32>,
            tpu.vector_store %arg12[%swap3A_466], %and3A_461 {strides = array<i32>} : memref<8192xi32, #tpu.memory_space<vmem>>, vector<16xi32>,
            %add3A_468 = arith.constant 7168 : i32
            %add3A_469 = arith.addi %add3A_468, %add3A_212 : i32
            %swap3A_470 = arith.index_cast %add3A_469 : i32 to index
            %swap3A_471 = tpu.vector_load %arg14[%swap3A_470] {strides = array<i32>} : memref<8192xf32, #tpu.memory_space<vmem>>, vector<16xf32>,
            tpu.vector_store %arg14[%swap3A_470], %mul3A_463 {strides = array<i32>} : memref<8192xf32, #tpu.memory_space<vmem>>, vector<16xf32>,
          }
          %scan3A_202 = arith.constant 8 : i32
        }
        %scan3A_112 = arith.constant 8 : i32
        %dma_wait3A_113 = arith.constant 0 : i32
        %dma_wait3A_114 = tpu.memref_slice %arg7[%dma_wait3A_113] : memref<524288xi32, #tpu.memory_space<vmem_shared>> -> memref<524288xi32, #tpu.memory_space<vmem_shared>>
        tpu.wait_indirect_dma semaphore(%arg23 : memref<!tpu.dma_semaphore, #tpu.memory_space<semaphore_mem>>) src(%dma_wait3A_114 : memref<524288xi32, #tpu.memory_space<vmem_shared>>) dst(%arg15 : memref<8192xi32, #tpu.memory_space<vmem>>)
        %dma_start3A_115 = arith.constant 0 : i32
        %dma_start3A_116 = tpu.memref_slice %arg7[%dma_start3A_115] : memref<524288xi32, #tpu.memory_space<vmem_shared>> -> memref<524288xi32, #tpu.memory_space<vmem_shared>>
        tpu.enqueue_indirect_dma source(%dma_start3A_116 : memref<524288xi32, #tpu.memory_space<vmem_shared>>) target(%arg16 : memref<8192xi32, #tpu.memory_space<vmem>>) offsets(%arg12 : memref<8192xi32, #tpu.memory_space<vmem>>) semaphore(%arg24 : memref<!tpu.dma_semaphore, #tpu.memory_space<semaphore_mem>>)
        %gt3A = arith.constant 0 : i32
        %gt3A_117 = arith.cmpi sgt, %add3A_95, %gt3A : i32
        %convert_element_type3A = arith.extui %gt3A_117 : i1 to i32
        %cond3A = arith.constant 0 : i32
        %cond3A_118 = arith.cmpi ne, %convert_element_type3A, %cond3A : i32
        scf.if %cond3A_118 {
          %dma_wait3A_193 = arith.constant 0 : i32
          %dma_wait3A_194 = arith.constant 0 : i32
          %dma_wait3A_195 = arith.constant 0 : i32
          %dma_wait3A_196 = tpu.memref_slice %arg6[%dma_wait3A_193, %dma_wait3A_194, %dma_wait3A_195] : memref<32x8192x128xf32, #tpu.memory_space<hbm>> -> memref<1x8x128xf32, #tpu.memory_space<hbm>>
          %dma_wait3A_197 = tpu.memref_squeeze %dma_wait3A_196 : memref<1x8x128xf32, #tpu.memory_space<hbm>> -> memref<8x128xf32, #tpu.memory_space<hbm>>
          %dma_wait3A_198 = arith.constant 0 : i32
          %dma_wait3A_199 = arith.constant 0 : i32
          %dma_wait3A_200 = tpu.memref_slice %arg6[%dma_wait3A_193, %dma_wait3A_198, %dma_wait3A_199] : memref<32x8192x128xf32, #tpu.memory_space<hbm>> -> memref<1x8x128xf32, #tpu.memory_space<hbm>>
          %dma_wait3A_201 = tpu.memref_squeeze %dma_wait3A_200 : memref<1x8x128xf32, #tpu.memory_space<hbm>> -> memref<8x128xf32, #tpu.memory_space<hbm>>
          tpu.wait_dma2 semaphore(%arg25 : memref<!tpu.dma_semaphore, #tpu.memory_space<semaphore_mem>>) src(%arg17 : memref<8x128xf32, #tpu.memory_space<vmem>>) dst(%dma_wait3A_201 : memref<8x128xf32, #tpu.memory_space<hbm>>)
          %dma_wait3A_202 = arith.constant 0 : i32
          %dma_wait3A_203 = arith.constant 0 : i32
          %dma_wait3A_204 = arith.constant 0 : i32
          %dma_wait3A_205 = tpu.memref_slice %arg6[%dma_wait3A_202, %dma_wait3A_203, %dma_wait3A_204] : memref<32x8192x128xf32, #tpu.memory_space<hbm>> -> memref<1x8x128xf32, #tpu.memory_space<hbm>>
          %dma_wait3A_206 = tpu.memref_squeeze %dma_wait3A_205 : memref<1x8x128xf32, #tpu.memory_space<hbm>> -> memref<8x128xf32, #tpu.memory_space<hbm>>
          %dma_wait3A_207 = arith.constant 0 : i32
          %dma_wait3A_208 = arith.constant 0 : i32
          %dma_wait3A_209 = tpu.memref_slice %arg6[%dma_wait3A_202, %dma_wait3A_207, %dma_wait3A_208] : memref<32x8192x128xf32, #tpu.memory_space<hbm>> -> memref<1x8x128xf32, #tpu.memory_space<hbm>>
          %dma_wait3A_210 = tpu.memref_squeeze %dma_wait3A_209 : memref<1x8x128xf32, #tpu.memory_space<hbm>> -> memref<8x128xf32, #tpu.memory_space<hbm>>
          tpu.wait_dma2 semaphore(%arg25 : memref<!tpu.dma_semaphore, #tpu.memory_space<semaphore_mem>>) src(%arg18 : memref<8x128xf32, #tpu.memory_space<vmem>>) dst(%dma_wait3A_210 : memref<8x128xf32, #tpu.memory_space<hbm>>)
        } else {
        }
        %scan3A_119 = arith.constant 0 : i32
        %scan3A_120 = arith.constant 8 : i32
        %scan3A_121 = arith.addi %scan3A_119, %scan3A_120 : i32
        %scan3A_122 = arith.constant 1 : i32
        scf.for %scan3A_193 = %scan3A_119 to %scan3A_121 step %scan3A_122  : i32 {
          %mul3A_194 = arith.constant 1 : i32
          %mul3A_195 = arith.muli %scan3A_193, %mul3A_194 : i32
          %add3A_196 = arith.constant 0 : i32
          %add3A_197 = arith.addi %add3A_196, %mul3A_195 : i32
          %scan3A_198 = arith.constant 0 : i32
          %scan3A_199 = arith.constant 8 : i32
          %scan3A_200 = arith.addi %scan3A_198, %scan3A_199 : i32
          %scan3A_201 = arith.constant 1 : i32
          scf.for %scan3A_203 = %scan3A_198 to %scan3A_200 step %scan3A_201  : i32 {
            %mul3A_204 = arith.constant 1 : i32
            %mul3A_205 = arith.muli %scan3A_203, %mul3A_204 : i32
            %add3A_206 = arith.constant 0 : i32
            %add3A_207 = arith.addi %add3A_206, %mul3A_205 : i32
            %mul3A_208 = arith.constant 128 : i32
            %mul3A_209 = arith.muli %add3A_197, %mul3A_208 : i32
            %mul3A_210 = arith.constant 16 : i32
            %mul3A_211 = arith.muli %add3A_207, %mul3A_210 : i32
            %add3A_212 = arith.addi %mul3A_209, %mul3A_211 : i32
            %broadcast_in_dim3A_213 = arith.constant 0.000000e+00 : f32
            %broadcast_in_dim3A_214 = vector.broadcast %broadcast_in_dim3A_213 : f32 to vector<16xf32>
            %broadcast_in_dim3A_215 = arith.constant 0.000000e+00 : f32
            %broadcast_in_dim3A_216 = vector.broadcast %broadcast_in_dim3A_215 : f32 to vector<16xf32>
            %add3A_217 = arith.constant 0 : i32
            %add3A_218 = arith.addi %add3A_217, %add3A_212 : i32
            %get3A = arith.index_cast %add3A_218 : i32 to index
            %get3A_219 = tpu.vector_load %arg13[%get3A] {strides = array<i32>} : memref<8192xf32, #tpu.memory_space<vmem>>, vector<16xf32>,
            %add3A_220 = arith.constant 0 : i32
            %add3A_221 = arith.addi %add3A_220, %add3A_212 : i32
            %get3A_222 = arith.index_cast %add3A_221 : i32 to index
            %get3A_223 = tpu.vector_load %arg15[%get3A_222] {strides = array<i32>} : memref<8192xi32, #tpu.memory_space<vmem>>, vector<16xi32>,
            %bitcast3A = vector.bitcast %get3A_223 : vector<16xi32> to vector<32xbf16>
            %unpack3A = tpu.unpack_subelements %bitcast3A, 0 {pack_format = #tpu.pack_format<interleaved>} : vector<32xbf16> -> vector<16xf32>
            %unpack3A_224 = tpu.unpack_subelements %bitcast3A, 1 {pack_format = #tpu.pack_format<interleaved>} : vector<32xbf16> -> vector<16xf32>
            %mul3A_225 = arith.mulf %unpack3A, %get3A_219 : vector<16xf32>
            %add3A_226 = arith.addf %broadcast_in_dim3A_214, %mul3A_225 : vector<16xf32>
            %mul3A_227 = arith.mulf %unpack3A_224, %get3A_219 : vector<16xf32>
            %add3A_228 = arith.addf %broadcast_in_dim3A_216, %mul3A_227 : vector<16xf32>
            %add3A_229 = arith.constant 1024 : i32
            %add3A_230 = arith.addi %add3A_229, %add3A_212 : i32
            %get3A_231 = arith.index_cast %add3A_230 : i32 to index
            %get3A_232 = tpu.vector_load %arg13[%get3A_231] {strides = array<i32>} : memref<8192xf32, #tpu.memory_space<vmem>>, vector<16xf32>,
            %add3A_233 = arith.constant 1024 : i32
            %add3A_234 = arith.addi %add3A_233, %add3A_212 : i32
            %get3A_235 = arith.index_cast %add3A_234 : i32 to index
            %get3A_236 = tpu.vector_load %arg15[%get3A_235] {strides = array<i32>} : memref<8192xi32, #tpu.memory_space<vmem>>, vector<16xi32>,
            %bitcast3A_237 = vector.bitcast %get3A_236 : vector<16xi32> to vector<32xbf16>
            %unpack3A_238 = tpu.unpack_subelements %bitcast3A_237, 0 {pack_format = #tpu.pack_format<interleaved>} : vector<32xbf16> -> vector<16xf32>
            %unpack3A_239 = tpu.unpack_subelements %bitcast3A_237, 1 {pack_format = #tpu.pack_format<interleaved>} : vector<32xbf16> -> vector<16xf32>
            %mul3A_240 = arith.mulf %unpack3A_238, %get3A_232 : vector<16xf32>
            %add3A_241 = arith.addf %add3A_226, %mul3A_240 : vector<16xf32>
            %mul3A_242 = arith.mulf %unpack3A_239, %get3A_232 : vector<16xf32>
            %add3A_243 = arith.addf %add3A_228, %mul3A_242 : vector<16xf32>
            %add3A_244 = arith.constant 2048 : i32
            %add3A_245 = arith.addi %add3A_244, %add3A_212 : i32
            %get3A_246 = arith.index_cast %add3A_245 : i32 to index
            %get3A_247 = tpu.vector_load %arg13[%get3A_246] {strides = array<i32>} : memref<8192xf32, #tpu.memory_space<vmem>>, vector<16xf32>,
            %add3A_248 = arith.constant 2048 : i32
            %add3A_249 = arith.addi %add3A_248, %add3A_212 : i32
            %get3A_250 = arith.index_cast %add3A_249 : i32 to index
            %get3A_251 = tpu.vector_load %arg15[%get3A_250] {strides = array<i32>} : memref<8192xi32, #tpu.memory_space<vmem>>, vector<16xi32>,
            %bitcast3A_252 = vector.bitcast %get3A_251 : vector<16xi32> to vector<32xbf16>
            %unpack3A_253 = tpu.unpack_subelements %bitcast3A_252, 0 {pack_format = #tpu.pack_format<interleaved>} : vector<32xbf16> -> vector<16xf32>
            %unpack3A_254 = tpu.unpack_subelements %bitcast3A_252, 1 {pack_format = #tpu.pack_format<interleaved>} : vector<32xbf16> -> vector<16xf32>
            %mul3A_255 = arith.mulf %unpack3A_253, %get3A_247 : vector<16xf32>
            %add3A_256 = arith.addf %add3A_241, %mul3A_255 : vector<16xf32>
            %mul3A_257 = arith.mulf %unpack3A_254, %get3A_247 : vector<16xf32>
            %add3A_258 = arith.addf %add3A_243, %mul3A_257 : vector<16xf32>
            %add3A_259 = arith.constant 3072 : i32
            %add3A_260 = arith.addi %add3A_259, %add3A_212 : i32
            %get3A_261 = arith.index_cast %add3A_260 : i32 to index
            %get3A_262 = tpu.vector_load %arg13[%get3A_261] {strides = array<i32>} : memref<8192xf32, #tpu.memory_space<vmem>>, vector<16xf32>,
            %add3A_263 = arith.constant 3072 : i32
            %add3A_264 = arith.addi %add3A_263, %add3A_212 : i32
            %get3A_265 = arith.index_cast %add3A_264 : i32 to index
            %get3A_266 = tpu.vector_load %arg15[%get3A_265] {strides = array<i32>} : memref<8192xi32, #tpu.memory_space<vmem>>, vector<16xi32>,
            %bitcast3A_267 = vector.bitcast %get3A_266 : vector<16xi32> to vector<32xbf16>
            %unpack3A_268 = tpu.unpack_subelements %bitcast3A_267, 0 {pack_format = #tpu.pack_format<interleaved>} : vector<32xbf16> -> vector<16xf32>
            %unpack3A_269 = tpu.unpack_subelements %bitcast3A_267, 1 {pack_format = #tpu.pack_format<interleaved>} : vector<32xbf16> -> vector<16xf32>
            %mul3A_270 = arith.mulf %unpack3A_268, %get3A_262 : vector<16xf32>
            %add3A_271 = arith.addf %add3A_256, %mul3A_270 : vector<16xf32>
            %mul3A_272 = arith.mulf %unpack3A_269, %get3A_262 : vector<16xf32>
            %add3A_273 = arith.addf %add3A_258, %mul3A_272 : vector<16xf32>
            %add3A_274 = arith.constant 4096 : i32
            %add3A_275 = arith.addi %add3A_274, %add3A_212 : i32
            %get3A_276 = arith.index_cast %add3A_275 : i32 to index
            %get3A_277 = tpu.vector_load %arg13[%get3A_276] {strides = array<i32>} : memref<8192xf32, #tpu.memory_space<vmem>>, vector<16xf32>,
            %add3A_278 = arith.constant 4096 : i32
            %add3A_279 = arith.addi %add3A_278, %add3A_212 : i32
            %get3A_280 = arith.index_cast %add3A_279 : i32 to index
            %get3A_281 = tpu.vector_load %arg15[%get3A_280] {strides = array<i32>} : memref<8192xi32, #tpu.memory_space<vmem>>, vector<16xi32>,
            %bitcast3A_282 = vector.bitcast %get3A_281 : vector<16xi32> to vector<32xbf16>
            %unpack3A_283 = tpu.unpack_subelements %bitcast3A_282, 0 {pack_format = #tpu.pack_format<interleaved>} : vector<32xbf16> -> vector<16xf32>
            %unpack3A_284 = tpu.unpack_subelements %bitcast3A_282, 1 {pack_format = #tpu.pack_format<interleaved>} : vector<32xbf16> -> vector<16xf32>
            %mul3A_285 = arith.mulf %unpack3A_283, %get3A_277 : vector<16xf32>
            %add3A_286 = arith.addf %add3A_271, %mul3A_285 : vector<16xf32>
            %mul3A_287 = arith.mulf %unpack3A_284, %get3A_277 : vector<16xf32>
            %add3A_288 = arith.addf %add3A_273, %mul3A_287 : vector<16xf32>
            %add3A_289 = arith.constant 5120 : i32
            %add3A_290 = arith.addi %add3A_289, %add3A_212 : i32
            %get3A_291 = arith.index_cast %add3A_290 : i32 to index
            %get3A_292 = tpu.vector_load %arg13[%get3A_291] {strides = array<i32>} : memref<8192xf32, #tpu.memory_space<vmem>>, vector<16xf32>,
            %add3A_293 = arith.constant 5120 : i32
            %add3A_294 = arith.addi %add3A_293, %add3A_212 : i32
            %get3A_295 = arith.index_cast %add3A_294 : i32 to index
            %get3A_296 = tpu.vector_load %arg15[%get3A_295] {strides = array<i32>} : memref<8192xi32, #tpu.memory_space<vmem>>, vector<16xi32>,
            %bitcast3A_297 = vector.bitcast %get3A_296 : vector<16xi32> to vector<32xbf16>
            %unpack3A_298 = tpu.unpack_subelements %bitcast3A_297, 0 {pack_format = #tpu.pack_format<interleaved>} : vector<32xbf16> -> vector<16xf32>
            %unpack3A_299 = tpu.unpack_subelements %bitcast3A_297, 1 {pack_format = #tpu.pack_format<interleaved>} : vector<32xbf16> -> vector<16xf32>
            %mul3A_300 = arith.mulf %unpack3A_298, %get3A_292 : vector<16xf32>
            %add3A_301 = arith.addf %add3A_286, %mul3A_300 : vector<16xf32>
            %mul3A_302 = arith.mulf %unpack3A_299, %get3A_292 : vector<16xf32>
            %add3A_303 = arith.addf %add3A_288, %mul3A_302 : vector<16xf32>
            %add3A_304 = arith.constant 6144 : i32
            %add3A_305 = arith.addi %add3A_304, %add3A_212 : i32
            %get3A_306 = arith.index_cast %add3A_305 : i32 to index
            %get3A_307 = tpu.vector_load %arg13[%get3A_306] {strides = array<i32>} : memref<8192xf32, #tpu.memory_space<vmem>>, vector<16xf32>,
            %add3A_308 = arith.constant 6144 : i32
            %add3A_309 = arith.addi %add3A_308, %add3A_212 : i32
            %get3A_310 = arith.index_cast %add3A_309 : i32 to index
            %get3A_311 = tpu.vector_load %arg15[%get3A_310] {strides = array<i32>} : memref<8192xi32, #tpu.memory_space<vmem>>, vector<16xi32>,
            %bitcast3A_312 = vector.bitcast %get3A_311 : vector<16xi32> to vector<32xbf16>
            %unpack3A_313 = tpu.unpack_subelements %bitcast3A_312, 0 {pack_format = #tpu.pack_format<interleaved>} : vector<32xbf16> -> vector<16xf32>
            %unpack3A_314 = tpu.unpack_subelements %bitcast3A_312, 1 {pack_format = #tpu.pack_format<interleaved>} : vector<32xbf16> -> vector<16xf32>
            %mul3A_315 = arith.mulf %unpack3A_313, %get3A_307 : vector<16xf32>
            %add3A_316 = arith.addf %add3A_301, %mul3A_315 : vector<16xf32>
            %mul3A_317 = arith.mulf %unpack3A_314, %get3A_307 : vector<16xf32>
            %add3A_318 = arith.addf %add3A_303, %mul3A_317 : vector<16xf32>
            %add3A_319 = arith.constant 7168 : i32
            %add3A_320 = arith.addi %add3A_319, %add3A_212 : i32
            %get3A_321 = arith.index_cast %add3A_320 : i32 to index
            %get3A_322 = tpu.vector_load %arg13[%get3A_321] {strides = array<i32>} : memref<8192xf32, #tpu.memory_space<vmem>>, vector<16xf32>,
            %add3A_323 = arith.constant 7168 : i32
            %add3A_324 = arith.addi %add3A_323, %add3A_212 : i32
            %get3A_325 = arith.index_cast %add3A_324 : i32 to index
            %get3A_326 = tpu.vector_load %arg15[%get3A_325] {strides = array<i32>} : memref<8192xi32, #tpu.memory_space<vmem>>, vector<16xi32>,
            %bitcast3A_327 = vector.bitcast %get3A_326 : vector<16xi32> to vector<32xbf16>
            %unpack3A_328 = tpu.unpack_subelements %bitcast3A_327, 0 {pack_format = #tpu.pack_format<interleaved>} : vector<32xbf16> -> vector<16xf32>
            %unpack3A_329 = tpu.unpack_subelements %bitcast3A_327, 1 {pack_format = #tpu.pack_format<interleaved>} : vector<32xbf16> -> vector<16xf32>
            %mul3A_330 = arith.mulf %unpack3A_328, %get3A_322 : vector<16xf32>
            %add3A_331 = arith.addf %add3A_316, %mul3A_330 : vector<16xf32>
            %mul3A_332 = arith.mulf %unpack3A_329, %get3A_322 : vector<16xf32>
            %add3A_333 = arith.addf %add3A_318, %mul3A_332 : vector<16xf32>
            %mul3A_334 = arith.constant 16 : i32
            %mul3A_335 = arith.muli %add3A_207, %mul3A_334 : i32
            %swap3A = arith.index_cast %add3A_197 : i32 to index
            %swap3A_336 = arith.index_cast %mul3A_335 : i32 to index
            %swap3A_337 = tpu.vector_load %arg17[%swap3A, %swap3A_336] {strides = array<i32>} : memref<8x128xf32, #tpu.memory_space<vmem>>, vector<16xf32>,
            tpu.vector_store %arg17[%swap3A, %swap3A_336], %add3A_331 {strides = array<i32>} : memref<8x128xf32, #tpu.memory_space<vmem>>, vector<16xf32>,
            %mul3A_338 = arith.constant 16 : i32
            %mul3A_339 = arith.muli %add3A_207, %mul3A_338 : i32
            %swap3A_340 = arith.index_cast %add3A_197 : i32 to index
            %swap3A_341 = arith.index_cast %mul3A_339 : i32 to index
            %swap3A_342 = tpu.vector_load %arg18[%swap3A_340, %swap3A_341] {strides = array<i32>} : memref<8x128xf32, #tpu.memory_space<vmem>>, vector<16xf32>,
            tpu.vector_store %arg18[%swap3A_340, %swap3A_341], %add3A_333 {strides = array<i32>} : memref<8x128xf32, #tpu.memory_space<vmem>>, vector<16xf32>,
          }
          %scan3A_202 = arith.constant 8 : i32
        }
        %scan3A_123 = arith.constant 8 : i32
        %mul3A_124 = arith.constant 256 : i32
        %mul3A_125 = arith.muli %add3A, %mul3A_124 : i32
        %mul3A_126 = arith.constant 8 : i32
        %mul3A_127 = arith.muli %mul3A_97, %mul3A_126 : i32
        %add3A_128 = arith.addi %mul3A_125, %mul3A_127 : i32
        %mul3A_129 = arith.constant 2 : i32
        %mul3A_130 = arith.muli %mul3A_129, %add3A_16 : i32
        %dma_start3A_131 = arith.constant 0 : i32
        %dma_start3A_132 = tpu.memref_slice %arg6[%mul3A_130, %add3A_128, %dma_start3A_131] : memref<32x8192x128xf32, #tpu.memory_space<hbm>> -> memref<1x8x128xf32, #tpu.memory_space<hbm>>
        %dma_start3A_133 = tpu.memref_squeeze %dma_start3A_132 : memref<1x8x128xf32, #tpu.memory_space<hbm>> -> memref<8x128xf32, #tpu.memory_space<hbm>>
        %dma_start3A_134 = arith.constant 0 : i32
        %dma_start3A_135 = tpu.memref_slice %arg6[%mul3A_130, %add3A_128, %dma_start3A_134] : memref<32x8192x128xf32, #tpu.memory_space<hbm>> -> memref<1x8x128xf32, #tpu.memory_space<hbm>>
        %dma_start3A_136 = tpu.memref_squeeze %dma_start3A_135 : memref<1x8x128xf32, #tpu.memory_space<hbm>> -> memref<8x128xf32, #tpu.memory_space<hbm>>
        tpu.enqueue_dma source(%arg17 : memref<8x128xf32, #tpu.memory_space<vmem>>) target(%dma_start3A_136 : memref<8x128xf32, #tpu.memory_space<hbm>>) target_semaphore(%arg25 : memref<!tpu.dma_semaphore, #tpu.memory_space<semaphore_mem>>)
        %mul3A_137 = arith.constant 2 : i32
        %mul3A_138 = arith.muli %mul3A_137, %add3A_16 : i32
        %add3A_139 = arith.constant 1 : i32
        %add3A_140 = arith.addi %mul3A_138, %add3A_139 : i32
        %dma_start3A_141 = arith.constant 0 : i32
        %dma_start3A_142 = tpu.memref_slice %arg6[%add3A_140, %add3A_128, %dma_start3A_141] : memref<32x8192x128xf32, #tpu.memory_space<hbm>> -> memref<1x8x128xf32, #tpu.memory_space<hbm>>
        %dma_start3A_143 = tpu.memref_squeeze %dma_start3A_142 : memref<1x8x128xf32, #tpu.memory_space<hbm>> -> memref<8x128xf32, #tpu.memory_space<hbm>>
        %dma_start3A_144 = arith.constant 0 : i32
        %dma_start3A_145 = tpu.memref_slice %arg6[%add3A_140, %add3A_128, %dma_start3A_144] : memref<32x8192x128xf32, #tpu.memory_space<hbm>> -> memref<1x8x128xf32, #tpu.memory_space<hbm>>
        %dma_start3A_146 = tpu.memref_squeeze %dma_start3A_145 : memref<1x8x128xf32, #tpu.memory_space<hbm>> -> memref<8x128xf32, #tpu.memory_space<hbm>>
        tpu.enqueue_dma source(%arg18 : memref<8x128xf32, #tpu.memory_space<vmem>>) target(%dma_start3A_146 : memref<8x128xf32, #tpu.memory_space<hbm>>) target_semaphore(%arg25 : memref<!tpu.dma_semaphore, #tpu.memory_space<semaphore_mem>>)
        %lt3A = arith.constant 15 : i32
        %lt3A_147 = arith.cmpi slt, %add3A_95, %lt3A : i32
        %convert_element_type3A_148 = arith.extui %lt3A_147 : i1 to i32
        %cond3A_149 = arith.constant 0 : i32
        %cond3A_150 = arith.cmpi ne, %convert_element_type3A_148, %cond3A_149 : i32
        scf.if %cond3A_150 {
          %add3A_193 = arith.constant 2 : i32
          %add3A_194 = arith.addi %mul3A_97, %add3A_193 : i32
          %mul3A_195 = arith.constant 256 : i32
          %mul3A_196 = arith.muli %add3A, %mul3A_195 : i32
          %mul3A_197 = arith.constant 8 : i32
          %mul3A_198 = arith.muli %add3A_194, %mul3A_197 : i32
          %add3A_199 = arith.addi %mul3A_196, %mul3A_198 : i32
          %run_scoped3A_200 = arith.constant 0 : i32
          "tpu.region"() ({
            %run_scoped3A_208 = tpu.sem_alloc : memref<!tpu.dma_semaphore, #tpu.memory_space<semaphore_mem>>
            %dma_start3A_209 = arith.constant 0 : i32
            %dma_start3A_210 = tpu.memref_slice %arg2[%run_scoped3A_200, %add3A_199, %dma_start3A_209] : memref<3x8192x128xf32, #tpu.memory_space<hbm>> -> memref<1x8x128xf32, #tpu.memory_space<hbm>>
            %dma_start3A_211 = tpu.memref_squeeze %dma_start3A_210 : memref<1x8x128xf32, #tpu.memory_space<hbm>> -> memref<8x128xf32, #tpu.memory_space<hbm>>
            %dma_start3A_212 = arith.constant 0 : i32
            %dma_start3A_213 = tpu.memref_slice %arg2[%run_scoped3A_200, %add3A_199, %dma_start3A_212] : memref<3x8192x128xf32, #tpu.memory_space<hbm>> -> memref<1x8x128xf32, #tpu.memory_space<hbm>>
            %dma_start3A_214 = tpu.memref_squeeze %dma_start3A_213 : memref<1x8x128xf32, #tpu.memory_space<hbm>> -> memref<8x128xf32, #tpu.memory_space<hbm>>
            tpu.enqueue_dma source(%dma_start3A_214 : memref<8x128xf32, #tpu.memory_space<hbm>>) target(%arg8 : memref<8x128xf32, #tpu.memory_space<vmem>>) target_semaphore(%run_scoped3A_208 : memref<!tpu.dma_semaphore, #tpu.memory_space<semaphore_mem>>)
            %dma_wait3A_215 = arith.constant 0 : i32
            %dma_wait3A_216 = tpu.memref_slice %arg2[%run_scoped3A_200, %add3A_199, %dma_wait3A_215] : memref<3x8192x128xf32, #tpu.memory_space<hbm>> -> memref<1x8x128xf32, #tpu.memory_space<hbm>>
            %dma_wait3A_217 = tpu.memref_squeeze %dma_wait3A_216 : memref<1x8x128xf32, #tpu.memory_space<hbm>> -> memref<8x128xf32, #tpu.memory_space<hbm>>
            %dma_wait3A_218 = arith.constant 0 : i32
            %dma_wait3A_219 = tpu.memref_slice %arg2[%run_scoped3A_200, %add3A_199, %dma_wait3A_218] : memref<3x8192x128xf32, #tpu.memory_space<hbm>> -> memref<1x8x128xf32, #tpu.memory_space<hbm>>
            %dma_wait3A_220 = tpu.memref_squeeze %dma_wait3A_219 : memref<1x8x128xf32, #tpu.memory_space<hbm>> -> memref<8x128xf32, #tpu.memory_space<hbm>>
            tpu.wait_dma2 semaphore(%run_scoped3A_208 : memref<!tpu.dma_semaphore, #tpu.memory_space<semaphore_mem>>) src(%dma_wait3A_220 : memref<8x128xf32, #tpu.memory_space<hbm>>) dst(%arg8 : memref<8x128xf32, #tpu.memory_space<vmem>>)
            tpu.yield
          }) : () -> ()
          %run_scoped3A_201 = arith.constant 1 : i32
          "tpu.region"() ({
            %run_scoped3A_208 = tpu.sem_alloc : memref<!tpu.dma_semaphore, #tpu.memory_space<semaphore_mem>>
            %dma_start3A_209 = arith.constant 0 : i32
            %dma_start3A_210 = tpu.memref_slice %arg2[%run_scoped3A_201, %add3A_199, %dma_start3A_209] : memref<3x8192x128xf32, #tpu.memory_space<hbm>> -> memref<1x8x128xf32, #tpu.memory_space<hbm>>
            %dma_start3A_211 = tpu.memref_squeeze %dma_start3A_210 : memref<1x8x128xf32, #tpu.memory_space<hbm>> -> memref<8x128xf32, #tpu.memory_space<hbm>>
            %dma_start3A_212 = arith.constant 0 : i32
            %dma_start3A_213 = tpu.memref_slice %arg2[%run_scoped3A_201, %add3A_199, %dma_start3A_212] : memref<3x8192x128xf32, #tpu.memory_space<hbm>> -> memref<1x8x128xf32, #tpu.memory_space<hbm>>
            %dma_start3A_214 = tpu.memref_squeeze %dma_start3A_213 : memref<1x8x128xf32, #tpu.memory_space<hbm>> -> memref<8x128xf32, #tpu.memory_space<hbm>>
            tpu.enqueue_dma source(%dma_start3A_214 : memref<8x128xf32, #tpu.memory_space<hbm>>) target(%arg9 : memref<8x128xf32, #tpu.memory_space<vmem>>) target_semaphore(%run_scoped3A_208 : memref<!tpu.dma_semaphore, #tpu.memory_space<semaphore_mem>>)
            %dma_wait3A_215 = arith.constant 0 : i32
            %dma_wait3A_216 = tpu.memref_slice %arg2[%run_scoped3A_201, %add3A_199, %dma_wait3A_215] : memref<3x8192x128xf32, #tpu.memory_space<hbm>> -> memref<1x8x128xf32, #tpu.memory_space<hbm>>
            %dma_wait3A_217 = tpu.memref_squeeze %dma_wait3A_216 : memref<1x8x128xf32, #tpu.memory_space<hbm>> -> memref<8x128xf32, #tpu.memory_space<hbm>>
            %dma_wait3A_218 = arith.constant 0 : i32
            %dma_wait3A_219 = tpu.memref_slice %arg2[%run_scoped3A_201, %add3A_199, %dma_wait3A_218] : memref<3x8192x128xf32, #tpu.memory_space<hbm>> -> memref<1x8x128xf32, #tpu.memory_space<hbm>>
            %dma_wait3A_220 = tpu.memref_squeeze %dma_wait3A_219 : memref<1x8x128xf32, #tpu.memory_space<hbm>> -> memref<8x128xf32, #tpu.memory_space<hbm>>
            tpu.wait_dma2 semaphore(%run_scoped3A_208 : memref<!tpu.dma_semaphore, #tpu.memory_space<semaphore_mem>>) src(%dma_wait3A_220 : memref<8x128xf32, #tpu.memory_space<hbm>>) dst(%arg9 : memref<8x128xf32, #tpu.memory_space<vmem>>)
            tpu.yield
          }) : () -> ()
          %run_scoped3A_202 = arith.constant 2 : i32
          "tpu.region"() ({
            %run_scoped3A_208 = tpu.sem_alloc : memref<!tpu.dma_semaphore, #tpu.memory_space<semaphore_mem>>
            %dma_start3A_209 = arith.constant 0 : i32
            %dma_start3A_210 = tpu.memref_slice %arg2[%run_scoped3A_202, %add3A_199, %dma_start3A_209] : memref<3x8192x128xf32, #tpu.memory_space<hbm>> -> memref<1x8x128xf32, #tpu.memory_space<hbm>>
            %dma_start3A_211 = tpu.memref_squeeze %dma_start3A_210 : memref<1x8x128xf32, #tpu.memory_space<hbm>> -> memref<8x128xf32, #tpu.memory_space<hbm>>
            %dma_start3A_212 = arith.constant 0 : i32
            %dma_start3A_213 = tpu.memref_slice %arg2[%run_scoped3A_202, %add3A_199, %dma_start3A_212] : memref<3x8192x128xf32, #tpu.memory_space<hbm>> -> memref<1x8x128xf32, #tpu.memory_space<hbm>>
            %dma_start3A_214 = tpu.memref_squeeze %dma_start3A_213 : memref<1x8x128xf32, #tpu.memory_space<hbm>> -> memref<8x128xf32, #tpu.memory_space<hbm>>
            tpu.enqueue_dma source(%dma_start3A_214 : memref<8x128xf32, #tpu.memory_space<hbm>>) target(%arg10 : memref<8x128xf32, #tpu.memory_space<vmem>>) target_semaphore(%run_scoped3A_208 : memref<!tpu.dma_semaphore, #tpu.memory_space<semaphore_mem>>)
            %dma_wait3A_215 = arith.constant 0 : i32
            %dma_wait3A_216 = tpu.memref_slice %arg2[%run_scoped3A_202, %add3A_199, %dma_wait3A_215] : memref<3x8192x128xf32, #tpu.memory_space<hbm>> -> memref<1x8x128xf32, #tpu.memory_space<hbm>>
            %dma_wait3A_217 = tpu.memref_squeeze %dma_wait3A_216 : memref<1x8x128xf32, #tpu.memory_space<hbm>> -> memref<8x128xf32, #tpu.memory_space<hbm>>
            %dma_wait3A_218 = arith.constant 0 : i32
            %dma_wait3A_219 = tpu.memref_slice %arg2[%run_scoped3A_202, %add3A_199, %dma_wait3A_218] : memref<3x8192x128xf32, #tpu.memory_space<hbm>> -> memref<1x8x128xf32, #tpu.memory_space<hbm>>
            %dma_wait3A_220 = tpu.memref_squeeze %dma_wait3A_219 : memref<1x8x128xf32, #tpu.memory_space<hbm>> -> memref<8x128xf32, #tpu.memory_space<hbm>>
            tpu.wait_dma2 semaphore(%run_scoped3A_208 : memref<!tpu.dma_semaphore, #tpu.memory_space<semaphore_mem>>) src(%dma_wait3A_220 : memref<8x128xf32, #tpu.memory_space<hbm>>) dst(%arg10 : memref<8x128xf32, #tpu.memory_space<vmem>>)
            tpu.yield
          }) : () -> ()
          %scan3A_203 = arith.constant 0 : i32
          %scan3A_204 = arith.constant 8 : i32
          %scan3A_205 = arith.addi %scan3A_203, %scan3A_204 : i32
          %scan3A_206 = arith.constant 1 : i32
          scf.for %scan3A_208 = %scan3A_203 to %scan3A_205 step %scan3A_206  : i32 {
            %mul3A_209 = arith.constant 1 : i32
            %mul3A_210 = arith.muli %scan3A_208, %mul3A_209 : i32
            %add3A_211 = arith.constant 0 : i32
            %add3A_212 = arith.addi %add3A_211, %mul3A_210 : i32
            %scan3A_213 = arith.constant 0 : i32
            %scan3A_214 = arith.constant 8 : i32
            %scan3A_215 = arith.addi %scan3A_213, %scan3A_214 : i32
            %scan3A_216 = arith.constant 1 : i32
            scf.for %scan3A_218 = %scan3A_213 to %scan3A_215 step %scan3A_216  : i32 {
              %mul3A_219 = arith.constant 1 : i32
              %mul3A_220 = arith.muli %scan3A_218, %mul3A_219 : i32
              %add3A_221 = arith.constant 0 : i32
              %add3A_222 = arith.addi %add3A_221, %mul3A_220 : i32
              %mul3A_223 = arith.constant 128 : i32
              %mul3A_224 = arith.muli %add3A_212, %mul3A_223 : i32
              %mul3A_225 = arith.constant 16 : i32
              %mul3A_226 = arith.muli %add3A_222, %mul3A_225 : i32
              %add3A_227 = arith.addi %mul3A_224, %mul3A_226 : i32
              %mul3A_228 = arith.constant 16 : i32
              %mul3A_229 = arith.muli %add3A_222, %mul3A_228 : i32
              %get3A = arith.index_cast %add3A_212 : i32 to index
              %get3A_230 = arith.index_cast %mul3A_229 : i32 to index
              %get3A_231 = tpu.vector_load %arg8[%get3A, %get3A_230] {strides = array<i32>} : memref<8x128xf32, #tpu.memory_space<vmem>>, vector<16xf32>,
              %mul3A_232 = arith.constant 16 : i32
              %mul3A_233 = arith.muli %add3A_222, %mul3A_232 : i32
              %get3A_234 = arith.index_cast %add3A_212 : i32 to index
              %get3A_235 = arith.index_cast %mul3A_233 : i32 to index
              %get3A_236 = tpu.vector_load %arg9[%get3A_234, %get3A_235] {strides = array<i32>} : memref<8x128xf32, #tpu.memory_space<vmem>>, vector<16xf32>,
              %mul3A_237 = arith.constant 16 : i32
              %mul3A_238 = arith.muli %add3A_222, %mul3A_237 : i32
              %get3A_239 = arith.index_cast %add3A_212 : i32 to index
              %get3A_240 = arith.index_cast %mul3A_238 : i32 to index
              %get3A_241 = tpu.vector_load %arg10[%get3A_239, %get3A_240] {strides = array<i32>} : memref<8x128xf32, #tpu.memory_space<vmem>>, vector<16xf32>,
              %mul3A_242 = arith.mulf %get3A_231, %gather3A : vector<16xf32>
              %convert_element_type3A_243 = arith.fptosi %mul3A_242 : vector<16xf32> to vector<16xi32>
              %convert_element_type3A_244 = arith.sitofp %convert_element_type3A_243 : vector<16xi32> to vector<16xf32>
              %sub3A = arith.subf %mul3A_242, %convert_element_type3A_244 : vector<16xf32>
              %mul3A_245 = arith.mulf %sub3A, %sub3A : vector<16xf32>
              %mul3A_246 = arith.constant 2.000000e+00 : f32
              %mul3A_247 = vector.broadcast %mul3A_246 : f32 to vector<16xf32>
              %mul3A_248 = arith.mulf %mul3A_247, %sub3A : vector<16xf32>
              %sub3A_249 = arith.constant 3.000000e+00 : f32
              %sub3A_250 = vector.broadcast %sub3A_249 : f32 to vector<16xf32>
              %sub3A_251 = arith.subf %sub3A_250, %mul3A_248 : vector<16xf32>
              %mul3A_252 = arith.mulf %mul3A_245, %sub3A_251 : vector<16xf32>
              %sub3A_253 = arith.constant 1.000000e+00 : f32
              %sub3A_254 = vector.broadcast %sub3A_253 : f32 to vector<16xf32>
              %sub3A_255 = arith.subf %sub3A_254, %mul3A_252 : vector<16xf32>
              %mul3A_256 = arith.mulf %get3A_236, %gather3A : vector<16xf32>
              %convert_element_type3A_257 = arith.fptosi %mul3A_256 : vector<16xf32> to vector<16xi32>
              %convert_element_type3A_258 = arith.sitofp %convert_element_type3A_257 : vector<16xi32> to vector<16xf32>
              %sub3A_259 = arith.subf %mul3A_256, %convert_element_type3A_258 : vector<16xf32>
              %mul3A_260 = arith.mulf %sub3A_259, %sub3A_259 : vector<16xf32>
              %mul3A_261 = arith.constant 2.000000e+00 : f32
              %mul3A_262 = vector.broadcast %mul3A_261 : f32 to vector<16xf32>
              %mul3A_263 = arith.mulf %mul3A_262, %sub3A_259 : vector<16xf32>
              %sub3A_264 = arith.constant 3.000000e+00 : f32
              %sub3A_265 = vector.broadcast %sub3A_264 : f32 to vector<16xf32>
              %sub3A_266 = arith.subf %sub3A_265, %mul3A_263 : vector<16xf32>
              %mul3A_267 = arith.mulf %mul3A_260, %sub3A_266 : vector<16xf32>
              %sub3A_268 = arith.constant 1.000000e+00 : f32
              %sub3A_269 = vector.broadcast %sub3A_268 : f32 to vector<16xf32>
              %sub3A_270 = arith.subf %sub3A_269, %mul3A_267 : vector<16xf32>
              %mul3A_271 = arith.mulf %get3A_241, %gather3A : vector<16xf32>
              %convert_element_type3A_272 = arith.fptosi %mul3A_271 : vector<16xf32> to vector<16xi32>
              %convert_element_type3A_273 = arith.sitofp %convert_element_type3A_272 : vector<16xi32> to vector<16xf32>
              %sub3A_274 = arith.subf %mul3A_271, %convert_element_type3A_273 : vector<16xf32>
              %mul3A_275 = arith.mulf %sub3A_274, %sub3A_274 : vector<16xf32>
              %mul3A_276 = arith.constant 2.000000e+00 : f32
              %mul3A_277 = vector.broadcast %mul3A_276 : f32 to vector<16xf32>
              %mul3A_278 = arith.mulf %mul3A_277, %sub3A_274 : vector<16xf32>
              %sub3A_279 = arith.constant 3.000000e+00 : f32
              %sub3A_280 = vector.broadcast %sub3A_279 : f32 to vector<16xf32>
              %sub3A_281 = arith.subf %sub3A_280, %mul3A_278 : vector<16xf32>
              %mul3A_282 = arith.mulf %mul3A_275, %sub3A_281 : vector<16xf32>
              %sub3A_283 = arith.constant 1.000000e+00 : f32
              %sub3A_284 = vector.broadcast %sub3A_283 : f32 to vector<16xf32>
              %sub3A_285 = arith.subf %sub3A_284, %mul3A_282 : vector<16xf32>
              %mul3A_286 = arith.constant -1640531535 : i32
              %mul3A_287 = vector.broadcast %mul3A_286 : i32 to vector<16xi32>
              %mul3A_288 = arith.muli %convert_element_type3A_257, %mul3A_287 : vector<16xi32>
              %xor3A = arith.xori %convert_element_type3A_243, %mul3A_288 : vector<16xi32>
              %mul3A_289 = arith.constant 805459861 : i32
              %mul3A_290 = vector.broadcast %mul3A_289 : i32 to vector<16xi32>
              %mul3A_291 = arith.muli %convert_element_type3A_272, %mul3A_290 : vector<16xi32>
              %xor3A_292 = arith.xori %xor3A, %mul3A_291 : vector<16xi32>
              %and3A = arith.constant 524287 : i32
              %and3A_293 = vector.broadcast %and3A : i32 to vector<16xi32>
              %and3A_294 = arith.andi %xor3A_292, %and3A_293 : vector<16xi32>
              %mul3A_295 = arith.mulf %sub3A_255, %sub3A_270 : vector<16xf32>
              %mul3A_296 = arith.mulf %mul3A_295, %sub3A_285 : vector<16xf32>
              %add3A_297 = arith.constant 0 : i32
              %add3A_298 = arith.addi %add3A_297, %add3A_227 : i32
              %swap3A = arith.index_cast %add3A_298 : i32 to index
              %swap3A_299 = tpu.vector_load %arg11[%swap3A] {strides = array<i32>} : memref<8192xi32, #tpu.memory_space<vmem>>, vector<16xi32>,
              tpu.vector_store %arg11[%swap3A], %and3A_294 {strides = array<i32>} : memref<8192xi32, #tpu.memory_space<vmem>>, vector<16xi32>,
              %add3A_300 = arith.constant 0 : i32
              %add3A_301 = arith.addi %add3A_300, %add3A_227 : i32
              %swap3A_302 = arith.index_cast %add3A_301 : i32 to index
              %swap3A_303 = tpu.vector_load %arg13[%swap3A_302] {strides = array<i32>} : memref<8192xf32, #tpu.memory_space<vmem>>, vector<16xf32>,
              tpu.vector_store %arg13[%swap3A_302], %mul3A_296 {strides = array<i32>} : memref<8192xf32, #tpu.memory_space<vmem>>, vector<16xf32>,
              %add3A_304 = arith.constant 1 : i32
              %add3A_305 = vector.broadcast %add3A_304 : i32 to vector<16xi32>
              %add3A_306 = arith.addi %convert_element_type3A_243, %add3A_305 : vector<16xi32>
              %mul3A_307 = arith.constant -1640531535 : i32
              %mul3A_308 = vector.broadcast %mul3A_307 : i32 to vector<16xi32>
              %mul3A_309 = arith.muli %convert_element_type3A_257, %mul3A_308 : vector<16xi32>
              %xor3A_310 = arith.xori %add3A_306, %mul3A_309 : vector<16xi32>
              %mul3A_311 = arith.constant 805459861 : i32
              %mul3A_312 = vector.broadcast %mul3A_311 : i32 to vector<16xi32>
              %mul3A_313 = arith.muli %convert_element_type3A_272, %mul3A_312 : vector<16xi32>
              %xor3A_314 = arith.xori %xor3A_310, %mul3A_313 : vector<16xi32>
              %and3A_315 = arith.constant 524287 : i32
              %and3A_316 = vector.broadcast %and3A_315 : i32 to vector<16xi32>
              %and3A_317 = arith.andi %xor3A_314, %and3A_316 : vector<16xi32>
              %mul3A_318 = arith.mulf %mul3A_252, %sub3A_270 : vector<16xf32>
              %mul3A_319 = arith.mulf %mul3A_318, %sub3A_285 : vector<16xf32>
              %add3A_320 = arith.constant 1024 : i32
              %add3A_321 = arith.addi %add3A_320, %add3A_227 : i32
              %swap3A_322 = arith.index_cast %add3A_321 : i32 to index
              %swap3A_323 = tpu.vector_load %arg11[%swap3A_322] {strides = array<i32>} : memref<8192xi32, #tpu.memory_space<vmem>>, vector<16xi32>,
              tpu.vector_store %arg11[%swap3A_322], %and3A_317 {strides = array<i32>} : memref<8192xi32, #tpu.memory_space<vmem>>, vector<16xi32>,
              %add3A_324 = arith.constant 1024 : i32
              %add3A_325 = arith.addi %add3A_324, %add3A_227 : i32
              %swap3A_326 = arith.index_cast %add3A_325 : i32 to index
              %swap3A_327 = tpu.vector_load %arg13[%swap3A_326] {strides = array<i32>} : memref<8192xf32, #tpu.memory_space<vmem>>, vector<16xf32>,
              tpu.vector_store %arg13[%swap3A_326], %mul3A_319 {strides = array<i32>} : memref<8192xf32, #tpu.memory_space<vmem>>, vector<16xf32>,
              %add3A_328 = arith.constant 1 : i32
              %add3A_329 = vector.broadcast %add3A_328 : i32 to vector<16xi32>
              %add3A_330 = arith.addi %convert_element_type3A_257, %add3A_329 : vector<16xi32>
              %mul3A_331 = arith.constant -1640531535 : i32
              %mul3A_332 = vector.broadcast %mul3A_331 : i32 to vector<16xi32>
              %mul3A_333 = arith.muli %add3A_330, %mul3A_332 : vector<16xi32>
              %xor3A_334 = arith.xori %convert_element_type3A_243, %mul3A_333 : vector<16xi32>
              %mul3A_335 = arith.constant 805459861 : i32
              %mul3A_336 = vector.broadcast %mul3A_335 : i32 to vector<16xi32>
              %mul3A_337 = arith.muli %convert_element_type3A_272, %mul3A_336 : vector<16xi32>
              %xor3A_338 = arith.xori %xor3A_334, %mul3A_337 : vector<16xi32>
              %and3A_339 = arith.constant 524287 : i32
              %and3A_340 = vector.broadcast %and3A_339 : i32 to vector<16xi32>
              %and3A_341 = arith.andi %xor3A_338, %and3A_340 : vector<16xi32>
              %mul3A_342 = arith.mulf %sub3A_255, %mul3A_267 : vector<16xf32>
              %mul3A_343 = arith.mulf %mul3A_342, %sub3A_285 : vector<16xf32>
              %add3A_344 = arith.constant 2048 : i32
              %add3A_345 = arith.addi %add3A_344, %add3A_227 : i32
              %swap3A_346 = arith.index_cast %add3A_345 : i32 to index
              %swap3A_347 = tpu.vector_load %arg11[%swap3A_346] {strides = array<i32>} : memref<8192xi32, #tpu.memory_space<vmem>>, vector<16xi32>,
              tpu.vector_store %arg11[%swap3A_346], %and3A_341 {strides = array<i32>} : memref<8192xi32, #tpu.memory_space<vmem>>, vector<16xi32>,
              %add3A_348 = arith.constant 2048 : i32
              %add3A_349 = arith.addi %add3A_348, %add3A_227 : i32
              %swap3A_350 = arith.index_cast %add3A_349 : i32 to index
              %swap3A_351 = tpu.vector_load %arg13[%swap3A_350] {strides = array<i32>} : memref<8192xf32, #tpu.memory_space<vmem>>, vector<16xf32>,
              tpu.vector_store %arg13[%swap3A_350], %mul3A_343 {strides = array<i32>} : memref<8192xf32, #tpu.memory_space<vmem>>, vector<16xf32>,
              %add3A_352 = arith.constant 1 : i32
              %add3A_353 = vector.broadcast %add3A_352 : i32 to vector<16xi32>
              %add3A_354 = arith.addi %convert_element_type3A_243, %add3A_353 : vector<16xi32>
              %add3A_355 = arith.constant 1 : i32
              %add3A_356 = vector.broadcast %add3A_355 : i32 to vector<16xi32>
              %add3A_357 = arith.addi %convert_element_type3A_257, %add3A_356 : vector<16xi32>
              %mul3A_358 = arith.constant -1640531535 : i32
              %mul3A_359 = vector.broadcast %mul3A_358 : i32 to vector<16xi32>
              %mul3A_360 = arith.muli %add3A_357, %mul3A_359 : vector<16xi32>
              %xor3A_361 = arith.xori %add3A_354, %mul3A_360 : vector<16xi32>
              %mul3A_362 = arith.constant 805459861 : i32
              %mul3A_363 = vector.broadcast %mul3A_362 : i32 to vector<16xi32>
              %mul3A_364 = arith.muli %convert_element_type3A_272, %mul3A_363 : vector<16xi32>
              %xor3A_365 = arith.xori %xor3A_361, %mul3A_364 : vector<16xi32>
              %and3A_366 = arith.constant 524287 : i32
              %and3A_367 = vector.broadcast %and3A_366 : i32 to vector<16xi32>
              %and3A_368 = arith.andi %xor3A_365, %and3A_367 : vector<16xi32>
              %mul3A_369 = arith.mulf %mul3A_252, %mul3A_267 : vector<16xf32>
              %mul3A_370 = arith.mulf %mul3A_369, %sub3A_285 : vector<16xf32>
              %add3A_371 = arith.constant 3072 : i32
              %add3A_372 = arith.addi %add3A_371, %add3A_227 : i32
              %swap3A_373 = arith.index_cast %add3A_372 : i32 to index
              %swap3A_374 = tpu.vector_load %arg11[%swap3A_373] {strides = array<i32>} : memref<8192xi32, #tpu.memory_space<vmem>>, vector<16xi32>,
              tpu.vector_store %arg11[%swap3A_373], %and3A_368 {strides = array<i32>} : memref<8192xi32, #tpu.memory_space<vmem>>, vector<16xi32>,
              %add3A_375 = arith.constant 3072 : i32
              %add3A_376 = arith.addi %add3A_375, %add3A_227 : i32
              %swap3A_377 = arith.index_cast %add3A_376 : i32 to index
              %swap3A_378 = tpu.vector_load %arg13[%swap3A_377] {strides = array<i32>} : memref<8192xf32, #tpu.memory_space<vmem>>, vector<16xf32>,
              tpu.vector_store %arg13[%swap3A_377], %mul3A_370 {strides = array<i32>} : memref<8192xf32, #tpu.memory_space<vmem>>, vector<16xf32>,
              %add3A_379 = arith.constant 1 : i32
              %add3A_380 = vector.broadcast %add3A_379 : i32 to vector<16xi32>
              %add3A_381 = arith.addi %convert_element_type3A_272, %add3A_380 : vector<16xi32>
              %mul3A_382 = arith.constant -1640531535 : i32
              %mul3A_383 = vector.broadcast %mul3A_382 : i32 to vector<16xi32>
              %mul3A_384 = arith.muli %convert_element_type3A_257, %mul3A_383 : vector<16xi32>
              %xor3A_385 = arith.xori %convert_element_type3A_243, %mul3A_384 : vector<16xi32>
              %mul3A_386 = arith.constant 805459861 : i32
              %mul3A_387 = vector.broadcast %mul3A_386 : i32 to vector<16xi32>
              %mul3A_388 = arith.muli %add3A_381, %mul3A_387 : vector<16xi32>
              %xor3A_389 = arith.xori %xor3A_385, %mul3A_388 : vector<16xi32>
              %and3A_390 = arith.constant 524287 : i32
              %and3A_391 = vector.broadcast %and3A_390 : i32 to vector<16xi32>
              %and3A_392 = arith.andi %xor3A_389, %and3A_391 : vector<16xi32>
              %mul3A_393 = arith.mulf %sub3A_255, %sub3A_270 : vector<16xf32>
              %mul3A_394 = arith.mulf %mul3A_393, %mul3A_282 : vector<16xf32>
              %add3A_395 = arith.constant 4096 : i32
              %add3A_396 = arith.addi %add3A_395, %add3A_227 : i32
              %swap3A_397 = arith.index_cast %add3A_396 : i32 to index
              %swap3A_398 = tpu.vector_load %arg11[%swap3A_397] {strides = array<i32>} : memref<8192xi32, #tpu.memory_space<vmem>>, vector<16xi32>,
              tpu.vector_store %arg11[%swap3A_397], %and3A_392 {strides = array<i32>} : memref<8192xi32, #tpu.memory_space<vmem>>, vector<16xi32>,
              %add3A_399 = arith.constant 4096 : i32
              %add3A_400 = arith.addi %add3A_399, %add3A_227 : i32
              %swap3A_401 = arith.index_cast %add3A_400 : i32 to index
              %swap3A_402 = tpu.vector_load %arg13[%swap3A_401] {strides = array<i32>} : memref<8192xf32, #tpu.memory_space<vmem>>, vector<16xf32>,
              tpu.vector_store %arg13[%swap3A_401], %mul3A_394 {strides = array<i32>} : memref<8192xf32, #tpu.memory_space<vmem>>, vector<16xf32>,
              %add3A_403 = arith.constant 1 : i32
              %add3A_404 = vector.broadcast %add3A_403 : i32 to vector<16xi32>
              %add3A_405 = arith.addi %convert_element_type3A_243, %add3A_404 : vector<16xi32>
              %add3A_406 = arith.constant 1 : i32
              %add3A_407 = vector.broadcast %add3A_406 : i32 to vector<16xi32>
              %add3A_408 = arith.addi %convert_element_type3A_272, %add3A_407 : vector<16xi32>
              %mul3A_409 = arith.constant -1640531535 : i32
              %mul3A_410 = vector.broadcast %mul3A_409 : i32 to vector<16xi32>
              %mul3A_411 = arith.muli %convert_element_type3A_257, %mul3A_410 : vector<16xi32>
              %xor3A_412 = arith.xori %add3A_405, %mul3A_411 : vector<16xi32>
              %mul3A_413 = arith.constant 805459861 : i32
              %mul3A_414 = vector.broadcast %mul3A_413 : i32 to vector<16xi32>
              %mul3A_415 = arith.muli %add3A_408, %mul3A_414 : vector<16xi32>
              %xor3A_416 = arith.xori %xor3A_412, %mul3A_415 : vector<16xi32>
              %and3A_417 = arith.constant 524287 : i32
              %and3A_418 = vector.broadcast %and3A_417 : i32 to vector<16xi32>
              %and3A_419 = arith.andi %xor3A_416, %and3A_418 : vector<16xi32>
              %mul3A_420 = arith.mulf %mul3A_252, %sub3A_270 : vector<16xf32>
              %mul3A_421 = arith.mulf %mul3A_420, %mul3A_282 : vector<16xf32>
              %add3A_422 = arith.constant 5120 : i32
              %add3A_423 = arith.addi %add3A_422, %add3A_227 : i32
              %swap3A_424 = arith.index_cast %add3A_423 : i32 to index
              %swap3A_425 = tpu.vector_load %arg11[%swap3A_424] {strides = array<i32>} : memref<8192xi32, #tpu.memory_space<vmem>>, vector<16xi32>,
              tpu.vector_store %arg11[%swap3A_424], %and3A_419 {strides = array<i32>} : memref<8192xi32, #tpu.memory_space<vmem>>, vector<16xi32>,
              %add3A_426 = arith.constant 5120 : i32
              %add3A_427 = arith.addi %add3A_426, %add3A_227 : i32
              %swap3A_428 = arith.index_cast %add3A_427 : i32 to index
              %swap3A_429 = tpu.vector_load %arg13[%swap3A_428] {strides = array<i32>} : memref<8192xf32, #tpu.memory_space<vmem>>, vector<16xf32>,
              tpu.vector_store %arg13[%swap3A_428], %mul3A_421 {strides = array<i32>} : memref<8192xf32, #tpu.memory_space<vmem>>, vector<16xf32>,
              %add3A_430 = arith.constant 1 : i32
              %add3A_431 = vector.broadcast %add3A_430 : i32 to vector<16xi32>
              %add3A_432 = arith.addi %convert_element_type3A_257, %add3A_431 : vector<16xi32>
              %add3A_433 = arith.constant 1 : i32
              %add3A_434 = vector.broadcast %add3A_433 : i32 to vector<16xi32>
              %add3A_435 = arith.addi %convert_element_type3A_272, %add3A_434 : vector<16xi32>
              %mul3A_436 = arith.constant -1640531535 : i32
              %mul3A_437 = vector.broadcast %mul3A_436 : i32 to vector<16xi32>
              %mul3A_438 = arith.muli %add3A_432, %mul3A_437 : vector<16xi32>
              %xor3A_439 = arith.xori %convert_element_type3A_243, %mul3A_438 : vector<16xi32>
              %mul3A_440 = arith.constant 805459861 : i32
              %mul3A_441 = vector.broadcast %mul3A_440 : i32 to vector<16xi32>
              %mul3A_442 = arith.muli %add3A_435, %mul3A_441 : vector<16xi32>
              %xor3A_443 = arith.xori %xor3A_439, %mul3A_442 : vector<16xi32>
              %and3A_444 = arith.constant 524287 : i32
              %and3A_445 = vector.broadcast %and3A_444 : i32 to vector<16xi32>
              %and3A_446 = arith.andi %xor3A_443, %and3A_445 : vector<16xi32>
              %mul3A_447 = arith.mulf %sub3A_255, %mul3A_267 : vector<16xf32>
              %mul3A_448 = arith.mulf %mul3A_447, %mul3A_282 : vector<16xf32>
              %add3A_449 = arith.constant 6144 : i32
              %add3A_450 = arith.addi %add3A_449, %add3A_227 : i32
              %swap3A_451 = arith.index_cast %add3A_450 : i32 to index
              %swap3A_452 = tpu.vector_load %arg11[%swap3A_451] {strides = array<i32>} : memref<8192xi32, #tpu.memory_space<vmem>>, vector<16xi32>,
              tpu.vector_store %arg11[%swap3A_451], %and3A_446 {strides = array<i32>} : memref<8192xi32, #tpu.memory_space<vmem>>, vector<16xi32>,
              %add3A_453 = arith.constant 6144 : i32
              %add3A_454 = arith.addi %add3A_453, %add3A_227 : i32
              %swap3A_455 = arith.index_cast %add3A_454 : i32 to index
              %swap3A_456 = tpu.vector_load %arg13[%swap3A_455] {strides = array<i32>} : memref<8192xf32, #tpu.memory_space<vmem>>, vector<16xf32>,
              tpu.vector_store %arg13[%swap3A_455], %mul3A_448 {strides = array<i32>} : memref<8192xf32, #tpu.memory_space<vmem>>, vector<16xf32>,
              %add3A_457 = arith.constant 1 : i32
              %add3A_458 = vector.broadcast %add3A_457 : i32 to vector<16xi32>
              %add3A_459 = arith.addi %convert_element_type3A_243, %add3A_458 : vector<16xi32>
              %add3A_460 = arith.constant 1 : i32
              %add3A_461 = vector.broadcast %add3A_460 : i32 to vector<16xi32>
              %add3A_462 = arith.addi %convert_element_type3A_257, %add3A_461 : vector<16xi32>
              %add3A_463 = arith.constant 1 : i32
              %add3A_464 = vector.broadcast %add3A_463 : i32 to vector<16xi32>
              %add3A_465 = arith.addi %convert_element_type3A_272, %add3A_464 : vector<16xi32>
              %mul3A_466 = arith.constant -1640531535 : i32
              %mul3A_467 = vector.broadcast %mul3A_466 : i32 to vector<16xi32>
              %mul3A_468 = arith.muli %add3A_462, %mul3A_467 : vector<16xi32>
              %xor3A_469 = arith.xori %add3A_459, %mul3A_468 : vector<16xi32>
              %mul3A_470 = arith.constant 805459861 : i32
              %mul3A_471 = vector.broadcast %mul3A_470 : i32 to vector<16xi32>
              %mul3A_472 = arith.muli %add3A_465, %mul3A_471 : vector<16xi32>
              %xor3A_473 = arith.xori %xor3A_469, %mul3A_472 : vector<16xi32>
              %and3A_474 = arith.constant 524287 : i32
              %and3A_475 = vector.broadcast %and3A_474 : i32 to vector<16xi32>
              %and3A_476 = arith.andi %xor3A_473, %and3A_475 : vector<16xi32>
              %mul3A_477 = arith.mulf %mul3A_252, %mul3A_267 : vector<16xf32>
              %mul3A_478 = arith.mulf %mul3A_477, %mul3A_282 : vector<16xf32>
              %add3A_479 = arith.constant 7168 : i32
              %add3A_480 = arith.addi %add3A_479, %add3A_227 : i32
              %swap3A_481 = arith.index_cast %add3A_480 : i32 to index
              %swap3A_482 = tpu.vector_load %arg11[%swap3A_481] {strides = array<i32>} : memref<8192xi32, #tpu.memory_space<vmem>>, vector<16xi32>,
              tpu.vector_store %arg11[%swap3A_481], %and3A_476 {strides = array<i32>} : memref<8192xi32, #tpu.memory_space<vmem>>, vector<16xi32>,
              %add3A_483 = arith.constant 7168 : i32
              %add3A_484 = arith.addi %add3A_483, %add3A_227 : i32
              %swap3A_485 = arith.index_cast %add3A_484 : i32 to index
              %swap3A_486 = tpu.vector_load %arg13[%swap3A_485] {strides = array<i32>} : memref<8192xf32, #tpu.memory_space<vmem>>, vector<16xf32>,
              tpu.vector_store %arg13[%swap3A_485], %mul3A_478 {strides = array<i32>} : memref<8192xf32, #tpu.memory_space<vmem>>, vector<16xf32>,
            }
            %scan3A_217 = arith.constant 8 : i32
          }
          %scan3A_207 = arith.constant 8 : i32
        } else {
        }
        %dma_wait3A_151 = arith.constant 0 : i32
        %dma_wait3A_152 = tpu.memref_slice %arg7[%dma_wait3A_151] : memref<524288xi32, #tpu.memory_space<vmem_shared>> -> memref<524288xi32, #tpu.memory_space<vmem_shared>>
        tpu.wait_indirect_dma semaphore(%arg24 : memref<!tpu.dma_semaphore, #tpu.memory_space<semaphore_mem>>) src(%dma_wait3A_152 : memref<524288xi32, #tpu.memory_space<vmem_shared>>) dst(%arg16 : memref<8192xi32, #tpu.memory_space<vmem>>)
        %lt3A_153 = arith.constant 15 : i32
        %lt3A_154 = arith.cmpi slt, %add3A_95, %lt3A_153 : i32
        %convert_element_type3A_155 = arith.extui %lt3A_154 : i1 to i32
        %cond3A_156 = arith.constant 0 : i32
        %cond3A_157 = arith.cmpi ne, %convert_element_type3A_155, %cond3A_156 : i32
        scf.if %cond3A_157 {
          %dma_start3A_193 = arith.constant 0 : i32
          %dma_start3A_194 = tpu.memref_slice %arg7[%dma_start3A_193] : memref<524288xi32, #tpu.memory_space<vmem_shared>> -> memref<524288xi32, #tpu.memory_space<vmem_shared>>
          tpu.enqueue_indirect_dma source(%dma_start3A_194 : memref<524288xi32, #tpu.memory_space<vmem_shared>>) target(%arg15 : memref<8192xi32, #tpu.memory_space<vmem>>) offsets(%arg11 : memref<8192xi32, #tpu.memory_space<vmem>>) semaphore(%arg23 : memref<!tpu.dma_semaphore, #tpu.memory_space<semaphore_mem>>)
        } else {
        }
        %gt3A_158 = arith.constant 0 : i32
        %gt3A_159 = arith.cmpi sgt, %add3A_95, %gt3A_158 : i32
        %convert_element_type3A_160 = arith.extui %gt3A_159 : i1 to i32
        %cond3A_161 = arith.constant 0 : i32
        %cond3A_162 = arith.cmpi ne, %convert_element_type3A_160, %cond3A_161 : i32
        scf.if %cond3A_162 {
          %dma_wait3A_193 = arith.constant 0 : i32
          %dma_wait3A_194 = arith.constant 0 : i32
          %dma_wait3A_195 = arith.constant 0 : i32
          %dma_wait3A_196 = tpu.memref_slice %arg6[%dma_wait3A_193, %dma_wait3A_194, %dma_wait3A_195] : memref<32x8192x128xf32, #tpu.memory_space<hbm>> -> memref<1x8x128xf32, #tpu.memory_space<hbm>>
          %dma_wait3A_197 = tpu.memref_squeeze %dma_wait3A_196 : memref<1x8x128xf32, #tpu.memory_space<hbm>> -> memref<8x128xf32, #tpu.memory_space<hbm>>
          %dma_wait3A_198 = arith.constant 0 : i32
          %dma_wait3A_199 = arith.constant 0 : i32
          %dma_wait3A_200 = tpu.memref_slice %arg6[%dma_wait3A_193, %dma_wait3A_198, %dma_wait3A_199] : memref<32x8192x128xf32, #tpu.memory_space<hbm>> -> memref<1x8x128xf32, #tpu.memory_space<hbm>>
          %dma_wait3A_201 = tpu.memref_squeeze %dma_wait3A_200 : memref<1x8x128xf32, #tpu.memory_space<hbm>> -> memref<8x128xf32, #tpu.memory_space<hbm>>
          tpu.wait_dma2 semaphore(%arg26 : memref<!tpu.dma_semaphore, #tpu.memory_space<semaphore_mem>>) src(%arg19 : memref<8x128xf32, #tpu.memory_space<vmem>>) dst(%dma_wait3A_201 : memref<8x128xf32, #tpu.memory_space<hbm>>)
          %dma_wait3A_202 = arith.constant 0 : i32
          %dma_wait3A_203 = arith.constant 0 : i32
          %dma_wait3A_204 = arith.constant 0 : i32
          %dma_wait3A_205 = tpu.memref_slice %arg6[%dma_wait3A_202, %dma_wait3A_203, %dma_wait3A_204] : memref<32x8192x128xf32, #tpu.memory_space<hbm>> -> memref<1x8x128xf32, #tpu.memory_space<hbm>>
          %dma_wait3A_206 = tpu.memref_squeeze %dma_wait3A_205 : memref<1x8x128xf32, #tpu.memory_space<hbm>> -> memref<8x128xf32, #tpu.memory_space<hbm>>
          %dma_wait3A_207 = arith.constant 0 : i32
          %dma_wait3A_208 = arith.constant 0 : i32
          %dma_wait3A_209 = tpu.memref_slice %arg6[%dma_wait3A_202, %dma_wait3A_207, %dma_wait3A_208] : memref<32x8192x128xf32, #tpu.memory_space<hbm>> -> memref<1x8x128xf32, #tpu.memory_space<hbm>>
          %dma_wait3A_210 = tpu.memref_squeeze %dma_wait3A_209 : memref<1x8x128xf32, #tpu.memory_space<hbm>> -> memref<8x128xf32, #tpu.memory_space<hbm>>
          tpu.wait_dma2 semaphore(%arg26 : memref<!tpu.dma_semaphore, #tpu.memory_space<semaphore_mem>>) src(%arg20 : memref<8x128xf32, #tpu.memory_space<vmem>>) dst(%dma_wait3A_210 : memref<8x128xf32, #tpu.memory_space<hbm>>)
        } else {
        }
        %scan3A_163 = arith.constant 0 : i32
        %scan3A_164 = arith.constant 8 : i32
        %scan3A_165 = arith.addi %scan3A_163, %scan3A_164 : i32
        %scan3A_166 = arith.constant 1 : i32
        scf.for %scan3A_193 = %scan3A_163 to %scan3A_165 step %scan3A_166  : i32 {
          %mul3A_194 = arith.constant 1 : i32
          %mul3A_195 = arith.muli %scan3A_193, %mul3A_194 : i32
          %add3A_196 = arith.constant 0 : i32
          %add3A_197 = arith.addi %add3A_196, %mul3A_195 : i32
          %scan3A_198 = arith.constant 0 : i32
          %scan3A_199 = arith.constant 8 : i32
          %scan3A_200 = arith.addi %scan3A_198, %scan3A_199 : i32
          %scan3A_201 = arith.constant 1 : i32
          scf.for %scan3A_203 = %scan3A_198 to %scan3A_200 step %scan3A_201  : i32 {
            %mul3A_204 = arith.constant 1 : i32
            %mul3A_205 = arith.muli %scan3A_203, %mul3A_204 : i32
            %add3A_206 = arith.constant 0 : i32
            %add3A_207 = arith.addi %add3A_206, %mul3A_205 : i32
            %mul3A_208 = arith.constant 128 : i32
            %mul3A_209 = arith.muli %add3A_197, %mul3A_208 : i32
            %mul3A_210 = arith.constant 16 : i32
            %mul3A_211 = arith.muli %add3A_207, %mul3A_210 : i32
            %add3A_212 = arith.addi %mul3A_209, %mul3A_211 : i32
            %broadcast_in_dim3A_213 = arith.constant 0.000000e+00 : f32
            %broadcast_in_dim3A_214 = vector.broadcast %broadcast_in_dim3A_213 : f32 to vector<16xf32>
            %broadcast_in_dim3A_215 = arith.constant 0.000000e+00 : f32
            %broadcast_in_dim3A_216 = vector.broadcast %broadcast_in_dim3A_215 : f32 to vector<16xf32>
            %add3A_217 = arith.constant 0 : i32
            %add3A_218 = arith.addi %add3A_217, %add3A_212 : i32
            %get3A = arith.index_cast %add3A_218 : i32 to index
            %get3A_219 = tpu.vector_load %arg14[%get3A] {strides = array<i32>} : memref<8192xf32, #tpu.memory_space<vmem>>, vector<16xf32>,
            %add3A_220 = arith.constant 0 : i32
            %add3A_221 = arith.addi %add3A_220, %add3A_212 : i32
            %get3A_222 = arith.index_cast %add3A_221 : i32 to index
            %get3A_223 = tpu.vector_load %arg16[%get3A_222] {strides = array<i32>} : memref<8192xi32, #tpu.memory_space<vmem>>, vector<16xi32>,
            %bitcast3A = vector.bitcast %get3A_223 : vector<16xi32> to vector<32xbf16>
            %unpack3A = tpu.unpack_subelements %bitcast3A, 0 {pack_format = #tpu.pack_format<interleaved>} : vector<32xbf16> -> vector<16xf32>
            %unpack3A_224 = tpu.unpack_subelements %bitcast3A, 1 {pack_format = #tpu.pack_format<interleaved>} : vector<32xbf16> -> vector<16xf32>
            %mul3A_225 = arith.mulf %unpack3A, %get3A_219 : vector<16xf32>
            %add3A_226 = arith.addf %broadcast_in_dim3A_214, %mul3A_225 : vector<16xf32>
            %mul3A_227 = arith.mulf %unpack3A_224, %get3A_219 : vector<16xf32>
            %add3A_228 = arith.addf %broadcast_in_dim3A_216, %mul3A_227 : vector<16xf32>
            %add3A_229 = arith.constant 1024 : i32
            %add3A_230 = arith.addi %add3A_229, %add3A_212 : i32
            %get3A_231 = arith.index_cast %add3A_230 : i32 to index
            %get3A_232 = tpu.vector_load %arg14[%get3A_231] {strides = array<i32>} : memref<8192xf32, #tpu.memory_space<vmem>>, vector<16xf32>,
            %add3A_233 = arith.constant 1024 : i32
            %add3A_234 = arith.addi %add3A_233, %add3A_212 : i32
            %get3A_235 = arith.index_cast %add3A_234 : i32 to index
            %get3A_236 = tpu.vector_load %arg16[%get3A_235] {strides = array<i32>} : memref<8192xi32, #tpu.memory_space<vmem>>, vector<16xi32>,
            %bitcast3A_237 = vector.bitcast %get3A_236 : vector<16xi32> to vector<32xbf16>
            %unpack3A_238 = tpu.unpack_subelements %bitcast3A_237, 0 {pack_format = #tpu.pack_format<interleaved>} : vector<32xbf16> -> vector<16xf32>
            %unpack3A_239 = tpu.unpack_subelements %bitcast3A_237, 1 {pack_format = #tpu.pack_format<interleaved>} : vector<32xbf16> -> vector<16xf32>
            %mul3A_240 = arith.mulf %unpack3A_238, %get3A_232 : vector<16xf32>
            %add3A_241 = arith.addf %add3A_226, %mul3A_240 : vector<16xf32>
            %mul3A_242 = arith.mulf %unpack3A_239, %get3A_232 : vector<16xf32>
            %add3A_243 = arith.addf %add3A_228, %mul3A_242 : vector<16xf32>
            %add3A_244 = arith.constant 2048 : i32
            %add3A_245 = arith.addi %add3A_244, %add3A_212 : i32
            %get3A_246 = arith.index_cast %add3A_245 : i32 to index
            %get3A_247 = tpu.vector_load %arg14[%get3A_246] {strides = array<i32>} : memref<8192xf32, #tpu.memory_space<vmem>>, vector<16xf32>,
            %add3A_248 = arith.constant 2048 : i32
            %add3A_249 = arith.addi %add3A_248, %add3A_212 : i32
            %get3A_250 = arith.index_cast %add3A_249 : i32 to index
            %get3A_251 = tpu.vector_load %arg16[%get3A_250] {strides = array<i32>} : memref<8192xi32, #tpu.memory_space<vmem>>, vector<16xi32>,
            %bitcast3A_252 = vector.bitcast %get3A_251 : vector<16xi32> to vector<32xbf16>
            %unpack3A_253 = tpu.unpack_subelements %bitcast3A_252, 0 {pack_format = #tpu.pack_format<interleaved>} : vector<32xbf16> -> vector<16xf32>
            %unpack3A_254 = tpu.unpack_subelements %bitcast3A_252, 1 {pack_format = #tpu.pack_format<interleaved>} : vector<32xbf16> -> vector<16xf32>
            %mul3A_255 = arith.mulf %unpack3A_253, %get3A_247 : vector<16xf32>
            %add3A_256 = arith.addf %add3A_241, %mul3A_255 : vector<16xf32>
            %mul3A_257 = arith.mulf %unpack3A_254, %get3A_247 : vector<16xf32>
            %add3A_258 = arith.addf %add3A_243, %mul3A_257 : vector<16xf32>
            %add3A_259 = arith.constant 3072 : i32
            %add3A_260 = arith.addi %add3A_259, %add3A_212 : i32
            %get3A_261 = arith.index_cast %add3A_260 : i32 to index
            %get3A_262 = tpu.vector_load %arg14[%get3A_261] {strides = array<i32>} : memref<8192xf32, #tpu.memory_space<vmem>>, vector<16xf32>,
            %add3A_263 = arith.constant 3072 : i32
            %add3A_264 = arith.addi %add3A_263, %add3A_212 : i32
            %get3A_265 = arith.index_cast %add3A_264 : i32 to index
            %get3A_266 = tpu.vector_load %arg16[%get3A_265] {strides = array<i32>} : memref<8192xi32, #tpu.memory_space<vmem>>, vector<16xi32>,
            %bitcast3A_267 = vector.bitcast %get3A_266 : vector<16xi32> to vector<32xbf16>
            %unpack3A_268 = tpu.unpack_subelements %bitcast3A_267, 0 {pack_format = #tpu.pack_format<interleaved>} : vector<32xbf16> -> vector<16xf32>
            %unpack3A_269 = tpu.unpack_subelements %bitcast3A_267, 1 {pack_format = #tpu.pack_format<interleaved>} : vector<32xbf16> -> vector<16xf32>
            %mul3A_270 = arith.mulf %unpack3A_268, %get3A_262 : vector<16xf32>
            %add3A_271 = arith.addf %add3A_256, %mul3A_270 : vector<16xf32>
            %mul3A_272 = arith.mulf %unpack3A_269, %get3A_262 : vector<16xf32>
            %add3A_273 = arith.addf %add3A_258, %mul3A_272 : vector<16xf32>
            %add3A_274 = arith.constant 4096 : i32
            %add3A_275 = arith.addi %add3A_274, %add3A_212 : i32
            %get3A_276 = arith.index_cast %add3A_275 : i32 to index
            %get3A_277 = tpu.vector_load %arg14[%get3A_276] {strides = array<i32>} : memref<8192xf32, #tpu.memory_space<vmem>>, vector<16xf32>,
            %add3A_278 = arith.constant 4096 : i32
            %add3A_279 = arith.addi %add3A_278, %add3A_212 : i32
            %get3A_280 = arith.index_cast %add3A_279 : i32 to index
            %get3A_281 = tpu.vector_load %arg16[%get3A_280] {strides = array<i32>} : memref<8192xi32, #tpu.memory_space<vmem>>, vector<16xi32>,
            %bitcast3A_282 = vector.bitcast %get3A_281 : vector<16xi32> to vector<32xbf16>
            %unpack3A_283 = tpu.unpack_subelements %bitcast3A_282, 0 {pack_format = #tpu.pack_format<interleaved>} : vector<32xbf16> -> vector<16xf32>
            %unpack3A_284 = tpu.unpack_subelements %bitcast3A_282, 1 {pack_format = #tpu.pack_format<interleaved>} : vector<32xbf16> -> vector<16xf32>
            %mul3A_285 = arith.mulf %unpack3A_283, %get3A_277 : vector<16xf32>
            %add3A_286 = arith.addf %add3A_271, %mul3A_285 : vector<16xf32>
            %mul3A_287 = arith.mulf %unpack3A_284, %get3A_277 : vector<16xf32>
            %add3A_288 = arith.addf %add3A_273, %mul3A_287 : vector<16xf32>
            %add3A_289 = arith.constant 5120 : i32
            %add3A_290 = arith.addi %add3A_289, %add3A_212 : i32
            %get3A_291 = arith.index_cast %add3A_290 : i32 to index
            %get3A_292 = tpu.vector_load %arg14[%get3A_291] {strides = array<i32>} : memref<8192xf32, #tpu.memory_space<vmem>>, vector<16xf32>,
            %add3A_293 = arith.constant 5120 : i32
            %add3A_294 = arith.addi %add3A_293, %add3A_212 : i32
            %get3A_295 = arith.index_cast %add3A_294 : i32 to index
            %get3A_296 = tpu.vector_load %arg16[%get3A_295] {strides = array<i32>} : memref<8192xi32, #tpu.memory_space<vmem>>, vector<16xi32>,
            %bitcast3A_297 = vector.bitcast %get3A_296 : vector<16xi32> to vector<32xbf16>
            %unpack3A_298 = tpu.unpack_subelements %bitcast3A_297, 0 {pack_format = #tpu.pack_format<interleaved>} : vector<32xbf16> -> vector<16xf32>
            %unpack3A_299 = tpu.unpack_subelements %bitcast3A_297, 1 {pack_format = #tpu.pack_format<interleaved>} : vector<32xbf16> -> vector<16xf32>
            %mul3A_300 = arith.mulf %unpack3A_298, %get3A_292 : vector<16xf32>
            %add3A_301 = arith.addf %add3A_286, %mul3A_300 : vector<16xf32>
            %mul3A_302 = arith.mulf %unpack3A_299, %get3A_292 : vector<16xf32>
            %add3A_303 = arith.addf %add3A_288, %mul3A_302 : vector<16xf32>
            %add3A_304 = arith.constant 6144 : i32
            %add3A_305 = arith.addi %add3A_304, %add3A_212 : i32
            %get3A_306 = arith.index_cast %add3A_305 : i32 to index
            %get3A_307 = tpu.vector_load %arg14[%get3A_306] {strides = array<i32>} : memref<8192xf32, #tpu.memory_space<vmem>>, vector<16xf32>,
            %add3A_308 = arith.constant 6144 : i32
            %add3A_309 = arith.addi %add3A_308, %add3A_212 : i32
            %get3A_310 = arith.index_cast %add3A_309 : i32 to index
            %get3A_311 = tpu.vector_load %arg16[%get3A_310] {strides = array<i32>} : memref<8192xi32, #tpu.memory_space<vmem>>, vector<16xi32>,
            %bitcast3A_312 = vector.bitcast %get3A_311 : vector<16xi32> to vector<32xbf16>
            %unpack3A_313 = tpu.unpack_subelements %bitcast3A_312, 0 {pack_format = #tpu.pack_format<interleaved>} : vector<32xbf16> -> vector<16xf32>
            %unpack3A_314 = tpu.unpack_subelements %bitcast3A_312, 1 {pack_format = #tpu.pack_format<interleaved>} : vector<32xbf16> -> vector<16xf32>
            %mul3A_315 = arith.mulf %unpack3A_313, %get3A_307 : vector<16xf32>
            %add3A_316 = arith.addf %add3A_301, %mul3A_315 : vector<16xf32>
            %mul3A_317 = arith.mulf %unpack3A_314, %get3A_307 : vector<16xf32>
            %add3A_318 = arith.addf %add3A_303, %mul3A_317 : vector<16xf32>
            %add3A_319 = arith.constant 7168 : i32
            %add3A_320 = arith.addi %add3A_319, %add3A_212 : i32
            %get3A_321 = arith.index_cast %add3A_320 : i32 to index
            %get3A_322 = tpu.vector_load %arg14[%get3A_321] {strides = array<i32>} : memref<8192xf32, #tpu.memory_space<vmem>>, vector<16xf32>,
            %add3A_323 = arith.constant 7168 : i32
            %add3A_324 = arith.addi %add3A_323, %add3A_212 : i32
            %get3A_325 = arith.index_cast %add3A_324 : i32 to index
            %get3A_326 = tpu.vector_load %arg16[%get3A_325] {strides = array<i32>} : memref<8192xi32, #tpu.memory_space<vmem>>, vector<16xi32>,
            %bitcast3A_327 = vector.bitcast %get3A_326 : vector<16xi32> to vector<32xbf16>
            %unpack3A_328 = tpu.unpack_subelements %bitcast3A_327, 0 {pack_format = #tpu.pack_format<interleaved>} : vector<32xbf16> -> vector<16xf32>
            %unpack3A_329 = tpu.unpack_subelements %bitcast3A_327, 1 {pack_format = #tpu.pack_format<interleaved>} : vector<32xbf16> -> vector<16xf32>
            %mul3A_330 = arith.mulf %unpack3A_328, %get3A_322 : vector<16xf32>
            %add3A_331 = arith.addf %add3A_316, %mul3A_330 : vector<16xf32>
            %mul3A_332 = arith.mulf %unpack3A_329, %get3A_322 : vector<16xf32>
            %add3A_333 = arith.addf %add3A_318, %mul3A_332 : vector<16xf32>
            %mul3A_334 = arith.constant 16 : i32
            %mul3A_335 = arith.muli %add3A_207, %mul3A_334 : i32
            %swap3A = arith.index_cast %add3A_197 : i32 to index
            %swap3A_336 = arith.index_cast %mul3A_335 : i32 to index
            %swap3A_337 = tpu.vector_load %arg19[%swap3A, %swap3A_336] {strides = array<i32>} : memref<8x128xf32, #tpu.memory_space<vmem>>, vector<16xf32>,
            tpu.vector_store %arg19[%swap3A, %swap3A_336], %add3A_331 {strides = array<i32>} : memref<8x128xf32, #tpu.memory_space<vmem>>, vector<16xf32>,
            %mul3A_338 = arith.constant 16 : i32
            %mul3A_339 = arith.muli %add3A_207, %mul3A_338 : i32
            %swap3A_340 = arith.index_cast %add3A_197 : i32 to index
            %swap3A_341 = arith.index_cast %mul3A_339 : i32 to index
            %swap3A_342 = tpu.vector_load %arg20[%swap3A_340, %swap3A_341] {strides = array<i32>} : memref<8x128xf32, #tpu.memory_space<vmem>>, vector<16xf32>,
            tpu.vector_store %arg20[%swap3A_340, %swap3A_341], %add3A_333 {strides = array<i32>} : memref<8x128xf32, #tpu.memory_space<vmem>>, vector<16xf32>,
          }
          %scan3A_202 = arith.constant 8 : i32
        }
        %scan3A_167 = arith.constant 8 : i32
        %add3A_168 = arith.constant 1 : i32
        %add3A_169 = arith.addi %mul3A_97, %add3A_168 : i32
        %mul3A_170 = arith.constant 256 : i32
        %mul3A_171 = arith.muli %add3A, %mul3A_170 : i32
        %mul3A_172 = arith.constant 8 : i32
        %mul3A_173 = arith.muli %add3A_169, %mul3A_172 : i32
        %add3A_174 = arith.addi %mul3A_171, %mul3A_173 : i32
        %mul3A_175 = arith.constant 2 : i32
        %mul3A_176 = arith.muli %mul3A_175, %add3A_16 : i32
        %dma_start3A_177 = arith.constant 0 : i32
        %dma_start3A_178 = tpu.memref_slice %arg6[%mul3A_176, %add3A_174, %dma_start3A_177] : memref<32x8192x128xf32, #tpu.memory_space<hbm>> -> memref<1x8x128xf32, #tpu.memory_space<hbm>>
        %dma_start3A_179 = tpu.memref_squeeze %dma_start3A_178 : memref<1x8x128xf32, #tpu.memory_space<hbm>> -> memref<8x128xf32, #tpu.memory_space<hbm>>
        %dma_start3A_180 = arith.constant 0 : i32
        %dma_start3A_181 = tpu.memref_slice %arg6[%mul3A_176, %add3A_174, %dma_start3A_180] : memref<32x8192x128xf32, #tpu.memory_space<hbm>> -> memref<1x8x128xf32, #tpu.memory_space<hbm>>
        %dma_start3A_182 = tpu.memref_squeeze %dma_start3A_181 : memref<1x8x128xf32, #tpu.memory_space<hbm>> -> memref<8x128xf32, #tpu.memory_space<hbm>>
        tpu.enqueue_dma source(%arg19 : memref<8x128xf32, #tpu.memory_space<vmem>>) target(%dma_start3A_182 : memref<8x128xf32, #tpu.memory_space<hbm>>) target_semaphore(%arg26 : memref<!tpu.dma_semaphore, #tpu.memory_space<semaphore_mem>>)
        %mul3A_183 = arith.constant 2 : i32
        %mul3A_184 = arith.muli %mul3A_183, %add3A_16 : i32
        %add3A_185 = arith.constant 1 : i32
        %add3A_186 = arith.addi %mul3A_184, %add3A_185 : i32
        %dma_start3A_187 = arith.constant 0 : i32
        %dma_start3A_188 = tpu.memref_slice %arg6[%add3A_186, %add3A_174, %dma_start3A_187] : memref<32x8192x128xf32, #tpu.memory_space<hbm>> -> memref<1x8x128xf32, #tpu.memory_space<hbm>>
        %dma_start3A_189 = tpu.memref_squeeze %dma_start3A_188 : memref<1x8x128xf32, #tpu.memory_space<hbm>> -> memref<8x128xf32, #tpu.memory_space<hbm>>
        %dma_start3A_190 = arith.constant 0 : i32
        %dma_start3A_191 = tpu.memref_slice %arg6[%add3A_186, %add3A_174, %dma_start3A_190] : memref<32x8192x128xf32, #tpu.memory_space<hbm>> -> memref<1x8x128xf32, #tpu.memory_space<hbm>>
        %dma_start3A_192 = tpu.memref_squeeze %dma_start3A_191 : memref<1x8x128xf32, #tpu.memory_space<hbm>> -> memref<8x128xf32, #tpu.memory_space<hbm>>
        tpu.enqueue_dma source(%arg20 : memref<8x128xf32, #tpu.memory_space<vmem>>) target(%dma_start3A_192 : memref<8x128xf32, #tpu.memory_space<hbm>>) target_semaphore(%arg26 : memref<!tpu.dma_semaphore, #tpu.memory_space<semaphore_mem>>)
      }
      %scan3A_54 = arith.constant 16 : i32
      %dma_wait3A = arith.constant 0 : i32
      %dma_wait3A_55 = arith.constant 0 : i32
      %dma_wait3A_56 = arith.constant 0 : i32
      %dma_wait3A_57 = tpu.memref_slice %arg6[%dma_wait3A, %dma_wait3A_55, %dma_wait3A_56] : memref<32x8192x128xf32, #tpu.memory_space<hbm>> -> memref<1x8x128xf32, #tpu.memory_space<hbm>>
      %dma_wait3A_58 = tpu.memref_squeeze %dma_wait3A_57 : memref<1x8x128xf32, #tpu.memory_space<hbm>> -> memref<8x128xf32, #tpu.memory_space<hbm>>
      %dma_wait3A_59 = arith.constant 0 : i32
      %dma_wait3A_60 = arith.constant 0 : i32
      %dma_wait3A_61 = tpu.memref_slice %arg6[%dma_wait3A, %dma_wait3A_59, %dma_wait3A_60] : memref<32x8192x128xf32, #tpu.memory_space<hbm>> -> memref<1x8x128xf32, #tpu.memory_space<hbm>>
      %dma_wait3A_62 = tpu.memref_squeeze %dma_wait3A_61 : memref<1x8x128xf32, #tpu.memory_space<hbm>> -> memref<8x128xf32, #tpu.memory_space<hbm>>
      tpu.wait_dma2 semaphore(%arg25 : memref<!tpu.dma_semaphore, #tpu.memory_space<semaphore_mem>>) src(%arg17 : memref<8x128xf32, #tpu.memory_space<vmem>>) dst(%dma_wait3A_62 : memref<8x128xf32, #tpu.memory_space<hbm>>)
      %dma_wait3A_63 = arith.constant 0 : i32
      %dma_wait3A_64 = arith.constant 0 : i32
      %dma_wait3A_65 = arith.constant 0 : i32
      %dma_wait3A_66 = tpu.memref_slice %arg6[%dma_wait3A_63, %dma_wait3A_64, %dma_wait3A_65] : memref<32x8192x128xf32, #tpu.memory_space<hbm>> -> memref<1x8x128xf32, #tpu.memory_space<hbm>>
      %dma_wait3A_67 = tpu.memref_squeeze %dma_wait3A_66 : memref<1x8x128xf32, #tpu.memory_space<hbm>> -> memref<8x128xf32, #tpu.memory_space<hbm>>
      %dma_wait3A_68 = arith.constant 0 : i32
      %dma_wait3A_69 = arith.constant 0 : i32
      %dma_wait3A_70 = tpu.memref_slice %arg6[%dma_wait3A_63, %dma_wait3A_68, %dma_wait3A_69] : memref<32x8192x128xf32, #tpu.memory_space<hbm>> -> memref<1x8x128xf32, #tpu.memory_space<hbm>>
      %dma_wait3A_71 = tpu.memref_squeeze %dma_wait3A_70 : memref<1x8x128xf32, #tpu.memory_space<hbm>> -> memref<8x128xf32, #tpu.memory_space<hbm>>
      tpu.wait_dma2 semaphore(%arg25 : memref<!tpu.dma_semaphore, #tpu.memory_space<semaphore_mem>>) src(%arg18 : memref<8x128xf32, #tpu.memory_space<vmem>>) dst(%dma_wait3A_71 : memref<8x128xf32, #tpu.memory_space<hbm>>)
      %dma_wait3A_72 = arith.constant 0 : i32
      %dma_wait3A_73 = arith.constant 0 : i32
      %dma_wait3A_74 = arith.constant 0 : i32
      %dma_wait3A_75 = tpu.memref_slice %arg6[%dma_wait3A_72, %dma_wait3A_73, %dma_wait3A_74] : memref<32x8192x128xf32, #tpu.memory_space<hbm>> -> memref<1x8x128xf32, #tpu.memory_space<hbm>>
      %dma_wait3A_76 = tpu.memref_squeeze %dma_wait3A_75 : memref<1x8x128xf32, #tpu.memory_space<hbm>> -> memref<8x128xf32, #tpu.memory_space<hbm>>
      %dma_wait3A_77 = arith.constant 0 : i32
      %dma_wait3A_78 = arith.constant 0 : i32
      %dma_wait3A_79 = tpu.memref_slice %arg6[%dma_wait3A_72, %dma_wait3A_77, %dma_wait3A_78] : memref<32x8192x128xf32, #tpu.memory_space<hbm>> -> memref<1x8x128xf32, #tpu.memory_space<hbm>>
      %dma_wait3A_80 = tpu.memref_squeeze %dma_wait3A_79 : memref<1x8x128xf32, #tpu.memory_space<hbm>> -> memref<8x128xf32, #tpu.memory_space<hbm>>
      tpu.wait_dma2 semaphore(%arg26 : memref<!tpu.dma_semaphore, #tpu.memory_space<semaphore_mem>>) src(%arg19 : memref<8x128xf32, #tpu.memory_space<vmem>>) dst(%dma_wait3A_80 : memref<8x128xf32, #tpu.memory_space<hbm>>)
      %dma_wait3A_81 = arith.constant 0 : i32
      %dma_wait3A_82 = arith.constant 0 : i32
      %dma_wait3A_83 = arith.constant 0 : i32
      %dma_wait3A_84 = tpu.memref_slice %arg6[%dma_wait3A_81, %dma_wait3A_82, %dma_wait3A_83] : memref<32x8192x128xf32, #tpu.memory_space<hbm>> -> memref<1x8x128xf32, #tpu.memory_space<hbm>>
      %dma_wait3A_85 = tpu.memref_squeeze %dma_wait3A_84 : memref<1x8x128xf32, #tpu.memory_space<hbm>> -> memref<8x128xf32, #tpu.memory_space<hbm>>
      %dma_wait3A_86 = arith.constant 0 : i32
      %dma_wait3A_87 = arith.constant 0 : i32
      %dma_wait3A_88 = tpu.memref_slice %arg6[%dma_wait3A_81, %dma_wait3A_86, %dma_wait3A_87] : memref<32x8192x128xf32, #tpu.memory_space<hbm>> -> memref<1x8x128xf32, #tpu.memory_space<hbm>>
      %dma_wait3A_89 = tpu.memref_squeeze %dma_wait3A_88 : memref<1x8x128xf32, #tpu.memory_space<hbm>> -> memref<8x128xf32, #tpu.memory_space<hbm>>
      tpu.wait_dma2 semaphore(%arg26 : memref<!tpu.dma_semaphore, #tpu.memory_space<semaphore_mem>>) src(%arg20 : memref<8x128xf32, #tpu.memory_space<vmem>>) dst(%dma_wait3A_89 : memref<8x128xf32, #tpu.memory_space<hbm>>)
      %barrier3A_90 = arith.constant 0 : index
      tpu.barrier barrier_id(%barrier3A_90)
    }
    %scan3A_11 = arith.constant 9 : i32
    return
  }
}

module attributes {stable_mosaic.version = 14 : i64} {
  func.func @_pack_body(%arg0: i32, %arg1: i32, %arg2: memref<1x512x2x128xf32, #tpu.memory_space<vmem>>, %arg3: memref<1x512x128xi32, #tpu.memory_space<vmem>>) attributes {dimension_semantics = [#tpu.dimension_semantics<arbitrary>, #tpu.dimension_semantics<arbitrary>], iteration_bounds = array<i64: 16, 8>, scalar_prefetch = 0 : i64, scratch_operands = 0 : i64, tpu.core_type = #tpu.core_type<tc>, window_params = [{transform_indices = @transform_0, window_bounds = array<i64: 1, 512, 2, 128>}, {transform_indices = @transform_1, window_bounds = array<i64: 1, 512, 128>}]} {
    %get3A = arith.constant 0 : index
    %get3A_0 = arith.constant 0 : index
    %get3A_1 = arith.constant 0 : index
    %get3A_2 = arith.constant 0 : index
    %get3A_3 = vector.load %arg2[%get3A, %get3A_0, %get3A_1, %get3A_2] : memref<1x512x2x128xf32, #tpu.memory_space<vmem>>, vector<1x512x1x128xf32>
    %get3A_4 = vector.shape_cast %get3A_3 : vector<1x512x1x128xf32> to vector<512x128xf32>
    %get3A_5 = arith.constant 0 : index
    %get3A_6 = arith.constant 0 : index
    %get3A_7 = arith.constant 1 : index
    %get3A_8 = arith.constant 0 : index
    %get3A_9 = vector.load %arg2[%get3A_5, %get3A_6, %get3A_7, %get3A_8] : memref<1x512x2x128xf32, #tpu.memory_space<vmem>>, vector<1x512x1x128xf32>
    %get3A_10 = vector.shape_cast %get3A_9 : vector<1x512x1x128xf32> to vector<512x128xf32>
    %convert_element_type3A = arith.truncf %get3A_4 : vector<512x128xf32> to vector<512x128xbf16>
    %bitcast_convert_type3A = tpu.bitcast %convert_element_type3A : vector<512x128xbf16> -> vector<512x128xi16>
    %convert_element_type3A_11 = arith.truncf %get3A_10 : vector<512x128xf32> to vector<512x128xbf16>
    %bitcast_convert_type3A_12 = tpu.bitcast %convert_element_type3A_11 : vector<512x128xbf16> -> vector<512x128xi16>
    %convert_element_type3A_13 = arith.extui %bitcast_convert_type3A : vector<512x128xi16> to vector<512x128xi32>
    %convert_element_type3A_14 = arith.extui %bitcast_convert_type3A_12 : vector<512x128xi16> to vector<512x128xi32>
    %shift_left3A = arith.constant 16 : i32
    %shift_left3A_15 = vector.broadcast %shift_left3A : i32 to vector<512x128xi32>
    %shift_left3A_16 = arith.shli %convert_element_type3A_14, %shift_left3A_15 : vector<512x128xi32>
    %or3A = arith.ori %convert_element_type3A_13, %shift_left3A_16 : vector<512x128xi32>
    %swap3A = arith.constant 0 : index
    %swap3A_17 = arith.constant 0 : index
    %swap3A_18 = arith.constant 0 : index
    %swap3A_19 = vector.load %arg3[%swap3A, %swap3A_17, %swap3A_18] : memref<1x512x128xi32, #tpu.memory_space<vmem>>, vector<1x512x128xi32>
    %swap3A_20 = vector.shape_cast %swap3A_19 : vector<1x512x128xi32> to vector<512x128xi32>
    %swap3A_21 = vector.shape_cast %or3A : vector<512x128xi32> to vector<1x512x128xi32>
    tpu.vector_store %arg3[%swap3A, %swap3A_17, %swap3A_18], %swap3A_21 {strides = array<i32>} : memref<1x512x128xi32, #tpu.memory_space<vmem>>, vector<1x512x128xi32>,
    return
  }
  func.func @transform_0(%arg0: i32, %arg1: i32) -> (i32, i32, i32, i32) {
    %c0_i32 = arith.constant 0 : i32
    %c0_i32_0 = arith.constant 0 : i32
    %c0_i32_1 = arith.constant 0 : i32
    return %arg0, %arg1, %c0_i32, %c0_i32_0 : i32, i32, i32, i32
  }
  func.func @transform_1(%arg0: i32, %arg1: i32) -> (i32, i32, i32) {
    %c0_i32 = arith.constant 0 : i32
    %c0_i32_0 = arith.constant 0 : i32
    return %arg0, %arg1, %c0_i32 : i32, i32, i32
  }
}

module attributes {stable_mosaic.version = 14 : i64} {
  func.func @_xfmt_body(%arg0: i32, %arg1: memref<3x8192xf32, #tpu.memory_space<vmem>>, %arg2: memref<3x64x128xf32, #tpu.memory_space<vmem>>) attributes {dimension_semantics = [#tpu.dimension_semantics<arbitrary>], iteration_bounds = array<i64: 128>, scalar_prefetch = 0 : i64, scratch_operands = 0 : i64, tpu.core_type = #tpu.core_type<tc>, window_params = [{transform_indices = @transform_0, window_bounds = array<i64: 3, 8192>}, {transform_indices = @transform_1, window_bounds = array<i64: 3, 64, 128>}]} {
    %get3A = arith.constant 0 : index
    %get3A_0 = arith.constant 0 : index
    %get3A_1 = vector.load %arg1[%get3A, %get3A_0] : memref<3x8192xf32, #tpu.memory_space<vmem>>, vector<3x8192xf32>
    %reshape3A = vector.shape_cast %get3A_1 : vector<3x8192xf32> to vector<3x64x128xf32>
    %swap3A = arith.constant 0 : index
    %swap3A_2 = arith.constant 0 : index
    %swap3A_3 = arith.constant 0 : index
    %swap3A_4 = vector.load %arg2[%swap3A, %swap3A_2, %swap3A_3] : memref<3x64x128xf32, #tpu.memory_space<vmem>>, vector<3x64x128xf32>
    tpu.vector_store %arg2[%swap3A, %swap3A_2, %swap3A_3], %reshape3A {strides = array<i32>} : memref<3x64x128xf32, #tpu.memory_space<vmem>>, vector<3x64x128xf32>,
    return
  }
  func.func @transform_0(%arg0: i32) -> (i32, i32) {
    %c0_i32 = arith.constant 0 : i32
    %c0_i32_0 = arith.constant 0 : i32
    return %c0_i32, %arg0 : i32, i32
  }
  func.func @transform_1(%arg0: i32) -> (i32, i32, i32) {
    %c0_i32 = arith.constant 0 : i32
    %c0_i32_0 = arith.constant 0 : i32
    %c0_i32_1 = arith.constant 0 : i32
    return %c0_i32, %arg0, %c0_i32_0 : i32, i32, i32
  }
}

module attributes {stable_mosaic.version = 14 : i64} {
  func.func @_mlp_body(%arg0: i32, %arg1: memref<32x64x128xf32, #tpu.memory_space<vmem>>, %arg2: memref<32x64xf32, #tpu.memory_space<vmem>>, %arg3: memref<64x8xf32, #tpu.memory_space<vmem>>, %arg4: memref<8192x3xf32, #tpu.memory_space<vmem>>) attributes {dimension_semantics = [#tpu.dimension_semantics<arbitrary>], iteration_bounds = array<i64: 128>, scalar_prefetch = 0 : i64, scratch_operands = 0 : i64, tpu.core_type = #tpu.core_type<tc>, window_params = [{transform_indices = @transform_0, window_bounds = array<i64: 32, 64, 128>}, {pipeline_mode = #tpu.pipeline_mode<synchronous>, transform_indices = @transform_1, window_bounds = array<i64: 32, 64>}, {pipeline_mode = #tpu.pipeline_mode<synchronous>, transform_indices = @transform_2, window_bounds = array<i64: 64, 8>}, {transform_indices = @transform_3, window_bounds = array<i64: 8192, 3>}]} {
    %get3A = arith.constant 0 : index
    %get3A_0 = arith.constant 0 : index
    %get3A_1 = arith.constant 0 : index
    %get3A_2 = vector.load %arg1[%get3A, %get3A_0, %get3A_1] : memref<32x64x128xf32, #tpu.memory_space<vmem>>, vector<32x64x128xf32>
    %get3A_3 = arith.constant 0 : index
    %get3A_4 = arith.constant 0 : index
    %get3A_5 = vector.load %arg2[%get3A_3, %get3A_4] : memref<32x64xf32, #tpu.memory_space<vmem>>, vector<32x64xf32>
    %dot_general3A = arith.constant dense<0.000000e+00> : vector<64x128x64xf32>
    %dot_general3A_6 = tpu.matmul %get3A_2, %get3A_5, %dot_general3A {dimension_numbers = #tpu.dot_dimension_numbers<[0], [0], [1, 2], [1], [0, 1, 0, 2, 1, 1], [], []>, transpose_lhs_hint = false} : vector<32x64x128xf32>, vector<32x64xf32>, vector<64x128x64xf32> -> vector<64x128x64xf32>
    %max3A = arith.constant 0.000000e+00 : f32
    %max3A_7 = vector.broadcast %max3A : f32 to vector<64x128x64xf32>
    %max3A_8 = arith.maximumf %dot_general3A_6, %max3A_7 : vector<64x128x64xf32>
    %reshape3A = vector.shape_cast %max3A_8 : vector<64x128x64xf32> to vector<8192x64xf32>
    %get3A_9 = arith.constant 0 : index
    %get3A_10 = arith.constant 0 : index
    %get3A_11 = vector.load %arg3[%get3A_9, %get3A_10] : memref<64x8xf32, #tpu.memory_space<vmem>>, vector<64x8xf32>
    %dot_general3A_12 = arith.constant dense<0.000000e+00> : vector<8192x8xf32>
    %dot_general3A_13 = tpu.matmul %reshape3A, %get3A_11, %dot_general3A_12 {dimension_numbers = #tpu.dot_dimension_numbers<[1], [0], [0], [1], [0, 0, 1, 1], [], []>, transpose_lhs_hint = false} : vector<8192x64xf32>, vector<64x8xf32>, vector<8192x8xf32> -> vector<8192x8xf32>
    %slice3A = vector.extract_strided_slice %dot_general3A_13 {offsets = [0, 0], sizes = [8192, 3], strides = [1, 1]} : vector<8192x8xf32> to vector<8192x3xf32>
    %jit3A = arith.constant 0.000000e+00 : f32
    %jit3A_14 = arith.constant 1.000000e+00 : f32
    %max3A_15 = vector.broadcast %jit3A : f32 to vector<8192x3xf32>
    %max3A_16 = arith.maximumf %max3A_15, %slice3A : vector<8192x3xf32>
    %min3A = vector.broadcast %jit3A_14 : f32 to vector<8192x3xf32>
    %min3A_17 = arith.minimumf %min3A, %max3A_16 : vector<8192x3xf32>
    %swap3A = arith.constant 0 : index
    %swap3A_18 = arith.constant 0 : index
    %swap3A_19 = vector.load %arg4[%swap3A, %swap3A_18] : memref<8192x3xf32, #tpu.memory_space<vmem>>, vector<8192x3xf32>
    tpu.vector_store %arg4[%swap3A, %swap3A_18], %min3A_17 {strides = array<i32>} : memref<8192x3xf32, #tpu.memory_space<vmem>>, vector<8192x3xf32>,
    return
  }
  func.func @transform_0(%arg0: i32) -> (i32, i32, i32) {
    %c0_i32 = arith.constant 0 : i32
    %c0_i32_0 = arith.constant 0 : i32
    %c0_i32_1 = arith.constant 0 : i32
    return %c0_i32, %arg0, %c0_i32_0 : i32, i32, i32
  }
  func.func @transform_1(%arg0: i32) -> (i32, i32) {
    %c0_i32 = arith.constant 0 : i32
    %c0_i32_0 = arith.constant 0 : i32
    %c0_i32_1 = arith.constant 0 : i32
    return %c0_i32, %c0_i32_0 : i32, i32
  }
  func.func @transform_2(%arg0: i32) -> (i32, i32) {
    %c0_i32 = arith.constant 0 : i32
    %c0_i32_0 = arith.constant 0 : i32
    %c0_i32_1 = arith.constant 0 : i32
    return %c0_i32, %c0_i32_0 : i32, i32
  }
  func.func @transform_3(%arg0: i32) -> (i32, i32) {
    %c0_i32 = arith.constant 0 : i32
    %c0_i32_0 = arith.constant 0 : i32
    return %arg0, %c0_i32 : i32, i32
  }
}

</mosaic_0001>

<sc_bundles>
// kernel: kernel.6.cloned.1.call-start
scs
__scs_entry_jumppad:
0x0: {  	(pc) =	sbr.rel $0x88, $3  }
0x1: {  	(tag) =	ssettag $0x0;
	lr =	simm.s32 $0x1  }
0x2: {  	[smem:$0x3F9D] =	sst lr;
	_ =	strace $0xD0000000  }
0x3: {  	_ = 	snop  }
0x4: {  	_ = 	snop  }
0x5: {  	_ = 	snop  }
0x6: {  	_ = 	snop  }
0x7: {  	_ = 	snop  }
__scs_overlays_trampoline_lowered:
0x8: {  	[smem:$0x3FAC] =	sst s0  }
0x9: {  	[smem:$0x3FAD] =	sst s1  }
0xa: {  	[smem:$0x3FAE] =	sst s2  }
0xb: {  	[smem:$0x3FAF] =	sst s3  }
0xc: {  	[smem:$0x3FB0] =	sst s4  }
0xd: {  	[smem:$0x3FB1] =	sst s5  }
0xe: {  	[smem:$0x3FB2] =	sst s6  }
0xf: {  	[smem:$0x3FB3] =	sst s7  }
0x10: {  	[smem:$0x3FB4] =	sst s8  }
0x11: {  	[smem:$0x3FB5] =	sst s9;
	s0 =	simm.s32 @!p0 $0x0  }
0x12: {  	s1 =	sld [smem:$0x3F9B];
	s0 =	simm.s32 @p0 $0x1  }
0x13: {  	[smem:$0x3FB6] =	sst s0;
	s0 =	simm.s32 @!p1 $0x0  }
0x14: {  	s2 =	sld [smem:$0x3F9A];
	s0 =	simm.s32 @p1 $0x1  }
0x15: {  	[smem:$0x3FB7] =	sst s0;
	s0 =	simm.s32 @!p2 $0x0  }
0x16: {  	s3 =	sld [smem:$0x3FDB];
	s0 =	simm.s32 @p2 $0x1  }
0x17: {  	s4 =	simm.s32 $0x1BF5;
	[smem:$0x3FB9] =	sst s0  }
0x18: {  	s0 =	sld [smem:$0x3F9C];
	_ =	swait.ge [sflag:s4], $0x0  }
0x19: {  	s7 =	sld [smem:$0x3F9D]  }
0x1a: {  	s8 =	sadd.s32 $0xFFFFE003, lr  }
0x1b: {  	s9 =	sadd.s32 $0xFFFFFEF7, lr;
	s5 =	simm.s32 $0xFFFFFFFF;
	p2 =	slt.u32 s8, $0xFFFFF086  }
0x1c: {  	p1 =	slt.u32 s9, $0xF7A;
	s5 =	simm.s32 @!p2 $0x0  }
0x1d: {  	s5 =	simm.s32 @p1 $0x1;
	p0 =	seq.s32 s7, s2  }
0x1e: {  	s7 =	smul.u32 @!p0 $0xF7A, s2;
	p2 =	seq.s32 @!p0 s5, $0x0  }
0x1f: {  	s9 =	smul.u32 $0xF7A, s1;
	s8 =	simm.s32 @!p0 $0x1BF5;
	p2 =	por !p2, p0  }
0x20: {  	[sflag:s8] =	ssyncset.s32 @!p0 $0xFFFFF086;
	s6 =	sadd.s32 @!p0 s3, s7;
	s7 =	simm.s32 @!p0 $0x108  }
0x21: {  	s3 =	sadd.s32 s3, s9;
	s6 =	sadd.s32 @!p0 $0x88, s6;
	s7 =	simm.s32 @p2 $0x1082  }
0x22: {  	[simem:s7], [sflag:s8] =	dma.local @!p0 [hbm:s6], $0xF7A  }
0x23: {  	s9 =	sor.u32 $0xD0000000, s2;
	s6 =	simm.s32 $0x108;
	_ =	swait.ge @!p0 [sflag:s8], $0x0  }
0x24: {  	s3 =	sadd.s32 $0x88, s3;
	s6 =	simm.s32 @!p1 $0x1082;
	[sflag:s4] =	ssyncset.s32 $0xFFFFF086  }
0x25: {  	[simem:s6], [sflag:s4] =	dma.local [hbm:s3], $0xF7A  }
0x26: {  	[smem:$0x3F9D] =	sst s1;
	(tag) =	ssettag s2;
	_ =	strace s9  }
0x27: {  	s1 =	sld [smem:$0x3FAD]  }
0x28: {  	s2 =	sld [smem:$0x3FAE]  }
0x29: {  	s4 =	sld [smem:$0x3FB0]  }
0x2a: {  	p0 =	seq.s32 s5, $0x0;
	s5 =	sld [smem:$0x3FB1]  }
0x2b: {  	s6 =	sld [smem:$0x3FB2]  }
0x2c: {  	s7 =	sld [smem:$0x3FB3]  }
0x2d: {  	s3 =	simm.s32 $0x108;
	s8 =	sld [smem:$0x3FB4]  }
0x2e: {  	s3 =	simm.s32 @!p0 $0x1082;
	s9 =	sld [smem:$0x3FB5]  }
0x2f: {  	lr =	sadd.s32 s0, s3;
	s0 =	sld [smem:$0x3FAC]  }
0x30: {  	s3 =	sld [smem:$0x3FAF]  }
0x31: {  	[smem:$0x3FB8] =	sst s10  }
0x32: {  	s10 =	sld [smem:$0x3FB6];
	_ =	sdelay $0x3  }
0x33: {  	p0 =	seq.s32 s10, $0x1;
	s10 =	sld [smem:$0x3FB8];
	_ =	sdelay $0x3  }
0x34: {  	[smem:$0x3FB8] =	sst s10  }
0x35: {  	s10 =	sld [smem:$0x3FB7];
	_ =	sdelay $0x3  }
0x36: {  	p1 =	seq.s32 s10, $0x1;
	s10 =	sld [smem:$0x3FB8];
	_ =	sdelay $0x3  }
0x37: {  	[smem:$0x3FB8] =	sst s10  }
0x38: {  	s10 =	sld [smem:$0x3FB9]  }
0x39: {  	_ = 	snop;
	(pc) =	sbr.ind lr, $3  }
0x3a: {  	_ = 	snop  }
0x3b: {  	_ = 	snop  }
0x3c: {  	p2 =	seq.s32 s10, $0x1;
	s10 =	sld [smem:$0x3FB8]  }
0x3d: {  	_ =	shalt  }
0x3e: {  	_ =	shalt  }
0x3f: {  	_ =	shalt  }
0x40: {  	_ =	shalt  }
0x41: {  	_ =	shalt  }
0x42: {  	_ =	shalt  }
0x43: {  	_ =	shalt  }
0x44: {  	_ =	shalt  }
0x45: {  	_ =	shalt  }
0x46: {  	_ =	shalt  }
0x47: {  	_ =	shalt  }
0x48: {  	_ =	shalt  }
0x49: {  	_ =	shalt  }
0x4a: {  	_ =	shalt  }
0x4b: {  	_ =	shalt  }
0x4c: {  	_ =	shalt  }
0x4d: {  	_ =	shalt  }
0x4e: {  	_ =	shalt  }
0x4f: {  	_ =	shalt  }
0x50: {  	_ =	shalt  }
0x51: {  	_ =	shalt  }
0x52: {  	_ =	shalt  }
0x53: {  	_ =	shalt  }
0x54: {  	_ =	shalt  }
0x55: {  	_ =	shalt  }
0x56: {  	_ =	shalt  }
0x57: {  	_ =	shalt  }
0x58: {  	_ =	shalt  }
0x59: {  	_ =	shalt  }
0x5a: {  	_ =	shalt  }
0x5b: {  	_ =	shalt  }
0x5c: {  	_ =	shalt  }
0x5d: {  	_ =	shalt  }
0x5e: {  	_ =	shalt  }
0x5f: {  	_ =	shalt  }
0x60: {  	_ =	shalt  }
0x61: {  	_ =	shalt  }
0x62: {  	_ =	shalt  }
0x63: {  	_ =	shalt  }
0x64: {  	_ =	shalt  }
0x65: {  	_ =	shalt  }
0x66: {  	_ =	shalt  }
0x67: {  	_ =	shalt  }
0x68: {  	_ =	shalt  }
0x69: {  	_ =	shalt  }
0x6a: {  	_ =	shalt  }
0x6b: {  	_ =	shalt  }
0x6c: {  	_ =	shalt  }
0x6d: {  	_ =	shalt  }
0x6e: {  	_ =	shalt  }
0x6f: {  	_ =	shalt  }
0x70: {  	_ =	shalt  }
0x71: {  	_ =	shalt  }
0x72: {  	_ =	shalt  }
0x73: {  	_ =	shalt  }
0x74: {  	_ =	shalt  }
0x75: {  	_ =	shalt  }
0x76: {  	_ =	shalt  }
0x77: {  	_ =	shalt  }
0x78: {  	_ =	shalt  }
0x79: {  	_ =	shalt  }
0x7a: {  	_ =	shalt  }
0x7b: {  	_ =	shalt  }
0x7c: {  	_ =	shalt  }
0x7d: {  	_ =	shalt  }
0x7e: {  	_ =	shalt  }
0x7f: {  	_ =	shalt  }
0x80: {  	_ =	shalt  }
0x81: {  	_ =	shalt  }
0x82: {  	_ =	shalt  }
0x83: {  	_ =	shalt  }
0x84: {  	_ =	shalt  }
0x85: {  	_ =	shalt  }
0x86: {  	_ =	shalt  }
0x87: {  	_ =	shalt  }
.Lfunc_end0:
.L_simem_size_0:
called_computation_lowered:
.L_overlay_start_0:
0x88: {  	s2 =	sld [smem:$0x3FD9]  }
0x89: {  	s3 =	sld [smem:$0x3FFE];
	_ =	sdelay $0x1  }
0x8a: {  	s1 =	srdreg.scid  }
0x8b: {  	s0 =	sand.u32 $0x1, s1  }
0x8c: {  	s17 =	sshll.u32 s0, $0xA;
	s2 =	sadd.s32 s3, s2  }
0x8d: {  	s2 =	sadd.s32 s2, s17  }
0x8e: {  	[smem:$0x3FC4] =	sst s2  }
0x8f: {  	_ = 	snop  }
0x90: {  	s2 =	sld [smem:$0x3FD0];
	(tm) =	ssettm $0x1  }
0x91: {  	s18 =	sld [smem:$0x3FFB];
	_ =	sdelay $0x3  }
0x92: {  	_ =	strace s18  }
0x93: {  	s3 =	sld [smem:$0x3FFC];
	_ =	sdelay $0x3  }
0x94: {  	_ =	strace s3  }
0x95: {  	s3 =	sld [smem:$0x3FFD];
	_ =	sdelay $0x3  }
0x96: {  	_ =	strace s3  }
0x97: {  	_ =	strace $0x8FFFFFFF  }
0x98: {  	s19 =	sld [smem:$0x3FDB];
	_ =	sdelay $0x1  }
0x99: {  	s4 =	simm.s32 $_scs_section_size  }
0x9a: {  	s5 =	simm.s32 $_size__tile_overlayer_lowered;
	s6 =	simm.s32 $_tile_overlayer_lowered  }
0x9b: {  	s22 =	simm.s32 $0x1BFF;
	s21 =	sshll.u32 s6, $0x1;
	s3 =	sadd.s32 s4, s19  }
0x9c: {  	s7 =	simm.s32 $0x0;
	s20 =	sshll.u32 s5, $0x1;
	s5 =	sadd.s32 s21, s3  }
0x9d: {  	[timem:s7], [sflag:s22] =	dma.local [hbm:s5], s20  }
0x9e: {  	_ =	swait.ge [sflag:s22], s20  }
0x9f: {  	s4 =	ssub.s32 $0x0, s20;
	[sflag:s22] =	ssyncset.done $0x0  }
0xa0: {  	[sflag:s22] =	ssyncadd.s32 s4;
	_ =	sdelay $0x1  }
0xa1: {  	s23 =	simm.s32 $0x1B8B  }
0xa2: {  	_ =	swait.ge [sflag:s23], $0x1  }
0xa3: {  	[sflag:s23] =	ssyncset.done $0x0  }
0xa4: {  	s25 =	simm.s32 $0x1B8E;
	s24 =	sld [smem:$0x3FFE];
	[sflag:s23] =	ssyncadd.s32 $0xFFFFFFFF  }
0xa5: {  	s26 =	simm.s32 $execute0_lowered;
	[smem:$0x3FD2] =	sst s25  }
0xa6: {  	s5 =	sshll.u32 s26, $0x1;
	_ =	strace $0x80000046;
	[dreg:$0x1] =	wrdreg $0xFFFFFFFF  }
0xa7: {  	s28 =	simm.s32 $_size_execute0_lowered;
	s3 =	sadd.s32 s3, s5;
	[dreg:$0x0] =	wrdreg $0x0  }
0xa8: {  	s5 =	sshll.u32 s28, $0x1;
	[dreg:$0x2] =	wrdreg s3  }
0xa9: {  	[dreg:$0x3] =	wrdreg s5  }
0xaa: {  	[dreg:$0x4] =	wrdreg $0xC0  }
0xab: {  	_ =	task [dreg:s7], $0x5FFFF  }
0xac: {  	[dreg:$0x1] =	wrdreg $0xFFFFFFFF  }
0xad: {  	[dreg:$0x0] =	wrdreg $0x60  }
0xae: {  	[dreg:$0x2] =	wrdreg s2  }
0xaf: {  	[dreg:$0x3] =	wrdreg s24  }
0xb0: {  	[dreg:$0x4] =	wrdreg $0x0  }
0xb1: {  	[dreg:$0x5] =	wrdreg $0x9  }
0xb2: {  	_ =	task.clear_ibuf [dreg:s7], $0x6FFFF;
	_ =	strace $0x90000046  }
0xb3: {  	s29 =	simm.s32 $0x9;
	_ =	strace $0x80000048  }
0xb4: {  	_ =	swait.ge [sflag:s29], $0x1  }
0xb5: {  	[sflag:s29] =	ssyncadd.s32 $0xFFFFFFFF  }
0xb6: {  	_ =	strace $0x90000048  }
0xb7: {  	_ =	sfence  }
0xb8: {  	s30 =	sld [smem:$0x0];
	_ =	sdelay $0x2  }
0xb9: {  	s31 =	sshll.u32 s1, $0xD;
	s1 =	sshrl.u32 s1, $0x2  }
0xba: {  	s3 =	sand.u32 $0x4000, s31;
	s1 =	sadd.s32 s1, s30  }
0xbb: {  	s0 =	sor.u32 s3, s0;
	s1 =	sshll.u32 s1, $0x11  }
0xbc: {  	s0 =	sor.u32 s1, s0  }
0xbd: {  	s0 =	sadd.s32 $0x8F2B, s0  }
0xbe: {  	[sflag:s0] =	ssyncadd.remote.s32 $0x1  }
0xbf: {  	_ =	sfence.sel $0xFFFF  }
0xc0: {  	[dreg:$0x0] =	wrdreg $0xFFFFFFFF;
	(pc) =	sbr.abs _section_cstart, $3  }
0xc1: {  	[dreg:$0x1] =	wrdreg $0xFFFFFFFF  }
0xc2: {  	_ =	task.clear_ibuf [dreg:s7], $0x2FFFF;
	_ =	strace $0x9FFFFFFF  }
0xc3: {  	(tm) =	ssettm $0x7FFFFFFF  }
tec
execute0_lowered:
.L_overlay_start_1:
0x0: {  	(tag) =	ssettag $0x1  }
0x1: {  	s1 =	rddreg [dreg:$0x0]  }
0x2: {  	s0 =	rddreg [dreg:$0x1]  }
0x3: {  	s2 =	rddreg [dreg:$0x2];
	s3 =	simm.s32 $0x0  }
0x4: {  	s18 =	srdreg.scid;
	s9 =	stileid.u32;
	s30 =	simm.s32 $0x14C00  }
0x5: {  	s31 =	simm.s32 $0x15000;
	[smem:$0x7FF] =	sst s3;
	s4 =	sadd.s32 $0xA00, s0  }
0x6: {  	s5 =	sadd.s32 $0x100C00, s0;
	s19 =	sadd.s32 $0x100A00, s0;
	s6 =	sshll.u32 s9, $0x1  }
0x7: {  	s8 =	sadd.s32 $0x100E00, s0;
	_ =	strace $0x80000047;
	[dreg:$0x4] =	wrdreg s4  }
0x8: {  	s22 =	sshll.u32 s9, $0xF;
	s11 =	sadd.s32 $0x20000, s1;
	[dreg:$0x5] =	wrdreg s5  }
0x9: {  	s26 =	sshll.u32 s9, $0x6;
	s9 =	simm.s32 $0x0;
	[dreg:$0x6] =	wrdreg s19  }
0xa: {  	s4 =	sand.u32 $0x1, s18;
	[dreg:$0x7] =	wrdreg s22;
	s29 =	smov.u32 s11  }
0xb: {  	s19 =	simm.s32 $0x5;
	s20 =	ssub.s32 $0x2, s4;
	s4 =	sor.u32 s4, s6  }
0xc: {  	s6 =	sadd.s32 s22, s2;
	s21 =	sshrl.u32 s20, $0x1;
	s23 =	sshll.u32 s4, $0xC  }
0xd: {  	s7 =	sshll.u32 s4, $0x8;
	s14 =	sshll.u32 s4, $0xF;
	s28 =	sshrl.u32 s6, $0x3  }
0xe: {  	s4 =	simm.s32 $0x4;
	s5 =	sadd.s32 s23, s11;
	[dreg:$0xe] =	wrdreg s28  }
0xf: {  	s6 =	simm.s32 $0x15400;
	s10 =	sadd.s32 s1, s23;
	[dreg:$0x9] =	wrdreg s5  }
0x10: {  	s0 =	ssub.s32 s20, s21;
	s25 =	sor.u32 $0x10, s7;
	[dreg:$0x8] =	wrdreg s10  }
0x11: {  	s17 =	sor.u32 $0x8, s7;
	s24 =	sadd.s32 $0x40000, s10;
	[dreg:$0xb] =	wrdreg s25  }
0x12: {  	s23 =	simm.s32 $0x2000;
	s0 =	smax.u32 s0, $0x1;
	[dreg:$0xa] =	wrdreg s24  }
0x13: {  	s7 =	simm.s32 $0x15800;
	[dreg:$0xc] =	wrdreg s0;
	s0 =	sor.u32 $0x1C05, s26  }
0x14: {  	s26 =	simm.s32 $0x1;
	[dreg:$0xd] =	wrdreg s0;
	s0 =	simm.s32 $0x2  }
.LBB2_1:
0x15: {  	[dreg:$0xf] =	wrdreg s9  }
0x16: {  	s5 =	rddreg [dreg:$0x5];
	s24 =	simm.s32 $0x15C00  }
0x17: {  	[tilespmem:s24], [sflag:$0x5] =	stream.linear.gather [hbm4b:s5+s3], $0x10, $0x38;
	[tilespmem:$0x15C30] =	vst v63  }
0x18: {  	_ =	swait.ge [sflag:s19], $0x10  }
0x19: {  	[sflag:s19] =	ssyncset.done $0x0  }
0x1a: {  	s28 =	simm.s32 $0x15C10;
	s25 =	rddreg [dreg:$0x6];
	[sflag:s19] =	ssyncadd.s32 $0xFFFFFFF0  }
0x1b: {  	[tilespmem:s28], [sflag:$0x5] =	stream.linear.gather [hbm4b:s25+s3], $0x20, $0x38;
	[tilespmem:$0x15C30] =	vst v63  }
0x1c: {  	_ =	swait.ge [sflag:s19], $0x20  }
0x1d: {  	[sflag:s19] =	ssyncset.done $0x0  }
0x1e: {  	s20 =	simm.s32 $0x0;
	[sflag:s19] =	ssyncadd.s32 $0xFFFFFFE0  }
.LBB2_2:
0x1f: {  	v0 =	vmov s20  }
0x20: {  	v1 =	vshll.u32 v0, $0x1  }
0x21: {  	v2 =	vor.u32 $0x1, v1  }
0x22: {  	s5 =	sshll.u32 s20, $0x13;
	s18 =	rddreg [dreg:$0x7]  }
0x23: {  	s9 =	simm.s32 $0x15C00;
	s22 =	rddreg [dreg:$0x4];
	s5 =	sor.u32 s18, s5  }
0x24: {  	s21 =	simm.s32 $0x15C10;
	s24 =	rddreg [dreg:$0xd];
	s5 =	sshrl.u32 s5, $0x3;
	v0 =	vld.idx.msk [tilespmem:v0+s9+$0x0], $0xffff  }
0x25: {  	s10 =	rddreg [dreg:$0xe];
	s5 =	sadd.s32 s22, s5;
	v1 =	vld.idx.msk [tilespmem:v1+s21+$0x0], $0xffff  }
0x26: {  	v2 =	vld.idx.msk [tilespmem:v2+s21+$0x0], $0xffff;
	[spmem:s10], [sflag:s24] =	dma.local [hbm:s5], $0x1000  }
0x27: {  	_ =	swait.ge [sflag:s19], $0x1000  }
0x28: {  	[sflag:s19] =	ssyncset.done $0x0  }
0x29: {  	[sflag:s19] =	ssyncadd.s32 $0xFFFFF000  }
0x2a: {  	[bflag:$0x0] =	sbarrier.arrive $0xFFFF  }
0x2b: {  	s9 =	simm.s32 $0x8000;
	s5 =	simm.s32 $0x0;
	s25 =	rddreg [dreg:$0x8]  }
0x2c: {  	[tilespmem:s9], [sflag:$0x5] =	stream.linear.gather [hbm4b:s25+s5], $0x400, $0x38;
	[tilespmem:$0x15C30] =	vst v63  }
0x2d: {  	_ =	swait.ge [sflag:s19], $0x400  }
0x2e: {  	[sflag:s19] =	ssyncset.done $0x0  }
0x2f: {  	s10 =	simm.s32 $0x8400;
	s11 =	rddreg [dreg:$0x9];
	[sflag:s19] =	ssyncadd.s32 $0xFFFFFC00  }
0x30: {  	[tilespmem:s10], [sflag:$0x5] =	stream.linear.gather [hbm4b:s11+s5], $0x400, $0x38;
	[tilespmem:$0x15C30] =	vst v63  }
0x31: {  	_ =	swait.ge [sflag:s19], $0x400  }
0x32: {  	[sflag:s19] =	ssyncset.done $0x0  }
0x33: {  	s12 =	simm.s32 $0x8800;
	s28 =	rddreg [dreg:$0xa];
	[sflag:s19] =	ssyncadd.s32 $0xFFFFFC00  }
0x34: {  	[tilespmem:s12], [sflag:$0x5] =	stream.linear.gather [hbm4b:s28+s5], $0x400, $0x38;
	[tilespmem:$0x15C30] =	vst v63  }
0x35: {  	_ =	swait.ge [sflag:s19], $0x400  }
0x36: {  	[sflag:s19] =	ssyncset.done $0x0  }
0x37: {  	s13 =	simm.s32 $0x9C00;
	s11 =	simm.s32 $0xDC00;
	[sflag:s19] =	ssyncadd.s32 $0xFFFFFC00  }
.LBB2_3:
0x38: {  	v3 =	vmov s9  }
0x39: {  	v4 =	vmov s10  }
0x3a: {  	v5 =	vmov s12;
	_ =	sdelay $0x1  }
0x3b: {  	s16 =	simm.s32 $0x0  }
0x3c: {  	v6 =	vld.idx.msk [tilespmem:v3+s16+$0x0 ss:$0x1], $0xffff  }
0x3d: {  	v7 =	vld.idx.msk [tilespmem:v4+s16+$0x0 ss:$0x1], $0xffff  }
0x3e: {  	v8 =	vld.idx.msk [tilespmem:v5+s16+$0x0 ss:$0x1], $0xffff;
	_ =	sdelay $0x3  }
0x3f: {  	v6 =	vmul.f32 v6, v0  }
0x40: {  	v7 =	vmul.f32 v7, v0;
	v8 =	vmul.f32 v8, v0  }
0x41: {  	v9 =	vtrunc.f32 v6  }
0x42: {  	v10 =	vtrunc.f32 v7;
	v11 =	vtrunc.f32 v8  }
0x43: {  	v9 =	vcvt.f32.s32 v9;
	v10 =	vcvt.f32.s32 v10  }
0x44: {  	v11 =	vcvt.f32.s32 v11  }
0x45: {  	v12 =	vcvt.s32.f32 v9;
	v13 =	vcvt.s32.f32 v10  }
0x46: {  	v52 =	vcvt.s32.f32 v11  }
0x47: {  	v6 =	vsub.f32 v6, v12;
	v7 =	vsub.f32 v7, v13  }
0x48: {  	v8 =	vsub.f32 v8, v52  }
0x49: {  	v53 =	vadd.f32 v6, v6;
	v54 =	vadd.f32 v7, v7  }
0x4a: {  	v6 =	vmul.f32 v6, v6;
	v14 =	vadd.f32 v8, v8  }
0x4b: {  	v7 =	vmul.f32 v7, v7;
	v13 =	vsub.f32 $3.000000000e+00, v53;
	v12 =	vsub.f32 $3.000000000e+00, v54  }
0x4c: {  	v8 =	vmul.f32 v8, v8  }
0x4d: {  	v14 =	vsub.f32 $3.000000000e+00, v14;
	v13 =	vmul.f32 v13, v6;
	v12 =	vmul.f32 v12, v7  }
0x4e: {  	v16 =	vadd.s32 $0x1, v9;
	v7 =	vmov s13  }
0x4f: {  	v8 =	vmul.f32 v14, v8;
	v15 =	vsub.f32 $1.000000000e+00, v13;
	v55 =	vsub.f32 $1.000000000e+00, v12  }
0x50: {  	v17 =	vmul.u32 v10, v1;
	v10 =	vadd.s32 $0x1, v10;
	v6 =	vmov s11  }
0x51: {  	v18 =	vmul.u32 v11, v2;
	v19 =	vsub.f32 $1.000000000e+00, v8;
	v20 =	vmul.f32 v55, v15  }
0x52: {  	v10 =	vmul.u32 v1, v10;
	v21 =	vadd.s32 v9, v17;
	v17 =	vadd.s32 v16, v17  }
0x53: {  	v22 =	vadd.s32 v18, v21;
	v14 =	vmul.f32 v55, v13;
	v23 =	vmul.f32 v19, v20  }
0x54: {  	v24 =	vadd.s32 v18, v17;
	v9 =	vadd.s32 v9, v10;
	[tilespmem:v7+s16+$0xFFFFF000 ss:$0x1] =	vst.idx.msk $0xffff, v22  }
0x55: {  	v15 =	vmul.f32 v12, v15;
	v56 =	vmul.f32 v19, v14;
	[tilespmem:v6+s16+$0xFFFFF000 ss:$0x1] =	vst.idx.msk $0xffff, v23  }
0x56: {  	v57 =	vadd.s32 v18, v9;
	[tilespmem:v7+s16+$0xFFFFF400 ss:$0x1] =	vst.idx.msk $0xffff, v24  }
0x57: {  	v11 =	vadd.s32 $0x1, v11;
	v12 =	vmul.f32 v12, v13;
	v58 =	vmul.f32 v19, v15;
	[tilespmem:v6+s16+$0xFFFFF400 ss:$0x1] =	vst.idx.msk $0xffff, v56  }
0x58: {  	v11 =	vmul.u32 v2, v11;
	v10 =	vadd.s32 v16, v10;
	[tilespmem:v7+s16+$0xFFFFF800 ss:$0x1] =	vst.idx.msk $0xffff, v57  }
0x59: {  	v18 =	vadd.s32 v18, v10;
	v59 =	vmul.f32 v19, v12;
	[tilespmem:v6+s16+$0xFFFFF800 ss:$0x1] =	vst.idx.msk $0xffff, v58  }
0x5a: {  	[tilespmem:v7+s16+$0xFFFFFC00 ss:$0x1] =	vst.idx.msk $0xffff, v18  }
0x5b: {  	v61 =	vadd.s32 v21, v11;
	v60 =	vmul.f32 v20, v8;
	[tilespmem:v6+s16+$0xFFFFFC00 ss:$0x1] =	vst.idx.msk $0xffff, v59  }
0x5c: {  	[tilespmem:v7+s16+$0x0 ss:$0x1] =	vst.idx.msk $0xffff, v61  }
0x5d: {  	v62 =	vadd.s32 v17, v11;
	v14 =	vmul.f32 v14, v8;
	[tilespmem:v6+s16+$0x0 ss:$0x1] =	vst.idx.msk $0xffff, v60  }
0x5e: {  	[tilespmem:v7+s16+$0x400 ss:$0x1] =	vst.idx.msk $0xffff, v62  }
0x5f: {  	v9 =	vadd.s32 v11, v9;
	v63 =	vmul.f32 v8, v15;
	[tilespmem:v6+s16+$0x400 ss:$0x1] =	vst.idx.msk $0xffff, v14  }
0x60: {  	[tilespmem:v7+s16+$0x800 ss:$0x1] =	vst.idx.msk $0xffff, v9  }
0x61: {  	s15 =	simm.s32 $0x40;
	v8 =	vmul.f32 v8, v12;
	v9 =	vadd.s32 v11, v10;
	[tilespmem:v6+s16+$0x800 ss:$0x1] =	vst.idx.msk $0xffff, v63  }
.LBB2_4:
0x62: {  	p0 =	sne.s32 s15, $0x1C0;
	[tilespmem:v7+s16+$0xC00 ss:$0x1] =	vst.idx.msk $0xffff, v9;
	s18 =	smov.u32 s15;
	s15 =	sadd.s32 $0x40, s15  }
0x63: {  	[tilespmem:v6+s16+$0xC00 ss:$0x1] =	vst.idx.msk $0xffff, v8;
	s16 =	sshra.s32 s18, $0x2  }
0x64: {  	v8 =	vld.idx.msk [tilespmem:v3+s16+$0x0 ss:$0x1], $0xffff  }
0x65: {  	v9 =	vld.idx.msk [tilespmem:v4+s16+$0x0 ss:$0x1], $0xffff  }
0x66: {  	v10 =	vld.idx.msk [tilespmem:v5+s16+$0x0 ss:$0x1], $0xffff;
	_ =	sdelay $0x3  }
0x67: {  	v8 =	vmul.f32 v8, v0  }
0x68: {  	v9 =	vmul.f32 v9, v0  }
0x69: {  	v11 =	vtrunc.f32 v8;
	v10 =	vmul.f32 v10, v0  }
0x6a: {  	v11 =	vcvt.f32.s32 v11;
	v12 =	vtrunc.f32 v9  }
0x6b: {  	v12 =	vcvt.f32.s32 v12;
	v13 =	vtrunc.f32 v10  }
0x6c: {  	v14 =	vcvt.s32.f32 v11;
	v13 =	vcvt.f32.s32 v13;
	v15 =	vadd.s32 $0x1, v11  }
0x6d: {  	v16 =	vcvt.s32.f32 v12;
	v17 =	vmul.u32 v12, v1;
	v12 =	vadd.s32 $0x1, v12  }
0x6e: {  	v8 =	vsub.f32 v8, v14;
	v14 =	vcvt.s32.f32 v13;
	v18 =	vmul.u32 v13, v2  }
0x6f: {  	v9 =	vsub.f32 v9, v16;
	v16 =	vadd.s32 v11, v17;
	v17 =	vadd.s32 v15, v17  }
0x70: {  	v19 =	vadd.f32 v8, v8;
	v10 =	vsub.f32 v10, v14;
	v14 =	vadd.s32 v18, v16  }
0x71: {  	v8 =	vmul.f32 v8, v8;
	v21 =	vadd.s32 v18, v17;
	v20 =	vadd.f32 v9, v9  }
0x72: {  	v9 =	vmul.f32 v9, v9;
	v19 =	vsub.f32 $3.000000000e+00, v19;
	v22 =	vadd.f32 v10, v10  }
0x73: {  	v12 =	vmul.u32 v1, v12;
	v13 =	vadd.s32 $0x1, v13;
	v20 =	vsub.f32 $3.000000000e+00, v20  }
0x74: {  	v10 =	vmul.f32 v10, v10;
	v8 =	vmul.f32 v19, v8;
	v19 =	vsub.f32 $3.000000000e+00, v22  }
0x75: {  	v11 =	vadd.s32 v11, v12;
	v12 =	vadd.s32 v15, v12;
	v9 =	vmul.f32 v20, v9  }
0x76: {  	v15 =	vsub.f32 $1.000000000e+00, v8;
	v10 =	vmul.f32 v19, v10;
	v19 =	vadd.s32 v18, v11  }
0x77: {  	v18 =	vadd.s32 v18, v12;
	v20 =	vsub.f32 $1.000000000e+00, v9;
	v22 =	vmul.f32 v9, v8  }
0x78: {  	v23 =	vsub.f32 $1.000000000e+00, v10;
	v9 =	vmul.f32 v9, v15  }
0x79: {  	v15 =	vmul.f32 v20, v15;
	v8 =	vmul.f32 v20, v8  }
0x7a: {  	v20 =	vmul.f32 v23, v9;
	v24 =	vmul.f32 v10, v9  }
0x7b: {  	v9 =	vmul.f32 v23, v15;
	[tilespmem:v7+s16+$0xFFFFF000 ss:$0x1] =	vst.idx.msk $0xffff, v14;
	v14 =	vmul.f32 v15, v10  }
0x7c: {  	v25 =	vmul.f32 v8, v10;
	v15 =	vmul.f32 v23, v8  }
0x7d: {  	v8 =	vmul.f32 v10, v22;
	[tilespmem:v6+s16+$0xFFFFF000 ss:$0x1] =	vst.idx.msk $0xffff, v9  }
0x7e: {  	[tilespmem:v7+s16+$0xFFFFF400 ss:$0x1] =	vst.idx.msk $0xffff, v21  }
0x7f: {  	[tilespmem:v6+s16+$0xFFFFF400 ss:$0x1] =	vst.idx.msk $0xffff, v15  }
0x80: {  	v10 =	vmul.u32 v2, v13;
	v9 =	vmul.f32 v23, v22;
	[tilespmem:v7+s16+$0xFFFFF800 ss:$0x1] =	vst.idx.msk $0xffff, v19  }
0x81: {  	[tilespmem:v6+s16+$0xFFFFF800 ss:$0x1] =	vst.idx.msk $0xffff, v20  }
0x82: {  	v13 =	vadd.s32 v16, v10;
	v15 =	vadd.s32 v17, v10;
	[tilespmem:v7+s16+$0xFFFFFC00 ss:$0x1] =	vst.idx.msk $0xffff, v18  }
0x83: {  	[tilespmem:v6+s16+$0xFFFFFC00 ss:$0x1] =	vst.idx.msk $0xffff, v9;
	v9 =	vadd.s32 v10, v12  }
0x84: {  	[tilespmem:v7+s16+$0x0 ss:$0x1] =	vst.idx.msk $0xffff, v13  }
.Ltmp0:
0x85: {  	[tilespmem:v6+s16+$0x0 ss:$0x1] =	vst.idx.msk $0xffff, v14;
	(pc) =	sbr.rel @p0 .LBB2_4-.Ltmp0, $4  }
0x86: {  	v10 =	vadd.s32 v10, v11;
	[tilespmem:v7+s16+$0x400 ss:$0x1] =	vst.idx.msk $0xffff, v15  }
0x87: {  	[tilespmem:v6+s16+$0x400 ss:$0x1] =	vst.idx.msk $0xffff, v25  }
0x88: {  	[tilespmem:v7+s16+$0x800 ss:$0x1] =	vst.idx.msk $0xffff, v10  }
0x89: {  	[tilespmem:v6+s16+$0x800 ss:$0x1] =	vst.idx.msk $0xffff, v24  }
0x8a: {  	s5 =	sadd.s32 $0x1, s5  }
0x8b: {  	p0 =	sne.s32 s5, $0x8  }
.Ltmp1:
0x8c: {  	_ = 	snop;
	(pc) =	sbr.rel @p0 .LBB2_3-.Ltmp1, $3  }
0x8d: {  	_ =	sdelay $0x1  }
0x8e: {  	[tilespmem:v7+s16+$0xC00 ss:$0x1] =	vst.idx.msk $0xffff, v9;
	s9 =	sadd.s32 $0x80, s9;
	s10 =	sadd.s32 $0x80, s10  }
0x8f: {  	s12 =	sadd.s32 $0x80, s12;
	s13 =	sadd.s32 $0x80, s13;
	s11 =	sadd.s32 $0x80, s11;
	[tilespmem:v6+s16+$0xC00 ss:$0x1] =	vst.idx.msk $0xffff, v8  }
0x90: {  	s5 =	simm.s32 $0x8C00;
	s9 =	simm.s32 $0x10C00  }
0x91: {  	[tilespmem:s9], [sflag:$0x1] =	stream.indirect.gather [spmem:s2], $0x1, s5, s23, $0xb8;
	[tilespmem:$0x15C30] =	vst v63  }
0x92: {  	[dreg:$0x11] =	wrdreg s20;
	s5 =	sshll.u32 s20, $0x15  }
0x93: {  	s10 =	simm.s32 $0x0;
	s12 =	simm.s32 $0x0;
	s9 =	sor.u32 $0x100000, s5  }
.LBB2_7:
0x94: {  	s18 =	sshll.u32 s12, $0x4  }
0x95: {  	s13 =	sor.u32 s17, s18  }
0x96: {  	s11 =	sshll.u32 s13, $0x4  }
0x97: {  	s16 =	simm.s32 $0x8000;
	s15 =	sadd.s32 s1, s11  }
0x98: {  	[tilespmem:s16], [sflag:$0x5] =	stream.linear.gather [hbm4b:s15+s10], $0x400, $0x38;
	[tilespmem:$0x15C30] =	vst v63  }
0x99: {  	_ =	swait.ge [sflag:s19], $0x400  }
0x9a: {  	s28 =	sor.u32 $0x20000, s11;
	[sflag:s19] =	ssyncset.done $0x0  }
0x9b: {  	s21 =	simm.s32 $0x8400;
	s15 =	sadd.s32 s1, s28;
	[sflag:s19] =	ssyncadd.s32 $0xFFFFFC00  }
0x9c: {  	[tilespmem:s21], [sflag:$0x5] =	stream.linear.gather [hbm4b:s15+s10], $0x400, $0x38;
	[tilespmem:$0x15C30] =	vst v63  }
0x9d: {  	_ =	swait.ge [sflag:s19], $0x400  }
0x9e: {  	s11 =	sor.u32 $0x40000, s11;
	[sflag:s19] =	ssyncset.done $0x0  }
0x9f: {  	s22 =	simm.s32 $0x8800;
	s11 =	sadd.s32 s1, s11;
	[sflag:s19] =	ssyncadd.s32 $0xFFFFFC00  }
0xa0: {  	[tilespmem:s22], [sflag:$0x5] =	stream.linear.gather [hbm4b:s11+s10], $0x400, $0x38;
	[tilespmem:$0x15C30] =	vst v63  }
0xa1: {  	_ =	swait.ge [sflag:s19], $0x400  }
0xa2: {  	s24 =	simm.s32 $0xBC00;
	[sflag:s19] =	ssyncset.done $0x0  }
0xa3: {  	s25 =	simm.s32 $0xFC00;
	s11 =	simm.s32 $0x0;
	[sflag:s19] =	ssyncadd.s32 $0xFFFFFC00  }
.LBB2_8:
0xa4: {  	v3 =	vmov s16  }
0xa5: {  	v4 =	vmov s21  }
0xa6: {  	v5 =	vmov s22;
	_ =	sdelay $0x1  }
0xa7: {  	s20 =	simm.s32 $0x0  }
0xa8: {  	v6 =	vld.idx.msk [tilespmem:v3+s20+$0x0 ss:$0x1], $0xffff  }
0xa9: {  	v7 =	vld.idx.msk [tilespmem:v4+s20+$0x0 ss:$0x1], $0xffff  }
0xaa: {  	v8 =	vld.idx.msk [tilespmem:v5+s20+$0x0 ss:$0x1], $0xffff;
	_ =	sdelay $0x3  }
0xab: {  	v6 =	vmul.f32 v6, v0  }
0xac: {  	v7 =	vmul.f32 v7, v0;
	v8 =	vmul.f32 v8, v0  }
0xad: {  	v9 =	vtrunc.f32 v6  }
0xae: {  	v10 =	vtrunc.f32 v7;
	v11 =	vtrunc.f32 v8  }
0xaf: {  	v9 =	vcvt.f32.s32 v9;
	v10 =	vcvt.f32.s32 v10  }
0xb0: {  	v11 =	vcvt.f32.s32 v11  }
0xb1: {  	v12 =	vcvt.s32.f32 v9;
	v13 =	vcvt.s32.f32 v10  }
0xb2: {  	v52 =	vcvt.s32.f32 v11  }
0xb3: {  	v6 =	vsub.f32 v6, v12;
	v7 =	vsub.f32 v7, v13  }
0xb4: {  	v8 =	vsub.f32 v8, v52  }
0xb5: {  	v53 =	vadd.f32 v6, v6;
	v54 =	vadd.f32 v7, v7  }
0xb6: {  	v6 =	vmul.f32 v6, v6;
	v14 =	vadd.f32 v8, v8  }
0xb7: {  	v7 =	vmul.f32 v7, v7;
	v13 =	vsub.f32 $3.000000000e+00, v53;
	v12 =	vsub.f32 $3.000000000e+00, v54  }
0xb8: {  	v8 =	vmul.f32 v8, v8  }
0xb9: {  	v14 =	vsub.f32 $3.000000000e+00, v14;
	v13 =	vmul.f32 v13, v6;
	v12 =	vmul.f32 v12, v7  }
0xba: {  	v16 =	vadd.s32 $0x1, v9;
	v7 =	vmov s24  }
0xbb: {  	v8 =	vmul.f32 v14, v8;
	v15 =	vsub.f32 $1.000000000e+00, v13;
	v55 =	vsub.f32 $1.000000000e+00, v12  }
0xbc: {  	v17 =	vmul.u32 v10, v1;
	v10 =	vadd.s32 $0x1, v10;
	v6 =	vmov s25  }
0xbd: {  	v18 =	vmul.u32 v11, v2;
	v19 =	vsub.f32 $1.000000000e+00, v8;
	v20 =	vmul.f32 v55, v15  }
0xbe: {  	v10 =	vmul.u32 v1, v10;
	v21 =	vadd.s32 v9, v17;
	v17 =	vadd.s32 v16, v17  }
0xbf: {  	v22 =	vadd.s32 v18, v21;
	v14 =	vmul.f32 v55, v13;
	v23 =	vmul.f32 v19, v20  }
0xc0: {  	v24 =	vadd.s32 v18, v17;
	v9 =	vadd.s32 v9, v10;
	[tilespmem:v7+s20+$0xFFFFF000 ss:$0x1] =	vst.idx.msk $0xffff, v22  }
0xc1: {  	v15 =	vmul.f32 v12, v15;
	v56 =	vmul.f32 v19, v14;
	[tilespmem:v6+s20+$0xFFFFF000 ss:$0x1] =	vst.idx.msk $0xffff, v23  }
0xc2: {  	v57 =	vadd.s32 v18, v9;
	[tilespmem:v7+s20+$0xFFFFF400 ss:$0x1] =	vst.idx.msk $0xffff, v24  }
0xc3: {  	v11 =	vadd.s32 $0x1, v11;
	v12 =	vmul.f32 v12, v13;
	v58 =	vmul.f32 v19, v15;
	[tilespmem:v6+s20+$0xFFFFF400 ss:$0x1] =	vst.idx.msk $0xffff, v56  }
0xc4: {  	v11 =	vmul.u32 v2, v11;
	v10 =	vadd.s32 v16, v10;
	[tilespmem:v7+s20+$0xFFFFF800 ss:$0x1] =	vst.idx.msk $0xffff, v57  }
0xc5: {  	v18 =	vadd.s32 v18, v10;
	v59 =	vmul.f32 v19, v12;
	[tilespmem:v6+s20+$0xFFFFF800 ss:$0x1] =	vst.idx.msk $0xffff, v58  }
0xc6: {  	[tilespmem:v7+s20+$0xFFFFFC00 ss:$0x1] =	vst.idx.msk $0xffff, v18  }
0xc7: {  	v61 =	vadd.s32 v21, v11;
	v60 =	vmul.f32 v20, v8;
	[tilespmem:v6+s20+$0xFFFFFC00 ss:$0x1] =	vst.idx.msk $0xffff, v59  }
0xc8: {  	[tilespmem:v7+s20+$0x0 ss:$0x1] =	vst.idx.msk $0xffff, v61  }
0xc9: {  	v62 =	vadd.s32 v17, v11;
	v14 =	vmul.f32 v14, v8;
	[tilespmem:v6+s20+$0x0 ss:$0x1] =	vst.idx.msk $0xffff, v60  }
0xca: {  	[tilespmem:v7+s20+$0x400 ss:$0x1] =	vst.idx.msk $0xffff, v62  }
0xcb: {  	v9 =	vadd.s32 v11, v9;
	v63 =	vmul.f32 v8, v15;
	[tilespmem:v6+s20+$0x400 ss:$0x1] =	vst.idx.msk $0xffff, v14  }
0xcc: {  	[tilespmem:v7+s20+$0x800 ss:$0x1] =	vst.idx.msk $0xffff, v9  }
0xcd: {  	s15 =	simm.s32 $0x40;
	v8 =	vmul.f32 v8, v12;
	v9 =	vadd.s32 v11, v10;
	[tilespmem:v6+s20+$0x800 ss:$0x1] =	vst.idx.msk $0xffff, v63  }
.LBB2_9:
0xce: {  	p0 =	sne.s32 s15, $0x1C0;
	[tilespmem:v7+s20+$0xC00 ss:$0x1] =	vst.idx.msk $0xffff, v9;
	s28 =	smov.u32 s15;
	s15 =	sadd.s32 $0x40, s15  }
0xcf: {  	[tilespmem:v6+s20+$0xC00 ss:$0x1] =	vst.idx.msk $0xffff, v8;
	s20 =	sshra.s32 s28, $0x2  }
0xd0: {  	v8 =	vld.idx.msk [tilespmem:v3+s20+$0x0 ss:$0x1], $0xffff  }
0xd1: {  	v9 =	vld.idx.msk [tilespmem:v4+s20+$0x0 ss:$0x1], $0xffff  }
0xd2: {  	v10 =	vld.idx.msk [tilespmem:v5+s20+$0x0 ss:$0x1], $0xffff;
	_ =	sdelay $0x3  }
0xd3: {  	v8 =	vmul.f32 v8, v0  }
0xd4: {  	v9 =	vmul.f32 v9, v0  }
0xd5: {  	v11 =	vtrunc.f32 v8;
	v10 =	vmul.f32 v10, v0  }
0xd6: {  	v11 =	vcvt.f32.s32 v11;
	v12 =	vtrunc.f32 v9  }
0xd7: {  	v12 =	vcvt.f32.s32 v12;
	v13 =	vtrunc.f32 v10  }
0xd8: {  	v14 =	vcvt.s32.f32 v11;
	v13 =	vcvt.f32.s32 v13;
	v15 =	vadd.s32 $0x1, v11  }
0xd9: {  	v16 =	vcvt.s32.f32 v12;
	v17 =	vmul.u32 v12, v1;
	v12 =	vadd.s32 $0x1, v12  }
0xda: {  	v8 =	vsub.f32 v8, v14;
	v14 =	vcvt.s32.f32 v13;
	v18 =	vmul.u32 v13, v2  }
0xdb: {  	v9 =	vsub.f32 v9, v16;
	v16 =	vadd.s32 v11, v17;
	v17 =	vadd.s32 v15, v17  }
0xdc: {  	v19 =	vadd.f32 v8, v8;
	v10 =	vsub.f32 v10, v14;
	v14 =	vadd.s32 v18, v16  }
0xdd: {  	v8 =	vmul.f32 v8, v8;
	v21 =	vadd.s32 v18, v17;
	v20 =	vadd.f32 v9, v9  }
0xde: {  	v9 =	vmul.f32 v9, v9;
	v19 =	vsub.f32 $3.000000000e+00, v19;
	v22 =	vadd.f32 v10, v10  }
0xdf: {  	v12 =	vmul.u32 v1, v12;
	v13 =	vadd.s32 $0x1, v13;
	v20 =	vsub.f32 $3.000000000e+00, v20  }
0xe0: {  	v10 =	vmul.f32 v10, v10;
	v8 =	vmul.f32 v19, v8;
	v19 =	vsub.f32 $3.000000000e+00, v22  }
0xe1: {  	v11 =	vadd.s32 v11, v12;
	v12 =	vadd.s32 v15, v12;
	v9 =	vmul.f32 v20, v9  }
0xe2: {  	v15 =	vsub.f32 $1.000000000e+00, v8;
	v10 =	vmul.f32 v19, v10;
	v19 =	vadd.s32 v18, v11  }
0xe3: {  	v18 =	vadd.s32 v18, v12;
	v20 =	vsub.f32 $1.000000000e+00, v9;
	v22 =	vmul.f32 v9, v8  }
0xe4: {  	v23 =	vsub.f32 $1.000000000e+00, v10;
	v9 =	vmul.f32 v9, v15  }
0xe5: {  	v15 =	vmul.f32 v20, v15;
	v8 =	vmul.f32 v20, v8  }
0xe6: {  	v20 =	vmul.f32 v23, v9;
	v24 =	vmul.f32 v10, v9  }
0xe7: {  	v9 =	vmul.f32 v23, v15;
	[tilespmem:v7+s20+$0xFFFFF000 ss:$0x1] =	vst.idx.msk $0xffff, v14;
	v14 =	vmul.f32 v15, v10  }
0xe8: {  	v25 =	vmul.f32 v8, v10;
	v15 =	vmul.f32 v23, v8  }
0xe9: {  	v8 =	vmul.f32 v10, v22;
	[tilespmem:v6+s20+$0xFFFFF000 ss:$0x1] =	vst.idx.msk $0xffff, v9  }
0xea: {  	[tilespmem:v7+s20+$0xFFFFF400 ss:$0x1] =	vst.idx.msk $0xffff, v21  }
0xeb: {  	[tilespmem:v6+s20+$0xFFFFF400 ss:$0x1] =	vst.idx.msk $0xffff, v15  }
0xec: {  	v10 =	vmul.u32 v2, v13;
	v9 =	vmul.f32 v23, v22;
	[tilespmem:v7+s20+$0xFFFFF800 ss:$0x1] =	vst.idx.msk $0xffff, v19  }
0xed: {  	[tilespmem:v6+s20+$0xFFFFF800 ss:$0x1] =	vst.idx.msk $0xffff, v20  }
0xee: {  	v13 =	vadd.s32 v16, v10;
	v15 =	vadd.s32 v17, v10;
	[tilespmem:v7+s20+$0xFFFFFC00 ss:$0x1] =	vst.idx.msk $0xffff, v18  }
0xef: {  	[tilespmem:v6+s20+$0xFFFFFC00 ss:$0x1] =	vst.idx.msk $0xffff, v9;
	v9 =	vadd.s32 v10, v12  }
0xf0: {  	[tilespmem:v7+s20+$0x0 ss:$0x1] =	vst.idx.msk $0xffff, v13  }
.Ltmp2:
0xf1: {  	[tilespmem:v6+s20+$0x0 ss:$0x1] =	vst.idx.msk $0xffff, v14;
	(pc) =	sbr.rel @p0 .LBB2_9-.Ltmp2, $4  }
0xf2: {  	v10 =	vadd.s32 v10, v11;
	[tilespmem:v7+s20+$0x400 ss:$0x1] =	vst.idx.msk $0xffff, v15  }
0xf3: {  	[tilespmem:v6+s20+$0x400 ss:$0x1] =	vst.idx.msk $0xffff, v25  }
0xf4: {  	[tilespmem:v7+s20+$0x800 ss:$0x1] =	vst.idx.msk $0xffff, v10  }
0xf5: {  	[tilespmem:v6+s20+$0x800 ss:$0x1] =	vst.idx.msk $0xffff, v24  }
0xf6: {  	s11 =	sadd.s32 $0x1, s11  }
0xf7: {  	p0 =	sne.s32 s11, $0x8  }
.Ltmp3:
0xf8: {  	_ = 	snop;
	(pc) =	sbr.rel @p0 .LBB2_8-.Ltmp3, $3  }
0xf9: {  	_ =	sdelay $0x1  }
0xfa: {  	[tilespmem:v7+s20+$0xC00 ss:$0x1] =	vst.idx.msk $0xffff, v9;
	s16 =	sadd.s32 $0x80, s16;
	s21 =	sadd.s32 $0x80, s21  }
0xfb: {  	s22 =	sadd.s32 $0x80, s22;
	s24 =	sadd.s32 $0x80, s24;
	s25 =	sadd.s32 $0x80, s25;
	[tilespmem:v6+s20+$0xC00 ss:$0x1] =	vst.idx.msk $0xffff, v8  }
0xfc: {  	_ =	swait.ge [sflag:s26], $0x2000  }
0xfd: {  	s11 =	simm.s32 $0xAC00;
	[sflag:s26] =	ssyncset.done $0x0  }
0xfe: {  	s15 =	simm.s32 $0x12C00;
	p0 =	seq.s32 s12, $0x0;
	[sflag:s26] =	ssyncadd.s32 $0xFFFFE000  }
0xff: {  	[tilespmem:s15], [sflag:$0x2] =	stream.indirect.gather [spmem:s2], $0x1, s11, s23, $0xb8;
	[tilespmem:$0x15C30] =	vst v63  }
0x100: {  	s11 =	simm.s32 @!p0 $0x3  }
0x101: {  	_ =	swait.ge @!p0 [sflag:s11], $0x400  }
0x102: {  	[sflag:s11] =	ssyncset.done @!p0 $0x0  }
0x103: {  	[sflag:s11] =	ssyncadd.s32 @!p0 $0xFFFFFC00  }
0x104: {  	s13 =	sshll.u32 s13, $0x7;
	s21 =	simm.s32 $0x0;
	_ =	swait.ge @!p0 [sflag:s11], $0x400  }
0x105: {  	s22 =	simm.s32 $0x14C00;
	s16 =	simm.s32 $0x15000;
	[sflag:s11] =	ssyncset.done @!p0 $0x0  }
0x106: {  	s24 =	simm.s32 $0xDC00;
	s25 =	simm.s32 $0x11C00;
	[sflag:s11] =	ssyncadd.s32 @!p0 $0xFFFFFC00  }
.LBB2_12:
0x107: {  	v4 =	vmov s25  }
0x108: {  	v3 =	vmov s24;
	_ =	sdelay $0x2  }
0x109: {  	s11 =	simm.s32 $0x0  }
0x10a: {  	v5 =	vld.idx.msk [tilespmem:v4+s11+$0xFFFFF000 ss:$0x1], $0xffff  }
0x10b: {  	v6 =	vld.idx.msk [tilespmem:v3+s11+$0xFFFFF000 ss:$0x1], $0xffff  }
0x10c: {  	v7 =	vld.idx.msk [tilespmem:v4+s11+$0xFFFFF400 ss:$0x1], $0xffff  }
0x10d: {  	v8 =	vld.idx.msk [tilespmem:v3+s11+$0xFFFFF400 ss:$0x1], $0xffff  }
0x10e: {  	v12 =	vld.idx.msk [tilespmem:v4+s11+$0xFFFFFC00 ss:$0x1], $0xffff  }
0x10f: {  	v9 =	vld.idx.msk [tilespmem:v4+s11+$0xFFFFF800 ss:$0x1], $0xffff  }
0x110: {  	v10 =	vld.idx.msk [tilespmem:v3+s11+$0xFFFFF800 ss:$0x1], $0xffff;
	v11 =	vunpack.i.l.bf16.f32 v5  }
0x111: {  	v14 =	vld.idx.msk [tilespmem:v4+s11+$0x0 ss:$0x1], $0xffff;
	v5 =	vunpack.i.u.bf16.f32 v5;
	v11 =	vmul.f32 v11, v6  }
0x112: {  	v13 =	vunpack.i.l.bf16.f32 v7;
	v7 =	vunpack.i.u.bf16.f32 v7;
	v5 =	vmul.f32 v5, v6;
	v6 =	vld.idx.msk [tilespmem:v3+s11+$0xFFFFFC00 ss:$0x1], $0xffff  }
0x113: {  	v15 =	vld.idx.msk [tilespmem:v3+s11+$0x0 ss:$0x1], $0xffff;
	v53 =	vunpack.i.l.bf16.f32 v12;
	v13 =	vmul.f32 v13, v8;
	v11 =	vadd.f32 $0.0e+00, v11  }
0x114: {  	v16 =	vld.idx.msk [tilespmem:v4+s11+$0x400 ss:$0x1], $0xffff;
	v7 =	vmul.f32 v7, v8;
	v8 =	vunpack.i.l.bf16.f32 v9;
	v5 =	vadd.f32 $0.0e+00, v5  }
0x115: {  	v54 =	vld.idx.msk [tilespmem:v4+s11+$0x800 ss:$0x1], $0xffff;
	v9 =	vunpack.i.u.bf16.f32 v9;
	v8 =	vmul.f32 v8, v10;
	v11 =	vadd.f32 v13, v11  }
0x116: {  	v52 =	vld.idx.msk [tilespmem:v3+s11+$0x400 ss:$0x1], $0xffff;
	v55 =	vunpack.i.u.bf16.f32 v12;
	v5 =	vadd.f32 v7, v5;
	v7 =	vmul.f32 v9, v10  }
0x117: {  	v58 =	vunpack.i.u.bf16.f32 v14;
	v9 =	vmul.f32 v53, v6;
	v8 =	vadd.f32 v8, v11  }
0x118: {  	v56 =	vld.idx.msk [tilespmem:v3+s11+$0x800 ss:$0x1], $0xffff;
	v6 =	vmul.f32 v55, v6;
	v5 =	vadd.f32 v7, v5;
	v7 =	vunpack.i.l.bf16.f32 v14  }
0x119: {  	v57 =	vld.idx.msk [tilespmem:v4+s11+$0xC00 ss:$0x1], $0xffff;
	v60 =	vunpack.i.l.bf16.f32 v16;
	v7 =	vmul.f32 v7, v15;
	v8 =	vadd.f32 v9, v8  }
0x11a: {  	v59 =	vld.idx.msk [tilespmem:v3+s11+$0xC00 ss:$0x1], $0xffff;
	v61 =	vunpack.i.l.bf16.f32 v54;
	v5 =	vadd.f32 v6, v5;
	v6 =	vmul.f32 v58, v15  }
0x11b: {  	v9 =	vmul.f32 v60, v52;
	v7 =	vadd.f32 v7, v8;
	v8 =	vunpack.i.u.bf16.f32 v16  }
0x11c: {  	v10 =	vunpack.i.u.bf16.f32 v54;
	v6 =	vadd.f32 v6, v5;
	v8 =	vmul.f32 v8, v52  }
0x11d: {  	v62 =	vmul.f32 v61, v56;
	v10 =	vmul.f32 v10, v56;
	v7 =	vadd.f32 v9, v7  }
0x11e: {  	v5 =	vmov s22;
	v6 =	vadd.f32 v8, v6;
	v8 =	vunpack.i.l.bf16.f32 v57  }
0x11f: {  	v7 =	vadd.f32 v62, v7;
	v8 =	vmul.f32 v8, v59  }
0x120: {  	v63 =	vunpack.i.u.bf16.f32 v57;
	v10 =	vadd.f32 v10, v6;
	v6 =	vmov s16  }
0x121: {  	v9 =	vmul.f32 v63, v59;
	v8 =	vadd.f32 v8, v7;
	_ =	sdelay $0x1  }
0x122: {  	s15 =	simm.s32 $0x40;
	s20 =	simm.s32 $0x80;
	v7 =	vadd.f32 v9, v10;
	[tilespmem:v5+s11+$0x0 ss:$0x1] =	vst.idx.msk $0xffff, v8  }
.LBB2_13:
0x123: {  	p1 =	sne.s32 s20, $0x1C0  }
0x124: {  	[tilespmem:v6+s11+$0x0 ss:$0x1] =	vst.idx.msk $0xffff, v7;
	s11 =	sshra.s32 s15, $0x2;
	s15 =	smov.u32 s20;
	s20 =	sadd.s32 $0x40, s20  }
0x125: {  	v7 =	vld.idx.msk [tilespmem:v4+s11+$0xFFFFF000 ss:$0x1], $0xffff  }
0x126: {  	v8 =	vld.idx.msk [tilespmem:v3+s11+$0xFFFFF000 ss:$0x1], $0xffff  }
0x127: {  	v9 =	vld.idx.msk [tilespmem:v4+s11+$0xFFFFF400 ss:$0x1], $0xffff  }
0x128: {  	v10 =	vld.idx.msk [tilespmem:v3+s11+$0xFFFFF400 ss:$0x1], $0xffff  }
0x129: {  	v11 =	vld.idx.msk [tilespmem:v4+s11+$0xFFFFF800 ss:$0x1], $0xffff  }
0x12a: {  	v12 =	vld.idx.msk [tilespmem:v3+s11+$0xFFFFF800 ss:$0x1], $0xffff  }
0x12b: {  	v13 =	vunpack.i.u.bf16.f32 v7;
	v7 =	vunpack.i.l.bf16.f32 v7;
	v14 =	vld.idx.msk [tilespmem:v4+s11+$0xFFFFFC00 ss:$0x1], $0xffff  }
0x12c: {  	v7 =	vmul.f32 v7, v8;
	v8 =	vmul.f32 v13, v8;
	v13 =	vld.idx.msk [tilespmem:v3+s11+$0xFFFFFC00 ss:$0x1], $0xffff  }
0x12d: {  	v15 =	vunpack.i.u.bf16.f32 v9;
	v9 =	vunpack.i.l.bf16.f32 v9;
	v16 =	vld.idx.msk [tilespmem:v4+s11+$0x0 ss:$0x1], $0xffff  }
0x12e: {  	v7 =	vadd.f32 $0.0e+00, v7;
	v8 =	vadd.f32 $0.0e+00, v8;
	v9 =	vmul.f32 v9, v10;
	v17 =	vld.idx.msk [tilespmem:v3+s11+$0x0 ss:$0x1], $0xffff  }
0x12f: {  	v10 =	vmul.f32 v15, v10;
	v15 =	vunpack.i.u.bf16.f32 v11;
	v11 =	vunpack.i.l.bf16.f32 v11;
	v18 =	vld.idx.msk [tilespmem:v4+s11+$0x400 ss:$0x1], $0xffff  }
0x130: {  	v7 =	vadd.f32 v9, v7;
	v9 =	vmul.f32 v11, v12;
	v11 =	vld.idx.msk [tilespmem:v3+s11+$0x400 ss:$0x1], $0xffff  }
0x131: {  	v8 =	vadd.f32 v10, v8;
	v10 =	vmul.f32 v15, v12;
	v12 =	vunpack.i.l.bf16.f32 v14;
	v15 =	vld.idx.msk [tilespmem:v4+s11+$0x800 ss:$0x1], $0xffff  }
0x132: {  	v7 =	vadd.f32 v9, v7;
	v9 =	vunpack.i.u.bf16.f32 v14;
	v12 =	vmul.f32 v12, v13;
	v14 =	vld.idx.msk [tilespmem:v3+s11+$0x800 ss:$0x1], $0xffff  }
0x133: {  	v8 =	vadd.f32 v10, v8;
	v9 =	vmul.f32 v9, v13;
	v10 =	vunpack.i.l.bf16.f32 v16;
	v13 =	vld.idx.msk [tilespmem:v4+s11+$0xC00 ss:$0x1], $0xffff  }
0x134: {  	v7 =	vadd.f32 v12, v7;
	v12 =	vunpack.i.u.bf16.f32 v16;
	v10 =	vmul.f32 v10, v17;
	v16 =	vld.idx.msk [tilespmem:v3+s11+$0xC00 ss:$0x1], $0xffff  }
0x135: {  	v8 =	vadd.f32 v9, v8;
	v9 =	vmul.f32 v12, v17;
	v12 =	vunpack.i.l.bf16.f32 v18  }
0x136: {  	v7 =	vadd.f32 v10, v7;
	v10 =	vunpack.i.u.bf16.f32 v18;
	v12 =	vmul.f32 v12, v11  }
0x137: {  	v8 =	vadd.f32 v9, v8;
	v9 =	vmul.f32 v10, v11;
	v10 =	vunpack.i.l.bf16.f32 v15  }
0x138: {  	v11 =	vunpack.i.u.bf16.f32 v15;
	v7 =	vadd.f32 v12, v7;
	v10 =	vmul.f32 v10, v14  }
0x139: {  	v8 =	vadd.f32 v9, v8;
	v9 =	vmul.f32 v11, v14;
	v11 =	vunpack.i.l.bf16.f32 v13  }
.Ltmp4:
0x13a: {  	v7 =	vadd.f32 v10, v7;
	v10 =	vunpack.i.u.bf16.f32 v13;
	v11 =	vmul.f32 v11, v16;
	(pc) =	sbr.rel @p1 .LBB2_13-.Ltmp4, $4  }
0x13b: {  	v8 =	vadd.f32 v9, v8;
	v9 =	vmul.f32 v10, v16  }
0x13c: {  	v10 =	vadd.f32 v11, v7  }
0x13d: {  	v7 =	vadd.f32 v9, v8  }
0x13e: {  	[tilespmem:v5+s11+$0x0 ss:$0x1] =	vst.idx.msk $0xffff, v10  }
0x13f: {  	_ =	sdelay $0x3  }
0x140: {  	s15 =	sshra.s32 s15, $0x2;
	[tilespmem:v6+s11+$0x0 ss:$0x1] =	vst.idx.msk $0xffff, v7  }
0x141: {  	v7 =	vld.idx.msk [tilespmem:v4+s15+$0xFFFFF000 ss:$0x1], $0xffff  }
0x142: {  	v8 =	vld.idx.msk [tilespmem:v3+s15+$0xFFFFF000 ss:$0x1], $0xffff  }
0x143: {  	v9 =	vld.idx.msk [tilespmem:v4+s15+$0xFFFFF400 ss:$0x1], $0xffff  }
0x144: {  	v10 =	vld.idx.msk [tilespmem:v3+s15+$0xFFFFF400 ss:$0x1], $0xffff  }
0x145: {  	v11 =	vld.idx.msk [tilespmem:v4+s15+$0xFFFFF800 ss:$0x1], $0xffff  }
0x146: {  	v12 =	vld.idx.msk [tilespmem:v3+s15+$0xFFFFF800 ss:$0x1], $0xffff;
	v13 =	vunpack.i.l.bf16.f32 v7  }
0x147: {  	v14 =	vld.idx.msk [tilespmem:v4+s15+$0xFFFFFC00 ss:$0x1], $0xffff;
	v7 =	vunpack.i.u.bf16.f32 v7;
	v13 =	vmul.f32 v13, v8  }
0x148: {  	v43 =	vld.idx.msk [tilespmem:v3+s15+$0xFFFFFC00 ss:$0x1], $0xffff;
	v15 =	vunpack.i.l.bf16.f32 v9;
	v7 =	vmul.f32 v7, v8  }
0x149: {  	v16 =	vld.idx.msk [tilespmem:v4+s15+$0x0 ss:$0x1], $0xffff;
	v9 =	vunpack.i.u.bf16.f32 v9;
	v15 =	vmul.f32 v15, v10;
	v13 =	vadd.f32 $0.0e+00, v13  }
0x14a: {  	v17 =	vld.idx.msk [tilespmem:v3+s15+$0x0 ss:$0x1], $0xffff;
	v44 =	vunpack.i.l.bf16.f32 v11;
	v9 =	vmul.f32 v9, v10;
	v7 =	vadd.f32 $0.0e+00, v7  }
0x14b: {  	v18 =	vld.idx.msk [tilespmem:v4+s15+$0x400 ss:$0x1], $0xffff;
	v11 =	vunpack.i.u.bf16.f32 v11;
	v10 =	vmul.f32 v44, v12;
	v13 =	vadd.f32 v15, v13  }
0x14c: {  	v45 =	vld.idx.msk [tilespmem:v3+s15+$0x400 ss:$0x1], $0xffff;
	v47 =	vunpack.i.l.bf16.f32 v14;
	v46 =	vmul.f32 v11, v12;
	v7 =	vadd.f32 v9, v7  }
0x14d: {  	v48 =	vld.idx.msk [tilespmem:v4+s15+$0x800 ss:$0x1], $0xffff;
	v49 =	vunpack.i.u.bf16.f32 v14;
	v11 =	vmul.f32 v47, v43;
	v10 =	vadd.f32 v10, v13  }
0x14e: {  	v50 =	vld.idx.msk [tilespmem:v3+s15+$0x800 ss:$0x1], $0xffff;
	v51 =	vunpack.i.l.bf16.f32 v16;
	v8 =	vmul.f32 v49, v43;
	v7 =	vadd.f32 v46, v7  }
0x14f: {  	v52 =	vld.idx.msk [tilespmem:v4+s15+$0xC00 ss:$0x1], $0xffff;
	v53 =	vunpack.i.u.bf16.f32 v16;
	v9 =	vmul.f32 v51, v17;
	v10 =	vadd.f32 v11, v10  }
0x150: {  	v3 =	vld.idx.msk [tilespmem:v3+s15+$0xC00 ss:$0x1], $0xffff;
	v55 =	vunpack.i.l.bf16.f32 v18;
	v54 =	vmul.f32 v53, v17;
	v7 =	vadd.f32 v8, v7  }
0x151: {  	v56 =	vunpack.i.u.bf16.f32 v18;
	v11 =	vmul.f32 v55, v45;
	v9 =	vadd.f32 v9, v10  }
0x152: {  	v58 =	vunpack.i.l.bf16.f32 v48;
	v57 =	vmul.f32 v56, v45;
	v7 =	vadd.f32 v54, v7  }
0x153: {  	v59 =	vunpack.i.u.bf16.f32 v48;
	v10 =	vmul.f32 v58, v50;
	v9 =	vadd.f32 v11, v9  }
0x154: {  	s21 =	sadd.s32 $0x1, s21;
	v61 =	vunpack.i.l.bf16.f32 v52;
	v60 =	vmul.f32 v59, v50;
	v7 =	vadd.f32 v57, v7  }
0x155: {  	p1 =	sne.s32 s21, $0x8;
	v4 =	vunpack.i.u.bf16.f32 v52;
	v62 =	vmul.f32 v61, v3;
	v9 =	vadd.f32 v10, v9  }
.Ltmp5:
0x156: {  	v3 =	vmul.f32 v4, v3;
	v7 =	vadd.f32 v60, v7;
	(pc) =	sbr.rel @p1 .LBB2_12-.Ltmp5, $4  }
0x157: {  	v63 =	vadd.f32 v62, v9  }
0x158: {  	v3 =	vadd.f32 v3, v7  }
0x159: {  	s22 =	sadd.s32 $0x80, s22;
	[tilespmem:v5+s15+$0x0 ss:$0x1] =	vst.idx.msk $0xffff, v63  }
0x15a: {  	s16 =	sadd.s32 $0x80, s16;
	s24 =	sadd.s32 $0x80, s24;
	s25 =	sadd.s32 $0x80, s25;
	[tilespmem:v6+s15+$0x0 ss:$0x1] =	vst.idx.msk $0xffff, v3  }
0x15b: {  	s11 =	sshll.u32 s12, $0xB  }
0x15c: {  	s11 =	sadd.s32 s14, s11  }
0x15d: {  	p1 =	seq.s32 s12, $0xF;
	s15 =	sor.u32 s5, s11  }
.Ltmp6:
0x15e: {  	s11 =	sor.u32 s9, s11;
	s15 =	sshrl.u32 s15, $0x3;
	(pc) =	sbr.rel @!p1 .LBB2_16-.Ltmp6, $4  }
0x15f: {  	s11 =	sshrl.u32 s11, $0x3;
	s15 =	sadd.s32 s8, s15  }
0x160: {  	[hbm4b:s15+s3] =	stream.linear.scatter [tilespmem:s30], [sflag:$0x3], $0x400, $0x38;
	[tilespmem:$0x15C30] =	vst v63  }
0x161: {  	s11 =	sadd.s32 s8, s11  }
0x162: {  	[hbm4b:s11+s3] =	stream.linear.scatter [tilespmem:s31], [sflag:$0x3], $0x400, $0x38;
	[tilespmem:$0x15C30] =	vst v63  }
.Ltmp7:
0x163: {  	(pc) =	sbr.rel .LBB2_21-.Ltmp7, $4  }
0x164: {  	_ = 	snop  }
0x165: {  	_ =	swait.ge [sflag:s0], $0x2000  }
0x166: {  	[sflag:s0] =	ssyncset.done $0x0  }
0x167: {  	[sflag:s0] =	ssyncadd.s32 $0xFFFFE000  }
.LBB2_16:
0x168: {  	s11 =	rddreg [dreg:$0xb]  }
0x169: {  	s11 =	sadd.s32 s18, s11  }
0x16a: {  	s11 =	sshll.u32 s11, $0x4  }
0x16b: {  	s16 =	simm.s32 $0x0;
	s18 =	simm.s32 $0x8000;
	s15 =	sadd.s32 s1, s11  }
0x16c: {  	[tilespmem:s18], [sflag:$0x5] =	stream.linear.gather [hbm4b:s15+s16], $0x400, $0x38;
	[tilespmem:$0x15C30] =	vst v63  }
0x16d: {  	_ =	swait.ge [sflag:s19], $0x400  }
0x16e: {  	[sflag:s19] =	ssyncset.done $0x0  }
0x16f: {  	s21 =	simm.s32 $0x8400;
	s28 =	sadd.s32 s11, s29;
	[sflag:s19] =	ssyncadd.s32 $0xFFFFFC00  }
0x170: {  	[tilespmem:s21], [sflag:$0x5] =	stream.linear.gather [hbm4b:s28+s16], $0x400, $0x38;
	[tilespmem:$0x15C30] =	vst v63  }
0x171: {  	_ =	swait.ge [sflag:s19], $0x400  }
0x172: {  	s11 =	sor.u32 $0x40000, s11;
	[sflag:s19] =	ssyncset.done $0x0  }
0x173: {  	s22 =	simm.s32 $0x8800;
	s11 =	sadd.s32 s1, s11;
	[sflag:s19] =	ssyncadd.s32 $0xFFFFFC00  }
0x174: {  	[tilespmem:s22], [sflag:$0x5] =	stream.linear.gather [hbm4b:s11+s16], $0x400, $0x38;
	[tilespmem:$0x15C30] =	vst v63  }
0x175: {  	_ =	swait.ge [sflag:s19], $0x400  }
0x176: {  	[sflag:s19] =	ssyncset.done $0x0  }
0x177: {  	s24 =	simm.s32 $0x9C00;
	s11 =	simm.s32 $0xDC00;
	[sflag:s19] =	ssyncadd.s32 $0xFFFFFC00  }
.LBB2_17:
0x178: {  	v3 =	vmov s18  }
0x179: {  	v4 =	vmov s21  }
0x17a: {  	v5 =	vmov s22;
	_ =	sdelay $0x1  }
0x17b: {  	s20 =	simm.s32 $0x0  }
0x17c: {  	v6 =	vld.idx.msk [tilespmem:v3+s20+$0x0 ss:$0x1], $0xffff  }
0x17d: {  	v7 =	vld.idx.msk [tilespmem:v4+s20+$0x0 ss:$0x1], $0xffff  }
0x17e: {  	v8 =	vld.idx.msk [tilespmem:v5+s20+$0x0 ss:$0x1], $0xffff;
	_ =	sdelay $0x3  }
0x17f: {  	v6 =	vmul.f32 v6, v0  }
0x180: {  	v7 =	vmul.f32 v7, v0;
	v8 =	vmul.f32 v8, v0  }
0x181: {  	v9 =	vtrunc.f32 v6  }
0x182: {  	v10 =	vtrunc.f32 v7;
	v11 =	vtrunc.f32 v8  }
0x183: {  	v9 =	vcvt.f32.s32 v9;
	v10 =	vcvt.f32.s32 v10  }
0x184: {  	v11 =	vcvt.f32.s32 v11  }
0x185: {  	v12 =	vcvt.s32.f32 v9;
	v13 =	vcvt.s32.f32 v10  }
0x186: {  	v52 =	vcvt.s32.f32 v11  }
0x187: {  	v6 =	vsub.f32 v6, v12;
	v7 =	vsub.f32 v7, v13  }
0x188: {  	v8 =	vsub.f32 v8, v52  }
0x189: {  	v53 =	vadd.f32 v6, v6;
	v54 =	vadd.f32 v7, v7  }
0x18a: {  	v6 =	vmul.f32 v6, v6;
	v14 =	vadd.f32 v8, v8  }
0x18b: {  	v7 =	vmul.f32 v7, v7;
	v13 =	vsub.f32 $3.000000000e+00, v53;
	v12 =	vsub.f32 $3.000000000e+00, v54  }
0x18c: {  	v8 =	vmul.f32 v8, v8  }
0x18d: {  	v14 =	vsub.f32 $3.000000000e+00, v14;
	v13 =	vmul.f32 v13, v6;
	v12 =	vmul.f32 v12, v7  }
0x18e: {  	v16 =	vadd.s32 $0x1, v9;
	v7 =	vmov s24  }
0x18f: {  	v8 =	vmul.f32 v14, v8;
	v15 =	vsub.f32 $1.000000000e+00, v13;
	v55 =	vsub.f32 $1.000000000e+00, v12  }
0x190: {  	v17 =	vmul.u32 v10, v1;
	v10 =	vadd.s32 $0x1, v10;
	v6 =	vmov s11  }
0x191: {  	v18 =	vmul.u32 v11, v2;
	v19 =	vsub.f32 $1.000000000e+00, v8;
	v20 =	vmul.f32 v55, v15  }
0x192: {  	v10 =	vmul.u32 v1, v10;
	v21 =	vadd.s32 v9, v17;
	v17 =	vadd.s32 v16, v17  }
0x193: {  	v22 =	vadd.s32 v18, v21;
	v14 =	vmul.f32 v55, v13;
	v23 =	vmul.f32 v19, v20  }
0x194: {  	v24 =	vadd.s32 v18, v17;
	v9 =	vadd.s32 v9, v10;
	[tilespmem:v7+s20+$0xFFFFF000 ss:$0x1] =	vst.idx.msk $0xffff, v22  }
0x195: {  	v15 =	vmul.f32 v12, v15;
	v56 =	vmul.f32 v19, v14;
	[tilespmem:v6+s20+$0xFFFFF000 ss:$0x1] =	vst.idx.msk $0xffff, v23  }
0x196: {  	v57 =	vadd.s32 v18, v9;
	[tilespmem:v7+s20+$0xFFFFF400 ss:$0x1] =	vst.idx.msk $0xffff, v24  }
0x197: {  	v11 =	vadd.s32 $0x1, v11;
	v12 =	vmul.f32 v12, v13;
	v58 =	vmul.f32 v19, v15;
	[tilespmem:v6+s20+$0xFFFFF400 ss:$0x1] =	vst.idx.msk $0xffff, v56  }
0x198: {  	v11 =	vmul.u32 v2, v11;
	v10 =	vadd.s32 v16, v10;
	[tilespmem:v7+s20+$0xFFFFF800 ss:$0x1] =	vst.idx.msk $0xffff, v57  }
0x199: {  	v18 =	vadd.s32 v18, v10;
	v59 =	vmul.f32 v19, v12;
	[tilespmem:v6+s20+$0xFFFFF800 ss:$0x1] =	vst.idx.msk $0xffff, v58  }
0x19a: {  	[tilespmem:v7+s20+$0xFFFFFC00 ss:$0x1] =	vst.idx.msk $0xffff, v18  }
0x19b: {  	v61 =	vadd.s32 v21, v11;
	v60 =	vmul.f32 v20, v8;
	[tilespmem:v6+s20+$0xFFFFFC00 ss:$0x1] =	vst.idx.msk $0xffff, v59  }
0x19c: {  	[tilespmem:v7+s20+$0x0 ss:$0x1] =	vst.idx.msk $0xffff, v61  }
0x19d: {  	v62 =	vadd.s32 v17, v11;
	v14 =	vmul.f32 v14, v8;
	[tilespmem:v6+s20+$0x0 ss:$0x1] =	vst.idx.msk $0xffff, v60  }
0x19e: {  	[tilespmem:v7+s20+$0x400 ss:$0x1] =	vst.idx.msk $0xffff, v62  }
0x19f: {  	v9 =	vadd.s32 v11, v9;
	v63 =	vmul.f32 v8, v15;
	[tilespmem:v6+s20+$0x400 ss:$0x1] =	vst.idx.msk $0xffff, v14  }
0x1a0: {  	[tilespmem:v7+s20+$0x800 ss:$0x1] =	vst.idx.msk $0xffff, v9  }
0x1a1: {  	s15 =	simm.s32 $0x40;
	v8 =	vmul.f32 v8, v12;
	v9 =	vadd.s32 v11, v10;
	[tilespmem:v6+s20+$0x800 ss:$0x1] =	vst.idx.msk $0xffff, v63  }
.LBB2_18:
0x1a2: {  	p1 =	sne.s32 s15, $0x1C0;
	[tilespmem:v7+s20+$0xC00 ss:$0x1] =	vst.idx.msk $0xffff, v9;
	s25 =	smov.u32 s15;
	s15 =	sadd.s32 $0x40, s15  }
0x1a3: {  	[tilespmem:v6+s20+$0xC00 ss:$0x1] =	vst.idx.msk $0xffff, v8;
	s20 =	sshra.s32 s25, $0x2  }
0x1a4: {  	v8 =	vld.idx.msk [tilespmem:v3+s20+$0x0 ss:$0x1], $0xffff  }
0x1a5: {  	v9 =	vld.idx.msk [tilespmem:v4+s20+$0x0 ss:$0x1], $0xffff  }
0x1a6: {  	v10 =	vld.idx.msk [tilespmem:v5+s20+$0x0 ss:$0x1], $0xffff;
	_ =	sdelay $0x3  }
0x1a7: {  	v8 =	vmul.f32 v8, v0  }
0x1a8: {  	v9 =	vmul.f32 v9, v0  }
0x1a9: {  	v11 =	vtrunc.f32 v8;
	v10 =	vmul.f32 v10, v0  }
0x1aa: {  	v11 =	vcvt.f32.s32 v11;
	v12 =	vtrunc.f32 v9  }
0x1ab: {  	v12 =	vcvt.f32.s32 v12;
	v13 =	vtrunc.f32 v10  }
0x1ac: {  	v14 =	vcvt.s32.f32 v11;
	v13 =	vcvt.f32.s32 v13;
	v15 =	vadd.s32 $0x1, v11  }
0x1ad: {  	v16 =	vcvt.s32.f32 v12;
	v17 =	vmul.u32 v12, v1;
	v12 =	vadd.s32 $0x1, v12  }
0x1ae: {  	v8 =	vsub.f32 v8, v14;
	v14 =	vcvt.s32.f32 v13;
	v18 =	vmul.u32 v13, v2  }
0x1af: {  	v9 =	vsub.f32 v9, v16;
	v16 =	vadd.s32 v11, v17;
	v17 =	vadd.s32 v15, v17  }
0x1b0: {  	v19 =	vadd.f32 v8, v8;
	v10 =	vsub.f32 v10, v14;
	v14 =	vadd.s32 v18, v16  }
0x1b1: {  	v8 =	vmul.f32 v8, v8;
	v21 =	vadd.s32 v18, v17;
	v20 =	vadd.f32 v9, v9  }
0x1b2: {  	v9 =	vmul.f32 v9, v9;
	v19 =	vsub.f32 $3.000000000e+00, v19;
	v22 =	vadd.f32 v10, v10  }
0x1b3: {  	v12 =	vmul.u32 v1, v12;
	v13 =	vadd.s32 $0x1, v13;
	v20 =	vsub.f32 $3.000000000e+00, v20  }
0x1b4: {  	v10 =	vmul.f32 v10, v10;
	v8 =	vmul.f32 v19, v8;
	v19 =	vsub.f32 $3.000000000e+00, v22  }
0x1b5: {  	v11 =	vadd.s32 v11, v12;
	v12 =	vadd.s32 v15, v12;
	v9 =	vmul.f32 v20, v9  }
0x1b6: {  	v15 =	vsub.f32 $1.000000000e+00, v8;
	v10 =	vmul.f32 v19, v10;
	v19 =	vadd.s32 v18, v11  }
0x1b7: {  	v18 =	vadd.s32 v18, v12;
	v20 =	vsub.f32 $1.000000000e+00, v9;
	v22 =	vmul.f32 v9, v8  }
0x1b8: {  	v23 =	vsub.f32 $1.000000000e+00, v10;
	v9 =	vmul.f32 v9, v15  }
0x1b9: {  	v15 =	vmul.f32 v20, v15;
	v8 =	vmul.f32 v20, v8  }
0x1ba: {  	v20 =	vmul.f32 v23, v9;
	v24 =	vmul.f32 v10, v9  }
0x1bb: {  	v9 =	vmul.f32 v23, v15;
	[tilespmem:v7+s20+$0xFFFFF000 ss:$0x1] =	vst.idx.msk $0xffff, v14;
	v14 =	vmul.f32 v15, v10  }
0x1bc: {  	v25 =	vmul.f32 v8, v10;
	v15 =	vmul.f32 v23, v8  }
0x1bd: {  	v8 =	vmul.f32 v10, v22;
	[tilespmem:v6+s20+$0xFFFFF000 ss:$0x1] =	vst.idx.msk $0xffff, v9  }
0x1be: {  	[tilespmem:v7+s20+$0xFFFFF400 ss:$0x1] =	vst.idx.msk $0xffff, v21  }
0x1bf: {  	[tilespmem:v6+s20+$0xFFFFF400 ss:$0x1] =	vst.idx.msk $0xffff, v15  }
0x1c0: {  	v10 =	vmul.u32 v2, v13;
	v9 =	vmul.f32 v23, v22;
	[tilespmem:v7+s20+$0xFFFFF800 ss:$0x1] =	vst.idx.msk $0xffff, v19  }
0x1c1: {  	[tilespmem:v6+s20+$0xFFFFF800 ss:$0x1] =	vst.idx.msk $0xffff, v20  }
0x1c2: {  	v13 =	vadd.s32 v16, v10;
	v15 =	vadd.s32 v17, v10;
	[tilespmem:v7+s20+$0xFFFFFC00 ss:$0x1] =	vst.idx.msk $0xffff, v18  }
0x1c3: {  	[tilespmem:v6+s20+$0xFFFFFC00 ss:$0x1] =	vst.idx.msk $0xffff, v9;
	v9 =	vadd.s32 v10, v12  }
0x1c4: {  	[tilespmem:v7+s20+$0x0 ss:$0x1] =	vst.idx.msk $0xffff, v13  }
.Ltmp8:
0x1c5: {  	[tilespmem:v6+s20+$0x0 ss:$0x1] =	vst.idx.msk $0xffff, v14;
	(pc) =	sbr.rel @p1 .LBB2_18-.Ltmp8, $4  }
0x1c6: {  	v10 =	vadd.s32 v10, v11;
	[tilespmem:v7+s20+$0x400 ss:$0x1] =	vst.idx.msk $0xffff, v15  }
0x1c7: {  	[tilespmem:v6+s20+$0x400 ss:$0x1] =	vst.idx.msk $0xffff, v25  }
0x1c8: {  	[tilespmem:v7+s20+$0x800 ss:$0x1] =	vst.idx.msk $0xffff, v10  }
0x1c9: {  	[tilespmem:v6+s20+$0x800 ss:$0x1] =	vst.idx.msk $0xffff, v24  }
0x1ca: {  	s16 =	sadd.s32 $0x1, s16  }
0x1cb: {  	p1 =	seq.s32 s16, $0x8  }
.Ltmp9:
0x1cc: {  	_ = 	snop;
	(pc) =	sbr.rel @!p1 .LBB2_17-.Ltmp9, $3  }
0x1cd: {  	_ =	sdelay $0x1  }
0x1ce: {  	[tilespmem:v7+s20+$0xC00 ss:$0x1] =	vst.idx.msk $0xffff, v9;
	s18 =	sadd.s32 $0x80, s18;
	s21 =	sadd.s32 $0x80, s21  }
0x1cf: {  	s22 =	sadd.s32 $0x80, s22;
	s24 =	sadd.s32 $0x80, s24;
	s11 =	sadd.s32 $0x80, s11;
	[tilespmem:v6+s20+$0xC00 ss:$0x1] =	vst.idx.msk $0xffff, v8  }
.Ltmp10:
0x1d0: {  	(pc) =	sbr.rel @p0 .LBB2_22-.Ltmp10, $4  }
0x1d1: {  	_ =	swait.ge [sflag:s0], $0x2000  }
0x1d2: {  	[sflag:s0] =	ssyncset.done $0x0  }
0x1d3: {  	s11 =	simm.s32 $0x8C00;
	s15 =	simm.s32 $0x10C00;
	[sflag:s0] =	ssyncadd.s32 $0xFFFFE000  }
0x1d4: {  	[tilespmem:s15], [sflag:$0x1] =	stream.indirect.gather [spmem:s2], $0x1, s11, s23, $0xb8;
	[tilespmem:$0x15C30] =	vst v63  }
.LBB2_21:
0x1d5: {  	_ =	swait.ge [sflag:s4], $0x400  }
0x1d6: {  	[sflag:s4] =	ssyncset.done $0x0  }
0x1d7: {  	[sflag:s4] =	ssyncadd.s32 $0xFFFFFC00  }
0x1d8: {  	_ =	swait.ge [sflag:s4], $0x400  }
0x1d9: {  	[sflag:s4] =	ssyncset.done $0x0  }
0x1da: {  	[sflag:s4] =	ssyncadd.s32 $0xFFFFFC00  }
.LBB2_22:
0x1db: {  	s18 =	simm.s32 $0x0;
	s21 =	simm.s32 $0x15400  }
0x1dc: {  	s16 =	simm.s32 $0x15800;
	s22 =	simm.s32 $0xFC00;
	s24 =	simm.s32 $0x13C00  }
.LBB2_23:
0x1dd: {  	v4 =	vmov s24  }
0x1de: {  	v3 =	vmov s22;
	_ =	sdelay $0x2  }
0x1df: {  	s11 =	simm.s32 $0x0  }
0x1e0: {  	v5 =	vld.idx.msk [tilespmem:v4+s11+$0xFFFFF000 ss:$0x1], $0xffff  }
0x1e1: {  	v6 =	vld.idx.msk [tilespmem:v3+s11+$0xFFFFF000 ss:$0x1], $0xffff  }
0x1e2: {  	v7 =	vld.idx.msk [tilespmem:v4+s11+$0xFFFFF400 ss:$0x1], $0xffff  }
0x1e3: {  	v8 =	vld.idx.msk [tilespmem:v3+s11+$0xFFFFF400 ss:$0x1], $0xffff  }
0x1e4: {  	v12 =	vld.idx.msk [tilespmem:v4+s11+$0xFFFFFC00 ss:$0x1], $0xffff  }
0x1e5: {  	v9 =	vld.idx.msk [tilespmem:v4+s11+$0xFFFFF800 ss:$0x1], $0xffff  }
0x1e6: {  	v10 =	vld.idx.msk [tilespmem:v3+s11+$0xFFFFF800 ss:$0x1], $0xffff;
	v11 =	vunpack.i.l.bf16.f32 v5  }
0x1e7: {  	v14 =	vld.idx.msk [tilespmem:v4+s11+$0x0 ss:$0x1], $0xffff;
	v5 =	vunpack.i.u.bf16.f32 v5;
	v11 =	vmul.f32 v11, v6  }
0x1e8: {  	v13 =	vunpack.i.l.bf16.f32 v7;
	v7 =	vunpack.i.u.bf16.f32 v7;
	v5 =	vmul.f32 v5, v6;
	v6 =	vld.idx.msk [tilespmem:v3+s11+$0xFFFFFC00 ss:$0x1], $0xffff  }
0x1e9: {  	v15 =	vld.idx.msk [tilespmem:v3+s11+$0x0 ss:$0x1], $0xffff;
	v53 =	vunpack.i.l.bf16.f32 v12;
	v13 =	vmul.f32 v13, v8;
	v11 =	vadd.f32 $0.0e+00, v11  }
0x1ea: {  	v16 =	vld.idx.msk [tilespmem:v4+s11+$0x400 ss:$0x1], $0xffff;
	v7 =	vmul.f32 v7, v8;
	v8 =	vunpack.i.l.bf16.f32 v9;
	v5 =	vadd.f32 $0.0e+00, v5  }
0x1eb: {  	v54 =	vld.idx.msk [tilespmem:v4+s11+$0x800 ss:$0x1], $0xffff;
	v9 =	vunpack.i.u.bf16.f32 v9;
	v8 =	vmul.f32 v8, v10;
	v11 =	vadd.f32 v13, v11  }
0x1ec: {  	v52 =	vld.idx.msk [tilespmem:v3+s11+$0x400 ss:$0x1], $0xffff;
	v55 =	vunpack.i.u.bf16.f32 v12;
	v5 =	vadd.f32 v7, v5;
	v7 =	vmul.f32 v9, v10  }
0x1ed: {  	v58 =	vunpack.i.u.bf16.f32 v14;
	v9 =	vmul.f32 v53, v6;
	v8 =	vadd.f32 v8, v11  }
0x1ee: {  	v56 =	vld.idx.msk [tilespmem:v3+s11+$0x800 ss:$0x1], $0xffff;
	v6 =	vmul.f32 v55, v6;
	v5 =	vadd.f32 v7, v5;
	v7 =	vunpack.i.l.bf16.f32 v14  }
0x1ef: {  	v57 =	vld.idx.msk [tilespmem:v4+s11+$0xC00 ss:$0x1], $0xffff;
	v60 =	vunpack.i.l.bf16.f32 v16;
	v7 =	vmul.f32 v7, v15;
	v8 =	vadd.f32 v9, v8  }
0x1f0: {  	v59 =	vld.idx.msk [tilespmem:v3+s11+$0xC00 ss:$0x1], $0xffff;
	v61 =	vunpack.i.l.bf16.f32 v54;
	v5 =	vadd.f32 v6, v5;
	v6 =	vmul.f32 v58, v15  }
0x1f1: {  	v9 =	vmul.f32 v60, v52;
	v7 =	vadd.f32 v7, v8;
	v8 =	vunpack.i.u.bf16.f32 v16  }
0x1f2: {  	v10 =	vunpack.i.u.bf16.f32 v54;
	v6 =	vadd.f32 v6, v5;
	v8 =	vmul.f32 v8, v52  }
0x1f3: {  	v62 =	vmul.f32 v61, v56;
	v10 =	vmul.f32 v10, v56;
	v7 =	vadd.f32 v9, v7  }
0x1f4: {  	v5 =	vmov s21;
	v6 =	vadd.f32 v8, v6;
	v8 =	vunpack.i.l.bf16.f32 v57  }
0x1f5: {  	v7 =	vadd.f32 v62, v7;
	v8 =	vmul.f32 v8, v59  }
0x1f6: {  	v63 =	vunpack.i.u.bf16.f32 v57;
	v10 =	vadd.f32 v10, v6;
	v6 =	vmov s16  }
0x1f7: {  	v9 =	vmul.f32 v63, v59;
	v8 =	vadd.f32 v8, v7;
	_ =	sdelay $0x1  }
0x1f8: {  	s15 =	simm.s32 $0x40;
	s20 =	simm.s32 $0x80;
	v7 =	vadd.f32 v9, v10;
	[tilespmem:v5+s11+$0x0 ss:$0x1] =	vst.idx.msk $0xffff, v8  }
.LBB2_24:
0x1f9: {  	p0 =	sne.s32 s20, $0x1C0  }
0x1fa: {  	[tilespmem:v6+s11+$0x0 ss:$0x1] =	vst.idx.msk $0xffff, v7;
	s11 =	sshra.s32 s15, $0x2;
	s15 =	smov.u32 s20;
	s20 =	sadd.s32 $0x40, s20  }
0x1fb: {  	v7 =	vld.idx.msk [tilespmem:v4+s11+$0xFFFFF000 ss:$0x1], $0xffff  }
0x1fc: {  	v8 =	vld.idx.msk [tilespmem:v3+s11+$0xFFFFF000 ss:$0x1], $0xffff  }
0x1fd: {  	v9 =	vld.idx.msk [tilespmem:v4+s11+$0xFFFFF400 ss:$0x1], $0xffff  }
0x1fe: {  	v10 =	vld.idx.msk [tilespmem:v3+s11+$0xFFFFF400 ss:$0x1], $0xffff  }
0x1ff: {  	v11 =	vld.idx.msk [tilespmem:v4+s11+$0xFFFFF800 ss:$0x1], $0xffff  }
0x200: {  	v12 =	vld.idx.msk [tilespmem:v3+s11+$0xFFFFF800 ss:$0x1], $0xffff  }
0x201: {  	v13 =	vunpack.i.u.bf16.f32 v7;
	v7 =	vunpack.i.l.bf16.f32 v7;
	v14 =	vld.idx.msk [tilespmem:v4+s11+$0xFFFFFC00 ss:$0x1], $0xffff  }
0x202: {  	v7 =	vmul.f32 v7, v8;
	v8 =	vmul.f32 v13, v8;
	v13 =	vld.idx.msk [tilespmem:v3+s11+$0xFFFFFC00 ss:$0x1], $0xffff  }
0x203: {  	v15 =	vunpack.i.u.bf16.f32 v9;
	v9 =	vunpack.i.l.bf16.f32 v9;
	v16 =	vld.idx.msk [tilespmem:v4+s11+$0x0 ss:$0x1], $0xffff  }
0x204: {  	v7 =	vadd.f32 $0.0e+00, v7;
	v8 =	vadd.f32 $0.0e+00, v8;
	v9 =	vmul.f32 v9, v10;
	v17 =	vld.idx.msk [tilespmem:v3+s11+$0x0 ss:$0x1], $0xffff  }
0x205: {  	v10 =	vmul.f32 v15, v10;
	v15 =	vunpack.i.u.bf16.f32 v11;
	v11 =	vunpack.i.l.bf16.f32 v11;
	v18 =	vld.idx.msk [tilespmem:v4+s11+$0x400 ss:$0x1], $0xffff  }
0x206: {  	v7 =	vadd.f32 v9, v7;
	v9 =	vmul.f32 v11, v12;
	v11 =	vld.idx.msk [tilespmem:v3+s11+$0x400 ss:$0x1], $0xffff  }
0x207: {  	v8 =	vadd.f32 v10, v8;
	v10 =	vmul.f32 v15, v12;
	v12 =	vunpack.i.l.bf16.f32 v14;
	v15 =	vld.idx.msk [tilespmem:v4+s11+$0x800 ss:$0x1], $0xffff  }
0x208: {  	v7 =	vadd.f32 v9, v7;
	v9 =	vunpack.i.u.bf16.f32 v14;
	v12 =	vmul.f32 v12, v13;
	v14 =	vld.idx.msk [tilespmem:v3+s11+$0x800 ss:$0x1], $0xffff  }
0x209: {  	v8 =	vadd.f32 v10, v8;
	v9 =	vmul.f32 v9, v13;
	v10 =	vunpack.i.l.bf16.f32 v16;
	v13 =	vld.idx.msk [tilespmem:v4+s11+$0xC00 ss:$0x1], $0xffff  }
0x20a: {  	v7 =	vadd.f32 v12, v7;
	v12 =	vunpack.i.u.bf16.f32 v16;
	v10 =	vmul.f32 v10, v17;
	v16 =	vld.idx.msk [tilespmem:v3+s11+$0xC00 ss:$0x1], $0xffff  }
0x20b: {  	v8 =	vadd.f32 v9, v8;
	v9 =	vmul.f32 v12, v17;
	v12 =	vunpack.i.l.bf16.f32 v18  }
0x20c: {  	v7 =	vadd.f32 v10, v7;
	v10 =	vunpack.i.u.bf16.f32 v18;
	v12 =	vmul.f32 v12, v11  }
0x20d: {  	v8 =	vadd.f32 v9, v8;
	v9 =	vmul.f32 v10, v11;
	v10 =	vunpack.i.l.bf16.f32 v15  }
0x20e: {  	v11 =	vunpack.i.u.bf16.f32 v15;
	v7 =	vadd.f32 v12, v7;
	v10 =	vmul.f32 v10, v14  }
0x20f: {  	v8 =	vadd.f32 v9, v8;
	v9 =	vmul.f32 v11, v14;
	v11 =	vunpack.i.l.bf16.f32 v13  }
.Ltmp11:
0x210: {  	v7 =	vadd.f32 v10, v7;
	v10 =	vunpack.i.u.bf16.f32 v13;
	v11 =	vmul.f32 v11, v16;
	(pc) =	sbr.rel @p0 .LBB2_24-.Ltmp11, $4  }
0x211: {  	v8 =	vadd.f32 v9, v8;
	v9 =	vmul.f32 v10, v16  }
0x212: {  	v10 =	vadd.f32 v11, v7  }
0x213: {  	v7 =	vadd.f32 v9, v8  }
0x214: {  	[tilespmem:v5+s11+$0x0 ss:$0x1] =	vst.idx.msk $0xffff, v10  }
0x215: {  	_ =	sdelay $0x3  }
0x216: {  	s15 =	sshra.s32 s15, $0x2;
	[tilespmem:v6+s11+$0x0 ss:$0x1] =	vst.idx.msk $0xffff, v7  }
0x217: {  	v7 =	vld.idx.msk [tilespmem:v4+s15+$0xFFFFF000 ss:$0x1], $0xffff  }
0x218: {  	v8 =	vld.idx.msk [tilespmem:v3+s15+$0xFFFFF000 ss:$0x1], $0xffff  }
0x219: {  	v9 =	vld.idx.msk [tilespmem:v4+s15+$0xFFFFF400 ss:$0x1], $0xffff  }
0x21a: {  	v10 =	vld.idx.msk [tilespmem:v3+s15+$0xFFFFF400 ss:$0x1], $0xffff  }
0x21b: {  	v11 =	vld.idx.msk [tilespmem:v4+s15+$0xFFFFF800 ss:$0x1], $0xffff  }
0x21c: {  	v12 =	vld.idx.msk [tilespmem:v3+s15+$0xFFFFF800 ss:$0x1], $0xffff;
	v13 =	vunpack.i.l.bf16.f32 v7  }
0x21d: {  	v14 =	vld.idx.msk [tilespmem:v4+s15+$0xFFFFFC00 ss:$0x1], $0xffff;
	v7 =	vunpack.i.u.bf16.f32 v7;
	v13 =	vmul.f32 v13, v8  }
0x21e: {  	v43 =	vld.idx.msk [tilespmem:v3+s15+$0xFFFFFC00 ss:$0x1], $0xffff;
	v15 =	vunpack.i.l.bf16.f32 v9;
	v7 =	vmul.f32 v7, v8  }
0x21f: {  	v16 =	vld.idx.msk [tilespmem:v4+s15+$0x0 ss:$0x1], $0xffff;
	v9 =	vunpack.i.u.bf16.f32 v9;
	v15 =	vmul.f32 v15, v10;
	v13 =	vadd.f32 $0.0e+00, v13  }
0x220: {  	v17 =	vld.idx.msk [tilespmem:v3+s15+$0x0 ss:$0x1], $0xffff;
	v44 =	vunpack.i.l.bf16.f32 v11;
	v9 =	vmul.f32 v9, v10;
	v7 =	vadd.f32 $0.0e+00, v7  }
0x221: {  	v18 =	vld.idx.msk [tilespmem:v4+s15+$0x400 ss:$0x1], $0xffff;
	v11 =	vunpack.i.u.bf16.f32 v11;
	v10 =	vmul.f32 v44, v12;
	v13 =	vadd.f32 v15, v13  }
0x222: {  	v45 =	vld.idx.msk [tilespmem:v3+s15+$0x400 ss:$0x1], $0xffff;
	v47 =	vunpack.i.l.bf16.f32 v14;
	v46 =	vmul.f32 v11, v12;
	v7 =	vadd.f32 v9, v7  }
0x223: {  	v48 =	vld.idx.msk [tilespmem:v4+s15+$0x800 ss:$0x1], $0xffff;
	v49 =	vunpack.i.u.bf16.f32 v14;
	v11 =	vmul.f32 v47, v43;
	v10 =	vadd.f32 v10, v13  }
0x224: {  	v50 =	vld.idx.msk [tilespmem:v3+s15+$0x800 ss:$0x1], $0xffff;
	v51 =	vunpack.i.l.bf16.f32 v16;
	v8 =	vmul.f32 v49, v43;
	v7 =	vadd.f32 v46, v7  }
0x225: {  	v52 =	vld.idx.msk [tilespmem:v4+s15+$0xC00 ss:$0x1], $0xffff;
	v53 =	vunpack.i.u.bf16.f32 v16;
	v9 =	vmul.f32 v51, v17;
	v10 =	vadd.f32 v11, v10  }
0x226: {  	v3 =	vld.idx.msk [tilespmem:v3+s15+$0xC00 ss:$0x1], $0xffff;
	v55 =	vunpack.i.l.bf16.f32 v18;
	v54 =	vmul.f32 v53, v17;
	v7 =	vadd.f32 v8, v7  }
0x227: {  	v56 =	vunpack.i.u.bf16.f32 v18;
	v11 =	vmul.f32 v55, v45;
	v9 =	vadd.f32 v9, v10  }
0x228: {  	v58 =	vunpack.i.l.bf16.f32 v48;
	v57 =	vmul.f32 v56, v45;
	v7 =	vadd.f32 v54, v7  }
0x229: {  	v59 =	vunpack.i.u.bf16.f32 v48;
	v10 =	vmul.f32 v58, v50;
	v9 =	vadd.f32 v11, v9  }
0x22a: {  	s18 =	sadd.s32 $0x1, s18;
	v61 =	vunpack.i.l.bf16.f32 v52;
	v60 =	vmul.f32 v59, v50;
	v7 =	vadd.f32 v57, v7  }
0x22b: {  	p0 =	sne.s32 s18, $0x8;
	v4 =	vunpack.i.u.bf16.f32 v52;
	v62 =	vmul.f32 v61, v3;
	v9 =	vadd.f32 v10, v9  }
.Ltmp12:
0x22c: {  	v3 =	vmul.f32 v4, v3;
	v7 =	vadd.f32 v60, v7;
	(pc) =	sbr.rel @p0 .LBB2_23-.Ltmp12, $4  }
0x22d: {  	v63 =	vadd.f32 v62, v9  }
0x22e: {  	v3 =	vadd.f32 v3, v7  }
0x22f: {  	s21 =	sadd.s32 $0x80, s21;
	[tilespmem:v5+s15+$0x0 ss:$0x1] =	vst.idx.msk $0xffff, v63  }
0x230: {  	s16 =	sadd.s32 $0x80, s16;
	s22 =	sadd.s32 $0x80, s22;
	s24 =	sadd.s32 $0x80, s24;
	[tilespmem:v6+s15+$0x0 ss:$0x1] =	vst.idx.msk $0xffff, v3  }
0x231: {  	s11 =	sor.u32 s5, s13;
	s12 =	sadd.s32 $0x1, s12  }
0x232: {  	s11 =	sshrl.u32 s11, $0x3;
	p0 =	sne.s32 s12, $0x10  }
.Ltmp13:
0x233: {  	s28 =	sor.u32 s9, s13;
	s11 =	sadd.s32 s8, s11;
	(pc) =	sbr.rel @p0 .LBB2_7-.Ltmp13, $4  }
0x234: {  	[hbm4b:s11+s3] =	stream.linear.scatter [tilespmem:s6], [sflag:$0x4], $0x400, $0x38;
	[tilespmem:$0x15C30] =	vst v63  }
0x235: {  	s11 =	sshrl.u32 s28, $0x3  }
0x236: {  	s11 =	sadd.s32 s8, s11  }
0x237: {  	[hbm4b:s11+s3] =	stream.linear.scatter [tilespmem:s7], [sflag:$0x4], $0x400, $0x38;
	[tilespmem:$0x15C30] =	vst v63  }
0x238: {  	s5 =	simm.s32 $0x3  }
0x239: {  	_ =	swait.ge [sflag:s5], $0x400  }
0x23a: {  	[sflag:s5] =	ssyncset.done $0x0  }
0x23b: {  	[sflag:s5] =	ssyncadd.s32 $0xFFFFFC00  }
0x23c: {  	_ =	swait.ge [sflag:s5], $0x400  }
0x23d: {  	[sflag:s5] =	ssyncset.done $0x0  }
0x23e: {  	[sflag:s5] =	ssyncadd.s32 $0xFFFFFC00  }
0x23f: {  	_ =	swait.ge [sflag:s4], $0x400  }
0x240: {  	[sflag:s4] =	ssyncset.done $0x0  }
0x241: {  	[sflag:s4] =	ssyncadd.s32 $0xFFFFFC00  }
0x242: {  	_ =	swait.ge [sflag:s4], $0x400  }
0x243: {  	s20 =	rddreg [dreg:$0x11]  }
0x244: {  	s20 =	sadd.s32 $0x1, s20  }
0x245: {  	p0 =	sne.s32 s20, $0x7  }
.Ltmp14:
0x246: {  	_ = 	snop;
	(pc) =	sbr.rel @p0 .LBB2_2-.Ltmp14, $4  }
0x247: {  	[sflag:s4] =	ssyncset.done $0x0  }
0x248: {  	[sflag:s4] =	ssyncadd.s32 $0xFFFFFC00  }
0x249: {  	[bflag:$0x0] =	sbarrier.arrive $0xFFFF  }
0x24a: {  	s13 =	simm.s32 $0x0  }
0x24b: {  	s5 =	simm.s32 $0x0  }
.LBB2_29:
0x24c: {  	[dreg:$0x10] =	wrdreg s5;
	s5 =	sadd.s32 $0x7, s5  }
0x24d: {  	v0 =	vmov s5  }
0x24e: {  	s10 =	rddreg [dreg:$0x7];
	s9 =	sshll.u32 s5, $0x13  }
0x24f: {  	s21 =	rddreg [dreg:$0x4];
	s9 =	sor.u32 s10, s9  }
0x250: {  	s22 =	rddreg [dreg:$0xd];
	s9 =	sshrl.u32 s9, $0x3  }
0x251: {  	s20 =	simm.s32 $0x15C00;
	s11 =	rddreg [dreg:$0xe];
	s9 =	sadd.s32 s21, s9  }
0x252: {  	v0 =	vld.idx.msk [tilespmem:v0+s20+$0x0], $0xffff;
	[spmem:s11], [sflag:s22] =	dma.local [hbm:s9], $0x1000  }
0x253: {  	_ =	swait.ge [sflag:s19], $0x1000  }
0x254: {  	[sflag:s19] =	ssyncset.done $0x0  }
0x255: {  	[sflag:s19] =	ssyncadd.s32 $0xFFFFF000  }
0x256: {  	[bflag:$0x0] =	sbarrier.arrive $0xFFFF  }
0x257: {  	s9 =	simm.s32 $0x8000;
	s24 =	rddreg [dreg:$0x8]  }
0x258: {  	[tilespmem:s9], [sflag:$0x5] =	stream.linear.gather [hbm4b:s24+s13], $0x400, $0x38;
	[tilespmem:$0x15C30] =	vst v63  }
0x259: {  	_ =	swait.ge [sflag:s19], $0x400  }
0x25a: {  	[sflag:s19] =	ssyncset.done $0x0  }
0x25b: {  	s10 =	simm.s32 $0x8400;
	s25 =	rddreg [dreg:$0x9];
	[sflag:s19] =	ssyncadd.s32 $0xFFFFFC00  }
0x25c: {  	[tilespmem:s10], [sflag:$0x5] =	stream.linear.gather [hbm4b:s25+s13], $0x400, $0x38;
	[tilespmem:$0x15C30] =	vst v63  }
0x25d: {  	_ =	swait.ge [sflag:s19], $0x400  }
0x25e: {  	[sflag:s19] =	ssyncset.done $0x0  }
0x25f: {  	s12 =	simm.s32 $0x8800;
	s28 =	rddreg [dreg:$0xa];
	[sflag:s19] =	ssyncadd.s32 $0xFFFFFC00  }
0x260: {  	[tilespmem:s12], [sflag:$0x5] =	stream.linear.gather [hbm4b:s28+s13], $0x400, $0x38;
	[tilespmem:$0x15C30] =	vst v63  }
0x261: {  	_ =	swait.ge [sflag:s19], $0x400  }
0x262: {  	s16 =	simm.s32 $0xDC00;
	[sflag:s19] =	ssyncset.done $0x0  }
0x263: {  	s18 =	simm.s32 $0x0;
	s13 =	simm.s32 $0x9C00;
	[sflag:s19] =	ssyncadd.s32 $0xFFFFFC00  }
.LBB2_30:
0x264: {  	v1 =	vmov s9  }
0x265: {  	v2 =	vmov s10  }
0x266: {  	v3 =	vmov s12;
	_ =	sdelay $0x1  }
0x267: {  	s20 =	simm.s32 $0x0  }
0x268: {  	v4 =	vld.idx.msk [tilespmem:v1+s20+$0x0 ss:$0x1], $0xffff  }
0x269: {  	v5 =	vld.idx.msk [tilespmem:v2+s20+$0x0 ss:$0x1], $0xffff  }
0x26a: {  	v6 =	vld.idx.msk [tilespmem:v3+s20+$0x0 ss:$0x1], $0xffff;
	_ =	sdelay $0x3  }
0x26b: {  	v4 =	vmul.f32 v4, v0  }
0x26c: {  	v5 =	vmul.f32 v5, v0;
	v6 =	vmul.f32 v6, v0  }
0x26d: {  	v7 =	vtrunc.f32 v4  }
0x26e: {  	v8 =	vtrunc.f32 v5;
	v9 =	vtrunc.f32 v6  }
0x26f: {  	v7 =	vcvt.f32.s32 v7;
	v8 =	vcvt.f32.s32 v8  }
0x270: {  	v9 =	vcvt.f32.s32 v9  }
0x271: {  	v10 =	vcvt.s32.f32 v7;
	v11 =	vcvt.s32.f32 v8  }
0x272: {  	v48 =	vcvt.s32.f32 v9  }
0x273: {  	v4 =	vsub.f32 v4, v10;
	v5 =	vsub.f32 v5, v11  }
0x274: {  	v6 =	vsub.f32 v6, v48  }
0x275: {  	v49 =	vadd.f32 v4, v4;
	v50 =	vadd.f32 v5, v5  }
0x276: {  	v4 =	vmul.f32 v4, v4;
	v12 =	vadd.f32 v6, v6  }
0x277: {  	v5 =	vmul.f32 v5, v5;
	v11 =	vsub.f32 $3.000000000e+00, v49;
	v10 =	vsub.f32 $3.000000000e+00, v50  }
0x278: {  	v6 =	vmul.f32 v6, v6  }
0x279: {  	v12 =	vsub.f32 $3.000000000e+00, v12;
	v11 =	vmul.f32 v11, v4;
	v10 =	vmul.f32 v10, v5  }
0x27a: {  	v8 =	vmul.u32 $0x9E3779B1, v8;
	v4 =	vmov s13  }
0x27b: {  	v6 =	vmul.f32 v12, v6;
	v13 =	vsub.f32 $1.000000000e+00, v11;
	v51 =	vsub.f32 $1.000000000e+00, v10  }
0x27c: {  	v14 =	vadd.s32 $0x1, v7;
	v9 =	vmul.u32 $0x30025795, v9;
	v5 =	vmov s16  }
0x27d: {  	v15 =	vxor.u32 v7, v8;
	v16 =	vsub.f32 $1.000000000e+00, v6;
	v17 =	vmul.f32 v51, v13  }
0x27e: {  	v18 =	vxor.u32 v14, v8;
	v8 =	vadd.s32 $0x9E3779B1, v8;
	v19 =	vxor.u32 v9, v15  }
0x27f: {  	v19 =	vand.u32 $0x7FFFF, v19;
	v12 =	vmul.f32 v51, v11;
	v20 =	vmul.f32 v16, v17  }
0x280: {  	v21 =	vxor.u32 v9, v18;
	v7 =	vxor.u32 v7, v8;
	[tilespmem:v4+s20+$0xFFFFF000 ss:$0x1] =	vst.idx.msk $0xffff, v19  }
0x281: {  	v52 =	vand.u32 $0x7FFFF, v21;
	v13 =	vmul.f32 v10, v13;
	v53 =	vmul.f32 v16, v12;
	[tilespmem:v5+s20+$0xFFFFF000 ss:$0x1] =	vst.idx.msk $0xffff, v20  }
0x282: {  	v8 =	vxor.u32 v14, v8;
	v54 =	vxor.u32 v9, v7;
	[tilespmem:v4+s20+$0xFFFFF400 ss:$0x1] =	vst.idx.msk $0xffff, v52  }
0x283: {  	v14 =	vand.u32 $0x7FFFF, v54;
	v10 =	vmul.f32 v10, v11;
	v55 =	vmul.f32 v16, v13;
	[tilespmem:v5+s20+$0xFFFFF400 ss:$0x1] =	vst.idx.msk $0xffff, v53  }
0x284: {  	v56 =	vxor.u32 v9, v8;
	[tilespmem:v4+s20+$0xFFFFF800 ss:$0x1] =	vst.idx.msk $0xffff, v14  }
0x285: {  	v9 =	vadd.s32 $0x30025795, v9;
	v57 =	vand.u32 $0x7FFFF, v56;
	v16 =	vmul.f32 v16, v10;
	[tilespmem:v5+s20+$0xFFFFF800 ss:$0x1] =	vst.idx.msk $0xffff, v55  }
0x286: {  	v58 =	vxor.u32 v15, v9;
	[tilespmem:v4+s20+$0xFFFFFC00 ss:$0x1] =	vst.idx.msk $0xffff, v57  }
0x287: {  	v11 =	vand.u32 $0x7FFFF, v58;
	v59 =	vmul.f32 v17, v6;
	[tilespmem:v5+s20+$0xFFFFFC00 ss:$0x1] =	vst.idx.msk $0xffff, v16  }
0x288: {  	v60 =	vxor.u32 v18, v9;
	[tilespmem:v4+s20+$0x0 ss:$0x1] =	vst.idx.msk $0xffff, v11  }
0x289: {  	v62 =	vand.u32 $0x7FFFF, v60;
	v61 =	vmul.f32 v12, v6;
	[tilespmem:v5+s20+$0x0 ss:$0x1] =	vst.idx.msk $0xffff, v59  }
0x28a: {  	v7 =	vxor.u32 v9, v7;
	[tilespmem:v4+s20+$0x400 ss:$0x1] =	vst.idx.msk $0xffff, v62  }
0x28b: {  	v7 =	vand.u32 $0x7FFFF, v7;
	v63 =	vmul.f32 v6, v13;
	[tilespmem:v5+s20+$0x400 ss:$0x1] =	vst.idx.msk $0xffff, v61  }
0x28c: {  	v8 =	vxor.u32 v9, v8;
	[tilespmem:v4+s20+$0x800 ss:$0x1] =	vst.idx.msk $0xffff, v7  }
0x28d: {  	s11 =	simm.s32 $0x40;
	v6 =	vmul.f32 v6, v10;
	v7 =	vand.u32 $0x7FFFF, v8;
	[tilespmem:v5+s20+$0x800 ss:$0x1] =	vst.idx.msk $0xffff, v63  }
.LBB2_31:
0x28e: {  	p0 =	sne.s32 s11, $0x1C0;
	[tilespmem:v4+s20+$0xC00 ss:$0x1] =	vst.idx.msk $0xffff, v7;
	s15 =	smov.u32 s11;
	s11 =	sadd.s32 $0x40, s11  }
0x28f: {  	[tilespmem:v5+s20+$0xC00 ss:$0x1] =	vst.idx.msk $0xffff, v6;
	s20 =	sshra.s32 s15, $0x2  }
0x290: {  	v6 =	vld.idx.msk [tilespmem:v1+s20+$0x0 ss:$0x1], $0xffff  }
0x291: {  	v7 =	vld.idx.msk [tilespmem:v2+s20+$0x0 ss:$0x1], $0xffff  }
0x292: {  	v8 =	vld.idx.msk [tilespmem:v3+s20+$0x0 ss:$0x1], $0xffff;
	_ =	sdelay $0x3  }
0x293: {  	v6 =	vmul.f32 v6, v0  }
0x294: {  	v7 =	vmul.f32 v7, v0  }
0x295: {  	v9 =	vtrunc.f32 v6;
	v8 =	vmul.f32 v8, v0  }
0x296: {  	v9 =	vcvt.f32.s32 v9;
	v10 =	vtrunc.f32 v7  }
0x297: {  	v10 =	vcvt.f32.s32 v10;
	v11 =	vtrunc.f32 v8  }
0x298: {  	v12 =	vcvt.s32.f32 v9;
	v11 =	vcvt.f32.s32 v11  }
0x299: {  	v14 =	vadd.s32 $0x1, v9;
	v13 =	vcvt.s32.f32 v10;
	v10 =	vmul.u32 $0x9E3779B1, v10  }
0x29a: {  	v6 =	vsub.f32 v6, v12;
	v12 =	vcvt.s32.f32 v11;
	v11 =	vmul.u32 $0x30025795, v11  }
0x29b: {  	v7 =	vsub.f32 v7, v13;
	v13 =	vxor.u32 v9, v10;
	v15 =	vxor.u32 v14, v10  }
0x29c: {  	v16 =	vadd.f32 v6, v6;
	v8 =	vsub.f32 v8, v12;
	v12 =	vxor.u32 v11, v13  }
0x29d: {  	v6 =	vmul.f32 v6, v6;
	v18 =	vadd.s32 $0x30025795, v11;
	v17 =	vadd.f32 v7, v7  }
0x29e: {  	v7 =	vmul.f32 v7, v7;
	v16 =	vsub.f32 $3.000000000e+00, v16;
	v19 =	vadd.f32 v8, v8  }
0x29f: {  	v10 =	vadd.s32 $0x9E3779B1, v10;
	v20 =	vxor.u32 v11, v15;
	v17 =	vsub.f32 $3.000000000e+00, v17  }
0x2a0: {  	v8 =	vmul.f32 v8, v8;
	v6 =	vmul.f32 v16, v6;
	v16 =	vsub.f32 $3.000000000e+00, v19  }
0x2a1: {  	v9 =	vxor.u32 v9, v10;
	v10 =	vxor.u32 v14, v10;
	v7 =	vmul.f32 v17, v7  }
0x2a2: {  	v14 =	vsub.f32 $1.000000000e+00, v6;
	v8 =	vmul.f32 v16, v8;
	v16 =	vxor.u32 v11, v9  }
0x2a3: {  	v11 =	vxor.u32 v11, v10;
	v17 =	vsub.f32 $1.000000000e+00, v7;
	v19 =	vmul.f32 v7, v6  }
0x2a4: {  	v9 =	vxor.u32 v18, v9;
	v21 =	vsub.f32 $1.000000000e+00, v8;
	v7 =	vmul.f32 v7, v14  }
0x2a5: {  	v13 =	vxor.u32 v13, v18;
	v14 =	vmul.f32 v17, v14;
	v6 =	vmul.f32 v17, v6  }
0x2a6: {  	v12 =	vand.u32 $0x7FFFF, v12;
	v17 =	vmul.f32 v21, v7;
	v22 =	vmul.f32 v8, v7  }
0x2a7: {  	v7 =	vmul.f32 v21, v14;
	[tilespmem:v4+s20+$0xFFFFF000 ss:$0x1] =	vst.idx.msk $0xffff, v12;
	v12 =	vmul.f32 v14, v8  }
0x2a8: {  	v23 =	vmul.f32 v6, v8;
	v14 =	vand.u32 $0x7FFFF, v20;
	v20 =	vmul.f32 v21, v6  }
0x2a9: {  	v6 =	vmul.f32 v8, v19;
	[tilespmem:v5+s20+$0xFFFFF000 ss:$0x1] =	vst.idx.msk $0xffff, v7;
	v7 =	vxor.u32 v15, v18  }
0x2aa: {  	v10 =	vxor.u32 v18, v10;
	v8 =	vand.u32 $0x7FFFF, v16;
	[tilespmem:v4+s20+$0xFFFFF400 ss:$0x1] =	vst.idx.msk $0xffff, v14  }
0x2ab: {  	[tilespmem:v5+s20+$0xFFFFF400 ss:$0x1] =	vst.idx.msk $0xffff, v20  }
0x2ac: {  	[tilespmem:v4+s20+$0xFFFFF800 ss:$0x1] =	vst.idx.msk $0xffff, v8;
	v8 =	vand.u32 $0x7FFFF, v11;
	v11 =	vmul.f32 v21, v19  }
0x2ad: {  	[tilespmem:v5+s20+$0xFFFFF800 ss:$0x1] =	vst.idx.msk $0xffff, v17  }
0x2ae: {  	[tilespmem:v4+s20+$0xFFFFFC00 ss:$0x1] =	vst.idx.msk $0xffff, v8;
	v8 =	vand.u32 $0x7FFFF, v13  }
0x2af: {  	[tilespmem:v5+s20+$0xFFFFFC00 ss:$0x1] =	vst.idx.msk $0xffff, v11  }
0x2b0: {  	v7 =	vand.u32 $0x7FFFF, v7;
	[tilespmem:v4+s20+$0x0 ss:$0x1] =	vst.idx.msk $0xffff, v8  }
.Ltmp15:
0x2b1: {  	[tilespmem:v5+s20+$0x0 ss:$0x1] =	vst.idx.msk $0xffff, v12;
	(pc) =	sbr.rel @p0 .LBB2_31-.Ltmp15, $4  }
0x2b2: {  	[tilespmem:v4+s20+$0x400 ss:$0x1] =	vst.idx.msk $0xffff, v7;
	v7 =	vand.u32 $0x7FFFF, v9  }
0x2b3: {  	[tilespmem:v5+s20+$0x400 ss:$0x1] =	vst.idx.msk $0xffff, v23  }
0x2b4: {  	[tilespmem:v4+s20+$0x800 ss:$0x1] =	vst.idx.msk $0xffff, v7;
	v7 =	vand.u32 $0x7FFFF, v10  }
0x2b5: {  	[tilespmem:v5+s20+$0x800 ss:$0x1] =	vst.idx.msk $0xffff, v22  }
0x2b6: {  	s18 =	sadd.s32 $0x1, s18  }
0x2b7: {  	p0 =	sne.s32 s18, $0x8  }
.Ltmp16:
0x2b8: {  	_ = 	snop;
	(pc) =	sbr.rel @p0 .LBB2_30-.Ltmp16, $3  }
0x2b9: {  	_ =	sdelay $0x1  }
0x2ba: {  	[tilespmem:v4+s20+$0xC00 ss:$0x1] =	vst.idx.msk $0xffff, v7;
	s9 =	sadd.s32 $0x80, s9;
	s10 =	sadd.s32 $0x80, s10  }
0x2bb: {  	s12 =	sadd.s32 $0x80, s12;
	s13 =	sadd.s32 $0x80, s13;
	s16 =	sadd.s32 $0x80, s16;
	[tilespmem:v5+s20+$0xC00 ss:$0x1] =	vst.idx.msk $0xffff, v6  }
0x2bc: {  	s9 =	simm.s32 $0x8C00;
	s10 =	simm.s32 $0x10C00;
	s5 =	sshll.u32 s5, $0x15  }
0x2bd: {  	[tilespmem:s10], [sflag:$0x1] =	stream.indirect.gather [spmem:s2], $0x1, s9, s23, $0xb8;
	[tilespmem:$0x15C30] =	vst v63  }
0x2be: {  	s12 =	simm.s32 $0x0;
	s9 =	sor.u32 $0x100000, s5;
	s10 =	simm.s32 $0x0  }
.LBB2_34:
0x2bf: {  	s21 =	sshll.u32 s12, $0x4  }
0x2c0: {  	s13 =	sor.u32 s17, s21  }
0x2c1: {  	s11 =	sshll.u32 s13, $0x4  }
0x2c2: {  	s22 =	simm.s32 $0x8000;
	s15 =	sadd.s32 s1, s11  }
0x2c3: {  	[tilespmem:s22], [sflag:$0x5] =	stream.linear.gather [hbm4b:s15+s10], $0x400, $0x38;
	[tilespmem:$0x15C30] =	vst v63  }
0x2c4: {  	_ =	swait.ge [sflag:s19], $0x400  }
0x2c5: {  	s28 =	sor.u32 $0x20000, s11;
	[sflag:s19] =	ssyncset.done $0x0  }
0x2c6: {  	s18 =	simm.s32 $0x8400;
	s15 =	sadd.s32 s1, s28;
	[sflag:s19] =	ssyncadd.s32 $0xFFFFFC00  }
0x2c7: {  	[tilespmem:s18], [sflag:$0x5] =	stream.linear.gather [hbm4b:s15+s10], $0x400, $0x38;
	[tilespmem:$0x15C30] =	vst v63  }
0x2c8: {  	_ =	swait.ge [sflag:s19], $0x400  }
0x2c9: {  	s11 =	sor.u32 $0x40000, s11;
	[sflag:s19] =	ssyncset.done $0x0  }
0x2ca: {  	s16 =	simm.s32 $0x8800;
	s11 =	sadd.s32 s1, s11;
	[sflag:s19] =	ssyncadd.s32 $0xFFFFFC00  }
0x2cb: {  	[tilespmem:s16], [sflag:$0x5] =	stream.linear.gather [hbm4b:s11+s10], $0x400, $0x38;
	[tilespmem:$0x15C30] =	vst v63  }
0x2cc: {  	_ =	swait.ge [sflag:s19], $0x400  }
0x2cd: {  	s24 =	simm.s32 $0xBC00;
	[sflag:s19] =	ssyncset.done $0x0  }
0x2ce: {  	s25 =	simm.s32 $0xFC00;
	s20 =	simm.s32 $0x0;
	[sflag:s19] =	ssyncadd.s32 $0xFFFFFC00  }
.LBB2_35:
0x2cf: {  	v1 =	vmov s22  }
0x2d0: {  	v2 =	vmov s18  }
0x2d1: {  	v3 =	vmov s16;
	_ =	sdelay $0x1  }
0x2d2: {  	s11 =	simm.s32 $0x0  }
0x2d3: {  	v4 =	vld.idx.msk [tilespmem:v1+s11+$0x0 ss:$0x1], $0xffff  }
0x2d4: {  	v5 =	vld.idx.msk [tilespmem:v2+s11+$0x0 ss:$0x1], $0xffff  }
0x2d5: {  	v6 =	vld.idx.msk [tilespmem:v3+s11+$0x0 ss:$0x1], $0xffff;
	_ =	sdelay $0x3  }
0x2d6: {  	v4 =	vmul.f32 v4, v0  }
0x2d7: {  	v5 =	vmul.f32 v5, v0;
	v6 =	vmul.f32 v6, v0  }
0x2d8: {  	v7 =	vtrunc.f32 v4  }
0x2d9: {  	v8 =	vtrunc.f32 v5;
	v9 =	vtrunc.f32 v6  }
0x2da: {  	v7 =	vcvt.f32.s32 v7;
	v8 =	vcvt.f32.s32 v8  }
0x2db: {  	v9 =	vcvt.f32.s32 v9  }
0x2dc: {  	v10 =	vcvt.s32.f32 v7;
	v11 =	vcvt.s32.f32 v8  }
0x2dd: {  	v48 =	vcvt.s32.f32 v9  }
0x2de: {  	v4 =	vsub.f32 v4, v10;
	v5 =	vsub.f32 v5, v11  }
0x2df: {  	v6 =	vsub.f32 v6, v48  }
0x2e0: {  	v49 =	vadd.f32 v4, v4;
	v50 =	vadd.f32 v5, v5  }
0x2e1: {  	v4 =	vmul.f32 v4, v4;
	v12 =	vadd.f32 v6, v6  }
0x2e2: {  	v5 =	vmul.f32 v5, v5;
	v11 =	vsub.f32 $3.000000000e+00, v49;
	v10 =	vsub.f32 $3.000000000e+00, v50  }
0x2e3: {  	v6 =	vmul.f32 v6, v6  }
0x2e4: {  	v12 =	vsub.f32 $3.000000000e+00, v12;
	v11 =	vmul.f32 v11, v4;
	v10 =	vmul.f32 v10, v5  }
0x2e5: {  	v8 =	vmul.u32 $0x9E3779B1, v8;
	v4 =	vmov s24  }
0x2e6: {  	v6 =	vmul.f32 v12, v6;
	v13 =	vsub.f32 $1.000000000e+00, v11;
	v51 =	vsub.f32 $1.000000000e+00, v10  }
0x2e7: {  	v14 =	vadd.s32 $0x1, v7;
	v9 =	vmul.u32 $0x30025795, v9;
	v5 =	vmov s25  }
0x2e8: {  	v15 =	vxor.u32 v7, v8;
	v16 =	vsub.f32 $1.000000000e+00, v6;
	v17 =	vmul.f32 v51, v13  }
0x2e9: {  	v18 =	vxor.u32 v14, v8;
	v8 =	vadd.s32 $0x9E3779B1, v8;
	v19 =	vxor.u32 v9, v15  }
0x2ea: {  	v19 =	vand.u32 $0x7FFFF, v19;
	v12 =	vmul.f32 v51, v11;
	v20 =	vmul.f32 v16, v17  }
0x2eb: {  	v21 =	vxor.u32 v9, v18;
	v7 =	vxor.u32 v7, v8;
	[tilespmem:v4+s11+$0xFFFFF000 ss:$0x1] =	vst.idx.msk $0xffff, v19  }
0x2ec: {  	v52 =	vand.u32 $0x7FFFF, v21;
	v13 =	vmul.f32 v10, v13;
	v53 =	vmul.f32 v16, v12;
	[tilespmem:v5+s11+$0xFFFFF000 ss:$0x1] =	vst.idx.msk $0xffff, v20  }
0x2ed: {  	v8 =	vxor.u32 v14, v8;
	v54 =	vxor.u32 v9, v7;
	[tilespmem:v4+s11+$0xFFFFF400 ss:$0x1] =	vst.idx.msk $0xffff, v52  }
0x2ee: {  	v14 =	vand.u32 $0x7FFFF, v54;
	v10 =	vmul.f32 v10, v11;
	v55 =	vmul.f32 v16, v13;
	[tilespmem:v5+s11+$0xFFFFF400 ss:$0x1] =	vst.idx.msk $0xffff, v53  }
0x2ef: {  	v56 =	vxor.u32 v9, v8;
	[tilespmem:v4+s11+$0xFFFFF800 ss:$0x1] =	vst.idx.msk $0xffff, v14  }
0x2f0: {  	v9 =	vadd.s32 $0x30025795, v9;
	v57 =	vand.u32 $0x7FFFF, v56;
	v16 =	vmul.f32 v16, v10;
	[tilespmem:v5+s11+$0xFFFFF800 ss:$0x1] =	vst.idx.msk $0xffff, v55  }
0x2f1: {  	v58 =	vxor.u32 v15, v9;
	[tilespmem:v4+s11+$0xFFFFFC00 ss:$0x1] =	vst.idx.msk $0xffff, v57  }
0x2f2: {  	v11 =	vand.u32 $0x7FFFF, v58;
	v59 =	vmul.f32 v17, v6;
	[tilespmem:v5+s11+$0xFFFFFC00 ss:$0x1] =	vst.idx.msk $0xffff, v16  }
0x2f3: {  	v60 =	vxor.u32 v18, v9;
	[tilespmem:v4+s11+$0x0 ss:$0x1] =	vst.idx.msk $0xffff, v11  }
0x2f4: {  	v62 =	vand.u32 $0x7FFFF, v60;
	v61 =	vmul.f32 v12, v6;
	[tilespmem:v5+s11+$0x0 ss:$0x1] =	vst.idx.msk $0xffff, v59  }
0x2f5: {  	v7 =	vxor.u32 v9, v7;
	[tilespmem:v4+s11+$0x400 ss:$0x1] =	vst.idx.msk $0xffff, v62  }
0x2f6: {  	v7 =	vand.u32 $0x7FFFF, v7;
	v63 =	vmul.f32 v6, v13;
	[tilespmem:v5+s11+$0x400 ss:$0x1] =	vst.idx.msk $0xffff, v61  }
0x2f7: {  	v8 =	vxor.u32 v9, v8;
	[tilespmem:v4+s11+$0x800 ss:$0x1] =	vst.idx.msk $0xffff, v7  }
0x2f8: {  	s15 =	simm.s32 $0x40;
	v6 =	vmul.f32 v6, v10;
	v7 =	vand.u32 $0x7FFFF, v8;
	[tilespmem:v5+s11+$0x800 ss:$0x1] =	vst.idx.msk $0xffff, v63  }
.LBB2_36:
0x2f9: {  	p0 =	sne.s32 s15, $0x1C0;
	[tilespmem:v4+s11+$0xC00 ss:$0x1] =	vst.idx.msk $0xffff, v7;
	s28 =	smov.u32 s15;
	s15 =	sadd.s32 $0x40, s15  }
0x2fa: {  	[tilespmem:v5+s11+$0xC00 ss:$0x1] =	vst.idx.msk $0xffff, v6;
	s11 =	sshra.s32 s28, $0x2  }
0x2fb: {  	v6 =	vld.idx.msk [tilespmem:v1+s11+$0x0 ss:$0x1], $0xffff  }
0x2fc: {  	v7 =	vld.idx.msk [tilespmem:v2+s11+$0x0 ss:$0x1], $0xffff  }
0x2fd: {  	v8 =	vld.idx.msk [tilespmem:v3+s11+$0x0 ss:$0x1], $0xffff;
	_ =	sdelay $0x3  }
0x2fe: {  	v6 =	vmul.f32 v6, v0  }
0x2ff: {  	v7 =	vmul.f32 v7, v0  }
0x300: {  	v9 =	vtrunc.f32 v6;
	v8 =	vmul.f32 v8, v0  }
0x301: {  	v9 =	vcvt.f32.s32 v9;
	v10 =	vtrunc.f32 v7  }
0x302: {  	v10 =	vcvt.f32.s32 v10;
	v11 =	vtrunc.f32 v8  }
0x303: {  	v12 =	vcvt.s32.f32 v9;
	v11 =	vcvt.f32.s32 v11  }
0x304: {  	v14 =	vadd.s32 $0x1, v9;
	v13 =	vcvt.s32.f32 v10;
	v10 =	vmul.u32 $0x9E3779B1, v10  }
0x305: {  	v6 =	vsub.f32 v6, v12;
	v12 =	vcvt.s32.f32 v11;
	v11 =	vmul.u32 $0x30025795, v11  }
0x306: {  	v7 =	vsub.f32 v7, v13;
	v13 =	vxor.u32 v9, v10;
	v15 =	vxor.u32 v14, v10  }
0x307: {  	v16 =	vadd.f32 v6, v6;
	v8 =	vsub.f32 v8, v12;
	v12 =	vxor.u32 v11, v13  }
0x308: {  	v6 =	vmul.f32 v6, v6;
	v18 =	vadd.s32 $0x30025795, v11;
	v17 =	vadd.f32 v7, v7  }
0x309: {  	v7 =	vmul.f32 v7, v7;
	v16 =	vsub.f32 $3.000000000e+00, v16;
	v19 =	vadd.f32 v8, v8  }
0x30a: {  	v10 =	vadd.s32 $0x9E3779B1, v10;
	v20 =	vxor.u32 v11, v15;
	v17 =	vsub.f32 $3.000000000e+00, v17  }
0x30b: {  	v8 =	vmul.f32 v8, v8;
	v6 =	vmul.f32 v16, v6;
	v16 =	vsub.f32 $3.000000000e+00, v19  }
0x30c: {  	v9 =	vxor.u32 v9, v10;
	v10 =	vxor.u32 v14, v10;
	v7 =	vmul.f32 v17, v7  }
0x30d: {  	v14 =	vsub.f32 $1.000000000e+00, v6;
	v8 =	vmul.f32 v16, v8;
	v16 =	vxor.u32 v11, v9  }
0x30e: {  	v11 =	vxor.u32 v11, v10;
	v17 =	vsub.f32 $1.000000000e+00, v7;
	v19 =	vmul.f32 v7, v6  }
0x30f: {  	v9 =	vxor.u32 v18, v9;
	v21 =	vsub.f32 $1.000000000e+00, v8;
	v7 =	vmul.f32 v7, v14  }
0x310: {  	v13 =	vxor.u32 v13, v18;
	v14 =	vmul.f32 v17, v14;
	v6 =	vmul.f32 v17, v6  }
0x311: {  	v12 =	vand.u32 $0x7FFFF, v12;
	v17 =	vmul.f32 v21, v7;
	v22 =	vmul.f32 v8, v7  }
0x312: {  	v7 =	vmul.f32 v21, v14;
	[tilespmem:v4+s11+$0xFFFFF000 ss:$0x1] =	vst.idx.msk $0xffff, v12;
	v12 =	vmul.f32 v14, v8  }
0x313: {  	v23 =	vmul.f32 v6, v8;
	v14 =	vand.u32 $0x7FFFF, v20;
	v20 =	vmul.f32 v21, v6  }
0x314: {  	v6 =	vmul.f32 v8, v19;
	[tilespmem:v5+s11+$0xFFFFF000 ss:$0x1] =	vst.idx.msk $0xffff, v7;
	v7 =	vxor.u32 v15, v18  }
0x315: {  	v10 =	vxor.u32 v18, v10;
	v8 =	vand.u32 $0x7FFFF, v16;
	[tilespmem:v4+s11+$0xFFFFF400 ss:$0x1] =	vst.idx.msk $0xffff, v14  }
0x316: {  	[tilespmem:v5+s11+$0xFFFFF400 ss:$0x1] =	vst.idx.msk $0xffff, v20  }
0x317: {  	[tilespmem:v4+s11+$0xFFFFF800 ss:$0x1] =	vst.idx.msk $0xffff, v8;
	v8 =	vand.u32 $0x7FFFF, v11;
	v11 =	vmul.f32 v21, v19  }
0x318: {  	[tilespmem:v5+s11+$0xFFFFF800 ss:$0x1] =	vst.idx.msk $0xffff, v17  }
0x319: {  	[tilespmem:v4+s11+$0xFFFFFC00 ss:$0x1] =	vst.idx.msk $0xffff, v8;
	v8 =	vand.u32 $0x7FFFF, v13  }
0x31a: {  	[tilespmem:v5+s11+$0xFFFFFC00 ss:$0x1] =	vst.idx.msk $0xffff, v11  }
0x31b: {  	v7 =	vand.u32 $0x7FFFF, v7;
	[tilespmem:v4+s11+$0x0 ss:$0x1] =	vst.idx.msk $0xffff, v8  }
.Ltmp17:
0x31c: {  	[tilespmem:v5+s11+$0x0 ss:$0x1] =	vst.idx.msk $0xffff, v12;
	(pc) =	sbr.rel @p0 .LBB2_36-.Ltmp17, $4  }
0x31d: {  	[tilespmem:v4+s11+$0x400 ss:$0x1] =	vst.idx.msk $0xffff, v7;
	v7 =	vand.u32 $0x7FFFF, v9  }
0x31e: {  	[tilespmem:v5+s11+$0x400 ss:$0x1] =	vst.idx.msk $0xffff, v23  }
0x31f: {  	[tilespmem:v4+s11+$0x800 ss:$0x1] =	vst.idx.msk $0xffff, v7;
	v7 =	vand.u32 $0x7FFFF, v10  }
0x320: {  	[tilespmem:v5+s11+$0x800 ss:$0x1] =	vst.idx.msk $0xffff, v22  }
0x321: {  	s20 =	sadd.s32 $0x1, s20  }
0x322: {  	p0 =	sne.s32 s20, $0x8  }
.Ltmp18:
0x323: {  	_ = 	snop;
	(pc) =	sbr.rel @p0 .LBB2_35-.Ltmp18, $3  }
0x324: {  	_ =	sdelay $0x1  }
0x325: {  	[tilespmem:v4+s11+$0xC00 ss:$0x1] =	vst.idx.msk $0xffff, v7;
	s22 =	sadd.s32 $0x80, s22;
	s18 =	sadd.s32 $0x80, s18  }
0x326: {  	s16 =	sadd.s32 $0x80, s16;
	s24 =	sadd.s32 $0x80, s24;
	s25 =	sadd.s32 $0x80, s25;
	[tilespmem:v5+s11+$0xC00 ss:$0x1] =	vst.idx.msk $0xffff, v6  }
0x327: {  	_ =	swait.ge [sflag:s26], $0x2000  }
0x328: {  	s11 =	simm.s32 $0xAC00;
	[sflag:s26] =	ssyncset.done $0x0  }
0x329: {  	s15 =	simm.s32 $0x12C00;
	p0 =	seq.s32 s12, $0x0;
	[sflag:s26] =	ssyncadd.s32 $0xFFFFE000  }
0x32a: {  	[tilespmem:s15], [sflag:$0x2] =	stream.indirect.gather [spmem:s2], $0x1, s11, s23, $0xb8;
	[tilespmem:$0x15C30] =	vst v63  }
0x32b: {  	s11 =	simm.s32 @!p0 $0x3  }
0x32c: {  	_ =	swait.ge @!p0 [sflag:s11], $0x400  }
0x32d: {  	[sflag:s11] =	ssyncset.done @!p0 $0x0  }
0x32e: {  	[sflag:s11] =	ssyncadd.s32 @!p0 $0xFFFFFC00  }
0x32f: {  	s13 =	sshll.u32 s13, $0x7;
	s18 =	simm.s32 $0x0;
	_ =	swait.ge @!p0 [sflag:s11], $0x400  }
0x330: {  	s22 =	simm.s32 $0x14C00;
	s16 =	simm.s32 $0x15000;
	[sflag:s11] =	ssyncset.done @!p0 $0x0  }
0x331: {  	s24 =	simm.s32 $0xDC00;
	s25 =	simm.s32 $0x11C00;
	[sflag:s11] =	ssyncadd.s32 @!p0 $0xFFFFFC00  }
.LBB2_39:
0x332: {  	v2 =	vmov s25  }
0x333: {  	v1 =	vmov s24;
	_ =	sdelay $0x2  }
0x334: {  	s11 =	simm.s32 $0x0  }
0x335: {  	v3 =	vld.idx.msk [tilespmem:v2+s11+$0xFFFFF000 ss:$0x1], $0xffff  }
0x336: {  	v4 =	vld.idx.msk [tilespmem:v1+s11+$0xFFFFF000 ss:$0x1], $0xffff  }
0x337: {  	v5 =	vld.idx.msk [tilespmem:v2+s11+$0xFFFFF400 ss:$0x1], $0xffff  }
0x338: {  	v6 =	vld.idx.msk [tilespmem:v1+s11+$0xFFFFF400 ss:$0x1], $0xffff  }
0x339: {  	v10 =	vld.idx.msk [tilespmem:v2+s11+$0xFFFFFC00 ss:$0x1], $0xffff  }
0x33a: {  	v7 =	vld.idx.msk [tilespmem:v2+s11+$0xFFFFF800 ss:$0x1], $0xffff  }
0x33b: {  	v8 =	vld.idx.msk [tilespmem:v1+s11+$0xFFFFF800 ss:$0x1], $0xffff;
	v9 =	vunpack.i.l.bf16.f32 v3  }
0x33c: {  	v58 =	vld.idx.msk [tilespmem:v2+s11+$0x800 ss:$0x1], $0xffff;
	v3 =	vunpack.i.u.bf16.f32 v3;
	v9 =	vmul.f32 v9, v4  }
0x33d: {  	v11 =	vunpack.i.l.bf16.f32 v5;
	v5 =	vunpack.i.u.bf16.f32 v5;
	v3 =	vmul.f32 v3, v4;
	v4 =	vld.idx.msk [tilespmem:v1+s11+$0xFFFFFC00 ss:$0x1], $0xffff  }
0x33e: {  	v12 =	vld.idx.msk [tilespmem:v2+s11+$0x0 ss:$0x1], $0xffff;
	v59 =	vunpack.i.u.bf16.f32 v10;
	v11 =	vmul.f32 v11, v6;
	v9 =	vadd.f32 $0.0e+00, v9  }
0x33f: {  	v13 =	vld.idx.msk [tilespmem:v1+s11+$0x0 ss:$0x1], $0xffff;
	v5 =	vmul.f32 v5, v6;
	v6 =	vunpack.i.l.bf16.f32 v7;
	v3 =	vadd.f32 $0.0e+00, v3  }
0x340: {  	v14 =	vld.idx.msk [tilespmem:v2+s11+$0x400 ss:$0x1], $0xffff;
	v7 =	vunpack.i.u.bf16.f32 v7;
	v6 =	vmul.f32 v6, v8;
	v9 =	vadd.f32 v11, v9  }
0x341: {  	v57 =	vld.idx.msk [tilespmem:v1+s11+$0x400 ss:$0x1], $0xffff;
	v3 =	vadd.f32 v5, v3;
	v5 =	vmul.f32 v7, v8;
	v7 =	vunpack.i.l.bf16.f32 v10  }
0x342: {  	v63 =	vunpack.i.l.bf16.f32 v58;
	v7 =	vmul.f32 v7, v4;
	v6 =	vadd.f32 v6, v9  }
0x343: {  	v60 =	vld.idx.msk [tilespmem:v1+s11+$0x800 ss:$0x1], $0xffff;
	v4 =	vmul.f32 v59, v4;
	v3 =	vadd.f32 v5, v3;
	v5 =	vunpack.i.l.bf16.f32 v12  }
0x344: {  	v61 =	vld.idx.msk [tilespmem:v2+s11+$0xC00 ss:$0x1], $0xffff;
	v5 =	vmul.f32 v5, v13;
	v6 =	vadd.f32 v7, v6;
	v7 =	vunpack.i.u.bf16.f32 v12  }
0x345: {  	v62 =	vld.idx.msk [tilespmem:v1+s11+$0xC00 ss:$0x1], $0xffff;
	v3 =	vadd.f32 v4, v3;
	v4 =	vmul.f32 v7, v13;
	v7 =	vunpack.i.l.bf16.f32 v14  }
0x346: {  	v5 =	vadd.f32 v5, v6;
	v6 =	vunpack.i.u.bf16.f32 v14;
	v7 =	vmul.f32 v7, v57  }
0x347: {  	v8 =	vunpack.i.u.bf16.f32 v58;
	v4 =	vadd.f32 v4, v3;
	v6 =	vmul.f32 v6, v57  }
0x348: {  	v8 =	vmul.f32 v8, v60;
	v5 =	vadd.f32 v7, v5;
	v7 =	vmul.f32 v63, v60  }
0x349: {  	v3 =	vmov s22;
	v4 =	vadd.f32 v6, v4;
	v6 =	vunpack.i.l.bf16.f32 v61  }
0x34a: {  	v5 =	vadd.f32 v7, v5;
	v6 =	vmul.f32 v6, v62  }
0x34b: {  	v7 =	vunpack.i.u.bf16.f32 v61;
	v8 =	vadd.f32 v8, v4;
	v4 =	vmov s16  }
0x34c: {  	v7 =	vmul.f32 v7, v62;
	v6 =	vadd.f32 v6, v5;
	_ =	sdelay $0x1  }
0x34d: {  	s15 =	simm.s32 $0x40;
	s20 =	simm.s32 $0x80;
	v5 =	vadd.f32 v7, v8;
	[tilespmem:v3+s11+$0x0 ss:$0x1] =	vst.idx.msk $0xffff, v6  }
.LBB2_40:
0x34e: {  	p1 =	sne.s32 s20, $0x1C0  }
0x34f: {  	[tilespmem:v4+s11+$0x0 ss:$0x1] =	vst.idx.msk $0xffff, v5;
	s11 =	sshra.s32 s15, $0x2;
	s15 =	smov.u32 s20;
	s20 =	sadd.s32 $0x40, s20  }
0x350: {  	v5 =	vld.idx.msk [tilespmem:v2+s11+$0xFFFFF000 ss:$0x1], $0xffff  }
0x351: {  	v6 =	vld.idx.msk [tilespmem:v1+s11+$0xFFFFF000 ss:$0x1], $0xffff  }
0x352: {  	v7 =	vld.idx.msk [tilespmem:v2+s11+$0xFFFFF400 ss:$0x1], $0xffff  }
0x353: {  	v8 =	vld.idx.msk [tilespmem:v1+s11+$0xFFFFF400 ss:$0x1], $0xffff  }
0x354: {  	v9 =	vld.idx.msk [tilespmem:v2+s11+$0xFFFFF800 ss:$0x1], $0xffff  }
0x355: {  	v10 =	vld.idx.msk [tilespmem:v1+s11+$0xFFFFF800 ss:$0x1], $0xffff  }
0x356: {  	v11 =	vunpack.i.u.bf16.f32 v5;
	v5 =	vunpack.i.l.bf16.f32 v5;
	v12 =	vld.idx.msk [tilespmem:v2+s11+$0xFFFFFC00 ss:$0x1], $0xffff  }
0x357: {  	v5 =	vmul.f32 v5, v6;
	v6 =	vmul.f32 v11, v6;
	v11 =	vld.idx.msk [tilespmem:v1+s11+$0xFFFFFC00 ss:$0x1], $0xffff  }
0x358: {  	v13 =	vunpack.i.u.bf16.f32 v7;
	v7 =	vunpack.i.l.bf16.f32 v7;
	v14 =	vld.idx.msk [tilespmem:v2+s11+$0x0 ss:$0x1], $0xffff  }
0x359: {  	v5 =	vadd.f32 $0.0e+00, v5;
	v6 =	vadd.f32 $0.0e+00, v6;
	v7 =	vmul.f32 v7, v8;
	v15 =	vld.idx.msk [tilespmem:v1+s11+$0x0 ss:$0x1], $0xffff  }
0x35a: {  	v8 =	vmul.f32 v13, v8;
	v13 =	vunpack.i.u.bf16.f32 v9;
	v9 =	vunpack.i.l.bf16.f32 v9;
	v16 =	vld.idx.msk [tilespmem:v2+s11+$0x400 ss:$0x1], $0xffff  }
0x35b: {  	v5 =	vadd.f32 v7, v5;
	v7 =	vmul.f32 v9, v10;
	v9 =	vld.idx.msk [tilespmem:v1+s11+$0x400 ss:$0x1], $0xffff  }
0x35c: {  	v6 =	vadd.f32 v8, v6;
	v8 =	vmul.f32 v13, v10;
	v10 =	vunpack.i.l.bf16.f32 v12;
	v13 =	vld.idx.msk [tilespmem:v2+s11+$0x800 ss:$0x1], $0xffff  }
0x35d: {  	v5 =	vadd.f32 v7, v5;
	v7 =	vunpack.i.u.bf16.f32 v12;
	v10 =	vmul.f32 v10, v11;
	v12 =	vld.idx.msk [tilespmem:v1+s11+$0x800 ss:$0x1], $0xffff  }
0x35e: {  	v6 =	vadd.f32 v8, v6;
	v7 =	vmul.f32 v7, v11;
	v8 =	vunpack.i.l.bf16.f32 v14;
	v11 =	vld.idx.msk [tilespmem:v2+s11+$0xC00 ss:$0x1], $0xffff  }
0x35f: {  	v5 =	vadd.f32 v10, v5;
	v10 =	vunpack.i.u.bf16.f32 v14;
	v8 =	vmul.f32 v8, v15;
	v14 =	vld.idx.msk [tilespmem:v1+s11+$0xC00 ss:$0x1], $0xffff  }
0x360: {  	v6 =	vadd.f32 v7, v6;
	v7 =	vmul.f32 v10, v15;
	v10 =	vunpack.i.l.bf16.f32 v16  }
0x361: {  	v5 =	vadd.f32 v8, v5;
	v8 =	vunpack.i.u.bf16.f32 v16;
	v10 =	vmul.f32 v10, v9  }
0x362: {  	v6 =	vadd.f32 v7, v6;
	v7 =	vmul.f32 v8, v9;
	v8 =	vunpack.i.l.bf16.f32 v13  }
0x363: {  	v9 =	vunpack.i.u.bf16.f32 v13;
	v5 =	vadd.f32 v10, v5;
	v8 =	vmul.f32 v8, v12  }
0x364: {  	v6 =	vadd.f32 v7, v6;
	v7 =	vmul.f32 v9, v12;
	v9 =	vunpack.i.l.bf16.f32 v11  }
.Ltmp19:
0x365: {  	v5 =	vadd.f32 v8, v5;
	v8 =	vunpack.i.u.bf16.f32 v11;
	v9 =	vmul.f32 v9, v14;
	(pc) =	sbr.rel @p1 .LBB2_40-.Ltmp19, $4  }
0x366: {  	v6 =	vadd.f32 v7, v6;
	v7 =	vmul.f32 v8, v14  }
0x367: {  	v8 =	vadd.f32 v9, v5  }
0x368: {  	v5 =	vadd.f32 v7, v6  }
0x369: {  	[tilespmem:v3+s11+$0x0 ss:$0x1] =	vst.idx.msk $0xffff, v8  }
0x36a: {  	_ =	sdelay $0x3  }
0x36b: {  	s15 =	sshra.s32 s15, $0x2;
	[tilespmem:v4+s11+$0x0 ss:$0x1] =	vst.idx.msk $0xffff, v5  }
0x36c: {  	v5 =	vld.idx.msk [tilespmem:v2+s15+$0xFFFFF000 ss:$0x1], $0xffff  }
0x36d: {  	v6 =	vld.idx.msk [tilespmem:v1+s15+$0xFFFFF000 ss:$0x1], $0xffff  }
0x36e: {  	v7 =	vld.idx.msk [tilespmem:v2+s15+$0xFFFFF400 ss:$0x1], $0xffff  }
0x36f: {  	v8 =	vld.idx.msk [tilespmem:v1+s15+$0xFFFFF400 ss:$0x1], $0xffff  }
0x370: {  	v9 =	vld.idx.msk [tilespmem:v2+s15+$0xFFFFF800 ss:$0x1], $0xffff  }
0x371: {  	v10 =	vld.idx.msk [tilespmem:v1+s15+$0xFFFFF800 ss:$0x1], $0xffff;
	v11 =	vunpack.i.l.bf16.f32 v5  }
0x372: {  	v12 =	vld.idx.msk [tilespmem:v2+s15+$0xFFFFFC00 ss:$0x1], $0xffff;
	v5 =	vunpack.i.u.bf16.f32 v5;
	v11 =	vmul.f32 v11, v6  }
0x373: {  	v45 =	vld.idx.msk [tilespmem:v1+s15+$0xFFFFFC00 ss:$0x1], $0xffff;
	v13 =	vunpack.i.l.bf16.f32 v7;
	v5 =	vmul.f32 v5, v6  }
0x374: {  	v14 =	vld.idx.msk [tilespmem:v2+s15+$0x0 ss:$0x1], $0xffff;
	v7 =	vunpack.i.u.bf16.f32 v7;
	v13 =	vmul.f32 v13, v8;
	v11 =	vadd.f32 $0.0e+00, v11  }
0x375: {  	v15 =	vld.idx.msk [tilespmem:v1+s15+$0x0 ss:$0x1], $0xffff;
	v46 =	vunpack.i.l.bf16.f32 v9;
	v7 =	vmul.f32 v7, v8;
	v5 =	vadd.f32 $0.0e+00, v5  }
0x376: {  	v16 =	vld.idx.msk [tilespmem:v2+s15+$0x400 ss:$0x1], $0xffff;
	v9 =	vunpack.i.u.bf16.f32 v9;
	v8 =	vmul.f32 v46, v10;
	v11 =	vadd.f32 v13, v11  }
0x377: {  	v47 =	vld.idx.msk [tilespmem:v1+s15+$0x400 ss:$0x1], $0xffff;
	v49 =	vunpack.i.l.bf16.f32 v12;
	v48 =	vmul.f32 v9, v10;
	v5 =	vadd.f32 v7, v5  }
0x378: {  	v50 =	vld.idx.msk [tilespmem:v2+s15+$0x800 ss:$0x1], $0xffff;
	v51 =	vunpack.i.u.bf16.f32 v12;
	v9 =	vmul.f32 v49, v45;
	v8 =	vadd.f32 v8, v11  }
0x379: {  	v52 =	vld.idx.msk [tilespmem:v1+s15+$0x800 ss:$0x1], $0xffff;
	v53 =	vunpack.i.l.bf16.f32 v14;
	v6 =	vmul.f32 v51, v45;
	v5 =	vadd.f32 v48, v5  }
0x37a: {  	v2 =	vld.idx.msk [tilespmem:v2+s15+$0xC00 ss:$0x1], $0xffff;
	v54 =	vunpack.i.u.bf16.f32 v14;
	v7 =	vmul.f32 v53, v15;
	v8 =	vadd.f32 v9, v8  }
0x37b: {  	v1 =	vld.idx.msk [tilespmem:v1+s15+$0xC00 ss:$0x1], $0xffff;
	v56 =	vunpack.i.l.bf16.f32 v16;
	v55 =	vmul.f32 v54, v15;
	v5 =	vadd.f32 v6, v5  }
0x37c: {  	v57 =	vunpack.i.u.bf16.f32 v16;
	v9 =	vmul.f32 v56, v47;
	v7 =	vadd.f32 v7, v8  }
0x37d: {  	v59 =	vunpack.i.l.bf16.f32 v50;
	v58 =	vmul.f32 v57, v47;
	v5 =	vadd.f32 v55, v5  }
0x37e: {  	v60 =	vunpack.i.u.bf16.f32 v50;
	v8 =	vmul.f32 v59, v52;
	v7 =	vadd.f32 v9, v7  }
0x37f: {  	s18 =	sadd.s32 $0x1, s18;
	v62 =	vunpack.i.l.bf16.f32 v2;
	v61 =	vmul.f32 v60, v52;
	v5 =	vadd.f32 v58, v5  }
0x380: {  	p1 =	sne.s32 s18, $0x8;
	v2 =	vunpack.i.u.bf16.f32 v2;
	v63 =	vmul.f32 v62, v1;
	v7 =	vadd.f32 v8, v7  }
.Ltmp20:
0x381: {  	v1 =	vmul.f32 v2, v1;
	v5 =	vadd.f32 v61, v5;
	(pc) =	sbr.rel @p1 .LBB2_39-.Ltmp20, $4  }
0x382: {  	v2 =	vadd.f32 v63, v7  }
0x383: {  	v1 =	vadd.f32 v1, v5  }
0x384: {  	s22 =	sadd.s32 $0x80, s22;
	[tilespmem:v3+s15+$0x0 ss:$0x1] =	vst.idx.msk $0xffff, v2  }
0x385: {  	s16 =	sadd.s32 $0x80, s16;
	s24 =	sadd.s32 $0x80, s24;
	s25 =	sadd.s32 $0x80, s25;
	[tilespmem:v4+s15+$0x0 ss:$0x1] =	vst.idx.msk $0xffff, v1  }
0x386: {  	s11 =	sshll.u32 s12, $0xB  }
0x387: {  	s11 =	sadd.s32 s14, s11  }
0x388: {  	p1 =	seq.s32 s12, $0xF;
	s15 =	sor.u32 s5, s11  }
.Ltmp21:
0x389: {  	s11 =	sor.u32 s9, s11;
	s15 =	sshrl.u32 s15, $0x3;
	(pc) =	sbr.rel @!p1 .LBB2_43-.Ltmp21, $4  }
0x38a: {  	s11 =	sshrl.u32 s11, $0x3;
	s15 =	sadd.s32 s8, s15  }
0x38b: {  	[hbm4b:s15+s3] =	stream.linear.scatter [tilespmem:s30], [sflag:$0x3], $0x400, $0x38;
	[tilespmem:$0x15C30] =	vst v63  }
0x38c: {  	s11 =	sadd.s32 s8, s11  }
0x38d: {  	[hbm4b:s11+s3] =	stream.linear.scatter [tilespmem:s31], [sflag:$0x3], $0x400, $0x38;
	[tilespmem:$0x15C30] =	vst v63  }
.Ltmp22:
0x38e: {  	(pc) =	sbr.rel .LBB2_48-.Ltmp22, $4  }
0x38f: {  	_ = 	snop  }
0x390: {  	_ =	swait.ge [sflag:s0], $0x2000  }
0x391: {  	[sflag:s0] =	ssyncset.done $0x0  }
0x392: {  	[sflag:s0] =	ssyncadd.s32 $0xFFFFE000  }
.LBB2_43:
0x393: {  	s11 =	rddreg [dreg:$0xb]  }
0x394: {  	s11 =	sadd.s32 s21, s11  }
0x395: {  	s11 =	sshll.u32 s11, $0x4  }
0x396: {  	s22 =	simm.s32 $0x8000;
	s21 =	simm.s32 $0x0;
	s15 =	sadd.s32 s1, s11  }
0x397: {  	[tilespmem:s22], [sflag:$0x5] =	stream.linear.gather [hbm4b:s15+s21], $0x400, $0x38;
	[tilespmem:$0x15C30] =	vst v63  }
0x398: {  	_ =	swait.ge [sflag:s19], $0x400  }
0x399: {  	[sflag:s19] =	ssyncset.done $0x0  }
0x39a: {  	s18 =	simm.s32 $0x8400;
	s28 =	sadd.s32 s11, s29;
	[sflag:s19] =	ssyncadd.s32 $0xFFFFFC00  }
0x39b: {  	[tilespmem:s18], [sflag:$0x5] =	stream.linear.gather [hbm4b:s28+s21], $0x400, $0x38;
	[tilespmem:$0x15C30] =	vst v63  }
0x39c: {  	_ =	swait.ge [sflag:s19], $0x400  }
0x39d: {  	s11 =	sor.u32 $0x40000, s11;
	[sflag:s19] =	ssyncset.done $0x0  }
0x39e: {  	s16 =	simm.s32 $0x8800;
	s11 =	sadd.s32 s1, s11;
	[sflag:s19] =	ssyncadd.s32 $0xFFFFFC00  }
0x39f: {  	[tilespmem:s16], [sflag:$0x5] =	stream.linear.gather [hbm4b:s11+s21], $0x400, $0x38;
	[tilespmem:$0x15C30] =	vst v63  }
0x3a0: {  	_ =	swait.ge [sflag:s19], $0x400  }
0x3a1: {  	[sflag:s19] =	ssyncset.done $0x0  }
0x3a2: {  	s24 =	simm.s32 $0x9C00;
	s20 =	simm.s32 $0xDC00;
	[sflag:s19] =	ssyncadd.s32 $0xFFFFFC00  }
.LBB2_44:
0x3a3: {  	v1 =	vmov s22  }
0x3a4: {  	v2 =	vmov s18  }
0x3a5: {  	v3 =	vmov s16;
	_ =	sdelay $0x1  }
0x3a6: {  	s11 =	simm.s32 $0x0  }
0x3a7: {  	v4 =	vld.idx.msk [tilespmem:v1+s11+$0x0 ss:$0x1], $0xffff  }
0x3a8: {  	v5 =	vld.idx.msk [tilespmem:v2+s11+$0x0 ss:$0x1], $0xffff  }
0x3a9: {  	v6 =	vld.idx.msk [tilespmem:v3+s11+$0x0 ss:$0x1], $0xffff;
	_ =	sdelay $0x3  }
0x3aa: {  	v4 =	vmul.f32 v4, v0  }
0x3ab: {  	v5 =	vmul.f32 v5, v0;
	v6 =	vmul.f32 v6, v0  }
0x3ac: {  	v7 =	vtrunc.f32 v4  }
0x3ad: {  	v8 =	vtrunc.f32 v5;
	v9 =	vtrunc.f32 v6  }
0x3ae: {  	v7 =	vcvt.f32.s32 v7;
	v8 =	vcvt.f32.s32 v8  }
0x3af: {  	v9 =	vcvt.f32.s32 v9  }
0x3b0: {  	v10 =	vcvt.s32.f32 v7;
	v11 =	vcvt.s32.f32 v8  }
0x3b1: {  	v48 =	vcvt.s32.f32 v9  }
0x3b2: {  	v4 =	vsub.f32 v4, v10;
	v5 =	vsub.f32 v5, v11  }
0x3b3: {  	v6 =	vsub.f32 v6, v48  }
0x3b4: {  	v49 =	vadd.f32 v4, v4;
	v50 =	vadd.f32 v5, v5  }
0x3b5: {  	v4 =	vmul.f32 v4, v4;
	v12 =	vadd.f32 v6, v6  }
0x3b6: {  	v5 =	vmul.f32 v5, v5;
	v11 =	vsub.f32 $3.000000000e+00, v49;
	v10 =	vsub.f32 $3.000000000e+00, v50  }
0x3b7: {  	v6 =	vmul.f32 v6, v6  }
0x3b8: {  	v12 =	vsub.f32 $3.000000000e+00, v12;
	v11 =	vmul.f32 v11, v4;
	v10 =	vmul.f32 v10, v5  }
0x3b9: {  	v8 =	vmul.u32 $0x9E3779B1, v8;
	v4 =	vmov s24  }
0x3ba: {  	v6 =	vmul.f32 v12, v6;
	v13 =	vsub.f32 $1.000000000e+00, v11;
	v51 =	vsub.f32 $1.000000000e+00, v10  }
0x3bb: {  	v14 =	vadd.s32 $0x1, v7;
	v9 =	vmul.u32 $0x30025795, v9;
	v5 =	vmov s20  }
0x3bc: {  	v15 =	vxor.u32 v7, v8;
	v16 =	vsub.f32 $1.000000000e+00, v6;
	v17 =	vmul.f32 v51, v13  }
0x3bd: {  	v18 =	vxor.u32 v14, v8;
	v8 =	vadd.s32 $0x9E3779B1, v8;
	v19 =	vxor.u32 v9, v15  }
0x3be: {  	v19 =	vand.u32 $0x7FFFF, v19;
	v12 =	vmul.f32 v51, v11;
	v20 =	vmul.f32 v16, v17  }
0x3bf: {  	v21 =	vxor.u32 v9, v18;
	v7 =	vxor.u32 v7, v8;
	[tilespmem:v4+s11+$0xFFFFF000 ss:$0x1] =	vst.idx.msk $0xffff, v19  }
0x3c0: {  	v52 =	vand.u32 $0x7FFFF, v21;
	v13 =	vmul.f32 v10, v13;
	v53 =	vmul.f32 v16, v12;
	[tilespmem:v5+s11+$0xFFFFF000 ss:$0x1] =	vst.idx.msk $0xffff, v20  }
0x3c1: {  	v8 =	vxor.u32 v14, v8;
	v54 =	vxor.u32 v9, v7;
	[tilespmem:v4+s11+$0xFFFFF400 ss:$0x1] =	vst.idx.msk $0xffff, v52  }
0x3c2: {  	v14 =	vand.u32 $0x7FFFF, v54;
	v10 =	vmul.f32 v10, v11;
	v55 =	vmul.f32 v16, v13;
	[tilespmem:v5+s11+$0xFFFFF400 ss:$0x1] =	vst.idx.msk $0xffff, v53  }
0x3c3: {  	v56 =	vxor.u32 v9, v8;
	[tilespmem:v4+s11+$0xFFFFF800 ss:$0x1] =	vst.idx.msk $0xffff, v14  }
0x3c4: {  	v9 =	vadd.s32 $0x30025795, v9;
	v57 =	vand.u32 $0x7FFFF, v56;
	v16 =	vmul.f32 v16, v10;
	[tilespmem:v5+s11+$0xFFFFF800 ss:$0x1] =	vst.idx.msk $0xffff, v55  }
0x3c5: {  	v58 =	vxor.u32 v15, v9;
	[tilespmem:v4+s11+$0xFFFFFC00 ss:$0x1] =	vst.idx.msk $0xffff, v57  }
0x3c6: {  	v11 =	vand.u32 $0x7FFFF, v58;
	v59 =	vmul.f32 v17, v6;
	[tilespmem:v5+s11+$0xFFFFFC00 ss:$0x1] =	vst.idx.msk $0xffff, v16  }
0x3c7: {  	v60 =	vxor.u32 v18, v9;
	[tilespmem:v4+s11+$0x0 ss:$0x1] =	vst.idx.msk $0xffff, v11  }
0x3c8: {  	v62 =	vand.u32 $0x7FFFF, v60;
	v61 =	vmul.f32 v12, v6;
	[tilespmem:v5+s11+$0x0 ss:$0x1] =	vst.idx.msk $0xffff, v59  }
0x3c9: {  	v7 =	vxor.u32 v9, v7;
	[tilespmem:v4+s11+$0x400 ss:$0x1] =	vst.idx.msk $0xffff, v62  }
0x3ca: {  	v7 =	vand.u32 $0x7FFFF, v7;
	v63 =	vmul.f32 v6, v13;
	[tilespmem:v5+s11+$0x400 ss:$0x1] =	vst.idx.msk $0xffff, v61  }
0x3cb: {  	v8 =	vxor.u32 v9, v8;
	[tilespmem:v4+s11+$0x800 ss:$0x1] =	vst.idx.msk $0xffff, v7  }
0x3cc: {  	s15 =	simm.s32 $0x40;
	v6 =	vmul.f32 v6, v10;
	v7 =	vand.u32 $0x7FFFF, v8;
	[tilespmem:v5+s11+$0x800 ss:$0x1] =	vst.idx.msk $0xffff, v63  }
.LBB2_45:
0x3cd: {  	p1 =	sne.s32 s15, $0x1C0;
	[tilespmem:v4+s11+$0xC00 ss:$0x1] =	vst.idx.msk $0xffff, v7;
	s25 =	smov.u32 s15;
	s15 =	sadd.s32 $0x40, s15  }
0x3ce: {  	[tilespmem:v5+s11+$0xC00 ss:$0x1] =	vst.idx.msk $0xffff, v6;
	s11 =	sshra.s32 s25, $0x2  }
0x3cf: {  	v6 =	vld.idx.msk [tilespmem:v1+s11+$0x0 ss:$0x1], $0xffff  }
0x3d0: {  	v7 =	vld.idx.msk [tilespmem:v2+s11+$0x0 ss:$0x1], $0xffff  }
0x3d1: {  	v8 =	vld.idx.msk [tilespmem:v3+s11+$0x0 ss:$0x1], $0xffff;
	_ =	sdelay $0x3  }
0x3d2: {  	v6 =	vmul.f32 v6, v0  }
0x3d3: {  	v7 =	vmul.f32 v7, v0  }
0x3d4: {  	v9 =	vtrunc.f32 v6;
	v8 =	vmul.f32 v8, v0  }
0x3d5: {  	v9 =	vcvt.f32.s32 v9;
	v10 =	vtrunc.f32 v7  }
0x3d6: {  	v10 =	vcvt.f32.s32 v10;
	v11 =	vtrunc.f32 v8  }
0x3d7: {  	v12 =	vcvt.s32.f32 v9;
	v11 =	vcvt.f32.s32 v11  }
0x3d8: {  	v14 =	vadd.s32 $0x1, v9;
	v13 =	vcvt.s32.f32 v10;
	v10 =	vmul.u32 $0x9E3779B1, v10  }
0x3d9: {  	v6 =	vsub.f32 v6, v12;
	v12 =	vcvt.s32.f32 v11;
	v11 =	vmul.u32 $0x30025795, v11  }
0x3da: {  	v7 =	vsub.f32 v7, v13;
	v13 =	vxor.u32 v9, v10;
	v15 =	vxor.u32 v14, v10  }
0x3db: {  	v16 =	vadd.f32 v6, v6;
	v8 =	vsub.f32 v8, v12;
	v12 =	vxor.u32 v11, v13  }
0x3dc: {  	v6 =	vmul.f32 v6, v6;
	v18 =	vadd.s32 $0x30025795, v11;
	v17 =	vadd.f32 v7, v7  }
0x3dd: {  	v7 =	vmul.f32 v7, v7;
	v16 =	vsub.f32 $3.000000000e+00, v16;
	v19 =	vadd.f32 v8, v8  }
0x3de: {  	v10 =	vadd.s32 $0x9E3779B1, v10;
	v20 =	vxor.u32 v11, v15;
	v17 =	vsub.f32 $3.000000000e+00, v17  }
0x3df: {  	v8 =	vmul.f32 v8, v8;
	v6 =	vmul.f32 v16, v6;
	v16 =	vsub.f32 $3.000000000e+00, v19  }
0x3e0: {  	v9 =	vxor.u32 v9, v10;
	v10 =	vxor.u32 v14, v10;
	v7 =	vmul.f32 v17, v7  }
0x3e1: {  	v14 =	vsub.f32 $1.000000000e+00, v6;
	v8 =	vmul.f32 v16, v8;
	v16 =	vxor.u32 v11, v9  }
0x3e2: {  	v11 =	vxor.u32 v11, v10;
	v17 =	vsub.f32 $1.000000000e+00, v7;
	v19 =	vmul.f32 v7, v6  }
0x3e3: {  	v9 =	vxor.u32 v18, v9;
	v21 =	vsub.f32 $1.000000000e+00, v8;
	v7 =	vmul.f32 v7, v14  }
0x3e4: {  	v13 =	vxor.u32 v13, v18;
	v14 =	vmul.f32 v17, v14;
	v6 =	vmul.f32 v17, v6  }
0x3e5: {  	v12 =	vand.u32 $0x7FFFF, v12;
	v17 =	vmul.f32 v21, v7;
	v22 =	vmul.f32 v8, v7  }
0x3e6: {  	v7 =	vmul.f32 v21, v14;
	[tilespmem:v4+s11+$0xFFFFF000 ss:$0x1] =	vst.idx.msk $0xffff, v12;
	v12 =	vmul.f32 v14, v8  }
0x3e7: {  	v23 =	vmul.f32 v6, v8;
	v14 =	vand.u32 $0x7FFFF, v20;
	v20 =	vmul.f32 v21, v6  }
0x3e8: {  	v6 =	vmul.f32 v8, v19;
	[tilespmem:v5+s11+$0xFFFFF000 ss:$0x1] =	vst.idx.msk $0xffff, v7;
	v7 =	vxor.u32 v15, v18  }
0x3e9: {  	v10 =	vxor.u32 v18, v10;
	v8 =	vand.u32 $0x7FFFF, v16;
	[tilespmem:v4+s11+$0xFFFFF400 ss:$0x1] =	vst.idx.msk $0xffff, v14  }
0x3ea: {  	[tilespmem:v5+s11+$0xFFFFF400 ss:$0x1] =	vst.idx.msk $0xffff, v20  }
0x3eb: {  	[tilespmem:v4+s11+$0xFFFFF800 ss:$0x1] =	vst.idx.msk $0xffff, v8;
	v8 =	vand.u32 $0x7FFFF, v11;
	v11 =	vmul.f32 v21, v19  }
0x3ec: {  	[tilespmem:v5+s11+$0xFFFFF800 ss:$0x1] =	vst.idx.msk $0xffff, v17  }
0x3ed: {  	[tilespmem:v4+s11+$0xFFFFFC00 ss:$0x1] =	vst.idx.msk $0xffff, v8;
	v8 =	vand.u32 $0x7FFFF, v13  }
0x3ee: {  	[tilespmem:v5+s11+$0xFFFFFC00 ss:$0x1] =	vst.idx.msk $0xffff, v11  }
0x3ef: {  	v7 =	vand.u32 $0x7FFFF, v7;
	[tilespmem:v4+s11+$0x0 ss:$0x1] =	vst.idx.msk $0xffff, v8  }
.Ltmp23:
0x3f0: {  	[tilespmem:v5+s11+$0x0 ss:$0x1] =	vst.idx.msk $0xffff, v12;
	(pc) =	sbr.rel @p1 .LBB2_45-.Ltmp23, $4  }
0x3f1: {  	[tilespmem:v4+s11+$0x400 ss:$0x1] =	vst.idx.msk $0xffff, v7;
	v7 =	vand.u32 $0x7FFFF, v9  }
0x3f2: {  	[tilespmem:v5+s11+$0x400 ss:$0x1] =	vst.idx.msk $0xffff, v23  }
0x3f3: {  	[tilespmem:v4+s11+$0x800 ss:$0x1] =	vst.idx.msk $0xffff, v7;
	v7 =	vand.u32 $0x7FFFF, v10  }
0x3f4: {  	[tilespmem:v5+s11+$0x800 ss:$0x1] =	vst.idx.msk $0xffff, v22  }
0x3f5: {  	s21 =	sadd.s32 $0x1, s21  }
0x3f6: {  	p1 =	seq.s32 s21, $0x8  }
.Ltmp24:
0x3f7: {  	_ = 	snop;
	(pc) =	sbr.rel @!p1 .LBB2_44-.Ltmp24, $3  }
0x3f8: {  	_ =	sdelay $0x1  }
0x3f9: {  	[tilespmem:v4+s11+$0xC00 ss:$0x1] =	vst.idx.msk $0xffff, v7;
	s22 =	sadd.s32 $0x80, s22;
	s18 =	sadd.s32 $0x80, s18  }
0x3fa: {  	s16 =	sadd.s32 $0x80, s16;
	s24 =	sadd.s32 $0x80, s24;
	s20 =	sadd.s32 $0x80, s20;
	[tilespmem:v5+s11+$0xC00 ss:$0x1] =	vst.idx.msk $0xffff, v6  }
.Ltmp25:
0x3fb: {  	(pc) =	sbr.rel @p0 .LBB2_49-.Ltmp25, $4  }
0x3fc: {  	_ =	swait.ge [sflag:s0], $0x2000  }
0x3fd: {  	[sflag:s0] =	ssyncset.done $0x0  }
0x3fe: {  	s11 =	simm.s32 $0x8C00;
	s15 =	simm.s32 $0x10C00;
	[sflag:s0] =	ssyncadd.s32 $0xFFFFE000  }
0x3ff: {  	[tilespmem:s15], [sflag:$0x1] =	stream.indirect.gather [spmem:s2], $0x1, s11, s23, $0xb8;
	[tilespmem:$0x15C30] =	vst v63  }
.LBB2_48:
0x400: {  	_ =	swait.ge [sflag:s4], $0x400  }
0x401: {  	[sflag:s4] =	ssyncset.done $0x0  }
0x402: {  	[sflag:s4] =	ssyncadd.s32 $0xFFFFFC00  }
0x403: {  	_ =	swait.ge [sflag:s4], $0x400  }
0x404: {  	[sflag:s4] =	ssyncset.done $0x0  }
0x405: {  	[sflag:s4] =	ssyncadd.s32 $0xFFFFFC00  }
.LBB2_49:
0x406: {  	s18 =	simm.s32 $0x0;
	s21 =	simm.s32 $0x15400  }
0x407: {  	s16 =	simm.s32 $0x15800;
	s22 =	simm.s32 $0xFC00;
	s24 =	simm.s32 $0x13C00  }
.LBB2_50:
0x408: {  	v2 =	vmov s24  }
0x409: {  	v1 =	vmov s22;
	_ =	sdelay $0x2  }
0x40a: {  	s11 =	simm.s32 $0x0  }
0x40b: {  	v3 =	vld.idx.msk [tilespmem:v2+s11+$0xFFFFF000 ss:$0x1], $0xffff  }
0x40c: {  	v4 =	vld.idx.msk [tilespmem:v1+s11+$0xFFFFF000 ss:$0x1], $0xffff  }
0x40d: {  	v5 =	vld.idx.msk [tilespmem:v2+s11+$0xFFFFF400 ss:$0x1], $0xffff  }
0x40e: {  	v6 =	vld.idx.msk [tilespmem:v1+s11+$0xFFFFF400 ss:$0x1], $0xffff  }
0x40f: {  	v10 =	vld.idx.msk [tilespmem:v2+s11+$0xFFFFFC00 ss:$0x1], $0xffff  }
0x410: {  	v7 =	vld.idx.msk [tilespmem:v2+s11+$0xFFFFF800 ss:$0x1], $0xffff  }
0x411: {  	v8 =	vld.idx.msk [tilespmem:v1+s11+$0xFFFFF800 ss:$0x1], $0xffff;
	v9 =	vunpack.i.l.bf16.f32 v3  }
0x412: {  	v58 =	vld.idx.msk [tilespmem:v2+s11+$0x800 ss:$0x1], $0xffff;
	v3 =	vunpack.i.u.bf16.f32 v3;
	v9 =	vmul.f32 v9, v4  }
0x413: {  	v11 =	vunpack.i.l.bf16.f32 v5;
	v5 =	vunpack.i.u.bf16.f32 v5;
	v3 =	vmul.f32 v3, v4;
	v4 =	vld.idx.msk [tilespmem:v1+s11+$0xFFFFFC00 ss:$0x1], $0xffff  }
0x414: {  	v12 =	vld.idx.msk [tilespmem:v2+s11+$0x0 ss:$0x1], $0xffff;
	v59 =	vunpack.i.u.bf16.f32 v10;
	v11 =	vmul.f32 v11, v6;
	v9 =	vadd.f32 $0.0e+00, v9  }
0x415: {  	v13 =	vld.idx.msk [tilespmem:v1+s11+$0x0 ss:$0x1], $0xffff;
	v5 =	vmul.f32 v5, v6;
	v6 =	vunpack.i.l.bf16.f32 v7;
	v3 =	vadd.f32 $0.0e+00, v3  }
0x416: {  	v14 =	vld.idx.msk [tilespmem:v2+s11+$0x400 ss:$0x1], $0xffff;
	v7 =	vunpack.i.u.bf16.f32 v7;
	v6 =	vmul.f32 v6, v8;
	v9 =	vadd.f32 v11, v9  }
0x417: {  	v57 =	vld.idx.msk [tilespmem:v1+s11+$0x400 ss:$0x1], $0xffff;
	v3 =	vadd.f32 v5, v3;
	v5 =	vmul.f32 v7, v8;
	v7 =	vunpack.i.l.bf16.f32 v10  }
0x418: {  	v63 =	vunpack.i.l.bf16.f32 v58;
	v7 =	vmul.f32 v7, v4;
	v6 =	vadd.f32 v6, v9  }
0x419: {  	v60 =	vld.idx.msk [tilespmem:v1+s11+$0x800 ss:$0x1], $0xffff;
	v4 =	vmul.f32 v59, v4;
	v3 =	vadd.f32 v5, v3;
	v5 =	vunpack.i.l.bf16.f32 v12  }
0x41a: {  	v61 =	vld.idx.msk [tilespmem:v2+s11+$0xC00 ss:$0x1], $0xffff;
	v5 =	vmul.f32 v5, v13;
	v6 =	vadd.f32 v7, v6;
	v7 =	vunpack.i.u.bf16.f32 v12  }
0x41b: {  	v62 =	vld.idx.msk [tilespmem:v1+s11+$0xC00 ss:$0x1], $0xffff;
	v3 =	vadd.f32 v4, v3;
	v4 =	vmul.f32 v7, v13;
	v7 =	vunpack.i.l.bf16.f32 v14  }
0x41c: {  	v5 =	vadd.f32 v5, v6;
	v6 =	vunpack.i.u.bf16.f32 v14;
	v7 =	vmul.f32 v7, v57  }
0x41d: {  	v8 =	vunpack.i.u.bf16.f32 v58;
	v4 =	vadd.f32 v4, v3;
	v6 =	vmul.f32 v6, v57  }
0x41e: {  	v8 =	vmul.f32 v8, v60;
	v5 =	vadd.f32 v7, v5;
	v7 =	vmul.f32 v63, v60  }
0x41f: {  	v3 =	vmov s21;
	v4 =	vadd.f32 v6, v4;
	v6 =	vunpack.i.l.bf16.f32 v61  }
0x420: {  	v5 =	vadd.f32 v7, v5;
	v6 =	vmul.f32 v6, v62  }
0x421: {  	v7 =	vunpack.i.u.bf16.f32 v61;
	v8 =	vadd.f32 v8, v4;
	v4 =	vmov s16  }
0x422: {  	v7 =	vmul.f32 v7, v62;
	v6 =	vadd.f32 v6, v5;
	_ =	sdelay $0x1  }
0x423: {  	s15 =	simm.s32 $0x40;
	s20 =	simm.s32 $0x80;
	v5 =	vadd.f32 v7, v8;
	[tilespmem:v3+s11+$0x0 ss:$0x1] =	vst.idx.msk $0xffff, v6  }
.LBB2_51:
0x424: {  	p0 =	sne.s32 s20, $0x1C0  }
0x425: {  	[tilespmem:v4+s11+$0x0 ss:$0x1] =	vst.idx.msk $0xffff, v5;
	s11 =	sshra.s32 s15, $0x2;
	s15 =	smov.u32 s20;
	s20 =	sadd.s32 $0x40, s20  }
0x426: {  	v5 =	vld.idx.msk [tilespmem:v2+s11+$0xFFFFF000 ss:$0x1], $0xffff  }
0x427: {  	v6 =	vld.idx.msk [tilespmem:v1+s11+$0xFFFFF000 ss:$0x1], $0xffff  }
0x428: {  	v7 =	vld.idx.msk [tilespmem:v2+s11+$0xFFFFF400 ss:$0x1], $0xffff  }
0x429: {  	v8 =	vld.idx.msk [tilespmem:v1+s11+$0xFFFFF400 ss:$0x1], $0xffff  }
0x42a: {  	v9 =	vld.idx.msk [tilespmem:v2+s11+$0xFFFFF800 ss:$0x1], $0xffff  }
0x42b: {  	v10 =	vld.idx.msk [tilespmem:v1+s11+$0xFFFFF800 ss:$0x1], $0xffff  }
0x42c: {  	v11 =	vunpack.i.u.bf16.f32 v5;
	v5 =	vunpack.i.l.bf16.f32 v5;
	v12 =	vld.idx.msk [tilespmem:v2+s11+$0xFFFFFC00 ss:$0x1], $0xffff  }
0x42d: {  	v5 =	vmul.f32 v5, v6;
	v6 =	vmul.f32 v11, v6;
	v11 =	vld.idx.msk [tilespmem:v1+s11+$0xFFFFFC00 ss:$0x1], $0xffff  }
0x42e: {  	v13 =	vunpack.i.u.bf16.f32 v7;
	v7 =	vunpack.i.l.bf16.f32 v7;
	v14 =	vld.idx.msk [tilespmem:v2+s11+$0x0 ss:$0x1], $0xffff  }
0x42f: {  	v5 =	vadd.f32 $0.0e+00, v5;
	v6 =	vadd.f32 $0.0e+00, v6;
	v7 =	vmul.f32 v7, v8;
	v15 =	vld.idx.msk [tilespmem:v1+s11+$0x0 ss:$0x1], $0xffff  }
0x430: {  	v8 =	vmul.f32 v13, v8;
	v13 =	vunpack.i.u.bf16.f32 v9;
	v9 =	vunpack.i.l.bf16.f32 v9;
	v16 =	vld.idx.msk [tilespmem:v2+s11+$0x400 ss:$0x1], $0xffff  }
0x431: {  	v5 =	vadd.f32 v7, v5;
	v7 =	vmul.f32 v9, v10;
	v9 =	vld.idx.msk [tilespmem:v1+s11+$0x400 ss:$0x1], $0xffff  }
0x432: {  	v6 =	vadd.f32 v8, v6;
	v8 =	vmul.f32 v13, v10;
	v10 =	vunpack.i.l.bf16.f32 v12;
	v13 =	vld.idx.msk [tilespmem:v2+s11+$0x800 ss:$0x1], $0xffff  }
0x433: {  	v5 =	vadd.f32 v7, v5;
	v7 =	vunpack.i.u.bf16.f32 v12;
	v10 =	vmul.f32 v10, v11;
	v12 =	vld.idx.msk [tilespmem:v1+s11+$0x800 ss:$0x1], $0xffff  }
0x434: {  	v6 =	vadd.f32 v8, v6;
	v7 =	vmul.f32 v7, v11;
	v8 =	vunpack.i.l.bf16.f32 v14;
	v11 =	vld.idx.msk [tilespmem:v2+s11+$0xC00 ss:$0x1], $0xffff  }
0x435: {  	v5 =	vadd.f32 v10, v5;
	v10 =	vunpack.i.u.bf16.f32 v14;
	v8 =	vmul.f32 v8, v15;
	v14 =	vld.idx.msk [tilespmem:v1+s11+$0xC00 ss:$0x1], $0xffff  }
0x436: {  	v6 =	vadd.f32 v7, v6;
	v7 =	vmul.f32 v10, v15;
	v10 =	vunpack.i.l.bf16.f32 v16  }
0x437: {  	v5 =	vadd.f32 v8, v5;
	v8 =	vunpack.i.u.bf16.f32 v16;
	v10 =	vmul.f32 v10, v9  }
0x438: {  	v6 =	vadd.f32 v7, v6;
	v7 =	vmul.f32 v8, v9;
	v8 =	vunpack.i.l.bf16.f32 v13  }
0x439: {  	v9 =	vunpack.i.u.bf16.f32 v13;
	v5 =	vadd.f32 v10, v5;
	v8 =	vmul.f32 v8, v12  }
0x43a: {  	v6 =	vadd.f32 v7, v6;
	v7 =	vmul.f32 v9, v12;
	v9 =	vunpack.i.l.bf16.f32 v11  }
.Ltmp26:
0x43b: {  	v5 =	vadd.f32 v8, v5;
	v8 =	vunpack.i.u.bf16.f32 v11;
	v9 =	vmul.f32 v9, v14;
	(pc) =	sbr.rel @p0 .LBB2_51-.Ltmp26, $4  }
0x43c: {  	v6 =	vadd.f32 v7, v6;
	v7 =	vmul.f32 v8, v14  }
0x43d: {  	v8 =	vadd.f32 v9, v5  }
0x43e: {  	v5 =	vadd.f32 v7, v6  }
0x43f: {  	[tilespmem:v3+s11+$0x0 ss:$0x1] =	vst.idx.msk $0xffff, v8  }
0x440: {  	_ =	sdelay $0x3  }
0x441: {  	s15 =	sshra.s32 s15, $0x2;
	[tilespmem:v4+s11+$0x0 ss:$0x1] =	vst.idx.msk $0xffff, v5  }
0x442: {  	v5 =	vld.idx.msk [tilespmem:v2+s15+$0xFFFFF000 ss:$0x1], $0xffff  }
0x443: {  	v6 =	vld.idx.msk [tilespmem:v1+s15+$0xFFFFF000 ss:$0x1], $0xffff  }
0x444: {  	v7 =	vld.idx.msk [tilespmem:v2+s15+$0xFFFFF400 ss:$0x1], $0xffff  }
0x445: {  	v8 =	vld.idx.msk [tilespmem:v1+s15+$0xFFFFF400 ss:$0x1], $0xffff  }
0x446: {  	v9 =	vld.idx.msk [tilespmem:v2+s15+$0xFFFFF800 ss:$0x1], $0xffff  }
0x447: {  	v10 =	vld.idx.msk [tilespmem:v1+s15+$0xFFFFF800 ss:$0x1], $0xffff;
	v11 =	vunpack.i.l.bf16.f32 v5  }
0x448: {  	v12 =	vld.idx.msk [tilespmem:v2+s15+$0xFFFFFC00 ss:$0x1], $0xffff;
	v5 =	vunpack.i.u.bf16.f32 v5;
	v11 =	vmul.f32 v11, v6  }
0x449: {  	v45 =	vld.idx.msk [tilespmem:v1+s15+$0xFFFFFC00 ss:$0x1], $0xffff;
	v13 =	vunpack.i.l.bf16.f32 v7;
	v5 =	vmul.f32 v5, v6  }
0x44a: {  	v14 =	vld.idx.msk [tilespmem:v2+s15+$0x0 ss:$0x1], $0xffff;
	v7 =	vunpack.i.u.bf16.f32 v7;
	v13 =	vmul.f32 v13, v8;
	v11 =	vadd.f32 $0.0e+00, v11  }
0x44b: {  	v15 =	vld.idx.msk [tilespmem:v1+s15+$0x0 ss:$0x1], $0xffff;
	v46 =	vunpack.i.l.bf16.f32 v9;
	v7 =	vmul.f32 v7, v8;
	v5 =	vadd.f32 $0.0e+00, v5  }
0x44c: {  	v16 =	vld.idx.msk [tilespmem:v2+s15+$0x400 ss:$0x1], $0xffff;
	v9 =	vunpack.i.u.bf16.f32 v9;
	v8 =	vmul.f32 v46, v10;
	v11 =	vadd.f32 v13, v11  }
0x44d: {  	v47 =	vld.idx.msk [tilespmem:v1+s15+$0x400 ss:$0x1], $0xffff;
	v49 =	vunpack.i.l.bf16.f32 v12;
	v48 =	vmul.f32 v9, v10;
	v5 =	vadd.f32 v7, v5  }
0x44e: {  	v50 =	vld.idx.msk [tilespmem:v2+s15+$0x800 ss:$0x1], $0xffff;
	v51 =	vunpack.i.u.bf16.f32 v12;
	v9 =	vmul.f32 v49, v45;
	v8 =	vadd.f32 v8, v11  }
0x44f: {  	v52 =	vld.idx.msk [tilespmem:v1+s15+$0x800 ss:$0x1], $0xffff;
	v53 =	vunpack.i.l.bf16.f32 v14;
	v6 =	vmul.f32 v51, v45;
	v5 =	vadd.f32 v48, v5  }
0x450: {  	v2 =	vld.idx.msk [tilespmem:v2+s15+$0xC00 ss:$0x1], $0xffff;
	v54 =	vunpack.i.u.bf16.f32 v14;
	v7 =	vmul.f32 v53, v15;
	v8 =	vadd.f32 v9, v8  }
0x451: {  	v1 =	vld.idx.msk [tilespmem:v1+s15+$0xC00 ss:$0x1], $0xffff;
	v56 =	vunpack.i.l.bf16.f32 v16;
	v55 =	vmul.f32 v54, v15;
	v5 =	vadd.f32 v6, v5  }
0x452: {  	v57 =	vunpack.i.u.bf16.f32 v16;
	v9 =	vmul.f32 v56, v47;
	v7 =	vadd.f32 v7, v8  }
0x453: {  	v59 =	vunpack.i.l.bf16.f32 v50;
	v58 =	vmul.f32 v57, v47;
	v5 =	vadd.f32 v55, v5  }
0x454: {  	v60 =	vunpack.i.u.bf16.f32 v50;
	v8 =	vmul.f32 v59, v52;
	v7 =	vadd.f32 v9, v7  }
0x455: {  	s18 =	sadd.s32 $0x1, s18;
	v62 =	vunpack.i.l.bf16.f32 v2;
	v61 =	vmul.f32 v60, v52;
	v5 =	vadd.f32 v58, v5  }
0x456: {  	p0 =	sne.s32 s18, $0x8;
	v2 =	vunpack.i.u.bf16.f32 v2;
	v63 =	vmul.f32 v62, v1;
	v7 =	vadd.f32 v8, v7  }
.Ltmp27:
0x457: {  	v1 =	vmul.f32 v2, v1;
	v5 =	vadd.f32 v61, v5;
	(pc) =	sbr.rel @p0 .LBB2_50-.Ltmp27, $4  }
0x458: {  	v2 =	vadd.f32 v63, v7  }
0x459: {  	v1 =	vadd.f32 v1, v5  }
0x45a: {  	s21 =	sadd.s32 $0x80, s21;
	[tilespmem:v3+s15+$0x0 ss:$0x1] =	vst.idx.msk $0xffff, v2  }
0x45b: {  	s16 =	sadd.s32 $0x80, s16;
	s22 =	sadd.s32 $0x80, s22;
	s24 =	sadd.s32 $0x80, s24;
	[tilespmem:v4+s15+$0x0 ss:$0x1] =	vst.idx.msk $0xffff, v1  }
0x45c: {  	s11 =	sor.u32 s5, s13;
	s12 =	sadd.s32 $0x1, s12  }
0x45d: {  	s11 =	sshrl.u32 s11, $0x3;
	p0 =	sne.s32 s12, $0x10  }
.Ltmp28:
0x45e: {  	s28 =	sor.u32 s9, s13;
	s11 =	sadd.s32 s8, s11;
	(pc) =	sbr.rel @p0 .LBB2_34-.Ltmp28, $4  }
0x45f: {  	[hbm4b:s11+s3] =	stream.linear.scatter [tilespmem:s6], [sflag:$0x4], $0x400, $0x38;
	[tilespmem:$0x15C30] =	vst v63  }
0x460: {  	s11 =	sshrl.u32 s28, $0x3  }
0x461: {  	s11 =	sadd.s32 s8, s11  }
0x462: {  	[hbm4b:s11+s3] =	stream.linear.scatter [tilespmem:s7], [sflag:$0x4], $0x400, $0x38;
	[tilespmem:$0x15C30] =	vst v63  }
0x463: {  	s5 =	simm.s32 $0x3  }
0x464: {  	_ =	swait.ge [sflag:s5], $0x400  }
0x465: {  	[sflag:s5] =	ssyncset.done $0x0  }
0x466: {  	[sflag:s5] =	ssyncadd.s32 $0xFFFFFC00  }
0x467: {  	_ =	swait.ge [sflag:s5], $0x400  }
0x468: {  	[sflag:s5] =	ssyncset.done $0x0  }
0x469: {  	[sflag:s5] =	ssyncadd.s32 $0xFFFFFC00  }
0x46a: {  	_ =	swait.ge [sflag:s4], $0x400  }
0x46b: {  	[sflag:s4] =	ssyncset.done $0x0  }
0x46c: {  	[sflag:s4] =	ssyncadd.s32 $0xFFFFFC00  }
0x46d: {  	_ =	swait.ge [sflag:s4], $0x400  }
0x46e: {  	s28 =	rddreg [dreg:$0x10]  }
0x46f: {  	s5 =	sadd.s32 $0x1, s28  }
0x470: {  	p0 =	sne.s32 s5, $0x9  }
.Ltmp29:
0x471: {  	_ = 	snop;
	(pc) =	sbr.rel @p0 .LBB2_29-.Ltmp29, $4  }
0x472: {  	[sflag:s4] =	ssyncset.done $0x0  }
0x473: {  	[sflag:s4] =	ssyncadd.s32 $0xFFFFFC00  }
0x474: {  	[bflag:$0x0] =	sbarrier.arrive $0xFFFF  }
0x475: {  	s13 =	simm.s32 $0x0  }
0x476: {  	s9 =	rddreg [dreg:$0xf]  }
0x477: {  	s5 =	rddreg [dreg:$0xc];
	s9 =	sadd.s32 $0x1, s9  }
0x478: {  	p0 =	sne.s32 s9, s5  }
.Ltmp30:
0x479: {  	_ = 	snop;
	(pc) =	sbr.rel @p0 .LBB2_1-.Ltmp30, $1  }
0x47a: {  	_ =	sdelay $0x3  }
0x47b: {  	_ =	sfence.sel $0x180000  }
0x47c: {  	[bflag:$0x0] =	sbarrier.arrive $0xFFFF  }
0x47d: {  	_ =	strace $0x90000047  }
0x47e: {  	s0 =	stileid.u32;
	[bflag:$0x2] =	sbarrier.arrive $0xFFFF  }
0x47f: {  	p0 =	sne.s32 s0, $0x0;
	s0 =	rddreg [dreg:$0x3]  }
0x480: {  	s0 =	sadd.s32 @!p0 $0x100000, s0  }
0x481: {  	[sflag:s0] =	ssyncadd.tile.s32 @!p0 $0x1;
	_ =	shalt  }
.Lfunc_end2:
_tile_overlayer_lowered:
.L_overlay_start_2:
0x482: {  	(tag) =	ssettag $0x2  }
0x483: {  	s0 =	rddreg [dreg:$0x0];
	s2 =	stileid.u32  }
0x484: {  	s1 =	rddreg [dreg:$0x1];
	p0 =	sne.s32 s2, $0x0  }
0x485: {  	s3 =	rddreg [dreg:$0x2];
	[bflag:$0x3] =	sbarrier.arrive $0xFFFF;
	s2 =	simm.s32 @!p0 $0x1C05  }
0x486: {  	[timem:s3], [sflag:s2] =	dma.local @!p0 [hbm:s0], s1  }
0x487: {  	s0 =	simm.s32 @!p0 $0x5  }
0x488: {  	_ =	swait.ge @!p0 [sflag:s0], s1  }
0x489: {  	s1 =	ssub.s32 @!p0 $0x0, s1;
	[sflag:s0] =	ssyncset.done @!p0 $0x0  }
0x48a: {  	[sflag:s0] =	ssyncadd.s32 @!p0 s1  }
0x48b: {  	[bflag:$0x3] =	sbarrier.arrive $0xFFFF  }
0x48c: {  	_ =	shalt  }

</sc_bundles>
